<compile_context>
chip_gen: v7x
topology: tpu7x:2x2x1
jax: 0.10.2.dev20260603
libtpu: 0.0.44.dev20260713+nightly
codegen_flags: <defaults>
</compile_context>

<pallas_src>
import dataclasses

import jax
import jax.numpy as jnp
from jax import lax
from jax.experimental import pallas as pl
from jax.experimental.pallas import tpu as pltpu
from jax.experimental.pallas import tpu_sc as plsc

N = 10000
F = 128
EPS = 0.1
L = 16
NP = 10112
ROWS_PT = NP // 16
E = 320000
CHUNK = 64
NCH = 160
EPT = NCH * CHUNK
EPAD = 32 * EPT
NRW = 4
NCH0 = 288
NCH1 = 2 * NCH - NCH0
BLK = 1000

_MESH = plsc.VectorSubcoreMesh(core_axis_name="c", subcore_axis_name="s")

_SC_PARAMS = pltpu.CompilerParams()
if "needs_layout_passes" in pltpu.CompilerParams.__dataclass_fields__:
    _SC_PARAMS = dataclasses.replace(_SC_PARAMS, needs_layout_passes=False)


def _matvec_body(x_ref, attl_ref, attr_ref, al_ref, ar_ref):
    xv = x_ref[...]
    al_ref[...] = jnp.sum(xv * attl_ref[...], axis=1, keepdims=True)
    ar_ref[...] = jnp.sum(xv * attr_ref[...], axis=1, keepdims=True)


def _coef_body(e_hbm, al_hbm, ar_hbm, cf_hbm, deg_hbm,
               al_v, ar_v, hist, eb0, eb1, cf0, cf1,
               ie0, ie1, oe0, oe1):
    c = lax.axis_index("c")
    s = lax.axis_index("s")
    w = c * 16 + s
    ebase = w * NCH * 2 * CHUNK
    cbase = w * NCH * CHUNK

    pltpu.sync_copy(al_hbm, al_v)
    pltpu.sync_copy(ar_hbm, ar_v)

    @pl.loop(0, NP // L)
    def _(i):
        hist[pl.ds(i * L, L)] = jnp.zeros((L,), jnp.float32)

    ebs = (eb0, eb1)
    cfs = (cf0, cf1)
    ies = (ie0, ie1)
    oes = (oe0, oe1)

    def issue_idx(k, j):
        pltpu.async_copy(e_hbm.at[pl.ds(ebase + k * 2 * CHUNK, 2 * CHUNK)],
                         ebs[j], ies[j])

    def wait_idx(j):
        pltpu.make_async_copy(e_hbm.at[pl.ds(0, 2 * CHUNK)], ebs[j],
                              ies[j]).wait()

    issue_idx(0, 0)
    issue_idx(1, 1)

    @pl.loop(0, NCH // 2)
    def _(t):
        for j in range(2):
            k = t * 2 + j
            wait_idx(j)
            eb = ebs[j]

            @pl.when(t > 0)
            def _():
                pltpu.make_async_copy(cfs[j], cf_hbm.at[pl.ds(0, CHUNK)],
                                      oes[j]).wait()

            for v in range(0, CHUNK, L):
                sv = eb[pl.ds(v, L)]
                dv = eb[pl.ds(CHUNK + v, L)]
                z = plsc.load_gather(al_v, [sv]) + plsc.load_gather(ar_v, [dv])
                e2 = jnp.exp(jnp.abs(z) * 2.0)
                cfs[j][pl.ds(v, L)] = jnp.sign(z) * (1.0 - 2.0 / (e2 + 1.0))
                plsc.addupdate_scatter(hist, [dv], jnp.ones((L,), jnp.float32))

            pltpu.async_copy(cfs[j], cf_hbm.at[pl.ds(cbase + k * CHUNK, CHUNK)],
                             oes[j])

            @pl.when(k + 2 < NCH)
            def _():
                issue_idx(k + 2, j)

    pltpu.make_async_copy(cf0, cf_hbm.at[pl.ds(0, CHUNK)], oe0).wait()
    pltpu.make_async_copy(cf1, cf_hbm.at[pl.ds(0, CHUNK)], oe1).wait()
    pltpu.sync_copy(hist, deg_hbm.at[w])


def _prep_body(x_ref, dpt_ref, di_ref, y_ref):
    deg = jnp.sum(dpt_ref[...], axis=1, keepdims=True) + 1.0
    di = lax.rsqrt(deg)
    rowid = lax.broadcasted_iota(jnp.int32, (NP, 1), 0)
    di = jnp.where(rowid < N, di, 0.0)
    di_ref[...] = di
    y_ref[...] = x_ref[...] * di


def _edge_body(y_hbm, e_hbm, cf_hbm, out_hbm,
               acc, eb0, eb1, eb2, eb3, st0, st1, st2, st3,
               cb0, cb1, cb2, cb3, rw0, rw1, rw2, rw3,
               gs0, gs1, gs2, gs3, ss0, ss1, ss2, ss3, is0, is1, is2, is3):
    c = lax.axis_index("c")
    s = lax.axis_index("s")
    nch_c = jnp.where(c == 0, NCH0, NCH1)
    tc0 = c * 16 * NCH0 + s * nch_c
    ebase = tc0 * 2 * CHUNK
    cbase = tc0 * CHUNK

    ebs = (eb0, eb1, eb2, eb3)
    sts = (st0, st1, st2, st3)
    cbs = (cb0, cb1, cb2, cb3)
    rws = (rw0, rw1, rw2, rw3)
    gss = (gs0, gs1, gs2, gs3)
    sss = (ss0, ss1, ss2, ss3)
    iss = (is0, is1, is2, is3)

    def issue_idx(k, j):
        pltpu.async_copy(e_hbm.at[pl.ds(ebase + k * 2 * CHUNK, 2 * CHUNK)],
                         ebs[j], iss[j])
        pltpu.async_copy(cf_hbm.at[pl.ds(cbase + k * CHUNK, CHUNK)],
                         cbs[j], iss[j])

    def wait_idx(j):
        pltpu.make_async_copy(e_hbm.at[pl.ds(0, 2 * CHUNK)], ebs[j],
                              iss[j]).wait()
        pltpu.make_async_copy(cf_hbm.at[pl.ds(0, CHUNK)], cbs[j],
                              iss[j]).wait()

    def issue_gather(j):
        pltpu.async_copy(y_hbm.at[ebs[j].at[pl.ds(0, CHUNK)]], rws[j], gss[j])

    def wait_gather(j):
        pltpu.make_async_copy(y_hbm.at[ebs[j].at[pl.ds(0, CHUNK)]], rws[j],
                              gss[j]).wait()

    def issue_scatter(j):
        pltpu.async_copy(rws[j], acc.at[sts[j]], sss[j], add=True)

    def wait_scatter(j):
        pltpu.make_async_copy(rws[j], acc.at[sts[j]], sss[j]).wait()

    def compute(j):
        eb = ebs[j]
        rw = rws[j]
        for v in range(0, CHUNK, L):
            sts[j][pl.ds(v, L)] = eb[pl.ds(CHUNK + v, L)]

        @pl.loop(0, CHUNK, step=4)
        def _(r0):
            for rr in range(4):
                r = r0 + rr
                cv = plsc.load_gather(cbs[j], [jnp.full((L,), r, jnp.int32)])
                for jj in range(0, F, L):
                    rw[r, pl.ds(jj, L)] = rw[r, pl.ds(jj, L)] * cv

    @pl.loop(0, CHUNK)
    def _(i):
        for jj in range(0, F, L):
            rw0[i, pl.ds(jj, L)] = jnp.zeros((L,), jnp.float32)

    for off in range(0, ROWS_PT, CHUNK):
        sz = min(CHUNK, ROWS_PT - off)
        pltpu.sync_copy(rw0.at[pl.ds(0, sz)],
                        acc.at[pl.ds(s * ROWS_PT + off, sz)])

    for j in range(NRW):
        issue_idx(j, j)
    wait_idx(0)
    issue_gather(0)
    wait_idx(1)
    issue_gather(1)

    plsc.subcore_barrier()

    @pl.loop(0, nch_c // NRW)
    def _(t):
        for j in range(NRW):
            k = t * NRW + j
            wait_gather(j)
            compute(j)
            issue_scatter(j)

            @pl.when(k + NRW < nch_c)
            def _():
                issue_idx(k + NRW, j)

            m = (j + 2) % NRW

            @pl.when(k + 2 < nch_c)
            def _():
                if j >= 2:
                    wait_scatter(m)
                else:
                    @pl.when(t > 0)
                    def _():
                        wait_scatter(m)
                wait_idx(m)
                issue_gather(m)

    for i in range(4):
        wait_scatter(i)
    plsc.subcore_barrier()
    pltpu.sync_copy(acc.at[pl.ds(s * ROWS_PT, ROWS_PT)],
                    out_hbm.at[c, pl.ds(s * ROWS_PT, ROWS_PT)])


def _final_body(p0_ref, p1_ref, x_ref, al_ref, ar_ref, di_ref, W_ref, b_ref,
                o_ref):
    di = di_ref[...]
    c0 = EPS + jnp.tanh(al_ref[...] + ar_ref[...]) * di * di
    acc = (p0_ref[...] + p1_ref[...]) * di + x_ref[...] * c0
    o_ref[...] = jnp.dot(acc, W_ref[...], preferred_element_type=jnp.float32) + b_ref[...]


def kernel(x, edge_index, att_l, att_r, W, b):
    src = edge_index[0]
    dst = edge_index[1]
    pad_e = EPAD - E
    srcp = jnp.concatenate([src, jnp.full((pad_e,), N, jnp.int32)])
    dstp = jnp.concatenate([dst, jnp.full((pad_e,), N, jnp.int32)])
    epk = jnp.concatenate(
        [srcp.reshape(-1, 1, CHUNK), dstp.reshape(-1, 1, CHUNK)], axis=1
    ).reshape(-1)
    xp = jnp.pad(x, ((0, NP - N), (0, 0)))

    al2, ar2 = pl.pallas_call(
        _matvec_body,
        out_shape=[jax.ShapeDtypeStruct((NP, 1), jnp.float32)] * 2,
    )(xp, att_l[None, :], att_r[None, :])

    cf, deg_parts = pl.kernel(
        _coef_body,
        out_type=(jax.ShapeDtypeStruct((EPAD,), jnp.float32),
                  jax.ShapeDtypeStruct((32, NP), jnp.float32)),
        mesh=_MESH,
        compiler_params=_SC_PARAMS,
        scratch_types=(
            [pltpu.VMEM((NP,), jnp.float32)] * 3
            + [pltpu.VMEM((2 * CHUNK,), jnp.int32)] * 2
            + [pltpu.VMEM((CHUNK,), jnp.float32)] * 2
            + [pltpu.SemaphoreType.DMA] * 4
        ),
    )(epk, al2.reshape(NP), ar2.reshape(NP))

    di_col, y = pl.pallas_call(
        _prep_body,
        out_shape=[jax.ShapeDtypeStruct((NP, 1), jnp.float32),
                   jax.ShapeDtypeStruct((NP, F), jnp.float32)],
    )(xp, deg_parts.T)

    parts = pl.kernel(
        _edge_body,
        out_type=jax.ShapeDtypeStruct((2, NP, F), jnp.float32),
        mesh=_MESH,
        compiler_params=_SC_PARAMS,
        scratch_types=(
            [pltpu.VMEM_SHARED((NP, F), jnp.float32)]
            + [pltpu.VMEM((2 * CHUNK,), jnp.int32)] * NRW
            + [pltpu.VMEM((CHUNK,), jnp.int32)] * NRW
            + [pltpu.VMEM((CHUNK,), jnp.float32)] * NRW
            + [pltpu.VMEM((CHUNK, F), jnp.float32)] * NRW
            + [pltpu.SemaphoreType.DMA] * (3 * NRW)
        ),
    )(y, epk, cf)

    out = pl.pallas_call(
        _final_body,
        grid=(N // BLK,),
        in_specs=[
            pl.BlockSpec((BLK, F), lambda i: (i, 0)),
            pl.BlockSpec((BLK, F), lambda i: (i, 0)),
            pl.BlockSpec((BLK, F), lambda i: (i, 0)),
            pl.BlockSpec((BLK, 1), lambda i: (i, 0)),
            pl.BlockSpec((BLK, 1), lambda i: (i, 0)),
            pl.BlockSpec((BLK, 1), lambda i: (i, 0)),
            pl.BlockSpec((F, F), lambda i: (0, 0)),
            pl.BlockSpec((1, F), lambda i: (0, 0)),
        ],
        out_specs=pl.BlockSpec((BLK, F), lambda i: (i, 0)),
        out_shape=jax.ShapeDtypeStruct((N, F), jnp.float32),
    )(parts[0, :N], parts[1, :N], x, al2[:N], ar2[:N], di_col[:N], W,
      b[None, :])
    return out

# --- scband reference (transcript-rebuilt; emitter-appended) ---
"""Pipeline reference for scband-sagnn-58712202936406 (READ-ONLY COPY).

The authoritative reference and input builder live on the scoring server;
editing this copy changes nothing except your own understanding.
"""

import jax, jax.numpy as jnp
import numpy as np

N = 10000
E = 320000
F_IN = 128
F_OUT = 128
EPS = 0.1  # PyG FAConv default eps


def setup_inputs(seed: int = 0) -> dict:
    key = jax.random.key(seed)
    k1, k2, k3, k4, k5 = jax.random.split(key, 5)
    x = jax.random.normal(k1, (N, F_IN), dtype=jnp.float32)
    edge_index = jax.random.randint(k2, (2, E), 0, N, dtype=jnp.int32)
    # FAConv attention vectors: Linear(channels, 1, bias=False) for att_l and att_r
    att_l = jax.random.normal(k3, (F_IN,), dtype=jnp.float32) * (1.0 / np.sqrt(F_IN))
    att_r = jax.random.normal(k4, (F_IN,), dtype=jnp.float32) * (1.0 / np.sqrt(F_IN))
    # SAGNN weight (glorot) and bias (zeros)
    W = jax.random.normal(k5, (F_IN, F_OUT), dtype=jnp.float32) * np.sqrt(2.0 / (F_IN + F_OUT))
    b = jnp.zeros((F_OUT,), dtype=jnp.float32)
    return {"x": x, "edge_index": edge_index, "att_l": att_l, "att_r": att_r, "W": W, "b": b}


def reference(x, edge_index, att_l, att_r, W, b):
    n = x.shape[0]
    src = edge_index[0]
    dst = edge_index[1]
    # add self loops (FAConv add_self_loops=True)
    loop = jnp.arange(n, dtype=src.dtype)
    src = jnp.concatenate([src, loop])
    dst = jnp.concatenate([dst, loop])
    # gcn_norm: deg^-1/2 on both endpoints (degree counted on dst)
    deg = jnp.zeros((n,), x.dtype).at[dst].add(1.0)
    dinv = jnp.where(deg > 0, 1.0 / jnp.sqrt(deg), 0.0)
    ew = dinv[src] * dinv[dst]
    # per-node attention scalars
    al = x @ att_l  # [n], gathered at source (alpha_j)
    ar = x @ att_r  # [n], gathered at target (alpha_i)
    alpha = jnp.tanh(al[src] + ar[dst])
    # message: x_j * tanh(alpha_j + alpha_i) * edge_weight, scatter-add to dst
    msg = x[src] * (alpha * ew)[:, None]
    out = jnp.zeros_like(x).at[dst].add(msg)
    # FAConv residual: out += eps * x_0 (here x_0 = x)
    out = out + EPS * x
    # SAGNN linear transform + bias
    return out @ W + b

if __name__ == "__main__":
    import jax
    _d = setup_inputs()
    print(jax.jit(kernel)(*tuple(_d.values())))

</pallas_src>

<mosaic_0001>
#map = affine_map<(d0, d1) -> (0)>
#map1 = affine_map<(d0, d1) -> (0, 0)>
module attributes {stable_mosaic.version = 14 : i64} {
  func.func @_coef_body(%arg0: i32, %arg1: i32, %arg2: memref<655360xi32, #tpu.memory_space<hbm>>, %arg3: memref<10112xf32, #tpu.memory_space<hbm>>, %arg4: memref<10112xf32, #tpu.memory_space<hbm>>, %arg5: memref<327680xf32, #tpu.memory_space<hbm>>, %arg6: memref<32x10112xf32, #tpu.memory_space<hbm>>, %arg7: memref<10112xf32, #tpu.memory_space<vmem>>, %arg8: memref<10112xf32, #tpu.memory_space<vmem>>, %arg9: memref<10112xf32, #tpu.memory_space<vmem>>, %arg10: memref<128xi32, #tpu.memory_space<vmem>>, %arg11: memref<128xi32, #tpu.memory_space<vmem>>, %arg12: memref<64xf32, #tpu.memory_space<vmem>>, %arg13: memref<64xf32, #tpu.memory_space<vmem>>, %arg14: memref<!tpu.dma_semaphore, #tpu.memory_space<semaphore_mem>>, %arg15: memref<!tpu.dma_semaphore, #tpu.memory_space<semaphore_mem>>, %arg16: memref<!tpu.dma_semaphore, #tpu.memory_space<semaphore_mem>>, %arg17: memref<!tpu.dma_semaphore, #tpu.memory_space<semaphore_mem>>) attributes {dimension_semantics = [#tpu.dimension_semantics<core_parallel>, #tpu.dimension_semantics<subcore_parallel>], iteration_bounds = array<i64: 2, 16>, scalar_prefetch = 0 : i64, scratch_operands = 11 : i64, tpu.core_type = #tpu.core_type<sc_vector_subcore>, window_params = [{transform_indices = #map}, {transform_indices = #map}, {transform_indices = #map}, {transform_indices = #map}, {transform_indices = #map1}]} {
    %mul3A = arith.constant 16 : i32
    %mul3A_0 = arith.muli %arg0, %mul3A : i32
    %add3A = arith.addi %mul3A_0, %arg1 : i32
    %mul3A_1 = arith.constant 160 : i32
    %mul3A_2 = arith.muli %add3A, %mul3A_1 : i32
    %mul3A_3 = arith.constant 2 : i32
    %mul3A_4 = arith.muli %mul3A_2, %mul3A_3 : i32
    %mul3A_5 = arith.constant 64 : i32
    %mul3A_6 = arith.muli %mul3A_4, %mul3A_5 : i32
    %mul3A_7 = arith.constant 160 : i32
    %mul3A_8 = arith.muli %add3A, %mul3A_7 : i32
    %mul3A_9 = arith.constant 64 : i32
    %mul3A_10 = arith.muli %mul3A_8, %mul3A_9 : i32
    "tpu.region"() ({
      %run_scoped3A = tpu.sem_alloc : memref<!tpu.dma_semaphore, #tpu.memory_space<semaphore_mem>>
      tpu.enqueue_dma source(%arg3 : memref<10112xf32, #tpu.memory_space<hbm>>) target(%arg7 : memref<10112xf32, #tpu.memory_space<vmem>>) target_semaphore(%run_scoped3A : memref<!tpu.dma_semaphore, #tpu.memory_space<semaphore_mem>>)
      tpu.wait_dma2 semaphore(%run_scoped3A : memref<!tpu.dma_semaphore, #tpu.memory_space<semaphore_mem>>) src(%arg3 : memref<10112xf32, #tpu.memory_space<hbm>>) dst(%arg7 : memref<10112xf32, #tpu.memory_space<vmem>>)
      tpu.yield
    }) : () -> ()
    "tpu.region"() ({
      %run_scoped3A = tpu.sem_alloc : memref<!tpu.dma_semaphore, #tpu.memory_space<semaphore_mem>>
      tpu.enqueue_dma source(%arg4 : memref<10112xf32, #tpu.memory_space<hbm>>) target(%arg8 : memref<10112xf32, #tpu.memory_space<vmem>>) target_semaphore(%run_scoped3A : memref<!tpu.dma_semaphore, #tpu.memory_space<semaphore_mem>>)
      tpu.wait_dma2 semaphore(%run_scoped3A : memref<!tpu.dma_semaphore, #tpu.memory_space<semaphore_mem>>) src(%arg4 : memref<10112xf32, #tpu.memory_space<hbm>>) dst(%arg8 : memref<10112xf32, #tpu.memory_space<vmem>>)
      tpu.yield
    }) : () -> ()
    %scan3A = arith.constant 0 : i32
    %scan3A_11 = arith.constant 632 : i32
    %scan3A_12 = arith.addi %scan3A, %scan3A_11 : i32
    %scan3A_13 = arith.constant 1 : i32
    scf.for %scan3A_34 = %scan3A to %scan3A_12 step %scan3A_13  : i32 {
      %mul3A_35 = arith.constant 1 : i32
      %mul3A_36 = arith.muli %scan3A_34, %mul3A_35 : i32
      %add3A_37 = arith.constant 0 : i32
      %add3A_38 = arith.addi %add3A_37, %mul3A_36 : i32
      %broadcast_in_dim3A = arith.constant 0.000000e+00 : f32
      %broadcast_in_dim3A_39 = vector.broadcast %broadcast_in_dim3A : f32 to vector<16xf32>
      %mul3A_40 = arith.constant 16 : i32
      %mul3A_41 = arith.muli %add3A_38, %mul3A_40 : i32
      %swap3A = arith.index_cast %mul3A_41 : i32 to index
      %swap3A_42 = tpu.vector_load %arg9[%swap3A] {strides = array<i32>} : memref<10112xf32, #tpu.memory_space<vmem>>, vector<16xf32>,
      tpu.vector_store %arg9[%swap3A], %broadcast_in_dim3A_39 {strides = array<i32>} : memref<10112xf32, #tpu.memory_space<vmem>>, vector<16xf32>,
    }
    %scan3A_14 = arith.constant 632 : i32
    %add3A_15 = arith.constant 0 : i32
    %add3A_16 = arith.addi %mul3A_6, %add3A_15 : i32
    %dma_start3A = tpu.memref_slice %arg2[%add3A_16] : memref<655360xi32, #tpu.memory_space<hbm>> -> memref<128xi32, #tpu.memory_space<hbm>>
    %dma_start3A_17 = tpu.memref_slice %arg2[%add3A_16] : memref<655360xi32, #tpu.memory_space<hbm>> -> memref<128xi32, #tpu.memory_space<hbm>>
    tpu.enqueue_dma source(%dma_start3A_17 : memref<128xi32, #tpu.memory_space<hbm>>) target(%arg10 : memref<128xi32, #tpu.memory_space<vmem>>) target_semaphore(%arg14 : memref<!tpu.dma_semaphore, #tpu.memory_space<semaphore_mem>>)
    %add3A_18 = arith.constant 128 : i32
    %add3A_19 = arith.addi %mul3A_6, %add3A_18 : i32
    %dma_start3A_20 = tpu.memref_slice %arg2[%add3A_19] : memref<655360xi32, #tpu.memory_space<hbm>> -> memref<128xi32, #tpu.memory_space<hbm>>
    %dma_start3A_21 = tpu.memref_slice %arg2[%add3A_19] : memref<655360xi32, #tpu.memory_space<hbm>> -> memref<128xi32, #tpu.memory_space<hbm>>
    tpu.enqueue_dma source(%dma_start3A_21 : memref<128xi32, #tpu.memory_space<hbm>>) target(%arg11 : memref<128xi32, #tpu.memory_space<vmem>>) target_semaphore(%arg15 : memref<!tpu.dma_semaphore, #tpu.memory_space<semaphore_mem>>)
    %scan3A_22 = arith.constant 0 : i32
    %scan3A_23 = arith.constant 80 : i32
    %scan3A_24 = arith.addi %scan3A_22, %scan3A_23 : i32
    %scan3A_25 = arith.constant 1 : i32
    scf.for %scan3A_34 = %scan3A_22 to %scan3A_24 step %scan3A_25  : i32 {
      %mul3A_35 = arith.constant 1 : i32
      %mul3A_36 = arith.muli %scan3A_34, %mul3A_35 : i32
      %add3A_37 = arith.constant 0 : i32
      %add3A_38 = arith.addi %add3A_37, %mul3A_36 : i32
      %mul3A_39 = arith.constant 2 : i32
      %mul3A_40 = arith.muli %add3A_38, %mul3A_39 : i32
      %add3A_41 = arith.constant 0 : i32
      %add3A_42 = arith.addi %mul3A_40, %add3A_41 : i32
      %dma_wait3A_43 = arith.constant 0 : i32
      %dma_wait3A_44 = tpu.memref_slice %arg2[%dma_wait3A_43] : memref<655360xi32, #tpu.memory_space<hbm>> -> memref<128xi32, #tpu.memory_space<hbm>>
      %dma_wait3A_45 = arith.constant 0 : i32
      %dma_wait3A_46 = tpu.memref_slice %arg2[%dma_wait3A_45] : memref<655360xi32, #tpu.memory_space<hbm>> -> memref<128xi32, #tpu.memory_space<hbm>>
      tpu.wait_dma2 semaphore(%arg14 : memref<!tpu.dma_semaphore, #tpu.memory_space<semaphore_mem>>) src(%dma_wait3A_46 : memref<128xi32, #tpu.memory_space<hbm>>) dst(%arg10 : memref<128xi32, #tpu.memory_space<vmem>>)
      %gt3A = arith.constant 0 : i32
      %gt3A_47 = arith.cmpi sgt, %add3A_38, %gt3A : i32
      %convert_element_type3A = arith.extui %gt3A_47 : i1 to i32
      %cond3A = arith.constant 0 : i32
      %cond3A_48 = arith.cmpi ne, %convert_element_type3A, %cond3A : i32
      scf.if %cond3A_48 {
        %dma_wait3A_388 = arith.constant 0 : i32
        %dma_wait3A_389 = tpu.memref_slice %arg5[%dma_wait3A_388] : memref<327680xf32, #tpu.memory_space<hbm>> -> memref<64xf32, #tpu.memory_space<hbm>>
        %dma_wait3A_390 = arith.constant 0 : i32
        %dma_wait3A_391 = tpu.memref_slice %arg5[%dma_wait3A_390] : memref<327680xf32, #tpu.memory_space<hbm>> -> memref<64xf32, #tpu.memory_space<hbm>>
        tpu.wait_dma2 semaphore(%arg16 : memref<!tpu.dma_semaphore, #tpu.memory_space<semaphore_mem>>) src(%arg12 : memref<64xf32, #tpu.memory_space<vmem>>) dst(%dma_wait3A_391 : memref<64xf32, #tpu.memory_space<hbm>>)
      } else {
      }
      %get3A = arith.constant 0 : index
      %get3A_49 = tpu.vector_load %arg10[%get3A] {strides = array<i32>} : memref<128xi32, #tpu.memory_space<vmem>>, vector<16xi32>,
      %get3A_50 = arith.constant 64 : index
      %get3A_51 = tpu.vector_load %arg10[%get3A_50] {strides = array<i32>} : memref<128xi32, #tpu.memory_space<vmem>>, vector<16xi32>,
      %gather3A = tpu.vector_load_idx %arg7[%get3A_49] : memref<10112xf32, #tpu.memory_space<vmem>>[vector<16xi32>], vector<16xf32>,
      %gather3A_52 = tpu.vector_load_idx %arg8[%get3A_51] : memref<10112xf32, #tpu.memory_space<vmem>>[vector<16xi32>], vector<16xf32>,
      %add3A_53 = arith.addf %gather3A, %gather3A_52 : vector<16xf32>
      %abs3A = math.absf %add3A_53 : vector<16xf32>
      %mul3A_54 = arith.constant 2.000000e+00 : f32
      %mul3A_55 = vector.broadcast %mul3A_54 : f32 to vector<16xf32>
      %mul3A_56 = arith.mulf %abs3A, %mul3A_55 : vector<16xf32>
      %exp3A = math.exp %mul3A_56 : vector<16xf32>
      %sign3A = tpu.bitcast %add3A_53 : vector<16xf32> -> vector<16xi32>
      %sign3A_57 = arith.constant -2147483648 : i32
      %sign3A_58 = vector.broadcast %sign3A_57 : i32 to vector<16xi32>
      %sign3A_59 = arith.andi %sign3A, %sign3A_58 : vector<16xi32>
      %sign3A_60 = arith.constant 1065353216 : i32
      %sign3A_61 = vector.broadcast %sign3A_60 : i32 to vector<16xi32>
      %sign3A_62 = arith.ori %sign3A_61, %sign3A_59 : vector<16xi32>
      %sign3A_63 = tpu.bitcast %sign3A_62 : vector<16xi32> -> vector<16xf32>
      %sign3A_64 = math.absf %add3A_53 : vector<16xf32>
      %sign3A_65 = arith.constant 0.000000e+00 : f32
      %sign3A_66 = vector.broadcast %sign3A_65 : f32 to vector<16xf32>
      %sign3A_67 = arith.cmpf ogt, %sign3A_64, %sign3A_66 : vector<16xf32>
      %sign3A_68 = arith.select %sign3A_67, %sign3A_63, %add3A_53 : vector<16xi1>, vector<16xf32>
      %add3A_69 = arith.constant 1.000000e+00 : f32
      %add3A_70 = vector.broadcast %add3A_69 : f32 to vector<16xf32>
      %add3A_71 = arith.addf %exp3A, %add3A_70 : vector<16xf32>
      %div3A = arith.constant 2.000000e+00 : f32
      %div3A_72 = vector.broadcast %div3A : f32 to vector<16xf32>
      %div3A_73 = arith.divf %div3A_72, %add3A_71 : vector<16xf32>
      %sub3A = arith.constant 1.000000e+00 : f32
      %sub3A_74 = vector.broadcast %sub3A : f32 to vector<16xf32>
      %sub3A_75 = arith.subf %sub3A_74, %div3A_73 : vector<16xf32>
      %mul3A_76 = arith.mulf %sign3A_68, %sub3A_75 : vector<16xf32>
      %swap3A = arith.constant 0 : index
      %swap3A_77 = tpu.vector_load %arg12[%swap3A] {strides = array<i32>} : memref<64xf32, #tpu.memory_space<vmem>>, vector<16xf32>,
      tpu.vector_store %arg12[%swap3A], %mul3A_76 {strides = array<i32>} : memref<64xf32, #tpu.memory_space<vmem>>, vector<16xf32>,
      %broadcast_in_dim3A = arith.constant 1.000000e+00 : f32
      %broadcast_in_dim3A_78 = vector.broadcast %broadcast_in_dim3A : f32 to vector<16xf32>
      tpu.vector_store_idx %arg9[%get3A_51], %broadcast_in_dim3A_78 {add = true} : memref<10112xf32, #tpu.memory_space<vmem>>[vector<16xi32>], vector<16xf32>,
      %get3A_79 = arith.constant 16 : index
      %get3A_80 = tpu.vector_load %arg10[%get3A_79] {strides = array<i32>} : memref<128xi32, #tpu.memory_space<vmem>>, vector<16xi32>,
      %get3A_81 = arith.constant 80 : index
      %get3A_82 = tpu.vector_load %arg10[%get3A_81] {strides = array<i32>} : memref<128xi32, #tpu.memory_space<vmem>>, vector<16xi32>,
      %gather3A_83 = tpu.vector_load_idx %arg7[%get3A_80] : memref<10112xf32, #tpu.memory_space<vmem>>[vector<16xi32>], vector<16xf32>,
      %gather3A_84 = tpu.vector_load_idx %arg8[%get3A_82] : memref<10112xf32, #tpu.memory_space<vmem>>[vector<16xi32>], vector<16xf32>,
      %add3A_85 = arith.addf %gather3A_83, %gather3A_84 : vector<16xf32>
      %abs3A_86 = math.absf %add3A_85 : vector<16xf32>
      %mul3A_87 = arith.constant 2.000000e+00 : f32
      %mul3A_88 = vector.broadcast %mul3A_87 : f32 to vector<16xf32>
      %mul3A_89 = arith.mulf %abs3A_86, %mul3A_88 : vector<16xf32>
      %exp3A_90 = math.exp %mul3A_89 : vector<16xf32>
      %sign3A_91 = tpu.bitcast %add3A_85 : vector<16xf32> -> vector<16xi32>
      %sign3A_92 = arith.constant -2147483648 : i32
      %sign3A_93 = vector.broadcast %sign3A_92 : i32 to vector<16xi32>
      %sign3A_94 = arith.andi %sign3A_91, %sign3A_93 : vector<16xi32>
      %sign3A_95 = arith.constant 1065353216 : i32
      %sign3A_96 = vector.broadcast %sign3A_95 : i32 to vector<16xi32>
      %sign3A_97 = arith.ori %sign3A_96, %sign3A_94 : vector<16xi32>
      %sign3A_98 = tpu.bitcast %sign3A_97 : vector<16xi32> -> vector<16xf32>
      %sign3A_99 = math.absf %add3A_85 : vector<16xf32>
      %sign3A_100 = arith.constant 0.000000e+00 : f32
      %sign3A_101 = vector.broadcast %sign3A_100 : f32 to vector<16xf32>
      %sign3A_102 = arith.cmpf ogt, %sign3A_99, %sign3A_101 : vector<16xf32>
      %sign3A_103 = arith.select %sign3A_102, %sign3A_98, %add3A_85 : vector<16xi1>, vector<16xf32>
      %add3A_104 = arith.constant 1.000000e+00 : f32
      %add3A_105 = vector.broadcast %add3A_104 : f32 to vector<16xf32>
      %add3A_106 = arith.addf %exp3A_90, %add3A_105 : vector<16xf32>
      %div3A_107 = arith.constant 2.000000e+00 : f32
      %div3A_108 = vector.broadcast %div3A_107 : f32 to vector<16xf32>
      %div3A_109 = arith.divf %div3A_108, %add3A_106 : vector<16xf32>
      %sub3A_110 = arith.constant 1.000000e+00 : f32
      %sub3A_111 = vector.broadcast %sub3A_110 : f32 to vector<16xf32>
      %sub3A_112 = arith.subf %sub3A_111, %div3A_109 : vector<16xf32>
      %mul3A_113 = arith.mulf %sign3A_103, %sub3A_112 : vector<16xf32>
      %swap3A_114 = arith.constant 16 : index
      %swap3A_115 = tpu.vector_load %arg12[%swap3A_114] {strides = array<i32>} : memref<64xf32, #tpu.memory_space<vmem>>, vector<16xf32>,
      tpu.vector_store %arg12[%swap3A_114], %mul3A_113 {strides = array<i32>} : memref<64xf32, #tpu.memory_space<vmem>>, vector<16xf32>,
      %broadcast_in_dim3A_116 = arith.constant 1.000000e+00 : f32
      %broadcast_in_dim3A_117 = vector.broadcast %broadcast_in_dim3A_116 : f32 to vector<16xf32>
      tpu.vector_store_idx %arg9[%get3A_82], %broadcast_in_dim3A_117 {add = true} : memref<10112xf32, #tpu.memory_space<vmem>>[vector<16xi32>], vector<16xf32>,
      %get3A_118 = arith.constant 32 : index
      %get3A_119 = tpu.vector_load %arg10[%get3A_118] {strides = array<i32>} : memref<128xi32, #tpu.memory_space<vmem>>, vector<16xi32>,
      %get3A_120 = arith.constant 96 : index
      %get3A_121 = tpu.vector_load %arg10[%get3A_120] {strides = array<i32>} : memref<128xi32, #tpu.memory_space<vmem>>, vector<16xi32>,
      %gather3A_122 = tpu.vector_load_idx %arg7[%get3A_119] : memref<10112xf32, #tpu.memory_space<vmem>>[vector<16xi32>], vector<16xf32>,
      %gather3A_123 = tpu.vector_load_idx %arg8[%get3A_121] : memref<10112xf32, #tpu.memory_space<vmem>>[vector<16xi32>], vector<16xf32>,
      %add3A_124 = arith.addf %gather3A_122, %gather3A_123 : vector<16xf32>
      %abs3A_125 = math.absf %add3A_124 : vector<16xf32>
      %mul3A_126 = arith.constant 2.000000e+00 : f32
      %mul3A_127 = vector.broadcast %mul3A_126 : f32 to vector<16xf32>
      %mul3A_128 = arith.mulf %abs3A_125, %mul3A_127 : vector<16xf32>
      %exp3A_129 = math.exp %mul3A_128 : vector<16xf32>
      %sign3A_130 = tpu.bitcast %add3A_124 : vector<16xf32> -> vector<16xi32>
      %sign3A_131 = arith.constant -2147483648 : i32
      %sign3A_132 = vector.broadcast %sign3A_131 : i32 to vector<16xi32>
      %sign3A_133 = arith.andi %sign3A_130, %sign3A_132 : vector<16xi32>
      %sign3A_134 = arith.constant 1065353216 : i32
      %sign3A_135 = vector.broadcast %sign3A_134 : i32 to vector<16xi32>
      %sign3A_136 = arith.ori %sign3A_135, %sign3A_133 : vector<16xi32>
      %sign3A_137 = tpu.bitcast %sign3A_136 : vector<16xi32> -> vector<16xf32>
      %sign3A_138 = math.absf %add3A_124 : vector<16xf32>
      %sign3A_139 = arith.constant 0.000000e+00 : f32
      %sign3A_140 = vector.broadcast %sign3A_139 : f32 to vector<16xf32>
      %sign3A_141 = arith.cmpf ogt, %sign3A_138, %sign3A_140 : vector<16xf32>
      %sign3A_142 = arith.select %sign3A_141, %sign3A_137, %add3A_124 : vector<16xi1>, vector<16xf32>
      %add3A_143 = arith.constant 1.000000e+00 : f32
      %add3A_144 = vector.broadcast %add3A_143 : f32 to vector<16xf32>
      %add3A_145 = arith.addf %exp3A_129, %add3A_144 : vector<16xf32>
      %div3A_146 = arith.constant 2.000000e+00 : f32
      %div3A_147 = vector.broadcast %div3A_146 : f32 to vector<16xf32>
      %div3A_148 = arith.divf %div3A_147, %add3A_145 : vector<16xf32>
      %sub3A_149 = arith.constant 1.000000e+00 : f32
      %sub3A_150 = vector.broadcast %sub3A_149 : f32 to vector<16xf32>
      %sub3A_151 = arith.subf %sub3A_150, %div3A_148 : vector<16xf32>
      %mul3A_152 = arith.mulf %sign3A_142, %sub3A_151 : vector<16xf32>
      %swap3A_153 = arith.constant 32 : index
      %swap3A_154 = tpu.vector_load %arg12[%swap3A_153] {strides = array<i32>} : memref<64xf32, #tpu.memory_space<vmem>>, vector<16xf32>,
      tpu.vector_store %arg12[%swap3A_153], %mul3A_152 {strides = array<i32>} : memref<64xf32, #tpu.memory_space<vmem>>, vector<16xf32>,
      %broadcast_in_dim3A_155 = arith.constant 1.000000e+00 : f32
      %broadcast_in_dim3A_156 = vector.broadcast %broadcast_in_dim3A_155 : f32 to vector<16xf32>
      tpu.vector_store_idx %arg9[%get3A_121], %broadcast_in_dim3A_156 {add = true} : memref<10112xf32, #tpu.memory_space<vmem>>[vector<16xi32>], vector<16xf32>,
      %get3A_157 = arith.constant 48 : index
      %get3A_158 = tpu.vector_load %arg10[%get3A_157] {strides = array<i32>} : memref<128xi32, #tpu.memory_space<vmem>>, vector<16xi32>,
      %get3A_159 = arith.constant 112 : index
      %get3A_160 = tpu.vector_load %arg10[%get3A_159] {strides = array<i32>} : memref<128xi32, #tpu.memory_space<vmem>>, vector<16xi32>,
      %gather3A_161 = tpu.vector_load_idx %arg7[%get3A_158] : memref<10112xf32, #tpu.memory_space<vmem>>[vector<16xi32>], vector<16xf32>,
      %gather3A_162 = tpu.vector_load_idx %arg8[%get3A_160] : memref<10112xf32, #tpu.memory_space<vmem>>[vector<16xi32>], vector<16xf32>,
      %add3A_163 = arith.addf %gather3A_161, %gather3A_162 : vector<16xf32>
      %abs3A_164 = math.absf %add3A_163 : vector<16xf32>
      %mul3A_165 = arith.constant 2.000000e+00 : f32
      %mul3A_166 = vector.broadcast %mul3A_165 : f32 to vector<16xf32>
      %mul3A_167 = arith.mulf %abs3A_164, %mul3A_166 : vector<16xf32>
      %exp3A_168 = math.exp %mul3A_167 : vector<16xf32>
      %sign3A_169 = tpu.bitcast %add3A_163 : vector<16xf32> -> vector<16xi32>
      %sign3A_170 = arith.constant -2147483648 : i32
      %sign3A_171 = vector.broadcast %sign3A_170 : i32 to vector<16xi32>
      %sign3A_172 = arith.andi %sign3A_169, %sign3A_171 : vector<16xi32>
      %sign3A_173 = arith.constant 1065353216 : i32
      %sign3A_174 = vector.broadcast %sign3A_173 : i32 to vector<16xi32>
      %sign3A_175 = arith.ori %sign3A_174, %sign3A_172 : vector<16xi32>
      %sign3A_176 = tpu.bitcast %sign3A_175 : vector<16xi32> -> vector<16xf32>
      %sign3A_177 = math.absf %add3A_163 : vector<16xf32>
      %sign3A_178 = arith.constant 0.000000e+00 : f32
      %sign3A_179 = vector.broadcast %sign3A_178 : f32 to vector<16xf32>
      %sign3A_180 = arith.cmpf ogt, %sign3A_177, %sign3A_179 : vector<16xf32>
      %sign3A_181 = arith.select %sign3A_180, %sign3A_176, %add3A_163 : vector<16xi1>, vector<16xf32>
      %add3A_182 = arith.constant 1.000000e+00 : f32
      %add3A_183 = vector.broadcast %add3A_182 : f32 to vector<16xf32>
      %add3A_184 = arith.addf %exp3A_168, %add3A_183 : vector<16xf32>
      %div3A_185 = arith.constant 2.000000e+00 : f32
      %div3A_186 = vector.broadcast %div3A_185 : f32 to vector<16xf32>
      %div3A_187 = arith.divf %div3A_186, %add3A_184 : vector<16xf32>
      %sub3A_188 = arith.constant 1.000000e+00 : f32
      %sub3A_189 = vector.broadcast %sub3A_188 : f32 to vector<16xf32>
      %sub3A_190 = arith.subf %sub3A_189, %div3A_187 : vector<16xf32>
      %mul3A_191 = arith.mulf %sign3A_181, %sub3A_190 : vector<16xf32>
      %swap3A_192 = arith.constant 48 : index
      %swap3A_193 = tpu.vector_load %arg12[%swap3A_192] {strides = array<i32>} : memref<64xf32, #tpu.memory_space<vmem>>, vector<16xf32>,
      tpu.vector_store %arg12[%swap3A_192], %mul3A_191 {strides = array<i32>} : memref<64xf32, #tpu.memory_space<vmem>>, vector<16xf32>,
      %broadcast_in_dim3A_194 = arith.constant 1.000000e+00 : f32
      %broadcast_in_dim3A_195 = vector.broadcast %broadcast_in_dim3A_194 : f32 to vector<16xf32>
      tpu.vector_store_idx %arg9[%get3A_160], %broadcast_in_dim3A_195 {add = true} : memref<10112xf32, #tpu.memory_space<vmem>>[vector<16xi32>], vector<16xf32>,
      %mul3A_196 = arith.constant 64 : i32
      %mul3A_197 = arith.muli %add3A_42, %mul3A_196 : i32
      %add3A_198 = arith.addi %mul3A_10, %mul3A_197 : i32
      %dma_start3A_199 = tpu.memref_slice %arg5[%add3A_198] : memref<327680xf32, #tpu.memory_space<hbm>> -> memref<64xf32, #tpu.memory_space<hbm>>
      %dma_start3A_200 = tpu.memref_slice %arg5[%add3A_198] : memref<327680xf32, #tpu.memory_space<hbm>> -> memref<64xf32, #tpu.memory_space<hbm>>
      tpu.enqueue_dma source(%arg12 : memref<64xf32, #tpu.memory_space<vmem>>) target(%dma_start3A_200 : memref<64xf32, #tpu.memory_space<hbm>>) target_semaphore(%arg16 : memref<!tpu.dma_semaphore, #tpu.memory_space<semaphore_mem>>)
      %add3A_201 = arith.constant 2 : i32
      %add3A_202 = arith.addi %add3A_42, %add3A_201 : i32
      %lt3A = arith.constant 160 : i32
      %lt3A_203 = arith.cmpi slt, %add3A_202, %lt3A : i32
      %convert_element_type3A_204 = arith.extui %lt3A_203 : i1 to i32
      %cond3A_205 = arith.constant 0 : i32
      %cond3A_206 = arith.cmpi ne, %convert_element_type3A_204, %cond3A_205 : i32
      scf.if %cond3A_206 {
        %add3A_388 = arith.constant 2 : i32
        %add3A_389 = arith.addi %add3A_42, %add3A_388 : i32
        %mul3A_390 = arith.constant 2 : i32
        %mul3A_391 = arith.muli %add3A_389, %mul3A_390 : i32
        %mul3A_392 = arith.constant 64 : i32
        %mul3A_393 = arith.muli %mul3A_391, %mul3A_392 : i32
        %add3A_394 = arith.addi %mul3A_6, %mul3A_393 : i32
        %dma_start3A_395 = tpu.memref_slice %arg2[%add3A_394] : memref<655360xi32, #tpu.memory_space<hbm>> -> memref<128xi32, #tpu.memory_space<hbm>>
        %dma_start3A_396 = tpu.memref_slice %arg2[%add3A_394] : memref<655360xi32, #tpu.memory_space<hbm>> -> memref<128xi32, #tpu.memory_space<hbm>>
        tpu.enqueue_dma source(%dma_start3A_396 : memref<128xi32, #tpu.memory_space<hbm>>) target(%arg10 : memref<128xi32, #tpu.memory_space<vmem>>) target_semaphore(%arg14 : memref<!tpu.dma_semaphore, #tpu.memory_space<semaphore_mem>>)
      } else {
      }
      %mul3A_207 = arith.constant 2 : i32
      %mul3A_208 = arith.muli %add3A_38, %mul3A_207 : i32
      %add3A_209 = arith.constant 1 : i32
      %add3A_210 = arith.addi %mul3A_208, %add3A_209 : i32
      %dma_wait3A_211 = arith.constant 0 : i32
      %dma_wait3A_212 = tpu.memref_slice %arg2[%dma_wait3A_211] : memref<655360xi32, #tpu.memory_space<hbm>> -> memref<128xi32, #tpu.memory_space<hbm>>
      %dma_wait3A_213 = arith.constant 0 : i32
      %dma_wait3A_214 = tpu.memref_slice %arg2[%dma_wait3A_213] : memref<655360xi32, #tpu.memory_space<hbm>> -> memref<128xi32, #tpu.memory_space<hbm>>
      tpu.wait_dma2 semaphore(%arg15 : memref<!tpu.dma_semaphore, #tpu.memory_space<semaphore_mem>>) src(%dma_wait3A_214 : memref<128xi32, #tpu.memory_space<hbm>>) dst(%arg11 : memref<128xi32, #tpu.memory_space<vmem>>)
      %gt3A_215 = arith.constant 0 : i32
      %gt3A_216 = arith.cmpi sgt, %add3A_38, %gt3A_215 : i32
      %convert_element_type3A_217 = arith.extui %gt3A_216 : i1 to i32
      %cond3A_218 = arith.constant 0 : i32
      %cond3A_219 = arith.cmpi ne, %convert_element_type3A_217, %cond3A_218 : i32
      scf.if %cond3A_219 {
        %dma_wait3A_388 = arith.constant 0 : i32
        %dma_wait3A_389 = tpu.memref_slice %arg5[%dma_wait3A_388] : memref<327680xf32, #tpu.memory_space<hbm>> -> memref<64xf32, #tpu.memory_space<hbm>>
        %dma_wait3A_390 = arith.constant 0 : i32
        %dma_wait3A_391 = tpu.memref_slice %arg5[%dma_wait3A_390] : memref<327680xf32, #tpu.memory_space<hbm>> -> memref<64xf32, #tpu.memory_space<hbm>>
        tpu.wait_dma2 semaphore(%arg17 : memref<!tpu.dma_semaphore, #tpu.memory_space<semaphore_mem>>) src(%arg13 : memref<64xf32, #tpu.memory_space<vmem>>) dst(%dma_wait3A_391 : memref<64xf32, #tpu.memory_space<hbm>>)
      } else {
      }
      %get3A_220 = arith.constant 0 : index
      %get3A_221 = tpu.vector_load %arg11[%get3A_220] {strides = array<i32>} : memref<128xi32, #tpu.memory_space<vmem>>, vector<16xi32>,
      %get3A_222 = arith.constant 64 : index
      %get3A_223 = tpu.vector_load %arg11[%get3A_222] {strides = array<i32>} : memref<128xi32, #tpu.memory_space<vmem>>, vector<16xi32>,
      %gather3A_224 = tpu.vector_load_idx %arg7[%get3A_221] : memref<10112xf32, #tpu.memory_space<vmem>>[vector<16xi32>], vector<16xf32>,
      %gather3A_225 = tpu.vector_load_idx %arg8[%get3A_223] : memref<10112xf32, #tpu.memory_space<vmem>>[vector<16xi32>], vector<16xf32>,
      %add3A_226 = arith.addf %gather3A_224, %gather3A_225 : vector<16xf32>
      %abs3A_227 = math.absf %add3A_226 : vector<16xf32>
      %mul3A_228 = arith.constant 2.000000e+00 : f32
      %mul3A_229 = vector.broadcast %mul3A_228 : f32 to vector<16xf32>
      %mul3A_230 = arith.mulf %abs3A_227, %mul3A_229 : vector<16xf32>
      %exp3A_231 = math.exp %mul3A_230 : vector<16xf32>
      %sign3A_232 = tpu.bitcast %add3A_226 : vector<16xf32> -> vector<16xi32>
      %sign3A_233 = arith.constant -2147483648 : i32
      %sign3A_234 = vector.broadcast %sign3A_233 : i32 to vector<16xi32>
      %sign3A_235 = arith.andi %sign3A_232, %sign3A_234 : vector<16xi32>
      %sign3A_236 = arith.constant 1065353216 : i32
      %sign3A_237 = vector.broadcast %sign3A_236 : i32 to vector<16xi32>
      %sign3A_238 = arith.ori %sign3A_237, %sign3A_235 : vector<16xi32>
      %sign3A_239 = tpu.bitcast %sign3A_238 : vector<16xi32> -> vector<16xf32>
      %sign3A_240 = math.absf %add3A_226 : vector<16xf32>
      %sign3A_241 = arith.constant 0.000000e+00 : f32
      %sign3A_242 = vector.broadcast %sign3A_241 : f32 to vector<16xf32>
      %sign3A_243 = arith.cmpf ogt, %sign3A_240, %sign3A_242 : vector<16xf32>
      %sign3A_244 = arith.select %sign3A_243, %sign3A_239, %add3A_226 : vector<16xi1>, vector<16xf32>
      %add3A_245 = arith.constant 1.000000e+00 : f32
      %add3A_246 = vector.broadcast %add3A_245 : f32 to vector<16xf32>
      %add3A_247 = arith.addf %exp3A_231, %add3A_246 : vector<16xf32>
      %div3A_248 = arith.constant 2.000000e+00 : f32
      %div3A_249 = vector.broadcast %div3A_248 : f32 to vector<16xf32>
      %div3A_250 = arith.divf %div3A_249, %add3A_247 : vector<16xf32>
      %sub3A_251 = arith.constant 1.000000e+00 : f32
      %sub3A_252 = vector.broadcast %sub3A_251 : f32 to vector<16xf32>
      %sub3A_253 = arith.subf %sub3A_252, %div3A_250 : vector<16xf32>
      %mul3A_254 = arith.mulf %sign3A_244, %sub3A_253 : vector<16xf32>
      %swap3A_255 = arith.constant 0 : index
      %swap3A_256 = tpu.vector_load %arg13[%swap3A_255] {strides = array<i32>} : memref<64xf32, #tpu.memory_space<vmem>>, vector<16xf32>,
      tpu.vector_store %arg13[%swap3A_255], %mul3A_254 {strides = array<i32>} : memref<64xf32, #tpu.memory_space<vmem>>, vector<16xf32>,
      %broadcast_in_dim3A_257 = arith.constant 1.000000e+00 : f32
      %broadcast_in_dim3A_258 = vector.broadcast %broadcast_in_dim3A_257 : f32 to vector<16xf32>
      tpu.vector_store_idx %arg9[%get3A_223], %broadcast_in_dim3A_258 {add = true} : memref<10112xf32, #tpu.memory_space<vmem>>[vector<16xi32>], vector<16xf32>,
      %get3A_259 = arith.constant 16 : index
      %get3A_260 = tpu.vector_load %arg11[%get3A_259] {strides = array<i32>} : memref<128xi32, #tpu.memory_space<vmem>>, vector<16xi32>,
      %get3A_261 = arith.constant 80 : index
      %get3A_262 = tpu.vector_load %arg11[%get3A_261] {strides = array<i32>} : memref<128xi32, #tpu.memory_space<vmem>>, vector<16xi32>,
      %gather3A_263 = tpu.vector_load_idx %arg7[%get3A_260] : memref<10112xf32, #tpu.memory_space<vmem>>[vector<16xi32>], vector<16xf32>,
      %gather3A_264 = tpu.vector_load_idx %arg8[%get3A_262] : memref<10112xf32, #tpu.memory_space<vmem>>[vector<16xi32>], vector<16xf32>,
      %add3A_265 = arith.addf %gather3A_263, %gather3A_264 : vector<16xf32>
      %abs3A_266 = math.absf %add3A_265 : vector<16xf32>
      %mul3A_267 = arith.constant 2.000000e+00 : f32
      %mul3A_268 = vector.broadcast %mul3A_267 : f32 to vector<16xf32>
      %mul3A_269 = arith.mulf %abs3A_266, %mul3A_268 : vector<16xf32>
      %exp3A_270 = math.exp %mul3A_269 : vector<16xf32>
      %sign3A_271 = tpu.bitcast %add3A_265 : vector<16xf32> -> vector<16xi32>
      %sign3A_272 = arith.constant -2147483648 : i32
      %sign3A_273 = vector.broadcast %sign3A_272 : i32 to vector<16xi32>
      %sign3A_274 = arith.andi %sign3A_271, %sign3A_273 : vector<16xi32>
      %sign3A_275 = arith.constant 1065353216 : i32
      %sign3A_276 = vector.broadcast %sign3A_275 : i32 to vector<16xi32>
      %sign3A_277 = arith.ori %sign3A_276, %sign3A_274 : vector<16xi32>
      %sign3A_278 = tpu.bitcast %sign3A_277 : vector<16xi32> -> vector<16xf32>
      %sign3A_279 = math.absf %add3A_265 : vector<16xf32>
      %sign3A_280 = arith.constant 0.000000e+00 : f32
      %sign3A_281 = vector.broadcast %sign3A_280 : f32 to vector<16xf32>
      %sign3A_282 = arith.cmpf ogt, %sign3A_279, %sign3A_281 : vector<16xf32>
      %sign3A_283 = arith.select %sign3A_282, %sign3A_278, %add3A_265 : vector<16xi1>, vector<16xf32>
      %add3A_284 = arith.constant 1.000000e+00 : f32
      %add3A_285 = vector.broadcast %add3A_284 : f32 to vector<16xf32>
      %add3A_286 = arith.addf %exp3A_270, %add3A_285 : vector<16xf32>
      %div3A_287 = arith.constant 2.000000e+00 : f32
      %div3A_288 = vector.broadcast %div3A_287 : f32 to vector<16xf32>
      %div3A_289 = arith.divf %div3A_288, %add3A_286 : vector<16xf32>
      %sub3A_290 = arith.constant 1.000000e+00 : f32
      %sub3A_291 = vector.broadcast %sub3A_290 : f32 to vector<16xf32>
      %sub3A_292 = arith.subf %sub3A_291, %div3A_289 : vector<16xf32>
      %mul3A_293 = arith.mulf %sign3A_283, %sub3A_292 : vector<16xf32>
      %swap3A_294 = arith.constant 16 : index
      %swap3A_295 = tpu.vector_load %arg13[%swap3A_294] {strides = array<i32>} : memref<64xf32, #tpu.memory_space<vmem>>, vector<16xf32>,
      tpu.vector_store %arg13[%swap3A_294], %mul3A_293 {strides = array<i32>} : memref<64xf32, #tpu.memory_space<vmem>>, vector<16xf32>,
      %broadcast_in_dim3A_296 = arith.constant 1.000000e+00 : f32
      %broadcast_in_dim3A_297 = vector.broadcast %broadcast_in_dim3A_296 : f32 to vector<16xf32>
      tpu.vector_store_idx %arg9[%get3A_262], %broadcast_in_dim3A_297 {add = true} : memref<10112xf32, #tpu.memory_space<vmem>>[vector<16xi32>], vector<16xf32>,
      %get3A_298 = arith.constant 32 : index
      %get3A_299 = tpu.vector_load %arg11[%get3A_298] {strides = array<i32>} : memref<128xi32, #tpu.memory_space<vmem>>, vector<16xi32>,
      %get3A_300 = arith.constant 96 : index
      %get3A_301 = tpu.vector_load %arg11[%get3A_300] {strides = array<i32>} : memref<128xi32, #tpu.memory_space<vmem>>, vector<16xi32>,
      %gather3A_302 = tpu.vector_load_idx %arg7[%get3A_299] : memref<10112xf32, #tpu.memory_space<vmem>>[vector<16xi32>], vector<16xf32>,
      %gather3A_303 = tpu.vector_load_idx %arg8[%get3A_301] : memref<10112xf32, #tpu.memory_space<vmem>>[vector<16xi32>], vector<16xf32>,
      %add3A_304 = arith.addf %gather3A_302, %gather3A_303 : vector<16xf32>
      %abs3A_305 = math.absf %add3A_304 : vector<16xf32>
      %mul3A_306 = arith.constant 2.000000e+00 : f32
      %mul3A_307 = vector.broadcast %mul3A_306 : f32 to vector<16xf32>
      %mul3A_308 = arith.mulf %abs3A_305, %mul3A_307 : vector<16xf32>
      %exp3A_309 = math.exp %mul3A_308 : vector<16xf32>
      %sign3A_310 = tpu.bitcast %add3A_304 : vector<16xf32> -> vector<16xi32>
      %sign3A_311 = arith.constant -2147483648 : i32
      %sign3A_312 = vector.broadcast %sign3A_311 : i32 to vector<16xi32>
      %sign3A_313 = arith.andi %sign3A_310, %sign3A_312 : vector<16xi32>
      %sign3A_314 = arith.constant 1065353216 : i32
      %sign3A_315 = vector.broadcast %sign3A_314 : i32 to vector<16xi32>
      %sign3A_316 = arith.ori %sign3A_315, %sign3A_313 : vector<16xi32>
      %sign3A_317 = tpu.bitcast %sign3A_316 : vector<16xi32> -> vector<16xf32>
      %sign3A_318 = math.absf %add3A_304 : vector<16xf32>
      %sign3A_319 = arith.constant 0.000000e+00 : f32
      %sign3A_320 = vector.broadcast %sign3A_319 : f32 to vector<16xf32>
      %sign3A_321 = arith.cmpf ogt, %sign3A_318, %sign3A_320 : vector<16xf32>
      %sign3A_322 = arith.select %sign3A_321, %sign3A_317, %add3A_304 : vector<16xi1>, vector<16xf32>
      %add3A_323 = arith.constant 1.000000e+00 : f32
      %add3A_324 = vector.broadcast %add3A_323 : f32 to vector<16xf32>
      %add3A_325 = arith.addf %exp3A_309, %add3A_324 : vector<16xf32>
      %div3A_326 = arith.constant 2.000000e+00 : f32
      %div3A_327 = vector.broadcast %div3A_326 : f32 to vector<16xf32>
      %div3A_328 = arith.divf %div3A_327, %add3A_325 : vector<16xf32>
      %sub3A_329 = arith.constant 1.000000e+00 : f32
      %sub3A_330 = vector.broadcast %sub3A_329 : f32 to vector<16xf32>
      %sub3A_331 = arith.subf %sub3A_330, %div3A_328 : vector<16xf32>
      %mul3A_332 = arith.mulf %sign3A_322, %sub3A_331 : vector<16xf32>
      %swap3A_333 = arith.constant 32 : index
      %swap3A_334 = tpu.vector_load %arg13[%swap3A_333] {strides = array<i32>} : memref<64xf32, #tpu.memory_space<vmem>>, vector<16xf32>,
      tpu.vector_store %arg13[%swap3A_333], %mul3A_332 {strides = array<i32>} : memref<64xf32, #tpu.memory_space<vmem>>, vector<16xf32>,
      %broadcast_in_dim3A_335 = arith.constant 1.000000e+00 : f32
      %broadcast_in_dim3A_336 = vector.broadcast %broadcast_in_dim3A_335 : f32 to vector<16xf32>
      tpu.vector_store_idx %arg9[%get3A_301], %broadcast_in_dim3A_336 {add = true} : memref<10112xf32, #tpu.memory_space<vmem>>[vector<16xi32>], vector<16xf32>,
      %get3A_337 = arith.constant 48 : index
      %get3A_338 = tpu.vector_load %arg11[%get3A_337] {strides = array<i32>} : memref<128xi32, #tpu.memory_space<vmem>>, vector<16xi32>,
      %get3A_339 = arith.constant 112 : index
      %get3A_340 = tpu.vector_load %arg11[%get3A_339] {strides = array<i32>} : memref<128xi32, #tpu.memory_space<vmem>>, vector<16xi32>,
      %gather3A_341 = tpu.vector_load_idx %arg7[%get3A_338] : memref<10112xf32, #tpu.memory_space<vmem>>[vector<16xi32>], vector<16xf32>,
      %gather3A_342 = tpu.vector_load_idx %arg8[%get3A_340] : memref<10112xf32, #tpu.memory_space<vmem>>[vector<16xi32>], vector<16xf32>,
      %add3A_343 = arith.addf %gather3A_341, %gather3A_342 : vector<16xf32>
      %abs3A_344 = math.absf %add3A_343 : vector<16xf32>
      %mul3A_345 = arith.constant 2.000000e+00 : f32
      %mul3A_346 = vector.broadcast %mul3A_345 : f32 to vector<16xf32>
      %mul3A_347 = arith.mulf %abs3A_344, %mul3A_346 : vector<16xf32>
      %exp3A_348 = math.exp %mul3A_347 : vector<16xf32>
      %sign3A_349 = tpu.bitcast %add3A_343 : vector<16xf32> -> vector<16xi32>
      %sign3A_350 = arith.constant -2147483648 : i32
      %sign3A_351 = vector.broadcast %sign3A_350 : i32 to vector<16xi32>
      %sign3A_352 = arith.andi %sign3A_349, %sign3A_351 : vector<16xi32>
      %sign3A_353 = arith.constant 1065353216 : i32
      %sign3A_354 = vector.broadcast %sign3A_353 : i32 to vector<16xi32>
      %sign3A_355 = arith.ori %sign3A_354, %sign3A_352 : vector<16xi32>
      %sign3A_356 = tpu.bitcast %sign3A_355 : vector<16xi32> -> vector<16xf32>
      %sign3A_357 = math.absf %add3A_343 : vector<16xf32>
      %sign3A_358 = arith.constant 0.000000e+00 : f32
      %sign3A_359 = vector.broadcast %sign3A_358 : f32 to vector<16xf32>
      %sign3A_360 = arith.cmpf ogt, %sign3A_357, %sign3A_359 : vector<16xf32>
      %sign3A_361 = arith.select %sign3A_360, %sign3A_356, %add3A_343 : vector<16xi1>, vector<16xf32>
      %add3A_362 = arith.constant 1.000000e+00 : f32
      %add3A_363 = vector.broadcast %add3A_362 : f32 to vector<16xf32>
      %add3A_364 = arith.addf %exp3A_348, %add3A_363 : vector<16xf32>
      %div3A_365 = arith.constant 2.000000e+00 : f32
      %div3A_366 = vector.broadcast %div3A_365 : f32 to vector<16xf32>
      %div3A_367 = arith.divf %div3A_366, %add3A_364 : vector<16xf32>
      %sub3A_368 = arith.constant 1.000000e+00 : f32
      %sub3A_369 = vector.broadcast %sub3A_368 : f32 to vector<16xf32>
      %sub3A_370 = arith.subf %sub3A_369, %div3A_367 : vector<16xf32>
      %mul3A_371 = arith.mulf %sign3A_361, %sub3A_370 : vector<16xf32>
      %swap3A_372 = arith.constant 48 : index
      %swap3A_373 = tpu.vector_load %arg13[%swap3A_372] {strides = array<i32>} : memref<64xf32, #tpu.memory_space<vmem>>, vector<16xf32>,
      tpu.vector_store %arg13[%swap3A_372], %mul3A_371 {strides = array<i32>} : memref<64xf32, #tpu.memory_space<vmem>>, vector<16xf32>,
      %broadcast_in_dim3A_374 = arith.constant 1.000000e+00 : f32
      %broadcast_in_dim3A_375 = vector.broadcast %broadcast_in_dim3A_374 : f32 to vector<16xf32>
      tpu.vector_store_idx %arg9[%get3A_340], %broadcast_in_dim3A_375 {add = true} : memref<10112xf32, #tpu.memory_space<vmem>>[vector<16xi32>], vector<16xf32>,
      %mul3A_376 = arith.constant 64 : i32
      %mul3A_377 = arith.muli %add3A_210, %mul3A_376 : i32
      %add3A_378 = arith.addi %mul3A_10, %mul3A_377 : i32
      %dma_start3A_379 = tpu.memref_slice %arg5[%add3A_378] : memref<327680xf32, #tpu.memory_space<hbm>> -> memref<64xf32, #tpu.memory_space<hbm>>
      %dma_start3A_380 = tpu.memref_slice %arg5[%add3A_378] : memref<327680xf32, #tpu.memory_space<hbm>> -> memref<64xf32, #tpu.memory_space<hbm>>
      tpu.enqueue_dma source(%arg13 : memref<64xf32, #tpu.memory_space<vmem>>) target(%dma_start3A_380 : memref<64xf32, #tpu.memory_space<hbm>>) target_semaphore(%arg17 : memref<!tpu.dma_semaphore, #tpu.memory_space<semaphore_mem>>)
      %add3A_381 = arith.constant 2 : i32
      %add3A_382 = arith.addi %add3A_210, %add3A_381 : i32
      %lt3A_383 = arith.constant 160 : i32
      %lt3A_384 = arith.cmpi slt, %add3A_382, %lt3A_383 : i32
      %convert_element_type3A_385 = arith.extui %lt3A_384 : i1 to i32
      %cond3A_386 = arith.constant 0 : i32
      %cond3A_387 = arith.cmpi ne, %convert_element_type3A_385, %cond3A_386 : i32
      scf.if %cond3A_387 {
        %add3A_388 = arith.constant 2 : i32
        %add3A_389 = arith.addi %add3A_210, %add3A_388 : i32
        %mul3A_390 = arith.constant 2 : i32
        %mul3A_391 = arith.muli %add3A_389, %mul3A_390 : i32
        %mul3A_392 = arith.constant 64 : i32
        %mul3A_393 = arith.muli %mul3A_391, %mul3A_392 : i32
        %add3A_394 = arith.addi %mul3A_6, %mul3A_393 : i32
        %dma_start3A_395 = tpu.memref_slice %arg2[%add3A_394] : memref<655360xi32, #tpu.memory_space<hbm>> -> memref<128xi32, #tpu.memory_space<hbm>>
        %dma_start3A_396 = tpu.memref_slice %arg2[%add3A_394] : memref<655360xi32, #tpu.memory_space<hbm>> -> memref<128xi32, #tpu.memory_space<hbm>>
        tpu.enqueue_dma source(%dma_start3A_396 : memref<128xi32, #tpu.memory_space<hbm>>) target(%arg11 : memref<128xi32, #tpu.memory_space<vmem>>) target_semaphore(%arg15 : memref<!tpu.dma_semaphore, #tpu.memory_space<semaphore_mem>>)
      } else {
      }
    }
    %scan3A_26 = arith.constant 80 : i32
    %dma_wait3A = arith.constant 0 : i32
    %dma_wait3A_27 = tpu.memref_slice %arg5[%dma_wait3A] : memref<327680xf32, #tpu.memory_space<hbm>> -> memref<64xf32, #tpu.memory_space<hbm>>
    %dma_wait3A_28 = arith.constant 0 : i32
    %dma_wait3A_29 = tpu.memref_slice %arg5[%dma_wait3A_28] : memref<327680xf32, #tpu.memory_space<hbm>> -> memref<64xf32, #tpu.memory_space<hbm>>
    tpu.wait_dma2 semaphore(%arg16 : memref<!tpu.dma_semaphore, #tpu.memory_space<semaphore_mem>>) src(%arg12 : memref<64xf32, #tpu.memory_space<vmem>>) dst(%dma_wait3A_29 : memref<64xf32, #tpu.memory_space<hbm>>)
    %dma_wait3A_30 = arith.constant 0 : i32
    %dma_wait3A_31 = tpu.memref_slice %arg5[%dma_wait3A_30] : memref<327680xf32, #tpu.memory_space<hbm>> -> memref<64xf32, #tpu.memory_space<hbm>>
    %dma_wait3A_32 = arith.constant 0 : i32
    %dma_wait3A_33 = tpu.memref_slice %arg5[%dma_wait3A_32] : memref<327680xf32, #tpu.memory_space<hbm>> -> memref<64xf32, #tpu.memory_space<hbm>>
    tpu.wait_dma2 semaphore(%arg17 : memref<!tpu.dma_semaphore, #tpu.memory_space<semaphore_mem>>) src(%arg13 : memref<64xf32, #tpu.memory_space<vmem>>) dst(%dma_wait3A_33 : memref<64xf32, #tpu.memory_space<hbm>>)
    "tpu.region"() ({
      %run_scoped3A = tpu.sem_alloc : memref<!tpu.dma_semaphore, #tpu.memory_space<semaphore_mem>>
      %dma_start3A_34 = arith.constant 0 : i32
      %dma_start3A_35 = tpu.memref_slice %arg6[%add3A, %dma_start3A_34] : memref<32x10112xf32, #tpu.memory_space<hbm>> -> memref<1x10112xf32, #tpu.memory_space<hbm>>
      %dma_start3A_36 = tpu.memref_squeeze %dma_start3A_35 : memref<1x10112xf32, #tpu.memory_space<hbm>> -> memref<10112xf32, #tpu.memory_space<hbm>>
      %dma_start3A_37 = arith.constant 0 : i32
      %dma_start3A_38 = tpu.memref_slice %arg6[%add3A, %dma_start3A_37] : memref<32x10112xf32, #tpu.memory_space<hbm>> -> memref<1x10112xf32, #tpu.memory_space<hbm>>
      %dma_start3A_39 = tpu.memref_squeeze %dma_start3A_38 : memref<1x10112xf32, #tpu.memory_space<hbm>> -> memref<10112xf32, #tpu.memory_space<hbm>>
      tpu.enqueue_dma source(%arg9 : memref<10112xf32, #tpu.memory_space<vmem>>) target(%dma_start3A_39 : memref<10112xf32, #tpu.memory_space<hbm>>) target_semaphore(%run_scoped3A : memref<!tpu.dma_semaphore, #tpu.memory_space<semaphore_mem>>)
      %dma_wait3A_40 = arith.constant 0 : i32
      %dma_wait3A_41 = tpu.memref_slice %arg6[%add3A, %dma_wait3A_40] : memref<32x10112xf32, #tpu.memory_space<hbm>> -> memref<1x10112xf32, #tpu.memory_space<hbm>>
      %dma_wait3A_42 = tpu.memref_squeeze %dma_wait3A_41 : memref<1x10112xf32, #tpu.memory_space<hbm>> -> memref<10112xf32, #tpu.memory_space<hbm>>
      %dma_wait3A_43 = arith.constant 0 : i32
      %dma_wait3A_44 = tpu.memref_slice %arg6[%add3A, %dma_wait3A_43] : memref<32x10112xf32, #tpu.memory_space<hbm>> -> memref<1x10112xf32, #tpu.memory_space<hbm>>
      %dma_wait3A_45 = tpu.memref_squeeze %dma_wait3A_44 : memref<1x10112xf32, #tpu.memory_space<hbm>> -> memref<10112xf32, #tpu.memory_space<hbm>>
      tpu.wait_dma2 semaphore(%run_scoped3A : memref<!tpu.dma_semaphore, #tpu.memory_space<semaphore_mem>>) src(%arg9 : memref<10112xf32, #tpu.memory_space<vmem>>) dst(%dma_wait3A_45 : memref<10112xf32, #tpu.memory_space<hbm>>)
      tpu.yield
    }) : () -> ()
    return
  }
}

#map = affine_map<(d0, d1) -> (0, 0)>
#map1 = affine_map<(d0, d1) -> (0)>
#map2 = affine_map<(d0, d1) -> (0, 0, 0)>
module attributes {stable_mosaic.version = 14 : i64} {
  func.func @_edge_body(%arg0: i32, %arg1: i32, %arg2: memref<10112x128xf32, #tpu.memory_space<hbm>>, %arg3: memref<655360xi32, #tpu.memory_space<hbm>>, %arg4: memref<327680xf32, #tpu.memory_space<hbm>>, %arg5: memref<2x10112x128xf32, #tpu.memory_space<hbm>>, %arg6: memref<10112x128xf32, #tpu.memory_space<vmem_shared>>, %arg7: memref<128xi32, #tpu.memory_space<vmem>>, %arg8: memref<128xi32, #tpu.memory_space<vmem>>, %arg9: memref<128xi32, #tpu.memory_space<vmem>>, %arg10: memref<128xi32, #tpu.memory_space<vmem>>, %arg11: memref<64xi32, #tpu.memory_space<vmem>>, %arg12: memref<64xi32, #tpu.memory_space<vmem>>, %arg13: memref<64xi32, #tpu.memory_space<vmem>>, %arg14: memref<64xi32, #tpu.memory_space<vmem>>, %arg15: memref<64xf32, #tpu.memory_space<vmem>>, %arg16: memref<64xf32, #tpu.memory_space<vmem>>, %arg17: memref<64xf32, #tpu.memory_space<vmem>>, %arg18: memref<64xf32, #tpu.memory_space<vmem>>, %arg19: memref<64x128xf32, #tpu.memory_space<vmem>>, %arg20: memref<64x128xf32, #tpu.memory_space<vmem>>, %arg21: memref<64x128xf32, #tpu.memory_space<vmem>>, %arg22: memref<64x128xf32, #tpu.memory_space<vmem>>, %arg23: memref<!tpu.dma_semaphore, #tpu.memory_space<semaphore_mem>>, %arg24: memref<!tpu.dma_semaphore, #tpu.memory_space<semaphore_mem>>, %arg25: memref<!tpu.dma_semaphore, #tpu.memory_space<semaphore_mem>>, %arg26: memref<!tpu.dma_semaphore, #tpu.memory_space<semaphore_mem>>, %arg27: memref<!tpu.dma_semaphore, #tpu.memory_space<semaphore_mem>>, %arg28: memref<!tpu.dma_semaphore, #tpu.memory_space<semaphore_mem>>, %arg29: memref<!tpu.dma_semaphore, #tpu.memory_space<semaphore_mem>>, %arg30: memref<!tpu.dma_semaphore, #tpu.memory_space<semaphore_mem>>, %arg31: memref<!tpu.dma_semaphore, #tpu.memory_space<semaphore_mem>>, %arg32: memref<!tpu.dma_semaphore, #tpu.memory_space<semaphore_mem>>, %arg33: memref<!tpu.dma_semaphore, #tpu.memory_space<semaphore_mem>>, %arg34: memref<!tpu.dma_semaphore, #tpu.memory_space<semaphore_mem>>) attributes {dimension_semantics = [#tpu.dimension_semantics<core_parallel>, #tpu.dimension_semantics<subcore_parallel>], iteration_bounds = array<i64: 2, 16>, scalar_prefetch = 0 : i64, scratch_operands = 29 : i64, tpu.core_type = #tpu.core_type<sc_vector_subcore>, window_params = [{transform_indices = #map}, {transform_indices = #map1}, {transform_indices = #map1}, {transform_indices = #map2}]} {
    %eq3A = arith.constant 0 : i32
    %eq3A_0 = arith.cmpi eq, %arg0, %eq3A : i32
    %jit3A = arith.constant 288 : i32
    %jit3A_1 = arith.constant 32 : i32
    %select_n3A = arith.select %eq3A_0, %jit3A, %jit3A_1 : i32
    %mul3A = arith.constant 16 : i32
    %mul3A_2 = arith.muli %arg0, %mul3A : i32
    %mul3A_3 = arith.constant 288 : i32
    %mul3A_4 = arith.muli %mul3A_2, %mul3A_3 : i32
    %mul3A_5 = arith.muli %arg1, %select_n3A : i32
    %add3A = arith.addi %mul3A_4, %mul3A_5 : i32
    %mul3A_6 = arith.constant 2 : i32
    %mul3A_7 = arith.muli %add3A, %mul3A_6 : i32
    %mul3A_8 = arith.constant 64 : i32
    %mul3A_9 = arith.muli %mul3A_7, %mul3A_8 : i32
    %mul3A_10 = arith.constant 64 : i32
    %mul3A_11 = arith.muli %add3A, %mul3A_10 : i32
    %scan3A = arith.constant 0 : i32
    %scan3A_12 = arith.constant 64 : i32
    %scan3A_13 = arith.addi %scan3A, %scan3A_12 : i32
    %scan3A_14 = arith.constant 1 : i32
    scf.for %scan3A_165 = %scan3A to %scan3A_13 step %scan3A_14  : i32 {
      %mul3A_166 = arith.constant 1 : i32
      %mul3A_167 = arith.muli %scan3A_165, %mul3A_166 : i32
      %add3A_168 = arith.constant 0 : i32
      %add3A_169 = arith.addi %add3A_168, %mul3A_167 : i32
      %broadcast_in_dim3A = arith.constant 0.000000e+00 : f32
      %broadcast_in_dim3A_170 = vector.broadcast %broadcast_in_dim3A : f32 to vector<16xf32>
      %swap3A = arith.index_cast %add3A_169 : i32 to index
      %swap3A_171 = arith.constant 0 : index
      %swap3A_172 = tpu.vector_load %arg19[%swap3A, %swap3A_171] {strides = array<i32>} : memref<64x128xf32, #tpu.memory_space<vmem>>, vector<16xf32>,
      tpu.vector_store %arg19[%swap3A, %swap3A_171], %broadcast_in_dim3A_170 {strides = array<i32>} : memref<64x128xf32, #tpu.memory_space<vmem>>, vector<16xf32>,
      %broadcast_in_dim3A_173 = arith.constant 0.000000e+00 : f32
      %broadcast_in_dim3A_174 = vector.broadcast %broadcast_in_dim3A_173 : f32 to vector<16xf32>
      %swap3A_175 = arith.index_cast %add3A_169 : i32 to index
      %swap3A_176 = arith.constant 16 : index
      %swap3A_177 = tpu.vector_load %arg19[%swap3A_175, %swap3A_176] {strides = array<i32>} : memref<64x128xf32, #tpu.memory_space<vmem>>, vector<16xf32>,
      tpu.vector_store %arg19[%swap3A_175, %swap3A_176], %broadcast_in_dim3A_174 {strides = array<i32>} : memref<64x128xf32, #tpu.memory_space<vmem>>, vector<16xf32>,
      %broadcast_in_dim3A_178 = arith.constant 0.000000e+00 : f32
      %broadcast_in_dim3A_179 = vector.broadcast %broadcast_in_dim3A_178 : f32 to vector<16xf32>
      %swap3A_180 = arith.index_cast %add3A_169 : i32 to index
      %swap3A_181 = arith.constant 32 : index
      %swap3A_182 = tpu.vector_load %arg19[%swap3A_180, %swap3A_181] {strides = array<i32>} : memref<64x128xf32, #tpu.memory_space<vmem>>, vector<16xf32>,
      tpu.vector_store %arg19[%swap3A_180, %swap3A_181], %broadcast_in_dim3A_179 {strides = array<i32>} : memref<64x128xf32, #tpu.memory_space<vmem>>, vector<16xf32>,
      %broadcast_in_dim3A_183 = arith.constant 0.000000e+00 : f32
      %broadcast_in_dim3A_184 = vector.broadcast %broadcast_in_dim3A_183 : f32 to vector<16xf32>
      %swap3A_185 = arith.index_cast %add3A_169 : i32 to index
      %swap3A_186 = arith.constant 48 : index
      %swap3A_187 = tpu.vector_load %arg19[%swap3A_185, %swap3A_186] {strides = array<i32>} : memref<64x128xf32, #tpu.memory_space<vmem>>, vector<16xf32>,
      tpu.vector_store %arg19[%swap3A_185, %swap3A_186], %broadcast_in_dim3A_184 {strides = array<i32>} : memref<64x128xf32, #tpu.memory_space<vmem>>, vector<16xf32>,
      %broadcast_in_dim3A_188 = arith.constant 0.000000e+00 : f32
      %broadcast_in_dim3A_189 = vector.broadcast %broadcast_in_dim3A_188 : f32 to vector<16xf32>
      %swap3A_190 = arith.index_cast %add3A_169 : i32 to index
      %swap3A_191 = arith.constant 64 : index
      %swap3A_192 = tpu.vector_load %arg19[%swap3A_190, %swap3A_191] {strides = array<i32>} : memref<64x128xf32, #tpu.memory_space<vmem>>, vector<16xf32>,
      tpu.vector_store %arg19[%swap3A_190, %swap3A_191], %broadcast_in_dim3A_189 {strides = array<i32>} : memref<64x128xf32, #tpu.memory_space<vmem>>, vector<16xf32>,
      %broadcast_in_dim3A_193 = arith.constant 0.000000e+00 : f32
      %broadcast_in_dim3A_194 = vector.broadcast %broadcast_in_dim3A_193 : f32 to vector<16xf32>
      %swap3A_195 = arith.index_cast %add3A_169 : i32 to index
      %swap3A_196 = arith.constant 80 : index
      %swap3A_197 = tpu.vector_load %arg19[%swap3A_195, %swap3A_196] {strides = array<i32>} : memref<64x128xf32, #tpu.memory_space<vmem>>, vector<16xf32>,
      tpu.vector_store %arg19[%swap3A_195, %swap3A_196], %broadcast_in_dim3A_194 {strides = array<i32>} : memref<64x128xf32, #tpu.memory_space<vmem>>, vector<16xf32>,
      %broadcast_in_dim3A_198 = arith.constant 0.000000e+00 : f32
      %broadcast_in_dim3A_199 = vector.broadcast %broadcast_in_dim3A_198 : f32 to vector<16xf32>
      %swap3A_200 = arith.index_cast %add3A_169 : i32 to index
      %swap3A_201 = arith.constant 96 : index
      %swap3A_202 = tpu.vector_load %arg19[%swap3A_200, %swap3A_201] {strides = array<i32>} : memref<64x128xf32, #tpu.memory_space<vmem>>, vector<16xf32>,
      tpu.vector_store %arg19[%swap3A_200, %swap3A_201], %broadcast_in_dim3A_199 {strides = array<i32>} : memref<64x128xf32, #tpu.memory_space<vmem>>, vector<16xf32>,
      %broadcast_in_dim3A_203 = arith.constant 0.000000e+00 : f32
      %broadcast_in_dim3A_204 = vector.broadcast %broadcast_in_dim3A_203 : f32 to vector<16xf32>
      %swap3A_205 = arith.index_cast %add3A_169 : i32 to index
      %swap3A_206 = arith.constant 112 : index
      %swap3A_207 = tpu.vector_load %arg19[%swap3A_205, %swap3A_206] {strides = array<i32>} : memref<64x128xf32, #tpu.memory_space<vmem>>, vector<16xf32>,
      tpu.vector_store %arg19[%swap3A_205, %swap3A_206], %broadcast_in_dim3A_204 {strides = array<i32>} : memref<64x128xf32, #tpu.memory_space<vmem>>, vector<16xf32>,
    }
    %scan3A_15 = arith.constant 64 : i32
    %mul3A_16 = arith.constant 632 : i32
    %mul3A_17 = arith.muli %arg1, %mul3A_16 : i32
    %add3A_18 = arith.constant 0 : i32
    %add3A_19 = arith.addi %mul3A_17, %add3A_18 : i32
    "tpu.region"() ({
      %run_scoped3A = tpu.sem_alloc : memref<!tpu.dma_semaphore, #tpu.memory_space<semaphore_mem>>
      %dma_start3A_165 = arith.constant 0 : i32
      %dma_start3A_166 = arith.constant 0 : i32
      %dma_start3A_167 = tpu.memref_slice %arg19[%dma_start3A_165, %dma_start3A_166] : memref<64x128xf32, #tpu.memory_space<vmem>> -> memref<64x128xf32, #tpu.memory_space<vmem>>
      %dma_start3A_168 = arith.constant 0 : i32
      %dma_start3A_169 = tpu.memref_slice %arg6[%add3A_19, %dma_start3A_168] : memref<10112x128xf32, #tpu.memory_space<vmem_shared>> -> memref<64x128xf32, #tpu.memory_space<vmem_shared>>
      %dma_start3A_170 = arith.constant 0 : i32
      %dma_start3A_171 = tpu.memref_slice %arg6[%add3A_19, %dma_start3A_170] : memref<10112x128xf32, #tpu.memory_space<vmem_shared>> -> memref<64x128xf32, #tpu.memory_space<vmem_shared>>
      %dma_start3A_172 = arith.constant 0 : i32
      %dma_start3A_173 = arith.constant 0 : i32
      %dma_start3A_174 = tpu.memref_slice %arg19[%dma_start3A_172, %dma_start3A_173] : memref<64x128xf32, #tpu.memory_space<vmem>> -> memref<64x128xf32, #tpu.memory_space<vmem>>
      tpu.enqueue_dma source(%dma_start3A_174 : memref<64x128xf32, #tpu.memory_space<vmem>>) target(%dma_start3A_171 : memref<64x128xf32, #tpu.memory_space<vmem_shared>>) target_semaphore(%run_scoped3A : memref<!tpu.dma_semaphore, #tpu.memory_space<semaphore_mem>>)
      %dma_wait3A_175 = arith.constant 0 : i32
      %dma_wait3A_176 = arith.constant 0 : i32
      %dma_wait3A_177 = tpu.memref_slice %arg19[%dma_wait3A_175, %dma_wait3A_176] : memref<64x128xf32, #tpu.memory_space<vmem>> -> memref<64x128xf32, #tpu.memory_space<vmem>>
      %dma_wait3A_178 = arith.constant 0 : i32
      %dma_wait3A_179 = tpu.memref_slice %arg6[%add3A_19, %dma_wait3A_178] : memref<10112x128xf32, #tpu.memory_space<vmem_shared>> -> memref<64x128xf32, #tpu.memory_space<vmem_shared>>
      %dma_wait3A_180 = arith.constant 0 : i32
      %dma_wait3A_181 = tpu.memref_slice %arg6[%add3A_19, %dma_wait3A_180] : memref<10112x128xf32, #tpu.memory_space<vmem_shared>> -> memref<64x128xf32, #tpu.memory_space<vmem_shared>>
      %dma_wait3A_182 = arith.constant 0 : i32
      %dma_wait3A_183 = arith.constant 0 : i32
      %dma_wait3A_184 = tpu.memref_slice %arg19[%dma_wait3A_182, %dma_wait3A_183] : memref<64x128xf32, #tpu.memory_space<vmem>> -> memref<64x128xf32, #tpu.memory_space<vmem>>
      tpu.wait_dma2 semaphore(%run_scoped3A : memref<!tpu.dma_semaphore, #tpu.memory_space<semaphore_mem>>) src(%dma_wait3A_184 : memref<64x128xf32, #tpu.memory_space<vmem>>) dst(%dma_wait3A_181 : memref<64x128xf32, #tpu.memory_space<vmem_shared>>)
      tpu.yield
    }) : () -> ()
    %mul3A_20 = arith.constant 632 : i32
    %mul3A_21 = arith.muli %arg1, %mul3A_20 : i32
    %add3A_22 = arith.constant 64 : i32
    %add3A_23 = arith.addi %mul3A_21, %add3A_22 : i32
    "tpu.region"() ({
      %run_scoped3A = tpu.sem_alloc : memref<!tpu.dma_semaphore, #tpu.memory_space<semaphore_mem>>
      %dma_start3A_165 = arith.constant 0 : i32
      %dma_start3A_166 = arith.constant 0 : i32
      %dma_start3A_167 = tpu.memref_slice %arg19[%dma_start3A_165, %dma_start3A_166] : memref<64x128xf32, #tpu.memory_space<vmem>> -> memref<64x128xf32, #tpu.memory_space<vmem>>
      %dma_start3A_168 = arith.constant 0 : i32
      %dma_start3A_169 = tpu.memref_slice %arg6[%add3A_23, %dma_start3A_168] : memref<10112x128xf32, #tpu.memory_space<vmem_shared>> -> memref<64x128xf32, #tpu.memory_space<vmem_shared>>
      %dma_start3A_170 = arith.constant 0 : i32
      %dma_start3A_171 = tpu.memref_slice %arg6[%add3A_23, %dma_start3A_170] : memref<10112x128xf32, #tpu.memory_space<vmem_shared>> -> memref<64x128xf32, #tpu.memory_space<vmem_shared>>
      %dma_start3A_172 = arith.constant 0 : i32
      %dma_start3A_173 = arith.constant 0 : i32
      %dma_start3A_174 = tpu.memref_slice %arg19[%dma_start3A_172, %dma_start3A_173] : memref<64x128xf32, #tpu.memory_space<vmem>> -> memref<64x128xf32, #tpu.memory_space<vmem>>
      tpu.enqueue_dma source(%dma_start3A_174 : memref<64x128xf32, #tpu.memory_space<vmem>>) target(%dma_start3A_171 : memref<64x128xf32, #tpu.memory_space<vmem_shared>>) target_semaphore(%run_scoped3A : memref<!tpu.dma_semaphore, #tpu.memory_space<semaphore_mem>>)
      %dma_wait3A_175 = arith.constant 0 : i32
      %dma_wait3A_176 = arith.constant 0 : i32
      %dma_wait3A_177 = tpu.memref_slice %arg19[%dma_wait3A_175, %dma_wait3A_176] : memref<64x128xf32, #tpu.memory_space<vmem>> -> memref<64x128xf32, #tpu.memory_space<vmem>>
      %dma_wait3A_178 = arith.constant 0 : i32
      %dma_wait3A_179 = tpu.memref_slice %arg6[%add3A_23, %dma_wait3A_178] : memref<10112x128xf32, #tpu.memory_space<vmem_shared>> -> memref<64x128xf32, #tpu.memory_space<vmem_shared>>
      %dma_wait3A_180 = arith.constant 0 : i32
      %dma_wait3A_181 = tpu.memref_slice %arg6[%add3A_23, %dma_wait3A_180] : memref<10112x128xf32, #tpu.memory_space<vmem_shared>> -> memref<64x128xf32, #tpu.memory_space<vmem_shared>>
      %dma_wait3A_182 = arith.constant 0 : i32
      %dma_wait3A_183 = arith.constant 0 : i32
      %dma_wait3A_184 = tpu.memref_slice %arg19[%dma_wait3A_182, %dma_wait3A_183] : memref<64x128xf32, #tpu.memory_space<vmem>> -> memref<64x128xf32, #tpu.memory_space<vmem>>
      tpu.wait_dma2 semaphore(%run_scoped3A : memref<!tpu.dma_semaphore, #tpu.memory_space<semaphore_mem>>) src(%dma_wait3A_184 : memref<64x128xf32, #tpu.memory_space<vmem>>) dst(%dma_wait3A_181 : memref<64x128xf32, #tpu.memory_space<vmem_shared>>)
      tpu.yield
    }) : () -> ()
    %mul3A_24 = arith.constant 632 : i32
    %mul3A_25 = arith.muli %arg1, %mul3A_24 : i32
    %add3A_26 = arith.constant 128 : i32
    %add3A_27 = arith.addi %mul3A_25, %add3A_26 : i32
    "tpu.region"() ({
      %run_scoped3A = tpu.sem_alloc : memref<!tpu.dma_semaphore, #tpu.memory_space<semaphore_mem>>
      %dma_start3A_165 = arith.constant 0 : i32
      %dma_start3A_166 = arith.constant 0 : i32
      %dma_start3A_167 = tpu.memref_slice %arg19[%dma_start3A_165, %dma_start3A_166] : memref<64x128xf32, #tpu.memory_space<vmem>> -> memref<64x128xf32, #tpu.memory_space<vmem>>
      %dma_start3A_168 = arith.constant 0 : i32
      %dma_start3A_169 = tpu.memref_slice %arg6[%add3A_27, %dma_start3A_168] : memref<10112x128xf32, #tpu.memory_space<vmem_shared>> -> memref<64x128xf32, #tpu.memory_space<vmem_shared>>
      %dma_start3A_170 = arith.constant 0 : i32
      %dma_start3A_171 = tpu.memref_slice %arg6[%add3A_27, %dma_start3A_170] : memref<10112x128xf32, #tpu.memory_space<vmem_shared>> -> memref<64x128xf32, #tpu.memory_space<vmem_shared>>
      %dma_start3A_172 = arith.constant 0 : i32
      %dma_start3A_173 = arith.constant 0 : i32
      %dma_start3A_174 = tpu.memref_slice %arg19[%dma_start3A_172, %dma_start3A_173] : memref<64x128xf32, #tpu.memory_space<vmem>> -> memref<64x128xf32, #tpu.memory_space<vmem>>
      tpu.enqueue_dma source(%dma_start3A_174 : memref<64x128xf32, #tpu.memory_space<vmem>>) target(%dma_start3A_171 : memref<64x128xf32, #tpu.memory_space<vmem_shared>>) target_semaphore(%run_scoped3A : memref<!tpu.dma_semaphore, #tpu.memory_space<semaphore_mem>>)
      %dma_wait3A_175 = arith.constant 0 : i32
      %dma_wait3A_176 = arith.constant 0 : i32
      %dma_wait3A_177 = tpu.memref_slice %arg19[%dma_wait3A_175, %dma_wait3A_176] : memref<64x128xf32, #tpu.memory_space<vmem>> -> memref<64x128xf32, #tpu.memory_space<vmem>>
      %dma_wait3A_178 = arith.constant 0 : i32
      %dma_wait3A_179 = tpu.memref_slice %arg6[%add3A_27, %dma_wait3A_178] : memref<10112x128xf32, #tpu.memory_space<vmem_shared>> -> memref<64x128xf32, #tpu.memory_space<vmem_shared>>
      %dma_wait3A_180 = arith.constant 0 : i32
      %dma_wait3A_181 = tpu.memref_slice %arg6[%add3A_27, %dma_wait3A_180] : memref<10112x128xf32, #tpu.memory_space<vmem_shared>> -> memref<64x128xf32, #tpu.memory_space<vmem_shared>>
      %dma_wait3A_182 = arith.constant 0 : i32
      %dma_wait3A_183 = arith.constant 0 : i32
      %dma_wait3A_184 = tpu.memref_slice %arg19[%dma_wait3A_182, %dma_wait3A_183] : memref<64x128xf32, #tpu.memory_space<vmem>> -> memref<64x128xf32, #tpu.memory_space<vmem>>
      tpu.wait_dma2 semaphore(%run_scoped3A : memref<!tpu.dma_semaphore, #tpu.memory_space<semaphore_mem>>) src(%dma_wait3A_184 : memref<64x128xf32, #tpu.memory_space<vmem>>) dst(%dma_wait3A_181 : memref<64x128xf32, #tpu.memory_space<vmem_shared>>)
      tpu.yield
    }) : () -> ()
    %mul3A_28 = arith.constant 632 : i32
    %mul3A_29 = arith.muli %arg1, %mul3A_28 : i32
    %add3A_30 = arith.constant 192 : i32
    %add3A_31 = arith.addi %mul3A_29, %add3A_30 : i32
    "tpu.region"() ({
      %run_scoped3A = tpu.sem_alloc : memref<!tpu.dma_semaphore, #tpu.memory_space<semaphore_mem>>
      %dma_start3A_165 = arith.constant 0 : i32
      %dma_start3A_166 = arith.constant 0 : i32
      %dma_start3A_167 = tpu.memref_slice %arg19[%dma_start3A_165, %dma_start3A_166] : memref<64x128xf32, #tpu.memory_space<vmem>> -> memref<64x128xf32, #tpu.memory_space<vmem>>
      %dma_start3A_168 = arith.constant 0 : i32
      %dma_start3A_169 = tpu.memref_slice %arg6[%add3A_31, %dma_start3A_168] : memref<10112x128xf32, #tpu.memory_space<vmem_shared>> -> memref<64x128xf32, #tpu.memory_space<vmem_shared>>
      %dma_start3A_170 = arith.constant 0 : i32
      %dma_start3A_171 = tpu.memref_slice %arg6[%add3A_31, %dma_start3A_170] : memref<10112x128xf32, #tpu.memory_space<vmem_shared>> -> memref<64x128xf32, #tpu.memory_space<vmem_shared>>
      %dma_start3A_172 = arith.constant 0 : i32
      %dma_start3A_173 = arith.constant 0 : i32
      %dma_start3A_174 = tpu.memref_slice %arg19[%dma_start3A_172, %dma_start3A_173] : memref<64x128xf32, #tpu.memory_space<vmem>> -> memref<64x128xf32, #tpu.memory_space<vmem>>
      tpu.enqueue_dma source(%dma_start3A_174 : memref<64x128xf32, #tpu.memory_space<vmem>>) target(%dma_start3A_171 : memref<64x128xf32, #tpu.memory_space<vmem_shared>>) target_semaphore(%run_scoped3A : memref<!tpu.dma_semaphore, #tpu.memory_space<semaphore_mem>>)
      %dma_wait3A_175 = arith.constant 0 : i32
      %dma_wait3A_176 = arith.constant 0 : i32
      %dma_wait3A_177 = tpu.memref_slice %arg19[%dma_wait3A_175, %dma_wait3A_176] : memref<64x128xf32, #tpu.memory_space<vmem>> -> memref<64x128xf32, #tpu.memory_space<vmem>>
      %dma_wait3A_178 = arith.constant 0 : i32
      %dma_wait3A_179 = tpu.memref_slice %arg6[%add3A_31, %dma_wait3A_178] : memref<10112x128xf32, #tpu.memory_space<vmem_shared>> -> memref<64x128xf32, #tpu.memory_space<vmem_shared>>
      %dma_wait3A_180 = arith.constant 0 : i32
      %dma_wait3A_181 = tpu.memref_slice %arg6[%add3A_31, %dma_wait3A_180] : memref<10112x128xf32, #tpu.memory_space<vmem_shared>> -> memref<64x128xf32, #tpu.memory_space<vmem_shared>>
      %dma_wait3A_182 = arith.constant 0 : i32
      %dma_wait3A_183 = arith.constant 0 : i32
      %dma_wait3A_184 = tpu.memref_slice %arg19[%dma_wait3A_182, %dma_wait3A_183] : memref<64x128xf32, #tpu.memory_space<vmem>> -> memref<64x128xf32, #tpu.memory_space<vmem>>
      tpu.wait_dma2 semaphore(%run_scoped3A : memref<!tpu.dma_semaphore, #tpu.memory_space<semaphore_mem>>) src(%dma_wait3A_184 : memref<64x128xf32, #tpu.memory_space<vmem>>) dst(%dma_wait3A_181 : memref<64x128xf32, #tpu.memory_space<vmem_shared>>)
      tpu.yield
    }) : () -> ()
    %mul3A_32 = arith.constant 632 : i32
    %mul3A_33 = arith.muli %arg1, %mul3A_32 : i32
    %add3A_34 = arith.constant 256 : i32
    %add3A_35 = arith.addi %mul3A_33, %add3A_34 : i32
    "tpu.region"() ({
      %run_scoped3A = tpu.sem_alloc : memref<!tpu.dma_semaphore, #tpu.memory_space<semaphore_mem>>
      %dma_start3A_165 = arith.constant 0 : i32
      %dma_start3A_166 = arith.constant 0 : i32
      %dma_start3A_167 = tpu.memref_slice %arg19[%dma_start3A_165, %dma_start3A_166] : memref<64x128xf32, #tpu.memory_space<vmem>> -> memref<64x128xf32, #tpu.memory_space<vmem>>
      %dma_start3A_168 = arith.constant 0 : i32
      %dma_start3A_169 = tpu.memref_slice %arg6[%add3A_35, %dma_start3A_168] : memref<10112x128xf32, #tpu.memory_space<vmem_shared>> -> memref<64x128xf32, #tpu.memory_space<vmem_shared>>
      %dma_start3A_170 = arith.constant 0 : i32
      %dma_start3A_171 = tpu.memref_slice %arg6[%add3A_35, %dma_start3A_170] : memref<10112x128xf32, #tpu.memory_space<vmem_shared>> -> memref<64x128xf32, #tpu.memory_space<vmem_shared>>
      %dma_start3A_172 = arith.constant 0 : i32
      %dma_start3A_173 = arith.constant 0 : i32
      %dma_start3A_174 = tpu.memref_slice %arg19[%dma_start3A_172, %dma_start3A_173] : memref<64x128xf32, #tpu.memory_space<vmem>> -> memref<64x128xf32, #tpu.memory_space<vmem>>
      tpu.enqueue_dma source(%dma_start3A_174 : memref<64x128xf32, #tpu.memory_space<vmem>>) target(%dma_start3A_171 : memref<64x128xf32, #tpu.memory_space<vmem_shared>>) target_semaphore(%run_scoped3A : memref<!tpu.dma_semaphore, #tpu.memory_space<semaphore_mem>>)
      %dma_wait3A_175 = arith.constant 0 : i32
      %dma_wait3A_176 = arith.constant 0 : i32
      %dma_wait3A_177 = tpu.memref_slice %arg19[%dma_wait3A_175, %dma_wait3A_176] : memref<64x128xf32, #tpu.memory_space<vmem>> -> memref<64x128xf32, #tpu.memory_space<vmem>>
      %dma_wait3A_178 = arith.constant 0 : i32
      %dma_wait3A_179 = tpu.memref_slice %arg6[%add3A_35, %dma_wait3A_178] : memref<10112x128xf32, #tpu.memory_space<vmem_shared>> -> memref<64x128xf32, #tpu.memory_space<vmem_shared>>
      %dma_wait3A_180 = arith.constant 0 : i32
      %dma_wait3A_181 = tpu.memref_slice %arg6[%add3A_35, %dma_wait3A_180] : memref<10112x128xf32, #tpu.memory_space<vmem_shared>> -> memref<64x128xf32, #tpu.memory_space<vmem_shared>>
      %dma_wait3A_182 = arith.constant 0 : i32
      %dma_wait3A_183 = arith.constant 0 : i32
      %dma_wait3A_184 = tpu.memref_slice %arg19[%dma_wait3A_182, %dma_wait3A_183] : memref<64x128xf32, #tpu.memory_space<vmem>> -> memref<64x128xf32, #tpu.memory_space<vmem>>
      tpu.wait_dma2 semaphore(%run_scoped3A : memref<!tpu.dma_semaphore, #tpu.memory_space<semaphore_mem>>) src(%dma_wait3A_184 : memref<64x128xf32, #tpu.memory_space<vmem>>) dst(%dma_wait3A_181 : memref<64x128xf32, #tpu.memory_space<vmem_shared>>)
      tpu.yield
    }) : () -> ()
    %mul3A_36 = arith.constant 632 : i32
    %mul3A_37 = arith.muli %arg1, %mul3A_36 : i32
    %add3A_38 = arith.constant 320 : i32
    %add3A_39 = arith.addi %mul3A_37, %add3A_38 : i32
    "tpu.region"() ({
      %run_scoped3A = tpu.sem_alloc : memref<!tpu.dma_semaphore, #tpu.memory_space<semaphore_mem>>
      %dma_start3A_165 = arith.constant 0 : i32
      %dma_start3A_166 = arith.constant 0 : i32
      %dma_start3A_167 = tpu.memref_slice %arg19[%dma_start3A_165, %dma_start3A_166] : memref<64x128xf32, #tpu.memory_space<vmem>> -> memref<64x128xf32, #tpu.memory_space<vmem>>
      %dma_start3A_168 = arith.constant 0 : i32
      %dma_start3A_169 = tpu.memref_slice %arg6[%add3A_39, %dma_start3A_168] : memref<10112x128xf32, #tpu.memory_space<vmem_shared>> -> memref<64x128xf32, #tpu.memory_space<vmem_shared>>
      %dma_start3A_170 = arith.constant 0 : i32
      %dma_start3A_171 = tpu.memref_slice %arg6[%add3A_39, %dma_start3A_170] : memref<10112x128xf32, #tpu.memory_space<vmem_shared>> -> memref<64x128xf32, #tpu.memory_space<vmem_shared>>
      %dma_start3A_172 = arith.constant 0 : i32
      %dma_start3A_173 = arith.constant 0 : i32
      %dma_start3A_174 = tpu.memref_slice %arg19[%dma_start3A_172, %dma_start3A_173] : memref<64x128xf32, #tpu.memory_space<vmem>> -> memref<64x128xf32, #tpu.memory_space<vmem>>
      tpu.enqueue_dma source(%dma_start3A_174 : memref<64x128xf32, #tpu.memory_space<vmem>>) target(%dma_start3A_171 : memref<64x128xf32, #tpu.memory_space<vmem_shared>>) target_semaphore(%run_scoped3A : memref<!tpu.dma_semaphore, #tpu.memory_space<semaphore_mem>>)
      %dma_wait3A_175 = arith.constant 0 : i32
      %dma_wait3A_176 = arith.constant 0 : i32
      %dma_wait3A_177 = tpu.memref_slice %arg19[%dma_wait3A_175, %dma_wait3A_176] : memref<64x128xf32, #tpu.memory_space<vmem>> -> memref<64x128xf32, #tpu.memory_space<vmem>>
      %dma_wait3A_178 = arith.constant 0 : i32
      %dma_wait3A_179 = tpu.memref_slice %arg6[%add3A_39, %dma_wait3A_178] : memref<10112x128xf32, #tpu.memory_space<vmem_shared>> -> memref<64x128xf32, #tpu.memory_space<vmem_shared>>
      %dma_wait3A_180 = arith.constant 0 : i32
      %dma_wait3A_181 = tpu.memref_slice %arg6[%add3A_39, %dma_wait3A_180] : memref<10112x128xf32, #tpu.memory_space<vmem_shared>> -> memref<64x128xf32, #tpu.memory_space<vmem_shared>>
      %dma_wait3A_182 = arith.constant 0 : i32
      %dma_wait3A_183 = arith.constant 0 : i32
      %dma_wait3A_184 = tpu.memref_slice %arg19[%dma_wait3A_182, %dma_wait3A_183] : memref<64x128xf32, #tpu.memory_space<vmem>> -> memref<64x128xf32, #tpu.memory_space<vmem>>
      tpu.wait_dma2 semaphore(%run_scoped3A : memref<!tpu.dma_semaphore, #tpu.memory_space<semaphore_mem>>) src(%dma_wait3A_184 : memref<64x128xf32, #tpu.memory_space<vmem>>) dst(%dma_wait3A_181 : memref<64x128xf32, #tpu.memory_space<vmem_shared>>)
      tpu.yield
    }) : () -> ()
    %mul3A_40 = arith.constant 632 : i32
    %mul3A_41 = arith.muli %arg1, %mul3A_40 : i32
    %add3A_42 = arith.constant 384 : i32
    %add3A_43 = arith.addi %mul3A_41, %add3A_42 : i32
    "tpu.region"() ({
      %run_scoped3A = tpu.sem_alloc : memref<!tpu.dma_semaphore, #tpu.memory_space<semaphore_mem>>
      %dma_start3A_165 = arith.constant 0 : i32
      %dma_start3A_166 = arith.constant 0 : i32
      %dma_start3A_167 = tpu.memref_slice %arg19[%dma_start3A_165, %dma_start3A_166] : memref<64x128xf32, #tpu.memory_space<vmem>> -> memref<64x128xf32, #tpu.memory_space<vmem>>
      %dma_start3A_168 = arith.constant 0 : i32
      %dma_start3A_169 = tpu.memref_slice %arg6[%add3A_43, %dma_start3A_168] : memref<10112x128xf32, #tpu.memory_space<vmem_shared>> -> memref<64x128xf32, #tpu.memory_space<vmem_shared>>
      %dma_start3A_170 = arith.constant 0 : i32
      %dma_start3A_171 = tpu.memref_slice %arg6[%add3A_43, %dma_start3A_170] : memref<10112x128xf32, #tpu.memory_space<vmem_shared>> -> memref<64x128xf32, #tpu.memory_space<vmem_shared>>
      %dma_start3A_172 = arith.constant 0 : i32
      %dma_start3A_173 = arith.constant 0 : i32
      %dma_start3A_174 = tpu.memref_slice %arg19[%dma_start3A_172, %dma_start3A_173] : memref<64x128xf32, #tpu.memory_space<vmem>> -> memref<64x128xf32, #tpu.memory_space<vmem>>
      tpu.enqueue_dma source(%dma_start3A_174 : memref<64x128xf32, #tpu.memory_space<vmem>>) target(%dma_start3A_171 : memref<64x128xf32, #tpu.memory_space<vmem_shared>>) target_semaphore(%run_scoped3A : memref<!tpu.dma_semaphore, #tpu.memory_space<semaphore_mem>>)
      %dma_wait3A_175 = arith.constant 0 : i32
      %dma_wait3A_176 = arith.constant 0 : i32
      %dma_wait3A_177 = tpu.memref_slice %arg19[%dma_wait3A_175, %dma_wait3A_176] : memref<64x128xf32, #tpu.memory_space<vmem>> -> memref<64x128xf32, #tpu.memory_space<vmem>>
      %dma_wait3A_178 = arith.constant 0 : i32
      %dma_wait3A_179 = tpu.memref_slice %arg6[%add3A_43, %dma_wait3A_178] : memref<10112x128xf32, #tpu.memory_space<vmem_shared>> -> memref<64x128xf32, #tpu.memory_space<vmem_shared>>
      %dma_wait3A_180 = arith.constant 0 : i32
      %dma_wait3A_181 = tpu.memref_slice %arg6[%add3A_43, %dma_wait3A_180] : memref<10112x128xf32, #tpu.memory_space<vmem_shared>> -> memref<64x128xf32, #tpu.memory_space<vmem_shared>>
      %dma_wait3A_182 = arith.constant 0 : i32
      %dma_wait3A_183 = arith.constant 0 : i32
      %dma_wait3A_184 = tpu.memref_slice %arg19[%dma_wait3A_182, %dma_wait3A_183] : memref<64x128xf32, #tpu.memory_space<vmem>> -> memref<64x128xf32, #tpu.memory_space<vmem>>
      tpu.wait_dma2 semaphore(%run_scoped3A : memref<!tpu.dma_semaphore, #tpu.memory_space<semaphore_mem>>) src(%dma_wait3A_184 : memref<64x128xf32, #tpu.memory_space<vmem>>) dst(%dma_wait3A_181 : memref<64x128xf32, #tpu.memory_space<vmem_shared>>)
      tpu.yield
    }) : () -> ()
    %mul3A_44 = arith.constant 632 : i32
    %mul3A_45 = arith.muli %arg1, %mul3A_44 : i32
    %add3A_46 = arith.constant 448 : i32
    %add3A_47 = arith.addi %mul3A_45, %add3A_46 : i32
    "tpu.region"() ({
      %run_scoped3A = tpu.sem_alloc : memref<!tpu.dma_semaphore, #tpu.memory_space<semaphore_mem>>
      %dma_start3A_165 = arith.constant 0 : i32
      %dma_start3A_166 = arith.constant 0 : i32
      %dma_start3A_167 = tpu.memref_slice %arg19[%dma_start3A_165, %dma_start3A_166] : memref<64x128xf32, #tpu.memory_space<vmem>> -> memref<64x128xf32, #tpu.memory_space<vmem>>
      %dma_start3A_168 = arith.constant 0 : i32
      %dma_start3A_169 = tpu.memref_slice %arg6[%add3A_47, %dma_start3A_168] : memref<10112x128xf32, #tpu.memory_space<vmem_shared>> -> memref<64x128xf32, #tpu.memory_space<vmem_shared>>
      %dma_start3A_170 = arith.constant 0 : i32
      %dma_start3A_171 = tpu.memref_slice %arg6[%add3A_47, %dma_start3A_170] : memref<10112x128xf32, #tpu.memory_space<vmem_shared>> -> memref<64x128xf32, #tpu.memory_space<vmem_shared>>
      %dma_start3A_172 = arith.constant 0 : i32
      %dma_start3A_173 = arith.constant 0 : i32
      %dma_start3A_174 = tpu.memref_slice %arg19[%dma_start3A_172, %dma_start3A_173] : memref<64x128xf32, #tpu.memory_space<vmem>> -> memref<64x128xf32, #tpu.memory_space<vmem>>
      tpu.enqueue_dma source(%dma_start3A_174 : memref<64x128xf32, #tpu.memory_space<vmem>>) target(%dma_start3A_171 : memref<64x128xf32, #tpu.memory_space<vmem_shared>>) target_semaphore(%run_scoped3A : memref<!tpu.dma_semaphore, #tpu.memory_space<semaphore_mem>>)
      %dma_wait3A_175 = arith.constant 0 : i32
      %dma_wait3A_176 = arith.constant 0 : i32
      %dma_wait3A_177 = tpu.memref_slice %arg19[%dma_wait3A_175, %dma_wait3A_176] : memref<64x128xf32, #tpu.memory_space<vmem>> -> memref<64x128xf32, #tpu.memory_space<vmem>>
      %dma_wait3A_178 = arith.constant 0 : i32
      %dma_wait3A_179 = tpu.memref_slice %arg6[%add3A_47, %dma_wait3A_178] : memref<10112x128xf32, #tpu.memory_space<vmem_shared>> -> memref<64x128xf32, #tpu.memory_space<vmem_shared>>
      %dma_wait3A_180 = arith.constant 0 : i32
      %dma_wait3A_181 = tpu.memref_slice %arg6[%add3A_47, %dma_wait3A_180] : memref<10112x128xf32, #tpu.memory_space<vmem_shared>> -> memref<64x128xf32, #tpu.memory_space<vmem_shared>>
      %dma_wait3A_182 = arith.constant 0 : i32
      %dma_wait3A_183 = arith.constant 0 : i32
      %dma_wait3A_184 = tpu.memref_slice %arg19[%dma_wait3A_182, %dma_wait3A_183] : memref<64x128xf32, #tpu.memory_space<vmem>> -> memref<64x128xf32, #tpu.memory_space<vmem>>
      tpu.wait_dma2 semaphore(%run_scoped3A : memref<!tpu.dma_semaphore, #tpu.memory_space<semaphore_mem>>) src(%dma_wait3A_184 : memref<64x128xf32, #tpu.memory_space<vmem>>) dst(%dma_wait3A_181 : memref<64x128xf32, #tpu.memory_space<vmem_shared>>)
      tpu.yield
    }) : () -> ()
    %mul3A_48 = arith.constant 632 : i32
    %mul3A_49 = arith.muli %arg1, %mul3A_48 : i32
    %add3A_50 = arith.constant 512 : i32
    %add3A_51 = arith.addi %mul3A_49, %add3A_50 : i32
    "tpu.region"() ({
      %run_scoped3A = tpu.sem_alloc : memref<!tpu.dma_semaphore, #tpu.memory_space<semaphore_mem>>
      %dma_start3A_165 = arith.constant 0 : i32
      %dma_start3A_166 = arith.constant 0 : i32
      %dma_start3A_167 = tpu.memref_slice %arg19[%dma_start3A_165, %dma_start3A_166] : memref<64x128xf32, #tpu.memory_space<vmem>> -> memref<64x128xf32, #tpu.memory_space<vmem>>
      %dma_start3A_168 = arith.constant 0 : i32
      %dma_start3A_169 = tpu.memref_slice %arg6[%add3A_51, %dma_start3A_168] : memref<10112x128xf32, #tpu.memory_space<vmem_shared>> -> memref<64x128xf32, #tpu.memory_space<vmem_shared>>
      %dma_start3A_170 = arith.constant 0 : i32
      %dma_start3A_171 = tpu.memref_slice %arg6[%add3A_51, %dma_start3A_170] : memref<10112x128xf32, #tpu.memory_space<vmem_shared>> -> memref<64x128xf32, #tpu.memory_space<vmem_shared>>
      %dma_start3A_172 = arith.constant 0 : i32
      %dma_start3A_173 = arith.constant 0 : i32
      %dma_start3A_174 = tpu.memref_slice %arg19[%dma_start3A_172, %dma_start3A_173] : memref<64x128xf32, #tpu.memory_space<vmem>> -> memref<64x128xf32, #tpu.memory_space<vmem>>
      tpu.enqueue_dma source(%dma_start3A_174 : memref<64x128xf32, #tpu.memory_space<vmem>>) target(%dma_start3A_171 : memref<64x128xf32, #tpu.memory_space<vmem_shared>>) target_semaphore(%run_scoped3A : memref<!tpu.dma_semaphore, #tpu.memory_space<semaphore_mem>>)
      %dma_wait3A_175 = arith.constant 0 : i32
      %dma_wait3A_176 = arith.constant 0 : i32
      %dma_wait3A_177 = tpu.memref_slice %arg19[%dma_wait3A_175, %dma_wait3A_176] : memref<64x128xf32, #tpu.memory_space<vmem>> -> memref<64x128xf32, #tpu.memory_space<vmem>>
      %dma_wait3A_178 = arith.constant 0 : i32
      %dma_wait3A_179 = tpu.memref_slice %arg6[%add3A_51, %dma_wait3A_178] : memref<10112x128xf32, #tpu.memory_space<vmem_shared>> -> memref<64x128xf32, #tpu.memory_space<vmem_shared>>
      %dma_wait3A_180 = arith.constant 0 : i32
      %dma_wait3A_181 = tpu.memref_slice %arg6[%add3A_51, %dma_wait3A_180] : memref<10112x128xf32, #tpu.memory_space<vmem_shared>> -> memref<64x128xf32, #tpu.memory_space<vmem_shared>>
      %dma_wait3A_182 = arith.constant 0 : i32
      %dma_wait3A_183 = arith.constant 0 : i32
      %dma_wait3A_184 = tpu.memref_slice %arg19[%dma_wait3A_182, %dma_wait3A_183] : memref<64x128xf32, #tpu.memory_space<vmem>> -> memref<64x128xf32, #tpu.memory_space<vmem>>
      tpu.wait_dma2 semaphore(%run_scoped3A : memref<!tpu.dma_semaphore, #tpu.memory_space<semaphore_mem>>) src(%dma_wait3A_184 : memref<64x128xf32, #tpu.memory_space<vmem>>) dst(%dma_wait3A_181 : memref<64x128xf32, #tpu.memory_space<vmem_shared>>)
      tpu.yield
    }) : () -> ()
    %mul3A_52 = arith.constant 632 : i32
    %mul3A_53 = arith.muli %arg1, %mul3A_52 : i32
    %add3A_54 = arith.constant 576 : i32
    %add3A_55 = arith.addi %mul3A_53, %add3A_54 : i32
    "tpu.region"() ({
      %run_scoped3A = tpu.sem_alloc : memref<!tpu.dma_semaphore, #tpu.memory_space<semaphore_mem>>
      %dma_start3A_165 = arith.constant 0 : i32
      %dma_start3A_166 = arith.constant 0 : i32
      %dma_start3A_167 = tpu.memref_slice %arg19[%dma_start3A_165, %dma_start3A_166] : memref<64x128xf32, #tpu.memory_space<vmem>> -> memref<56x128xf32, #tpu.memory_space<vmem>>
      %dma_start3A_168 = arith.constant 0 : i32
      %dma_start3A_169 = tpu.memref_slice %arg6[%add3A_55, %dma_start3A_168] : memref<10112x128xf32, #tpu.memory_space<vmem_shared>> -> memref<56x128xf32, #tpu.memory_space<vmem_shared>>
      %dma_start3A_170 = arith.constant 0 : i32
      %dma_start3A_171 = tpu.memref_slice %arg6[%add3A_55, %dma_start3A_170] : memref<10112x128xf32, #tpu.memory_space<vmem_shared>> -> memref<56x128xf32, #tpu.memory_space<vmem_shared>>
      %dma_start3A_172 = arith.constant 0 : i32
      %dma_start3A_173 = arith.constant 0 : i32
      %dma_start3A_174 = tpu.memref_slice %arg19[%dma_start3A_172, %dma_start3A_173] : memref<64x128xf32, #tpu.memory_space<vmem>> -> memref<56x128xf32, #tpu.memory_space<vmem>>
      tpu.enqueue_dma source(%dma_start3A_174 : memref<56x128xf32, #tpu.memory_space<vmem>>) target(%dma_start3A_171 : memref<56x128xf32, #tpu.memory_space<vmem_shared>>) target_semaphore(%run_scoped3A : memref<!tpu.dma_semaphore, #tpu.memory_space<semaphore_mem>>)
      %dma_wait3A_175 = arith.constant 0 : i32
      %dma_wait3A_176 = arith.constant 0 : i32
      %dma_wait3A_177 = tpu.memref_slice %arg19[%dma_wait3A_175, %dma_wait3A_176] : memref<64x128xf32, #tpu.memory_space<vmem>> -> memref<56x128xf32, #tpu.memory_space<vmem>>
      %dma_wait3A_178 = arith.constant 0 : i32
      %dma_wait3A_179 = tpu.memref_slice %arg6[%add3A_55, %dma_wait3A_178] : memref<10112x128xf32, #tpu.memory_space<vmem_shared>> -> memref<56x128xf32, #tpu.memory_space<vmem_shared>>
      %dma_wait3A_180 = arith.constant 0 : i32
      %dma_wait3A_181 = tpu.memref_slice %arg6[%add3A_55, %dma_wait3A_180] : memref<10112x128xf32, #tpu.memory_space<vmem_shared>> -> memref<56x128xf32, #tpu.memory_space<vmem_shared>>
      %dma_wait3A_182 = arith.constant 0 : i32
      %dma_wait3A_183 = arith.constant 0 : i32
      %dma_wait3A_184 = tpu.memref_slice %arg19[%dma_wait3A_182, %dma_wait3A_183] : memref<64x128xf32, #tpu.memory_space<vmem>> -> memref<56x128xf32, #tpu.memory_space<vmem>>
      tpu.wait_dma2 semaphore(%run_scoped3A : memref<!tpu.dma_semaphore, #tpu.memory_space<semaphore_mem>>) src(%dma_wait3A_184 : memref<56x128xf32, #tpu.memory_space<vmem>>) dst(%dma_wait3A_181 : memref<56x128xf32, #tpu.memory_space<vmem_shared>>)
      tpu.yield
    }) : () -> ()
    %add3A_56 = arith.constant 0 : i32
    %add3A_57 = arith.addi %mul3A_9, %add3A_56 : i32
    %dma_start3A = tpu.memref_slice %arg3[%add3A_57] : memref<655360xi32, #tpu.memory_space<hbm>> -> memref<128xi32, #tpu.memory_space<hbm>>
    %dma_start3A_58 = tpu.memref_slice %arg3[%add3A_57] : memref<655360xi32, #tpu.memory_space<hbm>> -> memref<128xi32, #tpu.memory_space<hbm>>
    tpu.enqueue_dma source(%dma_start3A_58 : memref<128xi32, #tpu.memory_space<hbm>>) target(%arg7 : memref<128xi32, #tpu.memory_space<vmem>>) target_semaphore(%arg31 : memref<!tpu.dma_semaphore, #tpu.memory_space<semaphore_mem>>)
    %add3A_59 = arith.constant 0 : i32
    %add3A_60 = arith.addi %mul3A_11, %add3A_59 : i32
    %dma_start3A_61 = tpu.memref_slice %arg4[%add3A_60] : memref<327680xf32, #tpu.memory_space<hbm>> -> memref<64xf32, #tpu.memory_space<hbm>>
    %dma_start3A_62 = tpu.memref_slice %arg4[%add3A_60] : memref<327680xf32, #tpu.memory_space<hbm>> -> memref<64xf32, #tpu.memory_space<hbm>>
    tpu.enqueue_dma source(%dma_start3A_62 : memref<64xf32, #tpu.memory_space<hbm>>) target(%arg15 : memref<64xf32, #tpu.memory_space<vmem>>) target_semaphore(%arg31 : memref<!tpu.dma_semaphore, #tpu.memory_space<semaphore_mem>>)
    %add3A_63 = arith.constant 128 : i32
    %add3A_64 = arith.addi %mul3A_9, %add3A_63 : i32
    %dma_start3A_65 = tpu.memref_slice %arg3[%add3A_64] : memref<655360xi32, #tpu.memory_space<hbm>> -> memref<128xi32, #tpu.memory_space<hbm>>
    %dma_start3A_66 = tpu.memref_slice %arg3[%add3A_64] : memref<655360xi32, #tpu.memory_space<hbm>> -> memref<128xi32, #tpu.memory_space<hbm>>
    tpu.enqueue_dma source(%dma_start3A_66 : memref<128xi32, #tpu.memory_space<hbm>>) target(%arg8 : memref<128xi32, #tpu.memory_space<vmem>>) target_semaphore(%arg32 : memref<!tpu.dma_semaphore, #tpu.memory_space<semaphore_mem>>)
    %add3A_67 = arith.constant 64 : i32
    %add3A_68 = arith.addi %mul3A_11, %add3A_67 : i32
    %dma_start3A_69 = tpu.memref_slice %arg4[%add3A_68] : memref<327680xf32, #tpu.memory_space<hbm>> -> memref<64xf32, #tpu.memory_space<hbm>>
    %dma_start3A_70 = tpu.memref_slice %arg4[%add3A_68] : memref<327680xf32, #tpu.memory_space<hbm>> -> memref<64xf32, #tpu.memory_space<hbm>>
    tpu.enqueue_dma source(%dma_start3A_70 : memref<64xf32, #tpu.memory_space<hbm>>) target(%arg16 : memref<64xf32, #tpu.memory_space<vmem>>) target_semaphore(%arg32 : memref<!tpu.dma_semaphore, #tpu.memory_space<semaphore_mem>>)
    %add3A_71 = arith.constant 256 : i32
    %add3A_72 = arith.addi %mul3A_9, %add3A_71 : i32
    %dma_start3A_73 = tpu.memref_slice %arg3[%add3A_72] : memref<655360xi32, #tpu.memory_space<hbm>> -> memref<128xi32, #tpu.memory_space<hbm>>
    %dma_start3A_74 = tpu.memref_slice %arg3[%add3A_72] : memref<655360xi32, #tpu.memory_space<hbm>> -> memref<128xi32, #tpu.memory_space<hbm>>
    tpu.enqueue_dma source(%dma_start3A_74 : memref<128xi32, #tpu.memory_space<hbm>>) target(%arg9 : memref<128xi32, #tpu.memory_space<vmem>>) target_semaphore(%arg33 : memref<!tpu.dma_semaphore, #tpu.memory_space<semaphore_mem>>)
    %add3A_75 = arith.constant 128 : i32
    %add3A_76 = arith.addi %mul3A_11, %add3A_75 : i32
    %dma_start3A_77 = tpu.memref_slice %arg4[%add3A_76] : memref<327680xf32, #tpu.memory_space<hbm>> -> memref<64xf32, #tpu.memory_space<hbm>>
    %dma_start3A_78 = tpu.memref_slice %arg4[%add3A_76] : memref<327680xf32, #tpu.memory_space<hbm>> -> memref<64xf32, #tpu.memory_space<hbm>>
    tpu.enqueue_dma source(%dma_start3A_78 : memref<64xf32, #tpu.memory_space<hbm>>) target(%arg17 : memref<64xf32, #tpu.memory_space<vmem>>) target_semaphore(%arg33 : memref<!tpu.dma_semaphore, #tpu.memory_space<semaphore_mem>>)
    %add3A_79 = arith.constant 384 : i32
    %add3A_80 = arith.addi %mul3A_9, %add3A_79 : i32
    %dma_start3A_81 = tpu.memref_slice %arg3[%add3A_80] : memref<655360xi32, #tpu.memory_space<hbm>> -> memref<128xi32, #tpu.memory_space<hbm>>
    %dma_start3A_82 = tpu.memref_slice %arg3[%add3A_80] : memref<655360xi32, #tpu.memory_space<hbm>> -> memref<128xi32, #tpu.memory_space<hbm>>
    tpu.enqueue_dma source(%dma_start3A_82 : memref<128xi32, #tpu.memory_space<hbm>>) target(%arg10 : memref<128xi32, #tpu.memory_space<vmem>>) target_semaphore(%arg34 : memref<!tpu.dma_semaphore, #tpu.memory_space<semaphore_mem>>)
    %add3A_83 = arith.constant 192 : i32
    %add3A_84 = arith.addi %mul3A_11, %add3A_83 : i32
    %dma_start3A_85 = tpu.memref_slice %arg4[%add3A_84] : memref<327680xf32, #tpu.memory_space<hbm>> -> memref<64xf32, #tpu.memory_space<hbm>>
    %dma_start3A_86 = tpu.memref_slice %arg4[%add3A_84] : memref<327680xf32, #tpu.memory_space<hbm>> -> memref<64xf32, #tpu.memory_space<hbm>>
    tpu.enqueue_dma source(%dma_start3A_86 : memref<64xf32, #tpu.memory_space<hbm>>) target(%arg18 : memref<64xf32, #tpu.memory_space<vmem>>) target_semaphore(%arg34 : memref<!tpu.dma_semaphore, #tpu.memory_space<semaphore_mem>>)
    %dma_wait3A = arith.constant 0 : i32
    %dma_wait3A_87 = tpu.memref_slice %arg3[%dma_wait3A] : memref<655360xi32, #tpu.memory_space<hbm>> -> memref<128xi32, #tpu.memory_space<hbm>>
    %dma_wait3A_88 = arith.constant 0 : i32
    %dma_wait3A_89 = tpu.memref_slice %arg3[%dma_wait3A_88] : memref<655360xi32, #tpu.memory_space<hbm>> -> memref<128xi32, #tpu.memory_space<hbm>>
    tpu.wait_dma2 semaphore(%arg31 : memref<!tpu.dma_semaphore, #tpu.memory_space<semaphore_mem>>) src(%dma_wait3A_89 : memref<128xi32, #tpu.memory_space<hbm>>) dst(%arg7 : memref<128xi32, #tpu.memory_space<vmem>>)
    %dma_wait3A_90 = arith.constant 0 : i32
    %dma_wait3A_91 = tpu.memref_slice %arg4[%dma_wait3A_90] : memref<327680xf32, #tpu.memory_space<hbm>> -> memref<64xf32, #tpu.memory_space<hbm>>
    %dma_wait3A_92 = arith.constant 0 : i32
    %dma_wait3A_93 = tpu.memref_slice %arg4[%dma_wait3A_92] : memref<327680xf32, #tpu.memory_space<hbm>> -> memref<64xf32, #tpu.memory_space<hbm>>
    tpu.wait_dma2 semaphore(%arg31 : memref<!tpu.dma_semaphore, #tpu.memory_space<semaphore_mem>>) src(%dma_wait3A_93 : memref<64xf32, #tpu.memory_space<hbm>>) dst(%arg15 : memref<64xf32, #tpu.memory_space<vmem>>)
    %dma_start3A_94 = arith.constant 0 : i32
    %dma_start3A_95 = tpu.memref_slice %arg7[%dma_start3A_94] : memref<128xi32, #tpu.memory_space<vmem>> -> memref<64xi32, #tpu.memory_space<vmem>>
    %dma_start3A_96 = arith.constant 0 : i32
    %dma_start3A_97 = arith.constant 0 : i32
    %dma_start3A_98 = tpu.memref_slice %arg2[%dma_start3A_96, %dma_start3A_97] : memref<10112x128xf32, #tpu.memory_space<hbm>> -> memref<10112x128xf32, #tpu.memory_space<hbm>>
    tpu.enqueue_indirect_dma source(%dma_start3A_98 : memref<10112x128xf32, #tpu.memory_space<hbm>>) target(%arg19 : memref<64x128xf32, #tpu.memory_space<vmem>>) offsets(%dma_start3A_95 : memref<64xi32, #tpu.memory_space<vmem>>) semaphore(%arg23 : memref<!tpu.dma_semaphore, #tpu.memory_space<semaphore_mem>>)
    %dma_wait3A_99 = arith.constant 0 : i32
    %dma_wait3A_100 = tpu.memref_slice %arg3[%dma_wait3A_99] : memref<655360xi32, #tpu.memory_space<hbm>> -> memref<128xi32, #tpu.memory_space<hbm>>
    %dma_wait3A_101 = arith.constant 0 : i32
    %dma_wait3A_102 = tpu.memref_slice %arg3[%dma_wait3A_101] : memref<655360xi32, #tpu.memory_space<hbm>> -> memref<128xi32, #tpu.memory_space<hbm>>
    tpu.wait_dma2 semaphore(%arg32 : memref<!tpu.dma_semaphore, #tpu.memory_space<semaphore_mem>>) src(%dma_wait3A_102 : memref<128xi32, #tpu.memory_space<hbm>>) dst(%arg8 : memref<128xi32, #tpu.memory_space<vmem>>)
    %dma_wait3A_103 = arith.constant 0 : i32
    %dma_wait3A_104 = tpu.memref_slice %arg4[%dma_wait3A_103] : memref<327680xf32, #tpu.memory_space<hbm>> -> memref<64xf32, #tpu.memory_space<hbm>>
    %dma_wait3A_105 = arith.constant 0 : i32
    %dma_wait3A_106 = tpu.memref_slice %arg4[%dma_wait3A_105] : memref<327680xf32, #tpu.memory_space<hbm>> -> memref<64xf32, #tpu.memory_space<hbm>>
    tpu.wait_dma2 semaphore(%arg32 : memref<!tpu.dma_semaphore, #tpu.memory_space<semaphore_mem>>) src(%dma_wait3A_106 : memref<64xf32, #tpu.memory_space<hbm>>) dst(%arg16 : memref<64xf32, #tpu.memory_space<vmem>>)
    %dma_start3A_107 = arith.constant 0 : i32
    %dma_start3A_108 = tpu.memref_slice %arg8[%dma_start3A_107] : memref<128xi32, #tpu.memory_space<vmem>> -> memref<64xi32, #tpu.memory_space<vmem>>
    %dma_start3A_109 = arith.constant 0 : i32
    %dma_start3A_110 = arith.constant 0 : i32
    %dma_start3A_111 = tpu.memref_slice %arg2[%dma_start3A_109, %dma_start3A_110] : memref<10112x128xf32, #tpu.memory_space<hbm>> -> memref<10112x128xf32, #tpu.memory_space<hbm>>
    tpu.enqueue_indirect_dma source(%dma_start3A_111 : memref<10112x128xf32, #tpu.memory_space<hbm>>) target(%arg20 : memref<64x128xf32, #tpu.memory_space<vmem>>) offsets(%dma_start3A_108 : memref<64xi32, #tpu.memory_space<vmem>>) semaphore(%arg24 : memref<!tpu.dma_semaphore, #tpu.memory_space<semaphore_mem>>)
    %barrier3A = arith.constant 0 : index
    tpu.barrier barrier_id(%barrier3A)
    %jit3A_112 = arith.constant 4 : i32
    %div3A = arith.divsi %select_n3A, %jit3A_112 : i32
    %sign3A = arith.constant 0 : i32
    %sign3A_113 = arith.cmpi sgt, %select_n3A, %sign3A : i32
    %sign3A_114 = arith.extui %sign3A_113 : i1 to i32
    %sign3A_115 = arith.constant 0 : i32
    %sign3A_116 = arith.cmpi slt, %select_n3A, %sign3A_115 : i32
    %sign3A_117 = arith.extui %sign3A_116 : i1 to i32
    %sign3A_118 = arith.subi %sign3A_114, %sign3A_117 : i32
    %sign3A_119 = arith.constant 0 : i32
    %sign3A_120 = arith.cmpi sgt, %jit3A_112, %sign3A_119 : i32
    %sign3A_121 = arith.extui %sign3A_120 : i1 to i32
    %sign3A_122 = arith.constant 0 : i32
    %sign3A_123 = arith.cmpi slt, %jit3A_112, %sign3A_122 : i32
    %sign3A_124 = arith.extui %sign3A_123 : i1 to i32
    %sign3A_125 = arith.subi %sign3A_121, %sign3A_124 : i32
    %ne3A = arith.cmpi ne, %sign3A_118, %sign3A_125 : i32
    %rem3A = arith.remsi %select_n3A, %jit3A_112 : i32
    %ne3A_126 = arith.constant 0 : i32
    %ne3A_127 = arith.cmpi ne, %rem3A, %ne3A_126 : i32
    %and3A = arith.andi %ne3A, %ne3A_127 : i1
    %sub3A = arith.constant 1 : i32
    %sub3A_128 = arith.subi %div3A, %sub3A : i32
    %select_n3A_129 = arith.select %and3A, %sub3A_128, %div3A : i32
    %sub3A_130 = arith.constant 0 : i32
    %sub3A_131 = arith.subi %select_n3A_129, %sub3A_130 : i32
    %sub3A_132 = arith.constant 1 : i32
    %sub3A_133 = arith.constant 1 : i32
    %sub3A_134 = arith.subi %sub3A_132, %sub3A_133 : i32
    %add3A_135 = arith.addi %sub3A_131, %sub3A_134 : i32
    %div3A_136 = arith.constant 1 : i32
    %div3A_137 = arith.divsi %add3A_135, %div3A_136 : i32
    %while3A = arith.constant 1 : i32
    %while3A_138 = arith.constant 0 : i32
    %while3A_139 = arith.constant 0 : i32
    %while3A_140 = arith.subi %div3A_137, %while3A_139 : i32
    %while3A_141 = arith.addi %while3A_139, %while3A_140 : i32
    %while3A_142 = arith.constant 1 : i32
    %while3A_143 = arith.divsi %while3A_140, %while3A_142 : i32
    %while3A_144 = arith.muli %while3A_143, %while3A_142 : i32
    %while3A_145 = arith.addi %while3A_139, %while3A_144 : i32
    %while3A_146 = arith.constant 1 : i32
    scf.for %while3A_165 = %while3A_139 to %while3A_145 step %while3A_146  : i32 {
      %mul3A_166 = arith.muli %while3A_165, %while3A : i32
      %add3A_167 = arith.addi %while3A_138, %mul3A_166 : i32
      %mul3A_168 = arith.constant 4 : i32
      %mul3A_169 = arith.muli %add3A_167, %mul3A_168 : i32
      %add3A_170 = arith.constant 0 : i32
      %add3A_171 = arith.addi %mul3A_169, %add3A_170 : i32
      %dma_wait3A_172 = arith.constant 0 : i32
      %dma_wait3A_173 = tpu.memref_slice %arg7[%dma_wait3A_172] : memref<128xi32, #tpu.memory_space<vmem>> -> memref<64xi32, #tpu.memory_space<vmem>>
      %dma_wait3A_174 = arith.constant 0 : i32
      %dma_wait3A_175 = arith.constant 0 : i32
      %dma_wait3A_176 = tpu.memref_slice %arg2[%dma_wait3A_174, %dma_wait3A_175] : memref<10112x128xf32, #tpu.memory_space<hbm>> -> memref<10112x128xf32, #tpu.memory_space<hbm>>
      tpu.wait_indirect_dma semaphore(%arg23 : memref<!tpu.dma_semaphore, #tpu.memory_space<semaphore_mem>>) src(%dma_wait3A_176 : memref<10112x128xf32, #tpu.memory_space<hbm>>) dst(%arg19 : memref<64x128xf32, #tpu.memory_space<vmem>>)
      %get3A = arith.constant 64 : index
      %get3A_177 = tpu.vector_load %arg7[%get3A] {strides = array<i32>} : memref<128xi32, #tpu.memory_space<vmem>>, vector<16xi32>,
      %swap3A = arith.constant 0 : index
      %swap3A_178 = tpu.vector_load %arg11[%swap3A] {strides = array<i32>} : memref<64xi32, #tpu.memory_space<vmem>>, vector<16xi32>,
      tpu.vector_store %arg11[%swap3A], %get3A_177 {strides = array<i32>} : memref<64xi32, #tpu.memory_space<vmem>>, vector<16xi32>,
      %get3A_179 = arith.constant 80 : index
      %get3A_180 = tpu.vector_load %arg7[%get3A_179] {strides = array<i32>} : memref<128xi32, #tpu.memory_space<vmem>>, vector<16xi32>,
      %swap3A_181 = arith.constant 16 : index
      %swap3A_182 = tpu.vector_load %arg11[%swap3A_181] {strides = array<i32>} : memref<64xi32, #tpu.memory_space<vmem>>, vector<16xi32>,
      tpu.vector_store %arg11[%swap3A_181], %get3A_180 {strides = array<i32>} : memref<64xi32, #tpu.memory_space<vmem>>, vector<16xi32>,
      %get3A_183 = arith.constant 96 : index
      %get3A_184 = tpu.vector_load %arg7[%get3A_183] {strides = array<i32>} : memref<128xi32, #tpu.memory_space<vmem>>, vector<16xi32>,
      %swap3A_185 = arith.constant 32 : index
      %swap3A_186 = tpu.vector_load %arg11[%swap3A_185] {strides = array<i32>} : memref<64xi32, #tpu.memory_space<vmem>>, vector<16xi32>,
      tpu.vector_store %arg11[%swap3A_185], %get3A_184 {strides = array<i32>} : memref<64xi32, #tpu.memory_space<vmem>>, vector<16xi32>,
      %get3A_187 = arith.constant 112 : index
      %get3A_188 = tpu.vector_load %arg7[%get3A_187] {strides = array<i32>} : memref<128xi32, #tpu.memory_space<vmem>>, vector<16xi32>,
      %swap3A_189 = arith.constant 48 : index
      %swap3A_190 = tpu.vector_load %arg11[%swap3A_189] {strides = array<i32>} : memref<64xi32, #tpu.memory_space<vmem>>, vector<16xi32>,
      tpu.vector_store %arg11[%swap3A_189], %get3A_188 {strides = array<i32>} : memref<64xi32, #tpu.memory_space<vmem>>, vector<16xi32>,
      %scan3A_191 = arith.constant 0 : i32
      %scan3A_192 = arith.constant 16 : i32
      %scan3A_193 = arith.addi %scan3A_191, %scan3A_192 : i32
      %scan3A_194 = arith.constant 1 : i32
      scf.for %scan3A_343 = %scan3A_191 to %scan3A_193 step %scan3A_194  : i32 {
        %mul3A_344 = arith.constant 4 : i32
        %mul3A_345 = arith.muli %scan3A_343, %mul3A_344 : i32
        %add3A_346 = arith.constant 0 : i32
        %add3A_347 = arith.addi %add3A_346, %mul3A_345 : i32
        %add3A_348 = arith.constant 0 : i32
        %add3A_349 = arith.addi %add3A_347, %add3A_348 : i32
        %broadcast_in_dim3A = vector.broadcast %add3A_349 : i32 to vector<16xi32>
        %gather3A = tpu.vector_load_idx %arg15[%broadcast_in_dim3A] : memref<64xf32, #tpu.memory_space<vmem>>[vector<16xi32>], vector<16xf32>,
        %get3A_350 = arith.index_cast %add3A_349 : i32 to index
        %get3A_351 = arith.constant 0 : index
        %get3A_352 = tpu.vector_load %arg19[%get3A_350, %get3A_351] {strides = array<i32>} : memref<64x128xf32, #tpu.memory_space<vmem>>, vector<16xf32>,
        %mul3A_353 = arith.mulf %get3A_352, %gather3A : vector<16xf32>
        %swap3A_354 = arith.index_cast %add3A_349 : i32 to index
        %swap3A_355 = arith.constant 0 : index
        %swap3A_356 = tpu.vector_load %arg19[%swap3A_354, %swap3A_355] {strides = array<i32>} : memref<64x128xf32, #tpu.memory_space<vmem>>, vector<16xf32>,
        tpu.vector_store %arg19[%swap3A_354, %swap3A_355], %mul3A_353 {strides = array<i32>} : memref<64x128xf32, #tpu.memory_space<vmem>>, vector<16xf32>,
        %get3A_357 = arith.index_cast %add3A_349 : i32 to index
        %get3A_358 = arith.constant 16 : index
        %get3A_359 = tpu.vector_load %arg19[%get3A_357, %get3A_358] {strides = array<i32>} : memref<64x128xf32, #tpu.memory_space<vmem>>, vector<16xf32>,
        %mul3A_360 = arith.mulf %get3A_359, %gather3A : vector<16xf32>
        %swap3A_361 = arith.index_cast %add3A_349 : i32 to index
        %swap3A_362 = arith.constant 16 : index
        %swap3A_363 = tpu.vector_load %arg19[%swap3A_361, %swap3A_362] {strides = array<i32>} : memref<64x128xf32, #tpu.memory_space<vmem>>, vector<16xf32>,
        tpu.vector_store %arg19[%swap3A_361, %swap3A_362], %mul3A_360 {strides = array<i32>} : memref<64x128xf32, #tpu.memory_space<vmem>>, vector<16xf32>,
        %get3A_364 = arith.index_cast %add3A_349 : i32 to index
        %get3A_365 = arith.constant 32 : index
        %get3A_366 = tpu.vector_load %arg19[%get3A_364, %get3A_365] {strides = array<i32>} : memref<64x128xf32, #tpu.memory_space<vmem>>, vector<16xf32>,
        %mul3A_367 = arith.mulf %get3A_366, %gather3A : vector<16xf32>
        %swap3A_368 = arith.index_cast %add3A_349 : i32 to index
        %swap3A_369 = arith.constant 32 : index
        %swap3A_370 = tpu.vector_load %arg19[%swap3A_368, %swap3A_369] {strides = array<i32>} : memref<64x128xf32, #tpu.memory_space<vmem>>, vector<16xf32>,
        tpu.vector_store %arg19[%swap3A_368, %swap3A_369], %mul3A_367 {strides = array<i32>} : memref<64x128xf32, #tpu.memory_space<vmem>>, vector<16xf32>,
        %get3A_371 = arith.index_cast %add3A_349 : i32 to index
        %get3A_372 = arith.constant 48 : index
        %get3A_373 = tpu.vector_load %arg19[%get3A_371, %get3A_372] {strides = array<i32>} : memref<64x128xf32, #tpu.memory_space<vmem>>, vector<16xf32>,
        %mul3A_374 = arith.mulf %get3A_373, %gather3A : vector<16xf32>
        %swap3A_375 = arith.index_cast %add3A_349 : i32 to index
        %swap3A_376 = arith.constant 48 : index
        %swap3A_377 = tpu.vector_load %arg19[%swap3A_375, %swap3A_376] {strides = array<i32>} : memref<64x128xf32, #tpu.memory_space<vmem>>, vector<16xf32>,
        tpu.vector_store %arg19[%swap3A_375, %swap3A_376], %mul3A_374 {strides = array<i32>} : memref<64x128xf32, #tpu.memory_space<vmem>>, vector<16xf32>,
        %get3A_378 = arith.index_cast %add3A_349 : i32 to index
        %get3A_379 = arith.constant 64 : index
        %get3A_380 = tpu.vector_load %arg19[%get3A_378, %get3A_379] {strides = array<i32>} : memref<64x128xf32, #tpu.memory_space<vmem>>, vector<16xf32>,
        %mul3A_381 = arith.mulf %get3A_380, %gather3A : vector<16xf32>
        %swap3A_382 = arith.index_cast %add3A_349 : i32 to index
        %swap3A_383 = arith.constant 64 : index
        %swap3A_384 = tpu.vector_load %arg19[%swap3A_382, %swap3A_383] {strides = array<i32>} : memref<64x128xf32, #tpu.memory_space<vmem>>, vector<16xf32>,
        tpu.vector_store %arg19[%swap3A_382, %swap3A_383], %mul3A_381 {strides = array<i32>} : memref<64x128xf32, #tpu.memory_space<vmem>>, vector<16xf32>,
        %get3A_385 = arith.index_cast %add3A_349 : i32 to index
        %get3A_386 = arith.constant 80 : index
        %get3A_387 = tpu.vector_load %arg19[%get3A_385, %get3A_386] {strides = array<i32>} : memref<64x128xf32, #tpu.memory_space<vmem>>, vector<16xf32>,
        %mul3A_388 = arith.mulf %get3A_387, %gather3A : vector<16xf32>
        %swap3A_389 = arith.index_cast %add3A_349 : i32 to index
        %swap3A_390 = arith.constant 80 : index
        %swap3A_391 = tpu.vector_load %arg19[%swap3A_389, %swap3A_390] {strides = array<i32>} : memref<64x128xf32, #tpu.memory_space<vmem>>, vector<16xf32>,
        tpu.vector_store %arg19[%swap3A_389, %swap3A_390], %mul3A_388 {strides = array<i32>} : memref<64x128xf32, #tpu.memory_space<vmem>>, vector<16xf32>,
        %get3A_392 = arith.index_cast %add3A_349 : i32 to index
        %get3A_393 = arith.constant 96 : index
        %get3A_394 = tpu.vector_load %arg19[%get3A_392, %get3A_393] {strides = array<i32>} : memref<64x128xf32, #tpu.memory_space<vmem>>, vector<16xf32>,
        %mul3A_395 = arith.mulf %get3A_394, %gather3A : vector<16xf32>
        %swap3A_396 = arith.index_cast %add3A_349 : i32 to index
        %swap3A_397 = arith.constant 96 : index
        %swap3A_398 = tpu.vector_load %arg19[%swap3A_396, %swap3A_397] {strides = array<i32>} : memref<64x128xf32, #tpu.memory_space<vmem>>, vector<16xf32>,
        tpu.vector_store %arg19[%swap3A_396, %swap3A_397], %mul3A_395 {strides = array<i32>} : memref<64x128xf32, #tpu.memory_space<vmem>>, vector<16xf32>,
        %get3A_399 = arith.index_cast %add3A_349 : i32 to index
        %get3A_400 = arith.constant 112 : index
        %get3A_401 = tpu.vector_load %arg19[%get3A_399, %get3A_400] {strides = array<i32>} : memref<64x128xf32, #tpu.memory_space<vmem>>, vector<16xf32>,
        %mul3A_402 = arith.mulf %get3A_401, %gather3A : vector<16xf32>
        %swap3A_403 = arith.index_cast %add3A_349 : i32 to index
        %swap3A_404 = arith.constant 112 : index
        %swap3A_405 = tpu.vector_load %arg19[%swap3A_403, %swap3A_404] {strides = array<i32>} : memref<64x128xf32, #tpu.memory_space<vmem>>, vector<16xf32>,
        tpu.vector_store %arg19[%swap3A_403, %swap3A_404], %mul3A_402 {strides = array<i32>} : memref<64x128xf32, #tpu.memory_space<vmem>>, vector<16xf32>,
        %add3A_406 = arith.constant 1 : i32
        %add3A_407 = arith.addi %add3A_347, %add3A_406 : i32
        %broadcast_in_dim3A_408 = vector.broadcast %add3A_407 : i32 to vector<16xi32>
        %gather3A_409 = tpu.vector_load_idx %arg15[%broadcast_in_dim3A_408] : memref<64xf32, #tpu.memory_space<vmem>>[vector<16xi32>], vector<16xf32>,
        %get3A_410 = arith.index_cast %add3A_407 : i32 to index
        %get3A_411 = arith.constant 0 : index
        %get3A_412 = tpu.vector_load %arg19[%get3A_410, %get3A_411] {strides = array<i32>} : memref<64x128xf32, #tpu.memory_space<vmem>>, vector<16xf32>,
        %mul3A_413 = arith.mulf %get3A_412, %gather3A_409 : vector<16xf32>
        %swap3A_414 = arith.index_cast %add3A_407 : i32 to index
        %swap3A_415 = arith.constant 0 : index
        %swap3A_416 = tpu.vector_load %arg19[%swap3A_414, %swap3A_415] {strides = array<i32>} : memref<64x128xf32, #tpu.memory_space<vmem>>, vector<16xf32>,
        tpu.vector_store %arg19[%swap3A_414, %swap3A_415], %mul3A_413 {strides = array<i32>} : memref<64x128xf32, #tpu.memory_space<vmem>>, vector<16xf32>,
        %get3A_417 = arith.index_cast %add3A_407 : i32 to index
        %get3A_418 = arith.constant 16 : index
        %get3A_419 = tpu.vector_load %arg19[%get3A_417, %get3A_418] {strides = array<i32>} : memref<64x128xf32, #tpu.memory_space<vmem>>, vector<16xf32>,
        %mul3A_420 = arith.mulf %get3A_419, %gather3A_409 : vector<16xf32>
        %swap3A_421 = arith.index_cast %add3A_407 : i32 to index
        %swap3A_422 = arith.constant 16 : index
        %swap3A_423 = tpu.vector_load %arg19[%swap3A_421, %swap3A_422] {strides = array<i32>} : memref<64x128xf32, #tpu.memory_space<vmem>>, vector<16xf32>,
        tpu.vector_store %arg19[%swap3A_421, %swap3A_422], %mul3A_420 {strides = array<i32>} : memref<64x128xf32, #tpu.memory_space<vmem>>, vector<16xf32>,
        %get3A_424 = arith.index_cast %add3A_407 : i32 to index
        %get3A_425 = arith.constant 32 : index
        %get3A_426 = tpu.vector_load %arg19[%get3A_424, %get3A_425] {strides = array<i32>} : memref<64x128xf32, #tpu.memory_space<vmem>>, vector<16xf32>,
        %mul3A_427 = arith.mulf %get3A_426, %gather3A_409 : vector<16xf32>
        %swap3A_428 = arith.index_cast %add3A_407 : i32 to index
        %swap3A_429 = arith.constant 32 : index
        %swap3A_430 = tpu.vector_load %arg19[%swap3A_428, %swap3A_429] {strides = array<i32>} : memref<64x128xf32, #tpu.memory_space<vmem>>, vector<16xf32>,
        tpu.vector_store %arg19[%swap3A_428, %swap3A_429], %mul3A_427 {strides = array<i32>} : memref<64x128xf32, #tpu.memory_space<vmem>>, vector<16xf32>,
        %get3A_431 = arith.index_cast %add3A_407 : i32 to index
        %get3A_432 = arith.constant 48 : index
        %get3A_433 = tpu.vector_load %arg19[%get3A_431, %get3A_432] {strides = array<i32>} : memref<64x128xf32, #tpu.memory_space<vmem>>, vector<16xf32>,
        %mul3A_434 = arith.mulf %get3A_433, %gather3A_409 : vector<16xf32>
        %swap3A_435 = arith.index_cast %add3A_407 : i32 to index
        %swap3A_436 = arith.constant 48 : index
        %swap3A_437 = tpu.vector_load %arg19[%swap3A_435, %swap3A_436] {strides = array<i32>} : memref<64x128xf32, #tpu.memory_space<vmem>>, vector<16xf32>,
        tpu.vector_store %arg19[%swap3A_435, %swap3A_436], %mul3A_434 {strides = array<i32>} : memref<64x128xf32, #tpu.memory_space<vmem>>, vector<16xf32>,
        %get3A_438 = arith.index_cast %add3A_407 : i32 to index
        %get3A_439 = arith.constant 64 : index
        %get3A_440 = tpu.vector_load %arg19[%get3A_438, %get3A_439] {strides = array<i32>} : memref<64x128xf32, #tpu.memory_space<vmem>>, vector<16xf32>,
        %mul3A_441 = arith.mulf %get3A_440, %gather3A_409 : vector<16xf32>
        %swap3A_442 = arith.index_cast %add3A_407 : i32 to index
        %swap3A_443 = arith.constant 64 : index
        %swap3A_444 = tpu.vector_load %arg19[%swap3A_442, %swap3A_443] {strides = array<i32>} : memref<64x128xf32, #tpu.memory_space<vmem>>, vector<16xf32>,
        tpu.vector_store %arg19[%swap3A_442, %swap3A_443], %mul3A_441 {strides = array<i32>} : memref<64x128xf32, #tpu.memory_space<vmem>>, vector<16xf32>,
        %get3A_445 = arith.index_cast %add3A_407 : i32 to index
        %get3A_446 = arith.constant 80 : index
        %get3A_447 = tpu.vector_load %arg19[%get3A_445, %get3A_446] {strides = array<i32>} : memref<64x128xf32, #tpu.memory_space<vmem>>, vector<16xf32>,
        %mul3A_448 = arith.mulf %get3A_447, %gather3A_409 : vector<16xf32>
        %swap3A_449 = arith.index_cast %add3A_407 : i32 to index
        %swap3A_450 = arith.constant 80 : index
        %swap3A_451 = tpu.vector_load %arg19[%swap3A_449, %swap3A_450] {strides = array<i32>} : memref<64x128xf32, #tpu.memory_space<vmem>>, vector<16xf32>,
        tpu.vector_store %arg19[%swap3A_449, %swap3A_450], %mul3A_448 {strides = array<i32>} : memref<64x128xf32, #tpu.memory_space<vmem>>, vector<16xf32>,
        %get3A_452 = arith.index_cast %add3A_407 : i32 to index
        %get3A_453 = arith.constant 96 : index
        %get3A_454 = tpu.vector_load %arg19[%get3A_452, %get3A_453] {strides = array<i32>} : memref<64x128xf32, #tpu.memory_space<vmem>>, vector<16xf32>,
        %mul3A_455 = arith.mulf %get3A_454, %gather3A_409 : vector<16xf32>
        %swap3A_456 = arith.index_cast %add3A_407 : i32 to index
        %swap3A_457 = arith.constant 96 : index
        %swap3A_458 = tpu.vector_load %arg19[%swap3A_456, %swap3A_457] {strides = array<i32>} : memref<64x128xf32, #tpu.memory_space<vmem>>, vector<16xf32>,
        tpu.vector_store %arg19[%swap3A_456, %swap3A_457], %mul3A_455 {strides = array<i32>} : memref<64x128xf32, #tpu.memory_space<vmem>>, vector<16xf32>,
        %get3A_459 = arith.index_cast %add3A_407 : i32 to index
        %get3A_460 = arith.constant 112 : index
        %get3A_461 = tpu.vector_load %arg19[%get3A_459, %get3A_460] {strides = array<i32>} : memref<64x128xf32, #tpu.memory_space<vmem>>, vector<16xf32>,
        %mul3A_462 = arith.mulf %get3A_461, %gather3A_409 : vector<16xf32>
        %swap3A_463 = arith.index_cast %add3A_407 : i32 to index
        %swap3A_464 = arith.constant 112 : index
        %swap3A_465 = tpu.vector_load %arg19[%swap3A_463, %swap3A_464] {strides = array<i32>} : memref<64x128xf32, #tpu.memory_space<vmem>>, vector<16xf32>,
        tpu.vector_store %arg19[%swap3A_463, %swap3A_464], %mul3A_462 {strides = array<i32>} : memref<64x128xf32, #tpu.memory_space<vmem>>, vector<16xf32>,
        %add3A_466 = arith.constant 2 : i32
        %add3A_467 = arith.addi %add3A_347, %add3A_466 : i32
        %broadcast_in_dim3A_468 = vector.broadcast %add3A_467 : i32 to vector<16xi32>
        %gather3A_469 = tpu.vector_load_idx %arg15[%broadcast_in_dim3A_468] : memref<64xf32, #tpu.memory_space<vmem>>[vector<16xi32>], vector<16xf32>,
        %get3A_470 = arith.index_cast %add3A_467 : i32 to index
        %get3A_471 = arith.constant 0 : index
        %get3A_472 = tpu.vector_load %arg19[%get3A_470, %get3A_471] {strides = array<i32>} : memref<64x128xf32, #tpu.memory_space<vmem>>, vector<16xf32>,
        %mul3A_473 = arith.mulf %get3A_472, %gather3A_469 : vector<16xf32>
        %swap3A_474 = arith.index_cast %add3A_467 : i32 to index
        %swap3A_475 = arith.constant 0 : index
        %swap3A_476 = tpu.vector_load %arg19[%swap3A_474, %swap3A_475] {strides = array<i32>} : memref<64x128xf32, #tpu.memory_space<vmem>>, vector<16xf32>,
        tpu.vector_store %arg19[%swap3A_474, %swap3A_475], %mul3A_473 {strides = array<i32>} : memref<64x128xf32, #tpu.memory_space<vmem>>, vector<16xf32>,
        %get3A_477 = arith.index_cast %add3A_467 : i32 to index
        %get3A_478 = arith.constant 16 : index
        %get3A_479 = tpu.vector_load %arg19[%get3A_477, %get3A_478] {strides = array<i32>} : memref<64x128xf32, #tpu.memory_space<vmem>>, vector<16xf32>,
        %mul3A_480 = arith.mulf %get3A_479, %gather3A_469 : vector<16xf32>
        %swap3A_481 = arith.index_cast %add3A_467 : i32 to index
        %swap3A_482 = arith.constant 16 : index
        %swap3A_483 = tpu.vector_load %arg19[%swap3A_481, %swap3A_482] {strides = array<i32>} : memref<64x128xf32, #tpu.memory_space<vmem>>, vector<16xf32>,
        tpu.vector_store %arg19[%swap3A_481, %swap3A_482], %mul3A_480 {strides = array<i32>} : memref<64x128xf32, #tpu.memory_space<vmem>>, vector<16xf32>,
        %get3A_484 = arith.index_cast %add3A_467 : i32 to index
        %get3A_485 = arith.constant 32 : index
        %get3A_486 = tpu.vector_load %arg19[%get3A_484, %get3A_485] {strides = array<i32>} : memref<64x128xf32, #tpu.memory_space<vmem>>, vector<16xf32>,
        %mul3A_487 = arith.mulf %get3A_486, %gather3A_469 : vector<16xf32>
        %swap3A_488 = arith.index_cast %add3A_467 : i32 to index
        %swap3A_489 = arith.constant 32 : index
        %swap3A_490 = tpu.vector_load %arg19[%swap3A_488, %swap3A_489] {strides = array<i32>} : memref<64x128xf32, #tpu.memory_space<vmem>>, vector<16xf32>,
        tpu.vector_store %arg19[%swap3A_488, %swap3A_489], %mul3A_487 {strides = array<i32>} : memref<64x128xf32, #tpu.memory_space<vmem>>, vector<16xf32>,
        %get3A_491 = arith.index_cast %add3A_467 : i32 to index
        %get3A_492 = arith.constant 48 : index
        %get3A_493 = tpu.vector_load %arg19[%get3A_491, %get3A_492] {strides = array<i32>} : memref<64x128xf32, #tpu.memory_space<vmem>>, vector<16xf32>,
        %mul3A_494 = arith.mulf %get3A_493, %gather3A_469 : vector<16xf32>
        %swap3A_495 = arith.index_cast %add3A_467 : i32 to index
        %swap3A_496 = arith.constant 48 : index
        %swap3A_497 = tpu.vector_load %arg19[%swap3A_495, %swap3A_496] {strides = array<i32>} : memref<64x128xf32, #tpu.memory_space<vmem>>, vector<16xf32>,
        tpu.vector_store %arg19[%swap3A_495, %swap3A_496], %mul3A_494 {strides = array<i32>} : memref<64x128xf32, #tpu.memory_space<vmem>>, vector<16xf32>,
        %get3A_498 = arith.index_cast %add3A_467 : i32 to index
        %get3A_499 = arith.constant 64 : index
        %get3A_500 = tpu.vector_load %arg19[%get3A_498, %get3A_499] {strides = array<i32>} : memref<64x128xf32, #tpu.memory_space<vmem>>, vector<16xf32>,
        %mul3A_501 = arith.mulf %get3A_500, %gather3A_469 : vector<16xf32>
        %swap3A_502 = arith.index_cast %add3A_467 : i32 to index
        %swap3A_503 = arith.constant 64 : index
        %swap3A_504 = tpu.vector_load %arg19[%swap3A_502, %swap3A_503] {strides = array<i32>} : memref<64x128xf32, #tpu.memory_space<vmem>>, vector<16xf32>,
        tpu.vector_store %arg19[%swap3A_502, %swap3A_503], %mul3A_501 {strides = array<i32>} : memref<64x128xf32, #tpu.memory_space<vmem>>, vector<16xf32>,
        %get3A_505 = arith.index_cast %add3A_467 : i32 to index
        %get3A_506 = arith.constant 80 : index
        %get3A_507 = tpu.vector_load %arg19[%get3A_505, %get3A_506] {strides = array<i32>} : memref<64x128xf32, #tpu.memory_space<vmem>>, vector<16xf32>,
        %mul3A_508 = arith.mulf %get3A_507, %gather3A_469 : vector<16xf32>
        %swap3A_509 = arith.index_cast %add3A_467 : i32 to index
        %swap3A_510 = arith.constant 80 : index
        %swap3A_511 = tpu.vector_load %arg19[%swap3A_509, %swap3A_510] {strides = array<i32>} : memref<64x128xf32, #tpu.memory_space<vmem>>, vector<16xf32>,
        tpu.vector_store %arg19[%swap3A_509, %swap3A_510], %mul3A_508 {strides = array<i32>} : memref<64x128xf32, #tpu.memory_space<vmem>>, vector<16xf32>,
        %get3A_512 = arith.index_cast %add3A_467 : i32 to index
        %get3A_513 = arith.constant 96 : index
        %get3A_514 = tpu.vector_load %arg19[%get3A_512, %get3A_513] {strides = array<i32>} : memref<64x128xf32, #tpu.memory_space<vmem>>, vector<16xf32>,
        %mul3A_515 = arith.mulf %get3A_514, %gather3A_469 : vector<16xf32>
        %swap3A_516 = arith.index_cast %add3A_467 : i32 to index
        %swap3A_517 = arith.constant 96 : index
        %swap3A_518 = tpu.vector_load %arg19[%swap3A_516, %swap3A_517] {strides = array<i32>} : memref<64x128xf32, #tpu.memory_space<vmem>>, vector<16xf32>,
        tpu.vector_store %arg19[%swap3A_516, %swap3A_517], %mul3A_515 {strides = array<i32>} : memref<64x128xf32, #tpu.memory_space<vmem>>, vector<16xf32>,
        %get3A_519 = arith.index_cast %add3A_467 : i32 to index
        %get3A_520 = arith.constant 112 : index
        %get3A_521 = tpu.vector_load %arg19[%get3A_519, %get3A_520] {strides = array<i32>} : memref<64x128xf32, #tpu.memory_space<vmem>>, vector<16xf32>,
        %mul3A_522 = arith.mulf %get3A_521, %gather3A_469 : vector<16xf32>
        %swap3A_523 = arith.index_cast %add3A_467 : i32 to index
        %swap3A_524 = arith.constant 112 : index
        %swap3A_525 = tpu.vector_load %arg19[%swap3A_523, %swap3A_524] {strides = array<i32>} : memref<64x128xf32, #tpu.memory_space<vmem>>, vector<16xf32>,
        tpu.vector_store %arg19[%swap3A_523, %swap3A_524], %mul3A_522 {strides = array<i32>} : memref<64x128xf32, #tpu.memory_space<vmem>>, vector<16xf32>,
        %add3A_526 = arith.constant 3 : i32
        %add3A_527 = arith.addi %add3A_347, %add3A_526 : i32
        %broadcast_in_dim3A_528 = vector.broadcast %add3A_527 : i32 to vector<16xi32>
        %gather3A_529 = tpu.vector_load_idx %arg15[%broadcast_in_dim3A_528] : memref<64xf32, #tpu.memory_space<vmem>>[vector<16xi32>], vector<16xf32>,
        %get3A_530 = arith.index_cast %add3A_527 : i32 to index
        %get3A_531 = arith.constant 0 : index
        %get3A_532 = tpu.vector_load %arg19[%get3A_530, %get3A_531] {strides = array<i32>} : memref<64x128xf32, #tpu.memory_space<vmem>>, vector<16xf32>,
        %mul3A_533 = arith.mulf %get3A_532, %gather3A_529 : vector<16xf32>
        %swap3A_534 = arith.index_cast %add3A_527 : i32 to index
        %swap3A_535 = arith.constant 0 : index
        %swap3A_536 = tpu.vector_load %arg19[%swap3A_534, %swap3A_535] {strides = array<i32>} : memref<64x128xf32, #tpu.memory_space<vmem>>, vector<16xf32>,
        tpu.vector_store %arg19[%swap3A_534, %swap3A_535], %mul3A_533 {strides = array<i32>} : memref<64x128xf32, #tpu.memory_space<vmem>>, vector<16xf32>,
        %get3A_537 = arith.index_cast %add3A_527 : i32 to index
        %get3A_538 = arith.constant 16 : index
        %get3A_539 = tpu.vector_load %arg19[%get3A_537, %get3A_538] {strides = array<i32>} : memref<64x128xf32, #tpu.memory_space<vmem>>, vector<16xf32>,
        %mul3A_540 = arith.mulf %get3A_539, %gather3A_529 : vector<16xf32>
        %swap3A_541 = arith.index_cast %add3A_527 : i32 to index
        %swap3A_542 = arith.constant 16 : index
        %swap3A_543 = tpu.vector_load %arg19[%swap3A_541, %swap3A_542] {strides = array<i32>} : memref<64x128xf32, #tpu.memory_space<vmem>>, vector<16xf32>,
        tpu.vector_store %arg19[%swap3A_541, %swap3A_542], %mul3A_540 {strides = array<i32>} : memref<64x128xf32, #tpu.memory_space<vmem>>, vector<16xf32>,
        %get3A_544 = arith.index_cast %add3A_527 : i32 to index
        %get3A_545 = arith.constant 32 : index
        %get3A_546 = tpu.vector_load %arg19[%get3A_544, %get3A_545] {strides = array<i32>} : memref<64x128xf32, #tpu.memory_space<vmem>>, vector<16xf32>,
        %mul3A_547 = arith.mulf %get3A_546, %gather3A_529 : vector<16xf32>
        %swap3A_548 = arith.index_cast %add3A_527 : i32 to index
        %swap3A_549 = arith.constant 32 : index
        %swap3A_550 = tpu.vector_load %arg19[%swap3A_548, %swap3A_549] {strides = array<i32>} : memref<64x128xf32, #tpu.memory_space<vmem>>, vector<16xf32>,
        tpu.vector_store %arg19[%swap3A_548, %swap3A_549], %mul3A_547 {strides = array<i32>} : memref<64x128xf32, #tpu.memory_space<vmem>>, vector<16xf32>,
        %get3A_551 = arith.index_cast %add3A_527 : i32 to index
        %get3A_552 = arith.constant 48 : index
        %get3A_553 = tpu.vector_load %arg19[%get3A_551, %get3A_552] {strides = array<i32>} : memref<64x128xf32, #tpu.memory_space<vmem>>, vector<16xf32>,
        %mul3A_554 = arith.mulf %get3A_553, %gather3A_529 : vector<16xf32>
        %swap3A_555 = arith.index_cast %add3A_527 : i32 to index
        %swap3A_556 = arith.constant 48 : index
        %swap3A_557 = tpu.vector_load %arg19[%swap3A_555, %swap3A_556] {strides = array<i32>} : memref<64x128xf32, #tpu.memory_space<vmem>>, vector<16xf32>,
        tpu.vector_store %arg19[%swap3A_555, %swap3A_556], %mul3A_554 {strides = array<i32>} : memref<64x128xf32, #tpu.memory_space<vmem>>, vector<16xf32>,
        %get3A_558 = arith.index_cast %add3A_527 : i32 to index
        %get3A_559 = arith.constant 64 : index
        %get3A_560 = tpu.vector_load %arg19[%get3A_558, %get3A_559] {strides = array<i32>} : memref<64x128xf32, #tpu.memory_space<vmem>>, vector<16xf32>,
        %mul3A_561 = arith.mulf %get3A_560, %gather3A_529 : vector<16xf32>
        %swap3A_562 = arith.index_cast %add3A_527 : i32 to index
        %swap3A_563 = arith.constant 64 : index
        %swap3A_564 = tpu.vector_load %arg19[%swap3A_562, %swap3A_563] {strides = array<i32>} : memref<64x128xf32, #tpu.memory_space<vmem>>, vector<16xf32>,
        tpu.vector_store %arg19[%swap3A_562, %swap3A_563], %mul3A_561 {strides = array<i32>} : memref<64x128xf32, #tpu.memory_space<vmem>>, vector<16xf32>,
        %get3A_565 = arith.index_cast %add3A_527 : i32 to index
        %get3A_566 = arith.constant 80 : index
        %get3A_567 = tpu.vector_load %arg19[%get3A_565, %get3A_566] {strides = array<i32>} : memref<64x128xf32, #tpu.memory_space<vmem>>, vector<16xf32>,
        %mul3A_568 = arith.mulf %get3A_567, %gather3A_529 : vector<16xf32>
        %swap3A_569 = arith.index_cast %add3A_527 : i32 to index
        %swap3A_570 = arith.constant 80 : index
        %swap3A_571 = tpu.vector_load %arg19[%swap3A_569, %swap3A_570] {strides = array<i32>} : memref<64x128xf32, #tpu.memory_space<vmem>>, vector<16xf32>,
        tpu.vector_store %arg19[%swap3A_569, %swap3A_570], %mul3A_568 {strides = array<i32>} : memref<64x128xf32, #tpu.memory_space<vmem>>, vector<16xf32>,
        %get3A_572 = arith.index_cast %add3A_527 : i32 to index
        %get3A_573 = arith.constant 96 : index
        %get3A_574 = tpu.vector_load %arg19[%get3A_572, %get3A_573] {strides = array<i32>} : memref<64x128xf32, #tpu.memory_space<vmem>>, vector<16xf32>,
        %mul3A_575 = arith.mulf %get3A_574, %gather3A_529 : vector<16xf32>
        %swap3A_576 = arith.index_cast %add3A_527 : i32 to index
        %swap3A_577 = arith.constant 96 : index
        %swap3A_578 = tpu.vector_load %arg19[%swap3A_576, %swap3A_577] {strides = array<i32>} : memref<64x128xf32, #tpu.memory_space<vmem>>, vector<16xf32>,
        tpu.vector_store %arg19[%swap3A_576, %swap3A_577], %mul3A_575 {strides = array<i32>} : memref<64x128xf32, #tpu.memory_space<vmem>>, vector<16xf32>,
        %get3A_579 = arith.index_cast %add3A_527 : i32 to index
        %get3A_580 = arith.constant 112 : index
        %get3A_581 = tpu.vector_load %arg19[%get3A_579, %get3A_580] {strides = array<i32>} : memref<64x128xf32, #tpu.memory_space<vmem>>, vector<16xf32>,
        %mul3A_582 = arith.mulf %get3A_581, %gather3A_529 : vector<16xf32>
        %swap3A_583 = arith.index_cast %add3A_527 : i32 to index
        %swap3A_584 = arith.constant 112 : index
        %swap3A_585 = tpu.vector_load %arg19[%swap3A_583, %swap3A_584] {strides = array<i32>} : memref<64x128xf32, #tpu.memory_space<vmem>>, vector<16xf32>,
        tpu.vector_store %arg19[%swap3A_583, %swap3A_584], %mul3A_582 {strides = array<i32>} : memref<64x128xf32, #tpu.memory_space<vmem>>, vector<16xf32>,
      }
      %scan3A_195 = arith.constant 16 : i32
      %dma_start3A_196 = arith.constant 0 : i32
      %dma_start3A_197 = arith.constant 0 : i32
      %dma_start3A_198 = tpu.memref_slice %arg6[%dma_start3A_196, %dma_start3A_197] : memref<10112x128xf32, #tpu.memory_space<vmem_shared>> -> memref<10112x128xf32, #tpu.memory_space<vmem_shared>>
      tpu.enqueue_indirect_dma source(%arg19 : memref<64x128xf32, #tpu.memory_space<vmem>>) target(%dma_start3A_198 : memref<10112x128xf32, #tpu.memory_space<vmem_shared>>) offsets(%arg11 : memref<64xi32, #tpu.memory_space<vmem>>) semaphore(%arg27 : memref<!tpu.dma_semaphore, #tpu.memory_space<semaphore_mem>>) {add = true}
      %add3A_199 = arith.constant 4 : i32
      %add3A_200 = arith.addi %add3A_171, %add3A_199 : i32
      %lt3A = arith.cmpi slt, %add3A_200, %select_n3A : i32
      %convert_element_type3A = arith.extui %lt3A : i1 to i32
      %cond3A = arith.constant 0 : i32
      %cond3A_201 = arith.cmpi ne, %convert_element_type3A, %cond3A : i32
      scf.if %cond3A_201 {
        %add3A_343 = arith.constant 4 : i32
        %add3A_344 = arith.addi %add3A_171, %add3A_343 : i32
        %mul3A_345 = arith.constant 2 : i32
        %mul3A_346 = arith.muli %add3A_344, %mul3A_345 : i32
        %mul3A_347 = arith.constant 64 : i32
        %mul3A_348 = arith.muli %mul3A_346, %mul3A_347 : i32
        %add3A_349 = arith.addi %mul3A_9, %mul3A_348 : i32
        %dma_start3A_350 = tpu.memref_slice %arg3[%add3A_349] : memref<655360xi32, #tpu.memory_space<hbm>> -> memref<128xi32, #tpu.memory_space<hbm>>
        %dma_start3A_351 = tpu.memref_slice %arg3[%add3A_349] : memref<655360xi32, #tpu.memory_space<hbm>> -> memref<128xi32, #tpu.memory_space<hbm>>
        tpu.enqueue_dma source(%dma_start3A_351 : memref<128xi32, #tpu.memory_space<hbm>>) target(%arg7 : memref<128xi32, #tpu.memory_space<vmem>>) target_semaphore(%arg31 : memref<!tpu.dma_semaphore, #tpu.memory_space<semaphore_mem>>)
        %mul3A_352 = arith.constant 64 : i32
        %mul3A_353 = arith.muli %add3A_344, %mul3A_352 : i32
        %add3A_354 = arith.addi %mul3A_11, %mul3A_353 : i32
        %dma_start3A_355 = tpu.memref_slice %arg4[%add3A_354] : memref<327680xf32, #tpu.memory_space<hbm>> -> memref<64xf32, #tpu.memory_space<hbm>>
        %dma_start3A_356 = tpu.memref_slice %arg4[%add3A_354] : memref<327680xf32, #tpu.memory_space<hbm>> -> memref<64xf32, #tpu.memory_space<hbm>>
        tpu.enqueue_dma source(%dma_start3A_356 : memref<64xf32, #tpu.memory_space<hbm>>) target(%arg15 : memref<64xf32, #tpu.memory_space<vmem>>) target_semaphore(%arg31 : memref<!tpu.dma_semaphore, #tpu.memory_space<semaphore_mem>>)
      } else {
      }
      %add3A_202 = arith.constant 2 : i32
      %add3A_203 = arith.addi %add3A_171, %add3A_202 : i32
      %lt3A_204 = arith.cmpi slt, %add3A_203, %select_n3A : i32
      %convert_element_type3A_205 = arith.extui %lt3A_204 : i1 to i32
      %cond3A_206 = arith.constant 0 : i32
      %cond3A_207 = arith.cmpi ne, %convert_element_type3A_205, %cond3A_206 : i32
      scf.if %cond3A_207 {
        %gt3A = arith.constant 0 : i32
        %gt3A_343 = arith.cmpi sgt, %add3A_167, %gt3A : i32
        %convert_element_type3A_344 = arith.extui %gt3A_343 : i1 to i32
        %cond3A_345 = arith.constant 0 : i32
        %cond3A_346 = arith.cmpi ne, %convert_element_type3A_344, %cond3A_345 : i32
        scf.if %cond3A_346 {
          %dma_wait3A_360 = arith.constant 0 : i32
          %dma_wait3A_361 = arith.constant 0 : i32
          %dma_wait3A_362 = tpu.memref_slice %arg6[%dma_wait3A_360, %dma_wait3A_361] : memref<10112x128xf32, #tpu.memory_space<vmem_shared>> -> memref<10112x128xf32, #tpu.memory_space<vmem_shared>>
          tpu.wait_indirect_dma semaphore(%arg29 : memref<!tpu.dma_semaphore, #tpu.memory_space<semaphore_mem>>) src(%arg21 : memref<64x128xf32, #tpu.memory_space<vmem>>) dst(%dma_wait3A_362 : memref<10112x128xf32, #tpu.memory_space<vmem_shared>>)
        } else {
        }
        %dma_wait3A_347 = arith.constant 0 : i32
        %dma_wait3A_348 = tpu.memref_slice %arg3[%dma_wait3A_347] : memref<655360xi32, #tpu.memory_space<hbm>> -> memref<128xi32, #tpu.memory_space<hbm>>
        %dma_wait3A_349 = arith.constant 0 : i32
        %dma_wait3A_350 = tpu.memref_slice %arg3[%dma_wait3A_349] : memref<655360xi32, #tpu.memory_space<hbm>> -> memref<128xi32, #tpu.memory_space<hbm>>
        tpu.wait_dma2 semaphore(%arg33 : memref<!tpu.dma_semaphore, #tpu.memory_space<semaphore_mem>>) src(%dma_wait3A_350 : memref<128xi32, #tpu.memory_space<hbm>>) dst(%arg9 : memref<128xi32, #tpu.memory_space<vmem>>)
        %dma_wait3A_351 = arith.constant 0 : i32
        %dma_wait3A_352 = tpu.memref_slice %arg4[%dma_wait3A_351] : memref<327680xf32, #tpu.memory_space<hbm>> -> memref<64xf32, #tpu.memory_space<hbm>>
        %dma_wait3A_353 = arith.constant 0 : i32
        %dma_wait3A_354 = tpu.memref_slice %arg4[%dma_wait3A_353] : memref<327680xf32, #tpu.memory_space<hbm>> -> memref<64xf32, #tpu.memory_space<hbm>>
        tpu.wait_dma2 semaphore(%arg33 : memref<!tpu.dma_semaphore, #tpu.memory_space<semaphore_mem>>) src(%dma_wait3A_354 : memref<64xf32, #tpu.memory_space<hbm>>) dst(%arg17 : memref<64xf32, #tpu.memory_space<vmem>>)
        %dma_start3A_355 = arith.constant 0 : i32
        %dma_start3A_356 = tpu.memref_slice %arg9[%dma_start3A_355] : memref<128xi32, #tpu.memory_space<vmem>> -> memref<64xi32, #tpu.memory_space<vmem>>
        %dma_start3A_357 = arith.constant 0 : i32
        %dma_start3A_358 = arith.constant 0 : i32
        %dma_start3A_359 = tpu.memref_slice %arg2[%dma_start3A_357, %dma_start3A_358] : memref<10112x128xf32, #tpu.memory_space<hbm>> -> memref<10112x128xf32, #tpu.memory_space<hbm>>
        tpu.enqueue_indirect_dma source(%dma_start3A_359 : memref<10112x128xf32, #tpu.memory_space<hbm>>) target(%arg21 : memref<64x128xf32, #tpu.memory_space<vmem>>) offsets(%dma_start3A_356 : memref<64xi32, #tpu.memory_space<vmem>>) semaphore(%arg25 : memref<!tpu.dma_semaphore, #tpu.memory_space<semaphore_mem>>)
      } else {
      }
      %mul3A_208 = arith.constant 4 : i32
      %mul3A_209 = arith.muli %add3A_167, %mul3A_208 : i32
      %add3A_210 = arith.constant 1 : i32
      %add3A_211 = arith.addi %mul3A_209, %add3A_210 : i32
      %dma_wait3A_212 = arith.constant 0 : i32
      %dma_wait3A_213 = tpu.memref_slice %arg8[%dma_wait3A_212] : memref<128xi32, #tpu.memory_space<vmem>> -> memref<64xi32, #tpu.memory_space<vmem>>
      %dma_wait3A_214 = arith.constant 0 : i32
      %dma_wait3A_215 = arith.constant 0 : i32
      %dma_wait3A_216 = tpu.memref_slice %arg2[%dma_wait3A_214, %dma_wait3A_215] : memref<10112x128xf32, #tpu.memory_space<hbm>> -> memref<10112x128xf32, #tpu.memory_space<hbm>>
      tpu.wait_indirect_dma semaphore(%arg24 : memref<!tpu.dma_semaphore, #tpu.memory_space<semaphore_mem>>) src(%dma_wait3A_216 : memref<10112x128xf32, #tpu.memory_space<hbm>>) dst(%arg20 : memref<64x128xf32, #tpu.memory_space<vmem>>)
      %get3A_217 = arith.constant 64 : index
      %get3A_218 = tpu.vector_load %arg8[%get3A_217] {strides = array<i32>} : memref<128xi32, #tpu.memory_space<vmem>>, vector<16xi32>,
      %swap3A_219 = arith.constant 0 : index
      %swap3A_220 = tpu.vector_load %arg12[%swap3A_219] {strides = array<i32>} : memref<64xi32, #tpu.memory_space<vmem>>, vector<16xi32>,
      tpu.vector_store %arg12[%swap3A_219], %get3A_218 {strides = array<i32>} : memref<64xi32, #tpu.memory_space<vmem>>, vector<16xi32>,
      %get3A_221 = arith.constant 80 : index
      %get3A_222 = tpu.vector_load %arg8[%get3A_221] {strides = array<i32>} : memref<128xi32, #tpu.memory_space<vmem>>, vector<16xi32>,
      %swap3A_223 = arith.constant 16 : index
      %swap3A_224 = tpu.vector_load %arg12[%swap3A_223] {strides = array<i32>} : memref<64xi32, #tpu.memory_space<vmem>>, vector<16xi32>,
      tpu.vector_store %arg12[%swap3A_223], %get3A_222 {strides = array<i32>} : memref<64xi32, #tpu.memory_space<vmem>>, vector<16xi32>,
      %get3A_225 = arith.constant 96 : index
      %get3A_226 = tpu.vector_load %arg8[%get3A_225] {strides = array<i32>} : memref<128xi32, #tpu.memory_space<vmem>>, vector<16xi32>,
      %swap3A_227 = arith.constant 32 : index
      %swap3A_228 = tpu.vector_load %arg12[%swap3A_227] {strides = array<i32>} : memref<64xi32, #tpu.memory_space<vmem>>, vector<16xi32>,
      tpu.vector_store %arg12[%swap3A_227], %get3A_226 {strides = array<i32>} : memref<64xi32, #tpu.memory_space<vmem>>, vector<16xi32>,
      %get3A_229 = arith.constant 112 : index
      %get3A_230 = tpu.vector_load %arg8[%get3A_229] {strides = array<i32>} : memref<128xi32, #tpu.memory_space<vmem>>, vector<16xi32>,
      %swap3A_231 = arith.constant 48 : index
      %swap3A_232 = tpu.vector_load %arg12[%swap3A_231] {strides = array<i32>} : memref<64xi32, #tpu.memory_space<vmem>>, vector<16xi32>,
      tpu.vector_store %arg12[%swap3A_231], %get3A_230 {strides = array<i32>} : memref<64xi32, #tpu.memory_space<vmem>>, vector<16xi32>,
      %scan3A_233 = arith.constant 0 : i32
      %scan3A_234 = arith.constant 16 : i32
      %scan3A_235 = arith.addi %scan3A_233, %scan3A_234 : i32
      %scan3A_236 = arith.constant 1 : i32
      scf.for %scan3A_343 = %scan3A_233 to %scan3A_235 step %scan3A_236  : i32 {
        %mul3A_344 = arith.constant 4 : i32
        %mul3A_345 = arith.muli %scan3A_343, %mul3A_344 : i32
        %add3A_346 = arith.constant 0 : i32
        %add3A_347 = arith.addi %add3A_346, %mul3A_345 : i32
        %add3A_348 = arith.constant 0 : i32
        %add3A_349 = arith.addi %add3A_347, %add3A_348 : i32
        %broadcast_in_dim3A = vector.broadcast %add3A_349 : i32 to vector<16xi32>
        %gather3A = tpu.vector_load_idx %arg16[%broadcast_in_dim3A] : memref<64xf32, #tpu.memory_space<vmem>>[vector<16xi32>], vector<16xf32>,
        %get3A_350 = arith.index_cast %add3A_349 : i32 to index
        %get3A_351 = arith.constant 0 : index
        %get3A_352 = tpu.vector_load %arg20[%get3A_350, %get3A_351] {strides = array<i32>} : memref<64x128xf32, #tpu.memory_space<vmem>>, vector<16xf32>,
        %mul3A_353 = arith.mulf %get3A_352, %gather3A : vector<16xf32>
        %swap3A_354 = arith.index_cast %add3A_349 : i32 to index
        %swap3A_355 = arith.constant 0 : index
        %swap3A_356 = tpu.vector_load %arg20[%swap3A_354, %swap3A_355] {strides = array<i32>} : memref<64x128xf32, #tpu.memory_space<vmem>>, vector<16xf32>,
        tpu.vector_store %arg20[%swap3A_354, %swap3A_355], %mul3A_353 {strides = array<i32>} : memref<64x128xf32, #tpu.memory_space<vmem>>, vector<16xf32>,
        %get3A_357 = arith.index_cast %add3A_349 : i32 to index
        %get3A_358 = arith.constant 16 : index
        %get3A_359 = tpu.vector_load %arg20[%get3A_357, %get3A_358] {strides = array<i32>} : memref<64x128xf32, #tpu.memory_space<vmem>>, vector<16xf32>,
        %mul3A_360 = arith.mulf %get3A_359, %gather3A : vector<16xf32>
        %swap3A_361 = arith.index_cast %add3A_349 : i32 to index
        %swap3A_362 = arith.constant 16 : index
        %swap3A_363 = tpu.vector_load %arg20[%swap3A_361, %swap3A_362] {strides = array<i32>} : memref<64x128xf32, #tpu.memory_space<vmem>>, vector<16xf32>,
        tpu.vector_store %arg20[%swap3A_361, %swap3A_362], %mul3A_360 {strides = array<i32>} : memref<64x128xf32, #tpu.memory_space<vmem>>, vector<16xf32>,
        %get3A_364 = arith.index_cast %add3A_349 : i32 to index
        %get3A_365 = arith.constant 32 : index
        %get3A_366 = tpu.vector_load %arg20[%get3A_364, %get3A_365] {strides = array<i32>} : memref<64x128xf32, #tpu.memory_space<vmem>>, vector<16xf32>,
        %mul3A_367 = arith.mulf %get3A_366, %gather3A : vector<16xf32>
        %swap3A_368 = arith.index_cast %add3A_349 : i32 to index
        %swap3A_369 = arith.constant 32 : index
        %swap3A_370 = tpu.vector_load %arg20[%swap3A_368, %swap3A_369] {strides = array<i32>} : memref<64x128xf32, #tpu.memory_space<vmem>>, vector<16xf32>,
        tpu.vector_store %arg20[%swap3A_368, %swap3A_369], %mul3A_367 {strides = array<i32>} : memref<64x128xf32, #tpu.memory_space<vmem>>, vector<16xf32>,
        %get3A_371 = arith.index_cast %add3A_349 : i32 to index
        %get3A_372 = arith.constant 48 : index
        %get3A_373 = tpu.vector_load %arg20[%get3A_371, %get3A_372] {strides = array<i32>} : memref<64x128xf32, #tpu.memory_space<vmem>>, vector<16xf32>,
        %mul3A_374 = arith.mulf %get3A_373, %gather3A : vector<16xf32>
        %swap3A_375 = arith.index_cast %add3A_349 : i32 to index
        %swap3A_376 = arith.constant 48 : index
        %swap3A_377 = tpu.vector_load %arg20[%swap3A_375, %swap3A_376] {strides = array<i32>} : memref<64x128xf32, #tpu.memory_space<vmem>>, vector<16xf32>,
        tpu.vector_store %arg20[%swap3A_375, %swap3A_376], %mul3A_374 {strides = array<i32>} : memref<64x128xf32, #tpu.memory_space<vmem>>, vector<16xf32>,
        %get3A_378 = arith.index_cast %add3A_349 : i32 to index
        %get3A_379 = arith.constant 64 : index
        %get3A_380 = tpu.vector_load %arg20[%get3A_378, %get3A_379] {strides = array<i32>} : memref<64x128xf32, #tpu.memory_space<vmem>>, vector<16xf32>,
        %mul3A_381 = arith.mulf %get3A_380, %gather3A : vector<16xf32>
        %swap3A_382 = arith.index_cast %add3A_349 : i32 to index
        %swap3A_383 = arith.constant 64 : index
        %swap3A_384 = tpu.vector_load %arg20[%swap3A_382, %swap3A_383] {strides = array<i32>} : memref<64x128xf32, #tpu.memory_space<vmem>>, vector<16xf32>,
        tpu.vector_store %arg20[%swap3A_382, %swap3A_383], %mul3A_381 {strides = array<i32>} : memref<64x128xf32, #tpu.memory_space<vmem>>, vector<16xf32>,
        %get3A_385 = arith.index_cast %add3A_349 : i32 to index
        %get3A_386 = arith.constant 80 : index
        %get3A_387 = tpu.vector_load %arg20[%get3A_385, %get3A_386] {strides = array<i32>} : memref<64x128xf32, #tpu.memory_space<vmem>>, vector<16xf32>,
        %mul3A_388 = arith.mulf %get3A_387, %gather3A : vector<16xf32>
        %swap3A_389 = arith.index_cast %add3A_349 : i32 to index
        %swap3A_390 = arith.constant 80 : index
        %swap3A_391 = tpu.vector_load %arg20[%swap3A_389, %swap3A_390] {strides = array<i32>} : memref<64x128xf32, #tpu.memory_space<vmem>>, vector<16xf32>,
        tpu.vector_store %arg20[%swap3A_389, %swap3A_390], %mul3A_388 {strides = array<i32>} : memref<64x128xf32, #tpu.memory_space<vmem>>, vector<16xf32>,
        %get3A_392 = arith.index_cast %add3A_349 : i32 to index
        %get3A_393 = arith.constant 96 : index
        %get3A_394 = tpu.vector_load %arg20[%get3A_392, %get3A_393] {strides = array<i32>} : memref<64x128xf32, #tpu.memory_space<vmem>>, vector<16xf32>,
        %mul3A_395 = arith.mulf %get3A_394, %gather3A : vector<16xf32>
        %swap3A_396 = arith.index_cast %add3A_349 : i32 to index
        %swap3A_397 = arith.constant 96 : index
        %swap3A_398 = tpu.vector_load %arg20[%swap3A_396, %swap3A_397] {strides = array<i32>} : memref<64x128xf32, #tpu.memory_space<vmem>>, vector<16xf32>,
        tpu.vector_store %arg20[%swap3A_396, %swap3A_397], %mul3A_395 {strides = array<i32>} : memref<64x128xf32, #tpu.memory_space<vmem>>, vector<16xf32>,
        %get3A_399 = arith.index_cast %add3A_349 : i32 to index
        %get3A_400 = arith.constant 112 : index
        %get3A_401 = tpu.vector_load %arg20[%get3A_399, %get3A_400] {strides = array<i32>} : memref<64x128xf32, #tpu.memory_space<vmem>>, vector<16xf32>,
        %mul3A_402 = arith.mulf %get3A_401, %gather3A : vector<16xf32>
        %swap3A_403 = arith.index_cast %add3A_349 : i32 to index
        %swap3A_404 = arith.constant 112 : index
        %swap3A_405 = tpu.vector_load %arg20[%swap3A_403, %swap3A_404] {strides = array<i32>} : memref<64x128xf32, #tpu.memory_space<vmem>>, vector<16xf32>,
        tpu.vector_store %arg20[%swap3A_403, %swap3A_404], %mul3A_402 {strides = array<i32>} : memref<64x128xf32, #tpu.memory_space<vmem>>, vector<16xf32>,
        %add3A_406 = arith.constant 1 : i32
        %add3A_407 = arith.addi %add3A_347, %add3A_406 : i32
        %broadcast_in_dim3A_408 = vector.broadcast %add3A_407 : i32 to vector<16xi32>
        %gather3A_409 = tpu.vector_load_idx %arg16[%broadcast_in_dim3A_408] : memref<64xf32, #tpu.memory_space<vmem>>[vector<16xi32>], vector<16xf32>,
        %get3A_410 = arith.index_cast %add3A_407 : i32 to index
        %get3A_411 = arith.constant 0 : index
        %get3A_412 = tpu.vector_load %arg20[%get3A_410, %get3A_411] {strides = array<i32>} : memref<64x128xf32, #tpu.memory_space<vmem>>, vector<16xf32>,
        %mul3A_413 = arith.mulf %get3A_412, %gather3A_409 : vector<16xf32>
        %swap3A_414 = arith.index_cast %add3A_407 : i32 to index
        %swap3A_415 = arith.constant 0 : index
        %swap3A_416 = tpu.vector_load %arg20[%swap3A_414, %swap3A_415] {strides = array<i32>} : memref<64x128xf32, #tpu.memory_space<vmem>>, vector<16xf32>,
        tpu.vector_store %arg20[%swap3A_414, %swap3A_415], %mul3A_413 {strides = array<i32>} : memref<64x128xf32, #tpu.memory_space<vmem>>, vector<16xf32>,
        %get3A_417 = arith.index_cast %add3A_407 : i32 to index
        %get3A_418 = arith.constant 16 : index
        %get3A_419 = tpu.vector_load %arg20[%get3A_417, %get3A_418] {strides = array<i32>} : memref<64x128xf32, #tpu.memory_space<vmem>>, vector<16xf32>,
        %mul3A_420 = arith.mulf %get3A_419, %gather3A_409 : vector<16xf32>
        %swap3A_421 = arith.index_cast %add3A_407 : i32 to index
        %swap3A_422 = arith.constant 16 : index
        %swap3A_423 = tpu.vector_load %arg20[%swap3A_421, %swap3A_422] {strides = array<i32>} : memref<64x128xf32, #tpu.memory_space<vmem>>, vector<16xf32>,
        tpu.vector_store %arg20[%swap3A_421, %swap3A_422], %mul3A_420 {strides = array<i32>} : memref<64x128xf32, #tpu.memory_space<vmem>>, vector<16xf32>,
        %get3A_424 = arith.index_cast %add3A_407 : i32 to index
        %get3A_425 = arith.constant 32 : index
        %get3A_426 = tpu.vector_load %arg20[%get3A_424, %get3A_425] {strides = array<i32>} : memref<64x128xf32, #tpu.memory_space<vmem>>, vector<16xf32>,
        %mul3A_427 = arith.mulf %get3A_426, %gather3A_409 : vector<16xf32>
        %swap3A_428 = arith.index_cast %add3A_407 : i32 to index
        %swap3A_429 = arith.constant 32 : index
        %swap3A_430 = tpu.vector_load %arg20[%swap3A_428, %swap3A_429] {strides = array<i32>} : memref<64x128xf32, #tpu.memory_space<vmem>>, vector<16xf32>,
        tpu.vector_store %arg20[%swap3A_428, %swap3A_429], %mul3A_427 {strides = array<i32>} : memref<64x128xf32, #tpu.memory_space<vmem>>, vector<16xf32>,
        %get3A_431 = arith.index_cast %add3A_407 : i32 to index
        %get3A_432 = arith.constant 48 : index
        %get3A_433 = tpu.vector_load %arg20[%get3A_431, %get3A_432] {strides = array<i32>} : memref<64x128xf32, #tpu.memory_space<vmem>>, vector<16xf32>,
        %mul3A_434 = arith.mulf %get3A_433, %gather3A_409 : vector<16xf32>
        %swap3A_435 = arith.index_cast %add3A_407 : i32 to index
        %swap3A_436 = arith.constant 48 : index
        %swap3A_437 = tpu.vector_load %arg20[%swap3A_435, %swap3A_436] {strides = array<i32>} : memref<64x128xf32, #tpu.memory_space<vmem>>, vector<16xf32>,
        tpu.vector_store %arg20[%swap3A_435, %swap3A_436], %mul3A_434 {strides = array<i32>} : memref<64x128xf32, #tpu.memory_space<vmem>>, vector<16xf32>,
        %get3A_438 = arith.index_cast %add3A_407 : i32 to index
        %get3A_439 = arith.constant 64 : index
        %get3A_440 = tpu.vector_load %arg20[%get3A_438, %get3A_439] {strides = array<i32>} : memref<64x128xf32, #tpu.memory_space<vmem>>, vector<16xf32>,
        %mul3A_441 = arith.mulf %get3A_440, %gather3A_409 : vector<16xf32>
        %swap3A_442 = arith.index_cast %add3A_407 : i32 to index
        %swap3A_443 = arith.constant 64 : index
        %swap3A_444 = tpu.vector_load %arg20[%swap3A_442, %swap3A_443] {strides = array<i32>} : memref<64x128xf32, #tpu.memory_space<vmem>>, vector<16xf32>,
        tpu.vector_store %arg20[%swap3A_442, %swap3A_443], %mul3A_441 {strides = array<i32>} : memref<64x128xf32, #tpu.memory_space<vmem>>, vector<16xf32>,
        %get3A_445 = arith.index_cast %add3A_407 : i32 to index
        %get3A_446 = arith.constant 80 : index
        %get3A_447 = tpu.vector_load %arg20[%get3A_445, %get3A_446] {strides = array<i32>} : memref<64x128xf32, #tpu.memory_space<vmem>>, vector<16xf32>,
        %mul3A_448 = arith.mulf %get3A_447, %gather3A_409 : vector<16xf32>
        %swap3A_449 = arith.index_cast %add3A_407 : i32 to index
        %swap3A_450 = arith.constant 80 : index
        %swap3A_451 = tpu.vector_load %arg20[%swap3A_449, %swap3A_450] {strides = array<i32>} : memref<64x128xf32, #tpu.memory_space<vmem>>, vector<16xf32>,
        tpu.vector_store %arg20[%swap3A_449, %swap3A_450], %mul3A_448 {strides = array<i32>} : memref<64x128xf32, #tpu.memory_space<vmem>>, vector<16xf32>,
        %get3A_452 = arith.index_cast %add3A_407 : i32 to index
        %get3A_453 = arith.constant 96 : index
        %get3A_454 = tpu.vector_load %arg20[%get3A_452, %get3A_453] {strides = array<i32>} : memref<64x128xf32, #tpu.memory_space<vmem>>, vector<16xf32>,
        %mul3A_455 = arith.mulf %get3A_454, %gather3A_409 : vector<16xf32>
        %swap3A_456 = arith.index_cast %add3A_407 : i32 to index
        %swap3A_457 = arith.constant 96 : index
        %swap3A_458 = tpu.vector_load %arg20[%swap3A_456, %swap3A_457] {strides = array<i32>} : memref<64x128xf32, #tpu.memory_space<vmem>>, vector<16xf32>,
        tpu.vector_store %arg20[%swap3A_456, %swap3A_457], %mul3A_455 {strides = array<i32>} : memref<64x128xf32, #tpu.memory_space<vmem>>, vector<16xf32>,
        %get3A_459 = arith.index_cast %add3A_407 : i32 to index
        %get3A_460 = arith.constant 112 : index
        %get3A_461 = tpu.vector_load %arg20[%get3A_459, %get3A_460] {strides = array<i32>} : memref<64x128xf32, #tpu.memory_space<vmem>>, vector<16xf32>,
        %mul3A_462 = arith.mulf %get3A_461, %gather3A_409 : vector<16xf32>
        %swap3A_463 = arith.index_cast %add3A_407 : i32 to index
        %swap3A_464 = arith.constant 112 : index
        %swap3A_465 = tpu.vector_load %arg20[%swap3A_463, %swap3A_464] {strides = array<i32>} : memref<64x128xf32, #tpu.memory_space<vmem>>, vector<16xf32>,
        tpu.vector_store %arg20[%swap3A_463, %swap3A_464], %mul3A_462 {strides = array<i32>} : memref<64x128xf32, #tpu.memory_space<vmem>>, vector<16xf32>,
        %add3A_466 = arith.constant 2 : i32
        %add3A_467 = arith.addi %add3A_347, %add3A_466 : i32
        %broadcast_in_dim3A_468 = vector.broadcast %add3A_467 : i32 to vector<16xi32>
        %gather3A_469 = tpu.vector_load_idx %arg16[%broadcast_in_dim3A_468] : memref<64xf32, #tpu.memory_space<vmem>>[vector<16xi32>], vector<16xf32>,
        %get3A_470 = arith.index_cast %add3A_467 : i32 to index
        %get3A_471 = arith.constant 0 : index
        %get3A_472 = tpu.vector_load %arg20[%get3A_470, %get3A_471] {strides = array<i32>} : memref<64x128xf32, #tpu.memory_space<vmem>>, vector<16xf32>,
        %mul3A_473 = arith.mulf %get3A_472, %gather3A_469 : vector<16xf32>
        %swap3A_474 = arith.index_cast %add3A_467 : i32 to index
        %swap3A_475 = arith.constant 0 : index
        %swap3A_476 = tpu.vector_load %arg20[%swap3A_474, %swap3A_475] {strides = array<i32>} : memref<64x128xf32, #tpu.memory_space<vmem>>, vector<16xf32>,
        tpu.vector_store %arg20[%swap3A_474, %swap3A_475], %mul3A_473 {strides = array<i32>} : memref<64x128xf32, #tpu.memory_space<vmem>>, vector<16xf32>,
        %get3A_477 = arith.index_cast %add3A_467 : i32 to index
        %get3A_478 = arith.constant 16 : index
        %get3A_479 = tpu.vector_load %arg20[%get3A_477, %get3A_478] {strides = array<i32>} : memref<64x128xf32, #tpu.memory_space<vmem>>, vector<16xf32>,
        %mul3A_480 = arith.mulf %get3A_479, %gather3A_469 : vector<16xf32>
        %swap3A_481 = arith.index_cast %add3A_467 : i32 to index
        %swap3A_482 = arith.constant 16 : index
        %swap3A_483 = tpu.vector_load %arg20[%swap3A_481, %swap3A_482] {strides = array<i32>} : memref<64x128xf32, #tpu.memory_space<vmem>>, vector<16xf32>,
        tpu.vector_store %arg20[%swap3A_481, %swap3A_482], %mul3A_480 {strides = array<i32>} : memref<64x128xf32, #tpu.memory_space<vmem>>, vector<16xf32>,
        %get3A_484 = arith.index_cast %add3A_467 : i32 to index
        %get3A_485 = arith.constant 32 : index
        %get3A_486 = tpu.vector_load %arg20[%get3A_484, %get3A_485] {strides = array<i32>} : memref<64x128xf32, #tpu.memory_space<vmem>>, vector<16xf32>,
        %mul3A_487 = arith.mulf %get3A_486, %gather3A_469 : vector<16xf32>
        %swap3A_488 = arith.index_cast %add3A_467 : i32 to index
        %swap3A_489 = arith.constant 32 : index
        %swap3A_490 = tpu.vector_load %arg20[%swap3A_488, %swap3A_489] {strides = array<i32>} : memref<64x128xf32, #tpu.memory_space<vmem>>, vector<16xf32>,
        tpu.vector_store %arg20[%swap3A_488, %swap3A_489], %mul3A_487 {strides = array<i32>} : memref<64x128xf32, #tpu.memory_space<vmem>>, vector<16xf32>,
        %get3A_491 = arith.index_cast %add3A_467 : i32 to index
        %get3A_492 = arith.constant 48 : index
        %get3A_493 = tpu.vector_load %arg20[%get3A_491, %get3A_492] {strides = array<i32>} : memref<64x128xf32, #tpu.memory_space<vmem>>, vector<16xf32>,
        %mul3A_494 = arith.mulf %get3A_493, %gather3A_469 : vector<16xf32>
        %swap3A_495 = arith.index_cast %add3A_467 : i32 to index
        %swap3A_496 = arith.constant 48 : index
        %swap3A_497 = tpu.vector_load %arg20[%swap3A_495, %swap3A_496] {strides = array<i32>} : memref<64x128xf32, #tpu.memory_space<vmem>>, vector<16xf32>,
        tpu.vector_store %arg20[%swap3A_495, %swap3A_496], %mul3A_494 {strides = array<i32>} : memref<64x128xf32, #tpu.memory_space<vmem>>, vector<16xf32>,
        %get3A_498 = arith.index_cast %add3A_467 : i32 to index
        %get3A_499 = arith.constant 64 : index
        %get3A_500 = tpu.vector_load %arg20[%get3A_498, %get3A_499] {strides = array<i32>} : memref<64x128xf32, #tpu.memory_space<vmem>>, vector<16xf32>,
        %mul3A_501 = arith.mulf %get3A_500, %gather3A_469 : vector<16xf32>
        %swap3A_502 = arith.index_cast %add3A_467 : i32 to index
        %swap3A_503 = arith.constant 64 : index
        %swap3A_504 = tpu.vector_load %arg20[%swap3A_502, %swap3A_503] {strides = array<i32>} : memref<64x128xf32, #tpu.memory_space<vmem>>, vector<16xf32>,
        tpu.vector_store %arg20[%swap3A_502, %swap3A_503], %mul3A_501 {strides = array<i32>} : memref<64x128xf32, #tpu.memory_space<vmem>>, vector<16xf32>,
        %get3A_505 = arith.index_cast %add3A_467 : i32 to index
        %get3A_506 = arith.constant 80 : index
        %get3A_507 = tpu.vector_load %arg20[%get3A_505, %get3A_506] {strides = array<i32>} : memref<64x128xf32, #tpu.memory_space<vmem>>, vector<16xf32>,
        %mul3A_508 = arith.mulf %get3A_507, %gather3A_469 : vector<16xf32>
        %swap3A_509 = arith.index_cast %add3A_467 : i32 to index
        %swap3A_510 = arith.constant 80 : index
        %swap3A_511 = tpu.vector_load %arg20[%swap3A_509, %swap3A_510] {strides = array<i32>} : memref<64x128xf32, #tpu.memory_space<vmem>>, vector<16xf32>,
        tpu.vector_store %arg20[%swap3A_509, %swap3A_510], %mul3A_508 {strides = array<i32>} : memref<64x128xf32, #tpu.memory_space<vmem>>, vector<16xf32>,
        %get3A_512 = arith.index_cast %add3A_467 : i32 to index
        %get3A_513 = arith.constant 96 : index
        %get3A_514 = tpu.vector_load %arg20[%get3A_512, %get3A_513] {strides = array<i32>} : memref<64x128xf32, #tpu.memory_space<vmem>>, vector<16xf32>,
        %mul3A_515 = arith.mulf %get3A_514, %gather3A_469 : vector<16xf32>
        %swap3A_516 = arith.index_cast %add3A_467 : i32 to index
        %swap3A_517 = arith.constant 96 : index
        %swap3A_518 = tpu.vector_load %arg20[%swap3A_516, %swap3A_517] {strides = array<i32>} : memref<64x128xf32, #tpu.memory_space<vmem>>, vector<16xf32>,
        tpu.vector_store %arg20[%swap3A_516, %swap3A_517], %mul3A_515 {strides = array<i32>} : memref<64x128xf32, #tpu.memory_space<vmem>>, vector<16xf32>,
        %get3A_519 = arith.index_cast %add3A_467 : i32 to index
        %get3A_520 = arith.constant 112 : index
        %get3A_521 = tpu.vector_load %arg20[%get3A_519, %get3A_520] {strides = array<i32>} : memref<64x128xf32, #tpu.memory_space<vmem>>, vector<16xf32>,
        %mul3A_522 = arith.mulf %get3A_521, %gather3A_469 : vector<16xf32>
        %swap3A_523 = arith.index_cast %add3A_467 : i32 to index
        %swap3A_524 = arith.constant 112 : index
        %swap3A_525 = tpu.vector_load %arg20[%swap3A_523, %swap3A_524] {strides = array<i32>} : memref<64x128xf32, #tpu.memory_space<vmem>>, vector<16xf32>,
        tpu.vector_store %arg20[%swap3A_523, %swap3A_524], %mul3A_522 {strides = array<i32>} : memref<64x128xf32, #tpu.memory_space<vmem>>, vector<16xf32>,
        %add3A_526 = arith.constant 3 : i32
        %add3A_527 = arith.addi %add3A_347, %add3A_526 : i32
        %broadcast_in_dim3A_528 = vector.broadcast %add3A_527 : i32 to vector<16xi32>
        %gather3A_529 = tpu.vector_load_idx %arg16[%broadcast_in_dim3A_528] : memref<64xf32, #tpu.memory_space<vmem>>[vector<16xi32>], vector<16xf32>,
        %get3A_530 = arith.index_cast %add3A_527 : i32 to index
        %get3A_531 = arith.constant 0 : index
        %get3A_532 = tpu.vector_load %arg20[%get3A_530, %get3A_531] {strides = array<i32>} : memref<64x128xf32, #tpu.memory_space<vmem>>, vector<16xf32>,
        %mul3A_533 = arith.mulf %get3A_532, %gather3A_529 : vector<16xf32>
        %swap3A_534 = arith.index_cast %add3A_527 : i32 to index
        %swap3A_535 = arith.constant 0 : index
        %swap3A_536 = tpu.vector_load %arg20[%swap3A_534, %swap3A_535] {strides = array<i32>} : memref<64x128xf32, #tpu.memory_space<vmem>>, vector<16xf32>,
        tpu.vector_store %arg20[%swap3A_534, %swap3A_535], %mul3A_533 {strides = array<i32>} : memref<64x128xf32, #tpu.memory_space<vmem>>, vector<16xf32>,
        %get3A_537 = arith.index_cast %add3A_527 : i32 to index
        %get3A_538 = arith.constant 16 : index
        %get3A_539 = tpu.vector_load %arg20[%get3A_537, %get3A_538] {strides = array<i32>} : memref<64x128xf32, #tpu.memory_space<vmem>>, vector<16xf32>,
        %mul3A_540 = arith.mulf %get3A_539, %gather3A_529 : vector<16xf32>
        %swap3A_541 = arith.index_cast %add3A_527 : i32 to index
        %swap3A_542 = arith.constant 16 : index
        %swap3A_543 = tpu.vector_load %arg20[%swap3A_541, %swap3A_542] {strides = array<i32>} : memref<64x128xf32, #tpu.memory_space<vmem>>, vector<16xf32>,
        tpu.vector_store %arg20[%swap3A_541, %swap3A_542], %mul3A_540 {strides = array<i32>} : memref<64x128xf32, #tpu.memory_space<vmem>>, vector<16xf32>,
        %get3A_544 = arith.index_cast %add3A_527 : i32 to index
        %get3A_545 = arith.constant 32 : index
        %get3A_546 = tpu.vector_load %arg20[%get3A_544, %get3A_545] {strides = array<i32>} : memref<64x128xf32, #tpu.memory_space<vmem>>, vector<16xf32>,
        %mul3A_547 = arith.mulf %get3A_546, %gather3A_529 : vector<16xf32>
        %swap3A_548 = arith.index_cast %add3A_527 : i32 to index
        %swap3A_549 = arith.constant 32 : index
        %swap3A_550 = tpu.vector_load %arg20[%swap3A_548, %swap3A_549] {strides = array<i32>} : memref<64x128xf32, #tpu.memory_space<vmem>>, vector<16xf32>,
        tpu.vector_store %arg20[%swap3A_548, %swap3A_549], %mul3A_547 {strides = array<i32>} : memref<64x128xf32, #tpu.memory_space<vmem>>, vector<16xf32>,
        %get3A_551 = arith.index_cast %add3A_527 : i32 to index
        %get3A_552 = arith.constant 48 : index
        %get3A_553 = tpu.vector_load %arg20[%get3A_551, %get3A_552] {strides = array<i32>} : memref<64x128xf32, #tpu.memory_space<vmem>>, vector<16xf32>,
        %mul3A_554 = arith.mulf %get3A_553, %gather3A_529 : vector<16xf32>
        %swap3A_555 = arith.index_cast %add3A_527 : i32 to index
        %swap3A_556 = arith.constant 48 : index
        %swap3A_557 = tpu.vector_load %arg20[%swap3A_555, %swap3A_556] {strides = array<i32>} : memref<64x128xf32, #tpu.memory_space<vmem>>, vector<16xf32>,
        tpu.vector_store %arg20[%swap3A_555, %swap3A_556], %mul3A_554 {strides = array<i32>} : memref<64x128xf32, #tpu.memory_space<vmem>>, vector<16xf32>,
        %get3A_558 = arith.index_cast %add3A_527 : i32 to index
        %get3A_559 = arith.constant 64 : index
        %get3A_560 = tpu.vector_load %arg20[%get3A_558, %get3A_559] {strides = array<i32>} : memref<64x128xf32, #tpu.memory_space<vmem>>, vector<16xf32>,
        %mul3A_561 = arith.mulf %get3A_560, %gather3A_529 : vector<16xf32>
        %swap3A_562 = arith.index_cast %add3A_527 : i32 to index
        %swap3A_563 = arith.constant 64 : index
        %swap3A_564 = tpu.vector_load %arg20[%swap3A_562, %swap3A_563] {strides = array<i32>} : memref<64x128xf32, #tpu.memory_space<vmem>>, vector<16xf32>,
        tpu.vector_store %arg20[%swap3A_562, %swap3A_563], %mul3A_561 {strides = array<i32>} : memref<64x128xf32, #tpu.memory_space<vmem>>, vector<16xf32>,
        %get3A_565 = arith.index_cast %add3A_527 : i32 to index
        %get3A_566 = arith.constant 80 : index
        %get3A_567 = tpu.vector_load %arg20[%get3A_565, %get3A_566] {strides = array<i32>} : memref<64x128xf32, #tpu.memory_space<vmem>>, vector<16xf32>,
        %mul3A_568 = arith.mulf %get3A_567, %gather3A_529 : vector<16xf32>
        %swap3A_569 = arith.index_cast %add3A_527 : i32 to index
        %swap3A_570 = arith.constant 80 : index
        %swap3A_571 = tpu.vector_load %arg20[%swap3A_569, %swap3A_570] {strides = array<i32>} : memref<64x128xf32, #tpu.memory_space<vmem>>, vector<16xf32>,
        tpu.vector_store %arg20[%swap3A_569, %swap3A_570], %mul3A_568 {strides = array<i32>} : memref<64x128xf32, #tpu.memory_space<vmem>>, vector<16xf32>,
        %get3A_572 = arith.index_cast %add3A_527 : i32 to index
        %get3A_573 = arith.constant 96 : index
        %get3A_574 = tpu.vector_load %arg20[%get3A_572, %get3A_573] {strides = array<i32>} : memref<64x128xf32, #tpu.memory_space<vmem>>, vector<16xf32>,
        %mul3A_575 = arith.mulf %get3A_574, %gather3A_529 : vector<16xf32>
        %swap3A_576 = arith.index_cast %add3A_527 : i32 to index
        %swap3A_577 = arith.constant 96 : index
        %swap3A_578 = tpu.vector_load %arg20[%swap3A_576, %swap3A_577] {strides = array<i32>} : memref<64x128xf32, #tpu.memory_space<vmem>>, vector<16xf32>,
        tpu.vector_store %arg20[%swap3A_576, %swap3A_577], %mul3A_575 {strides = array<i32>} : memref<64x128xf32, #tpu.memory_space<vmem>>, vector<16xf32>,
        %get3A_579 = arith.index_cast %add3A_527 : i32 to index
        %get3A_580 = arith.constant 112 : index
        %get3A_581 = tpu.vector_load %arg20[%get3A_579, %get3A_580] {strides = array<i32>} : memref<64x128xf32, #tpu.memory_space<vmem>>, vector<16xf32>,
        %mul3A_582 = arith.mulf %get3A_581, %gather3A_529 : vector<16xf32>
        %swap3A_583 = arith.index_cast %add3A_527 : i32 to index
        %swap3A_584 = arith.constant 112 : index
        %swap3A_585 = tpu.vector_load %arg20[%swap3A_583, %swap3A_584] {strides = array<i32>} : memref<64x128xf32, #tpu.memory_space<vmem>>, vector<16xf32>,
        tpu.vector_store %arg20[%swap3A_583, %swap3A_584], %mul3A_582 {strides = array<i32>} : memref<64x128xf32, #tpu.memory_space<vmem>>, vector<16xf32>,
      }
      %scan3A_237 = arith.constant 16 : i32
      %dma_start3A_238 = arith.constant 0 : i32
      %dma_start3A_239 = arith.constant 0 : i32
      %dma_start3A_240 = tpu.memref_slice %arg6[%dma_start3A_238, %dma_start3A_239] : memref<10112x128xf32, #tpu.memory_space<vmem_shared>> -> memref<10112x128xf32, #tpu.memory_space<vmem_shared>>
      tpu.enqueue_indirect_dma source(%arg20 : memref<64x128xf32, #tpu.memory_space<vmem>>) target(%dma_start3A_240 : memref<10112x128xf32, #tpu.memory_space<vmem_shared>>) offsets(%arg12 : memref<64xi32, #tpu.memory_space<vmem>>) semaphore(%arg28 : memref<!tpu.dma_semaphore, #tpu.memory_space<semaphore_mem>>) {add = true}
      %add3A_241 = arith.constant 4 : i32
      %add3A_242 = arith.addi %add3A_211, %add3A_241 : i32
      %lt3A_243 = arith.cmpi slt, %add3A_242, %select_n3A : i32
      %convert_element_type3A_244 = arith.extui %lt3A_243 : i1 to i32
      %cond3A_245 = arith.constant 0 : i32
      %cond3A_246 = arith.cmpi ne, %convert_element_type3A_244, %cond3A_245 : i32
      scf.if %cond3A_246 {
        %add3A_343 = arith.constant 4 : i32
        %add3A_344 = arith.addi %add3A_211, %add3A_343 : i32
        %mul3A_345 = arith.constant 2 : i32
        %mul3A_346 = arith.muli %add3A_344, %mul3A_345 : i32
        %mul3A_347 = arith.constant 64 : i32
        %mul3A_348 = arith.muli %mul3A_346, %mul3A_347 : i32
        %add3A_349 = arith.addi %mul3A_9, %mul3A_348 : i32
        %dma_start3A_350 = tpu.memref_slice %arg3[%add3A_349] : memref<655360xi32, #tpu.memory_space<hbm>> -> memref<128xi32, #tpu.memory_space<hbm>>
        %dma_start3A_351 = tpu.memref_slice %arg3[%add3A_349] : memref<655360xi32, #tpu.memory_space<hbm>> -> memref<128xi32, #tpu.memory_space<hbm>>
        tpu.enqueue_dma source(%dma_start3A_351 : memref<128xi32, #tpu.memory_space<hbm>>) target(%arg8 : memref<128xi32, #tpu.memory_space<vmem>>) target_semaphore(%arg32 : memref<!tpu.dma_semaphore, #tpu.memory_space<semaphore_mem>>)
        %mul3A_352 = arith.constant 64 : i32
        %mul3A_353 = arith.muli %add3A_344, %mul3A_352 : i32
        %add3A_354 = arith.addi %mul3A_11, %mul3A_353 : i32
        %dma_start3A_355 = tpu.memref_slice %arg4[%add3A_354] : memref<327680xf32, #tpu.memory_space<hbm>> -> memref<64xf32, #tpu.memory_space<hbm>>
        %dma_start3A_356 = tpu.memref_slice %arg4[%add3A_354] : memref<327680xf32, #tpu.memory_space<hbm>> -> memref<64xf32, #tpu.memory_space<hbm>>
        tpu.enqueue_dma source(%dma_start3A_356 : memref<64xf32, #tpu.memory_space<hbm>>) target(%arg16 : memref<64xf32, #tpu.memory_space<vmem>>) target_semaphore(%arg32 : memref<!tpu.dma_semaphore, #tpu.memory_space<semaphore_mem>>)
      } else {
      }
      %add3A_247 = arith.constant 2 : i32
      %add3A_248 = arith.addi %add3A_211, %add3A_247 : i32
      %lt3A_249 = arith.cmpi slt, %add3A_248, %select_n3A : i32
      %convert_element_type3A_250 = arith.extui %lt3A_249 : i1 to i32
      %cond3A_251 = arith.constant 0 : i32
      %cond3A_252 = arith.cmpi ne, %convert_element_type3A_250, %cond3A_251 : i32
      scf.if %cond3A_252 {
        %gt3A = arith.constant 0 : i32
        %gt3A_343 = arith.cmpi sgt, %add3A_167, %gt3A : i32
        %convert_element_type3A_344 = arith.extui %gt3A_343 : i1 to i32
        %cond3A_345 = arith.constant 0 : i32
        %cond3A_346 = arith.cmpi ne, %convert_element_type3A_344, %cond3A_345 : i32
        scf.if %cond3A_346 {
          %dma_wait3A_360 = arith.constant 0 : i32
          %dma_wait3A_361 = arith.constant 0 : i32
          %dma_wait3A_362 = tpu.memref_slice %arg6[%dma_wait3A_360, %dma_wait3A_361] : memref<10112x128xf32, #tpu.memory_space<vmem_shared>> -> memref<10112x128xf32, #tpu.memory_space<vmem_shared>>
          tpu.wait_indirect_dma semaphore(%arg30 : memref<!tpu.dma_semaphore, #tpu.memory_space<semaphore_mem>>) src(%arg22 : memref<64x128xf32, #tpu.memory_space<vmem>>) dst(%dma_wait3A_362 : memref<10112x128xf32, #tpu.memory_space<vmem_shared>>)
        } else {
        }
        %dma_wait3A_347 = arith.constant 0 : i32
        %dma_wait3A_348 = tpu.memref_slice %arg3[%dma_wait3A_347] : memref<655360xi32, #tpu.memory_space<hbm>> -> memref<128xi32, #tpu.memory_space<hbm>>
        %dma_wait3A_349 = arith.constant 0 : i32
        %dma_wait3A_350 = tpu.memref_slice %arg3[%dma_wait3A_349] : memref<655360xi32, #tpu.memory_space<hbm>> -> memref<128xi32, #tpu.memory_space<hbm>>
        tpu.wait_dma2 semaphore(%arg34 : memref<!tpu.dma_semaphore, #tpu.memory_space<semaphore_mem>>) src(%dma_wait3A_350 : memref<128xi32, #tpu.memory_space<hbm>>) dst(%arg10 : memref<128xi32, #tpu.memory_space<vmem>>)
        %dma_wait3A_351 = arith.constant 0 : i32
        %dma_wait3A_352 = tpu.memref_slice %arg4[%dma_wait3A_351] : memref<327680xf32, #tpu.memory_space<hbm>> -> memref<64xf32, #tpu.memory_space<hbm>>
        %dma_wait3A_353 = arith.constant 0 : i32
        %dma_wait3A_354 = tpu.memref_slice %arg4[%dma_wait3A_353] : memref<327680xf32, #tpu.memory_space<hbm>> -> memref<64xf32, #tpu.memory_space<hbm>>
        tpu.wait_dma2 semaphore(%arg34 : memref<!tpu.dma_semaphore, #tpu.memory_space<semaphore_mem>>) src(%dma_wait3A_354 : memref<64xf32, #tpu.memory_space<hbm>>) dst(%arg18 : memref<64xf32, #tpu.memory_space<vmem>>)
        %dma_start3A_355 = arith.constant 0 : i32
        %dma_start3A_356 = tpu.memref_slice %arg10[%dma_start3A_355] : memref<128xi32, #tpu.memory_space<vmem>> -> memref<64xi32, #tpu.memory_space<vmem>>
        %dma_start3A_357 = arith.constant 0 : i32
        %dma_start3A_358 = arith.constant 0 : i32
        %dma_start3A_359 = tpu.memref_slice %arg2[%dma_start3A_357, %dma_start3A_358] : memref<10112x128xf32, #tpu.memory_space<hbm>> -> memref<10112x128xf32, #tpu.memory_space<hbm>>
        tpu.enqueue_indirect_dma source(%dma_start3A_359 : memref<10112x128xf32, #tpu.memory_space<hbm>>) target(%arg22 : memref<64x128xf32, #tpu.memory_space<vmem>>) offsets(%dma_start3A_356 : memref<64xi32, #tpu.memory_space<vmem>>) semaphore(%arg26 : memref<!tpu.dma_semaphore, #tpu.memory_space<semaphore_mem>>)
      } else {
      }
      %mul3A_253 = arith.constant 4 : i32
      %mul3A_254 = arith.muli %add3A_167, %mul3A_253 : i32
      %add3A_255 = arith.constant 2 : i32
      %add3A_256 = arith.addi %mul3A_254, %add3A_255 : i32
      %dma_wait3A_257 = arith.constant 0 : i32
      %dma_wait3A_258 = tpu.memref_slice %arg9[%dma_wait3A_257] : memref<128xi32, #tpu.memory_space<vmem>> -> memref<64xi32, #tpu.memory_space<vmem>>
      %dma_wait3A_259 = arith.constant 0 : i32
      %dma_wait3A_260 = arith.constant 0 : i32
      %dma_wait3A_261 = tpu.memref_slice %arg2[%dma_wait3A_259, %dma_wait3A_260] : memref<10112x128xf32, #tpu.memory_space<hbm>> -> memref<10112x128xf32, #tpu.memory_space<hbm>>
      tpu.wait_indirect_dma semaphore(%arg25 : memref<!tpu.dma_semaphore, #tpu.memory_space<semaphore_mem>>) src(%dma_wait3A_261 : memref<10112x128xf32, #tpu.memory_space<hbm>>) dst(%arg21 : memref<64x128xf32, #tpu.memory_space<vmem>>)
      %get3A_262 = arith.constant 64 : index
      %get3A_263 = tpu.vector_load %arg9[%get3A_262] {strides = array<i32>} : memref<128xi32, #tpu.memory_space<vmem>>, vector<16xi32>,
      %swap3A_264 = arith.constant 0 : index
      %swap3A_265 = tpu.vector_load %arg13[%swap3A_264] {strides = array<i32>} : memref<64xi32, #tpu.memory_space<vmem>>, vector<16xi32>,
      tpu.vector_store %arg13[%swap3A_264], %get3A_263 {strides = array<i32>} : memref<64xi32, #tpu.memory_space<vmem>>, vector<16xi32>,
      %get3A_266 = arith.constant 80 : index
      %get3A_267 = tpu.vector_load %arg9[%get3A_266] {strides = array<i32>} : memref<128xi32, #tpu.memory_space<vmem>>, vector<16xi32>,
      %swap3A_268 = arith.constant 16 : index
      %swap3A_269 = tpu.vector_load %arg13[%swap3A_268] {strides = array<i32>} : memref<64xi32, #tpu.memory_space<vmem>>, vector<16xi32>,
      tpu.vector_store %arg13[%swap3A_268], %get3A_267 {strides = array<i32>} : memref<64xi32, #tpu.memory_space<vmem>>, vector<16xi32>,
      %get3A_270 = arith.constant 96 : index
      %get3A_271 = tpu.vector_load %arg9[%get3A_270] {strides = array<i32>} : memref<128xi32, #tpu.memory_space<vmem>>, vector<16xi32>,
      %swap3A_272 = arith.constant 32 : index
      %swap3A_273 = tpu.vector_load %arg13[%swap3A_272] {strides = array<i32>} : memref<64xi32, #tpu.memory_space<vmem>>, vector<16xi32>,
      tpu.vector_store %arg13[%swap3A_272], %get3A_271 {strides = array<i32>} : memref<64xi32, #tpu.memory_space<vmem>>, vector<16xi32>,
      %get3A_274 = arith.constant 112 : index
      %get3A_275 = tpu.vector_load %arg9[%get3A_274] {strides = array<i32>} : memref<128xi32, #tpu.memory_space<vmem>>, vector<16xi32>,
      %swap3A_276 = arith.constant 48 : index
      %swap3A_277 = tpu.vector_load %arg13[%swap3A_276] {strides = array<i32>} : memref<64xi32, #tpu.memory_space<vmem>>, vector<16xi32>,
      tpu.vector_store %arg13[%swap3A_276], %get3A_275 {strides = array<i32>} : memref<64xi32, #tpu.memory_space<vmem>>, vector<16xi32>,
      %scan3A_278 = arith.constant 0 : i32
      %scan3A_279 = arith.constant 16 : i32
      %scan3A_280 = arith.addi %scan3A_278, %scan3A_279 : i32
      %scan3A_281 = arith.constant 1 : i32
      scf.for %scan3A_343 = %scan3A_278 to %scan3A_280 step %scan3A_281  : i32 {
        %mul3A_344 = arith.constant 4 : i32
        %mul3A_345 = arith.muli %scan3A_343, %mul3A_344 : i32
        %add3A_346 = arith.constant 0 : i32
        %add3A_347 = arith.addi %add3A_346, %mul3A_345 : i32
        %add3A_348 = arith.constant 0 : i32
        %add3A_349 = arith.addi %add3A_347, %add3A_348 : i32
        %broadcast_in_dim3A = vector.broadcast %add3A_349 : i32 to vector<16xi32>
        %gather3A = tpu.vector_load_idx %arg17[%broadcast_in_dim3A] : memref<64xf32, #tpu.memory_space<vmem>>[vector<16xi32>], vector<16xf32>,
        %get3A_350 = arith.index_cast %add3A_349 : i32 to index
        %get3A_351 = arith.constant 0 : index
        %get3A_352 = tpu.vector_load %arg21[%get3A_350, %get3A_351] {strides = array<i32>} : memref<64x128xf32, #tpu.memory_space<vmem>>, vector<16xf32>,
        %mul3A_353 = arith.mulf %get3A_352, %gather3A : vector<16xf32>
        %swap3A_354 = arith.index_cast %add3A_349 : i32 to index
        %swap3A_355 = arith.constant 0 : index
        %swap3A_356 = tpu.vector_load %arg21[%swap3A_354, %swap3A_355] {strides = array<i32>} : memref<64x128xf32, #tpu.memory_space<vmem>>, vector<16xf32>,
        tpu.vector_store %arg21[%swap3A_354, %swap3A_355], %mul3A_353 {strides = array<i32>} : memref<64x128xf32, #tpu.memory_space<vmem>>, vector<16xf32>,
        %get3A_357 = arith.index_cast %add3A_349 : i32 to index
        %get3A_358 = arith.constant 16 : index
        %get3A_359 = tpu.vector_load %arg21[%get3A_357, %get3A_358] {strides = array<i32>} : memref<64x128xf32, #tpu.memory_space<vmem>>, vector<16xf32>,
        %mul3A_360 = arith.mulf %get3A_359, %gather3A : vector<16xf32>
        %swap3A_361 = arith.index_cast %add3A_349 : i32 to index
        %swap3A_362 = arith.constant 16 : index
        %swap3A_363 = tpu.vector_load %arg21[%swap3A_361, %swap3A_362] {strides = array<i32>} : memref<64x128xf32, #tpu.memory_space<vmem>>, vector<16xf32>,
        tpu.vector_store %arg21[%swap3A_361, %swap3A_362], %mul3A_360 {strides = array<i32>} : memref<64x128xf32, #tpu.memory_space<vmem>>, vector<16xf32>,
        %get3A_364 = arith.index_cast %add3A_349 : i32 to index
        %get3A_365 = arith.constant 32 : index
        %get3A_366 = tpu.vector_load %arg21[%get3A_364, %get3A_365] {strides = array<i32>} : memref<64x128xf32, #tpu.memory_space<vmem>>, vector<16xf32>,
        %mul3A_367 = arith.mulf %get3A_366, %gather3A : vector<16xf32>
        %swap3A_368 = arith.index_cast %add3A_349 : i32 to index
        %swap3A_369 = arith.constant 32 : index
        %swap3A_370 = tpu.vector_load %arg21[%swap3A_368, %swap3A_369] {strides = array<i32>} : memref<64x128xf32, #tpu.memory_space<vmem>>, vector<16xf32>,
        tpu.vector_store %arg21[%swap3A_368, %swap3A_369], %mul3A_367 {strides = array<i32>} : memref<64x128xf32, #tpu.memory_space<vmem>>, vector<16xf32>,
        %get3A_371 = arith.index_cast %add3A_349 : i32 to index
        %get3A_372 = arith.constant 48 : index
        %get3A_373 = tpu.vector_load %arg21[%get3A_371, %get3A_372] {strides = array<i32>} : memref<64x128xf32, #tpu.memory_space<vmem>>, vector<16xf32>,
        %mul3A_374 = arith.mulf %get3A_373, %gather3A : vector<16xf32>
        %swap3A_375 = arith.index_cast %add3A_349 : i32 to index
        %swap3A_376 = arith.constant 48 : index
        %swap3A_377 = tpu.vector_load %arg21[%swap3A_375, %swap3A_376] {strides = array<i32>} : memref<64x128xf32, #tpu.memory_space<vmem>>, vector<16xf32>,
        tpu.vector_store %arg21[%swap3A_375, %swap3A_376], %mul3A_374 {strides = array<i32>} : memref<64x128xf32, #tpu.memory_space<vmem>>, vector<16xf32>,
        %get3A_378 = arith.index_cast %add3A_349 : i32 to index
        %get3A_379 = arith.constant 64 : index
        %get3A_380 = tpu.vector_load %arg21[%get3A_378, %get3A_379] {strides = array<i32>} : memref<64x128xf32, #tpu.memory_space<vmem>>, vector<16xf32>,
        %mul3A_381 = arith.mulf %get3A_380, %gather3A : vector<16xf32>
        %swap3A_382 = arith.index_cast %add3A_349 : i32 to index
        %swap3A_383 = arith.constant 64 : index
        %swap3A_384 = tpu.vector_load %arg21[%swap3A_382, %swap3A_383] {strides = array<i32>} : memref<64x128xf32, #tpu.memory_space<vmem>>, vector<16xf32>,
        tpu.vector_store %arg21[%swap3A_382, %swap3A_383], %mul3A_381 {strides = array<i32>} : memref<64x128xf32, #tpu.memory_space<vmem>>, vector<16xf32>,
        %get3A_385 = arith.index_cast %add3A_349 : i32 to index
        %get3A_386 = arith.constant 80 : index
        %get3A_387 = tpu.vector_load %arg21[%get3A_385, %get3A_386] {strides = array<i32>} : memref<64x128xf32, #tpu.memory_space<vmem>>, vector<16xf32>,
        %mul3A_388 = arith.mulf %get3A_387, %gather3A : vector<16xf32>
        %swap3A_389 = arith.index_cast %add3A_349 : i32 to index
        %swap3A_390 = arith.constant 80 : index
        %swap3A_391 = tpu.vector_load %arg21[%swap3A_389, %swap3A_390] {strides = array<i32>} : memref<64x128xf32, #tpu.memory_space<vmem>>, vector<16xf32>,
        tpu.vector_store %arg21[%swap3A_389, %swap3A_390], %mul3A_388 {strides = array<i32>} : memref<64x128xf32, #tpu.memory_space<vmem>>, vector<16xf32>,
        %get3A_392 = arith.index_cast %add3A_349 : i32 to index
        %get3A_393 = arith.constant 96 : index
        %get3A_394 = tpu.vector_load %arg21[%get3A_392, %get3A_393] {strides = array<i32>} : memref<64x128xf32, #tpu.memory_space<vmem>>, vector<16xf32>,
        %mul3A_395 = arith.mulf %get3A_394, %gather3A : vector<16xf32>
        %swap3A_396 = arith.index_cast %add3A_349 : i32 to index
        %swap3A_397 = arith.constant 96 : index
        %swap3A_398 = tpu.vector_load %arg21[%swap3A_396, %swap3A_397] {strides = array<i32>} : memref<64x128xf32, #tpu.memory_space<vmem>>, vector<16xf32>,
        tpu.vector_store %arg21[%swap3A_396, %swap3A_397], %mul3A_395 {strides = array<i32>} : memref<64x128xf32, #tpu.memory_space<vmem>>, vector<16xf32>,
        %get3A_399 = arith.index_cast %add3A_349 : i32 to index
        %get3A_400 = arith.constant 112 : index
        %get3A_401 = tpu.vector_load %arg21[%get3A_399, %get3A_400] {strides = array<i32>} : memref<64x128xf32, #tpu.memory_space<vmem>>, vector<16xf32>,
        %mul3A_402 = arith.mulf %get3A_401, %gather3A : vector<16xf32>
        %swap3A_403 = arith.index_cast %add3A_349 : i32 to index
        %swap3A_404 = arith.constant 112 : index
        %swap3A_405 = tpu.vector_load %arg21[%swap3A_403, %swap3A_404] {strides = array<i32>} : memref<64x128xf32, #tpu.memory_space<vmem>>, vector<16xf32>,
        tpu.vector_store %arg21[%swap3A_403, %swap3A_404], %mul3A_402 {strides = array<i32>} : memref<64x128xf32, #tpu.memory_space<vmem>>, vector<16xf32>,
        %add3A_406 = arith.constant 1 : i32
        %add3A_407 = arith.addi %add3A_347, %add3A_406 : i32
        %broadcast_in_dim3A_408 = vector.broadcast %add3A_407 : i32 to vector<16xi32>
        %gather3A_409 = tpu.vector_load_idx %arg17[%broadcast_in_dim3A_408] : memref<64xf32, #tpu.memory_space<vmem>>[vector<16xi32>], vector<16xf32>,
        %get3A_410 = arith.index_cast %add3A_407 : i32 to index
        %get3A_411 = arith.constant 0 : index
        %get3A_412 = tpu.vector_load %arg21[%get3A_410, %get3A_411] {strides = array<i32>} : memref<64x128xf32, #tpu.memory_space<vmem>>, vector<16xf32>,
        %mul3A_413 = arith.mulf %get3A_412, %gather3A_409 : vector<16xf32>
        %swap3A_414 = arith.index_cast %add3A_407 : i32 to index
        %swap3A_415 = arith.constant 0 : index
        %swap3A_416 = tpu.vector_load %arg21[%swap3A_414, %swap3A_415] {strides = array<i32>} : memref<64x128xf32, #tpu.memory_space<vmem>>, vector<16xf32>,
        tpu.vector_store %arg21[%swap3A_414, %swap3A_415], %mul3A_413 {strides = array<i32>} : memref<64x128xf32, #tpu.memory_space<vmem>>, vector<16xf32>,
        %get3A_417 = arith.index_cast %add3A_407 : i32 to index
        %get3A_418 = arith.constant 16 : index
        %get3A_419 = tpu.vector_load %arg21[%get3A_417, %get3A_418] {strides = array<i32>} : memref<64x128xf32, #tpu.memory_space<vmem>>, vector<16xf32>,
        %mul3A_420 = arith.mulf %get3A_419, %gather3A_409 : vector<16xf32>
        %swap3A_421 = arith.index_cast %add3A_407 : i32 to index
        %swap3A_422 = arith.constant 16 : index
        %swap3A_423 = tpu.vector_load %arg21[%swap3A_421, %swap3A_422] {strides = array<i32>} : memref<64x128xf32, #tpu.memory_space<vmem>>, vector<16xf32>,
        tpu.vector_store %arg21[%swap3A_421, %swap3A_422], %mul3A_420 {strides = array<i32>} : memref<64x128xf32, #tpu.memory_space<vmem>>, vector<16xf32>,
        %get3A_424 = arith.index_cast %add3A_407 : i32 to index
        %get3A_425 = arith.constant 32 : index
        %get3A_426 = tpu.vector_load %arg21[%get3A_424, %get3A_425] {strides = array<i32>} : memref<64x128xf32, #tpu.memory_space<vmem>>, vector<16xf32>,
        %mul3A_427 = arith.mulf %get3A_426, %gather3A_409 : vector<16xf32>
        %swap3A_428 = arith.index_cast %add3A_407 : i32 to index
        %swap3A_429 = arith.constant 32 : index
        %swap3A_430 = tpu.vector_load %arg21[%swap3A_428, %swap3A_429] {strides = array<i32>} : memref<64x128xf32, #tpu.memory_space<vmem>>, vector<16xf32>,
        tpu.vector_store %arg21[%swap3A_428, %swap3A_429], %mul3A_427 {strides = array<i32>} : memref<64x128xf32, #tpu.memory_space<vmem>>, vector<16xf32>,
        %get3A_431 = arith.index_cast %add3A_407 : i32 to index
        %get3A_432 = arith.constant 48 : index
        %get3A_433 = tpu.vector_load %arg21[%get3A_431, %get3A_432] {strides = array<i32>} : memref<64x128xf32, #tpu.memory_space<vmem>>, vector<16xf32>,
        %mul3A_434 = arith.mulf %get3A_433, %gather3A_409 : vector<16xf32>
        %swap3A_435 = arith.index_cast %add3A_407 : i32 to index
        %swap3A_436 = arith.constant 48 : index
        %swap3A_437 = tpu.vector_load %arg21[%swap3A_435, %swap3A_436] {strides = array<i32>} : memref<64x128xf32, #tpu.memory_space<vmem>>, vector<16xf32>,
        tpu.vector_store %arg21[%swap3A_435, %swap3A_436], %mul3A_434 {strides = array<i32>} : memref<64x128xf32, #tpu.memory_space<vmem>>, vector<16xf32>,
        %get3A_438 = arith.index_cast %add3A_407 : i32 to index
        %get3A_439 = arith.constant 64 : index
        %get3A_440 = tpu.vector_load %arg21[%get3A_438, %get3A_439] {strides = array<i32>} : memref<64x128xf32, #tpu.memory_space<vmem>>, vector<16xf32>,
        %mul3A_441 = arith.mulf %get3A_440, %gather3A_409 : vector<16xf32>
        %swap3A_442 = arith.index_cast %add3A_407 : i32 to index
        %swap3A_443 = arith.constant 64 : index
        %swap3A_444 = tpu.vector_load %arg21[%swap3A_442, %swap3A_443] {strides = array<i32>} : memref<64x128xf32, #tpu.memory_space<vmem>>, vector<16xf32>,
        tpu.vector_store %arg21[%swap3A_442, %swap3A_443], %mul3A_441 {strides = array<i32>} : memref<64x128xf32, #tpu.memory_space<vmem>>, vector<16xf32>,
        %get3A_445 = arith.index_cast %add3A_407 : i32 to index
        %get3A_446 = arith.constant 80 : index
        %get3A_447 = tpu.vector_load %arg21[%get3A_445, %get3A_446] {strides = array<i32>} : memref<64x128xf32, #tpu.memory_space<vmem>>, vector<16xf32>,
        %mul3A_448 = arith.mulf %get3A_447, %gather3A_409 : vector<16xf32>
        %swap3A_449 = arith.index_cast %add3A_407 : i32 to index
        %swap3A_450 = arith.constant 80 : index
        %swap3A_451 = tpu.vector_load %arg21[%swap3A_449, %swap3A_450] {strides = array<i32>} : memref<64x128xf32, #tpu.memory_space<vmem>>, vector<16xf32>,
        tpu.vector_store %arg21[%swap3A_449, %swap3A_450], %mul3A_448 {strides = array<i32>} : memref<64x128xf32, #tpu.memory_space<vmem>>, vector<16xf32>,
        %get3A_452 = arith.index_cast %add3A_407 : i32 to index
        %get3A_453 = arith.constant 96 : index
        %get3A_454 = tpu.vector_load %arg21[%get3A_452, %get3A_453] {strides = array<i32>} : memref<64x128xf32, #tpu.memory_space<vmem>>, vector<16xf32>,
        %mul3A_455 = arith.mulf %get3A_454, %gather3A_409 : vector<16xf32>
        %swap3A_456 = arith.index_cast %add3A_407 : i32 to index
        %swap3A_457 = arith.constant 96 : index
        %swap3A_458 = tpu.vector_load %arg21[%swap3A_456, %swap3A_457] {strides = array<i32>} : memref<64x128xf32, #tpu.memory_space<vmem>>, vector<16xf32>,
        tpu.vector_store %arg21[%swap3A_456, %swap3A_457], %mul3A_455 {strides = array<i32>} : memref<64x128xf32, #tpu.memory_space<vmem>>, vector<16xf32>,
        %get3A_459 = arith.index_cast %add3A_407 : i32 to index
        %get3A_460 = arith.constant 112 : index
        %get3A_461 = tpu.vector_load %arg21[%get3A_459, %get3A_460] {strides = array<i32>} : memref<64x128xf32, #tpu.memory_space<vmem>>, vector<16xf32>,
        %mul3A_462 = arith.mulf %get3A_461, %gather3A_409 : vector<16xf32>
        %swap3A_463 = arith.index_cast %add3A_407 : i32 to index
        %swap3A_464 = arith.constant 112 : index
        %swap3A_465 = tpu.vector_load %arg21[%swap3A_463, %swap3A_464] {strides = array<i32>} : memref<64x128xf32, #tpu.memory_space<vmem>>, vector<16xf32>,
        tpu.vector_store %arg21[%swap3A_463, %swap3A_464], %mul3A_462 {strides = array<i32>} : memref<64x128xf32, #tpu.memory_space<vmem>>, vector<16xf32>,
        %add3A_466 = arith.constant 2 : i32
        %add3A_467 = arith.addi %add3A_347, %add3A_466 : i32
        %broadcast_in_dim3A_468 = vector.broadcast %add3A_467 : i32 to vector<16xi32>
        %gather3A_469 = tpu.vector_load_idx %arg17[%broadcast_in_dim3A_468] : memref<64xf32, #tpu.memory_space<vmem>>[vector<16xi32>], vector<16xf32>,
        %get3A_470 = arith.index_cast %add3A_467 : i32 to index
        %get3A_471 = arith.constant 0 : index
        %get3A_472 = tpu.vector_load %arg21[%get3A_470, %get3A_471] {strides = array<i32>} : memref<64x128xf32, #tpu.memory_space<vmem>>, vector<16xf32>,
        %mul3A_473 = arith.mulf %get3A_472, %gather3A_469 : vector<16xf32>
        %swap3A_474 = arith.index_cast %add3A_467 : i32 to index
        %swap3A_475 = arith.constant 0 : index
        %swap3A_476 = tpu.vector_load %arg21[%swap3A_474, %swap3A_475] {strides = array<i32>} : memref<64x128xf32, #tpu.memory_space<vmem>>, vector<16xf32>,
        tpu.vector_store %arg21[%swap3A_474, %swap3A_475], %mul3A_473 {strides = array<i32>} : memref<64x128xf32, #tpu.memory_space<vmem>>, vector<16xf32>,
        %get3A_477 = arith.index_cast %add3A_467 : i32 to index
        %get3A_478 = arith.constant 16 : index
        %get3A_479 = tpu.vector_load %arg21[%get3A_477, %get3A_478] {strides = array<i32>} : memref<64x128xf32, #tpu.memory_space<vmem>>, vector<16xf32>,
        %mul3A_480 = arith.mulf %get3A_479, %gather3A_469 : vector<16xf32>
        %swap3A_481 = arith.index_cast %add3A_467 : i32 to index
        %swap3A_482 = arith.constant 16 : index
        %swap3A_483 = tpu.vector_load %arg21[%swap3A_481, %swap3A_482] {strides = array<i32>} : memref<64x128xf32, #tpu.memory_space<vmem>>, vector<16xf32>,
        tpu.vector_store %arg21[%swap3A_481, %swap3A_482], %mul3A_480 {strides = array<i32>} : memref<64x128xf32, #tpu.memory_space<vmem>>, vector<16xf32>,
        %get3A_484 = arith.index_cast %add3A_467 : i32 to index
        %get3A_485 = arith.constant 32 : index
        %get3A_486 = tpu.vector_load %arg21[%get3A_484, %get3A_485] {strides = array<i32>} : memref<64x128xf32, #tpu.memory_space<vmem>>, vector<16xf32>,
        %mul3A_487 = arith.mulf %get3A_486, %gather3A_469 : vector<16xf32>
        %swap3A_488 = arith.index_cast %add3A_467 : i32 to index
        %swap3A_489 = arith.constant 32 : index
        %swap3A_490 = tpu.vector_load %arg21[%swap3A_488, %swap3A_489] {strides = array<i32>} : memref<64x128xf32, #tpu.memory_space<vmem>>, vector<16xf32>,
        tpu.vector_store %arg21[%swap3A_488, %swap3A_489], %mul3A_487 {strides = array<i32>} : memref<64x128xf32, #tpu.memory_space<vmem>>, vector<16xf32>,
        %get3A_491 = arith.index_cast %add3A_467 : i32 to index
        %get3A_492 = arith.constant 48 : index
        %get3A_493 = tpu.vector_load %arg21[%get3A_491, %get3A_492] {strides = array<i32>} : memref<64x128xf32, #tpu.memory_space<vmem>>, vector<16xf32>,
        %mul3A_494 = arith.mulf %get3A_493, %gather3A_469 : vector<16xf32>
        %swap3A_495 = arith.index_cast %add3A_467 : i32 to index
        %swap3A_496 = arith.constant 48 : index
        %swap3A_497 = tpu.vector_load %arg21[%swap3A_495, %swap3A_496] {strides = array<i32>} : memref<64x128xf32, #tpu.memory_space<vmem>>, vector<16xf32>,
        tpu.vector_store %arg21[%swap3A_495, %swap3A_496], %mul3A_494 {strides = array<i32>} : memref<64x128xf32, #tpu.memory_space<vmem>>, vector<16xf32>,
        %get3A_498 = arith.index_cast %add3A_467 : i32 to index
        %get3A_499 = arith.constant 64 : index
        %get3A_500 = tpu.vector_load %arg21[%get3A_498, %get3A_499] {strides = array<i32>} : memref<64x128xf32, #tpu.memory_space<vmem>>, vector<16xf32>,
        %mul3A_501 = arith.mulf %get3A_500, %gather3A_469 : vector<16xf32>
        %swap3A_502 = arith.index_cast %add3A_467 : i32 to index
        %swap3A_503 = arith.constant 64 : index
        %swap3A_504 = tpu.vector_load %arg21[%swap3A_502, %swap3A_503] {strides = array<i32>} : memref<64x128xf32, #tpu.memory_space<vmem>>, vector<16xf32>,
        tpu.vector_store %arg21[%swap3A_502, %swap3A_503], %mul3A_501 {strides = array<i32>} : memref<64x128xf32, #tpu.memory_space<vmem>>, vector<16xf32>,
        %get3A_505 = arith.index_cast %add3A_467 : i32 to index
        %get3A_506 = arith.constant 80 : index
        %get3A_507 = tpu.vector_load %arg21[%get3A_505, %get3A_506] {strides = array<i32>} : memref<64x128xf32, #tpu.memory_space<vmem>>, vector<16xf32>,
        %mul3A_508 = arith.mulf %get3A_507, %gather3A_469 : vector<16xf32>
        %swap3A_509 = arith.index_cast %add3A_467 : i32 to index
        %swap3A_510 = arith.constant 80 : index
        %swap3A_511 = tpu.vector_load %arg21[%swap3A_509, %swap3A_510] {strides = array<i32>} : memref<64x128xf32, #tpu.memory_space<vmem>>, vector<16xf32>,
        tpu.vector_store %arg21[%swap3A_509, %swap3A_510], %mul3A_508 {strides = array<i32>} : memref<64x128xf32, #tpu.memory_space<vmem>>, vector<16xf32>,
        %get3A_512 = arith.index_cast %add3A_467 : i32 to index
        %get3A_513 = arith.constant 96 : index
        %get3A_514 = tpu.vector_load %arg21[%get3A_512, %get3A_513] {strides = array<i32>} : memref<64x128xf32, #tpu.memory_space<vmem>>, vector<16xf32>,
        %mul3A_515 = arith.mulf %get3A_514, %gather3A_469 : vector<16xf32>
        %swap3A_516 = arith.index_cast %add3A_467 : i32 to index
        %swap3A_517 = arith.constant 96 : index
        %swap3A_518 = tpu.vector_load %arg21[%swap3A_516, %swap3A_517] {strides = array<i32>} : memref<64x128xf32, #tpu.memory_space<vmem>>, vector<16xf32>,
        tpu.vector_store %arg21[%swap3A_516, %swap3A_517], %mul3A_515 {strides = array<i32>} : memref<64x128xf32, #tpu.memory_space<vmem>>, vector<16xf32>,
        %get3A_519 = arith.index_cast %add3A_467 : i32 to index
        %get3A_520 = arith.constant 112 : index
        %get3A_521 = tpu.vector_load %arg21[%get3A_519, %get3A_520] {strides = array<i32>} : memref<64x128xf32, #tpu.memory_space<vmem>>, vector<16xf32>,
        %mul3A_522 = arith.mulf %get3A_521, %gather3A_469 : vector<16xf32>
        %swap3A_523 = arith.index_cast %add3A_467 : i32 to index
        %swap3A_524 = arith.constant 112 : index
        %swap3A_525 = tpu.vector_load %arg21[%swap3A_523, %swap3A_524] {strides = array<i32>} : memref<64x128xf32, #tpu.memory_space<vmem>>, vector<16xf32>,
        tpu.vector_store %arg21[%swap3A_523, %swap3A_524], %mul3A_522 {strides = array<i32>} : memref<64x128xf32, #tpu.memory_space<vmem>>, vector<16xf32>,
        %add3A_526 = arith.constant 3 : i32
        %add3A_527 = arith.addi %add3A_347, %add3A_526 : i32
        %broadcast_in_dim3A_528 = vector.broadcast %add3A_527 : i32 to vector<16xi32>
        %gather3A_529 = tpu.vector_load_idx %arg17[%broadcast_in_dim3A_528] : memref<64xf32, #tpu.memory_space<vmem>>[vector<16xi32>], vector<16xf32>,
        %get3A_530 = arith.index_cast %add3A_527 : i32 to index
        %get3A_531 = arith.constant 0 : index
        %get3A_532 = tpu.vector_load %arg21[%get3A_530, %get3A_531] {strides = array<i32>} : memref<64x128xf32, #tpu.memory_space<vmem>>, vector<16xf32>,
        %mul3A_533 = arith.mulf %get3A_532, %gather3A_529 : vector<16xf32>
        %swap3A_534 = arith.index_cast %add3A_527 : i32 to index
        %swap3A_535 = arith.constant 0 : index
        %swap3A_536 = tpu.vector_load %arg21[%swap3A_534, %swap3A_535] {strides = array<i32>} : memref<64x128xf32, #tpu.memory_space<vmem>>, vector<16xf32>,
        tpu.vector_store %arg21[%swap3A_534, %swap3A_535], %mul3A_533 {strides = array<i32>} : memref<64x128xf32, #tpu.memory_space<vmem>>, vector<16xf32>,
        %get3A_537 = arith.index_cast %add3A_527 : i32 to index
        %get3A_538 = arith.constant 16 : index
        %get3A_539 = tpu.vector_load %arg21[%get3A_537, %get3A_538] {strides = array<i32>} : memref<64x128xf32, #tpu.memory_space<vmem>>, vector<16xf32>,
        %mul3A_540 = arith.mulf %get3A_539, %gather3A_529 : vector<16xf32>
        %swap3A_541 = arith.index_cast %add3A_527 : i32 to index
        %swap3A_542 = arith.constant 16 : index
        %swap3A_543 = tpu.vector_load %arg21[%swap3A_541, %swap3A_542] {strides = array<i32>} : memref<64x128xf32, #tpu.memory_space<vmem>>, vector<16xf32>,
        tpu.vector_store %arg21[%swap3A_541, %swap3A_542], %mul3A_540 {strides = array<i32>} : memref<64x128xf32, #tpu.memory_space<vmem>>, vector<16xf32>,
        %get3A_544 = arith.index_cast %add3A_527 : i32 to index
        %get3A_545 = arith.constant 32 : index
        %get3A_546 = tpu.vector_load %arg21[%get3A_544, %get3A_545] {strides = array<i32>} : memref<64x128xf32, #tpu.memory_space<vmem>>, vector<16xf32>,
        %mul3A_547 = arith.mulf %get3A_546, %gather3A_529 : vector<16xf32>
        %swap3A_548 = arith.index_cast %add3A_527 : i32 to index
        %swap3A_549 = arith.constant 32 : index
        %swap3A_550 = tpu.vector_load %arg21[%swap3A_548, %swap3A_549] {strides = array<i32>} : memref<64x128xf32, #tpu.memory_space<vmem>>, vector<16xf32>,
        tpu.vector_store %arg21[%swap3A_548, %swap3A_549], %mul3A_547 {strides = array<i32>} : memref<64x128xf32, #tpu.memory_space<vmem>>, vector<16xf32>,
        %get3A_551 = arith.index_cast %add3A_527 : i32 to index
        %get3A_552 = arith.constant 48 : index
        %get3A_553 = tpu.vector_load %arg21[%get3A_551, %get3A_552] {strides = array<i32>} : memref<64x128xf32, #tpu.memory_space<vmem>>, vector<16xf32>,
        %mul3A_554 = arith.mulf %get3A_553, %gather3A_529 : vector<16xf32>
        %swap3A_555 = arith.index_cast %add3A_527 : i32 to index
        %swap3A_556 = arith.constant 48 : index
        %swap3A_557 = tpu.vector_load %arg21[%swap3A_555, %swap3A_556] {strides = array<i32>} : memref<64x128xf32, #tpu.memory_space<vmem>>, vector<16xf32>,
        tpu.vector_store %arg21[%swap3A_555, %swap3A_556], %mul3A_554 {strides = array<i32>} : memref<64x128xf32, #tpu.memory_space<vmem>>, vector<16xf32>,
        %get3A_558 = arith.index_cast %add3A_527 : i32 to index
        %get3A_559 = arith.constant 64 : index
        %get3A_560 = tpu.vector_load %arg21[%get3A_558, %get3A_559] {strides = array<i32>} : memref<64x128xf32, #tpu.memory_space<vmem>>, vector<16xf32>,
        %mul3A_561 = arith.mulf %get3A_560, %gather3A_529 : vector<16xf32>
        %swap3A_562 = arith.index_cast %add3A_527 : i32 to index
        %swap3A_563 = arith.constant 64 : index
        %swap3A_564 = tpu.vector_load %arg21[%swap3A_562, %swap3A_563] {strides = array<i32>} : memref<64x128xf32, #tpu.memory_space<vmem>>, vector<16xf32>,
        tpu.vector_store %arg21[%swap3A_562, %swap3A_563], %mul3A_561 {strides = array<i32>} : memref<64x128xf32, #tpu.memory_space<vmem>>, vector<16xf32>,
        %get3A_565 = arith.index_cast %add3A_527 : i32 to index
        %get3A_566 = arith.constant 80 : index
        %get3A_567 = tpu.vector_load %arg21[%get3A_565, %get3A_566] {strides = array<i32>} : memref<64x128xf32, #tpu.memory_space<vmem>>, vector<16xf32>,
        %mul3A_568 = arith.mulf %get3A_567, %gather3A_529 : vector<16xf32>
        %swap3A_569 = arith.index_cast %add3A_527 : i32 to index
        %swap3A_570 = arith.constant 80 : index
        %swap3A_571 = tpu.vector_load %arg21[%swap3A_569, %swap3A_570] {strides = array<i32>} : memref<64x128xf32, #tpu.memory_space<vmem>>, vector<16xf32>,
        tpu.vector_store %arg21[%swap3A_569, %swap3A_570], %mul3A_568 {strides = array<i32>} : memref<64x128xf32, #tpu.memory_space<vmem>>, vector<16xf32>,
        %get3A_572 = arith.index_cast %add3A_527 : i32 to index
        %get3A_573 = arith.constant 96 : index
        %get3A_574 = tpu.vector_load %arg21[%get3A_572, %get3A_573] {strides = array<i32>} : memref<64x128xf32, #tpu.memory_space<vmem>>, vector<16xf32>,
        %mul3A_575 = arith.mulf %get3A_574, %gather3A_529 : vector<16xf32>
        %swap3A_576 = arith.index_cast %add3A_527 : i32 to index
        %swap3A_577 = arith.constant 96 : index
        %swap3A_578 = tpu.vector_load %arg21[%swap3A_576, %swap3A_577] {strides = array<i32>} : memref<64x128xf32, #tpu.memory_space<vmem>>, vector<16xf32>,
        tpu.vector_store %arg21[%swap3A_576, %swap3A_577], %mul3A_575 {strides = array<i32>} : memref<64x128xf32, #tpu.memory_space<vmem>>, vector<16xf32>,
        %get3A_579 = arith.index_cast %add3A_527 : i32 to index
        %get3A_580 = arith.constant 112 : index
        %get3A_581 = tpu.vector_load %arg21[%get3A_579, %get3A_580] {strides = array<i32>} : memref<64x128xf32, #tpu.memory_space<vmem>>, vector<16xf32>,
        %mul3A_582 = arith.mulf %get3A_581, %gather3A_529 : vector<16xf32>
        %swap3A_583 = arith.index_cast %add3A_527 : i32 to index
        %swap3A_584 = arith.constant 112 : index
        %swap3A_585 = tpu.vector_load %arg21[%swap3A_583, %swap3A_584] {strides = array<i32>} : memref<64x128xf32, #tpu.memory_space<vmem>>, vector<16xf32>,
        tpu.vector_store %arg21[%swap3A_583, %swap3A_584], %mul3A_582 {strides = array<i32>} : memref<64x128xf32, #tpu.memory_space<vmem>>, vector<16xf32>,
      }
      %scan3A_282 = arith.constant 16 : i32
      %dma_start3A_283 = arith.constant 0 : i32
      %dma_start3A_284 = arith.constant 0 : i32
      %dma_start3A_285 = tpu.memref_slice %arg6[%dma_start3A_283, %dma_start3A_284] : memref<10112x128xf32, #tpu.memory_space<vmem_shared>> -> memref<10112x128xf32, #tpu.memory_space<vmem_shared>>
      tpu.enqueue_indirect_dma source(%arg21 : memref<64x128xf32, #tpu.memory_space<vmem>>) target(%dma_start3A_285 : memref<10112x128xf32, #tpu.memory_space<vmem_shared>>) offsets(%arg13 : memref<64xi32, #tpu.memory_space<vmem>>) semaphore(%arg29 : memref<!tpu.dma_semaphore, #tpu.memory_space<semaphore_mem>>) {add = true}
      %add3A_286 = arith.constant 4 : i32
      %add3A_287 = arith.addi %add3A_256, %add3A_286 : i32
      %lt3A_288 = arith.cmpi slt, %add3A_287, %select_n3A : i32
      %convert_element_type3A_289 = arith.extui %lt3A_288 : i1 to i32
      %cond3A_290 = arith.constant 0 : i32
      %cond3A_291 = arith.cmpi ne, %convert_element_type3A_289, %cond3A_290 : i32
      scf.if %cond3A_291 {
        %add3A_343 = arith.constant 4 : i32
        %add3A_344 = arith.addi %add3A_256, %add3A_343 : i32
        %mul3A_345 = arith.constant 2 : i32
        %mul3A_346 = arith.muli %add3A_344, %mul3A_345 : i32
        %mul3A_347 = arith.constant 64 : i32
        %mul3A_348 = arith.muli %mul3A_346, %mul3A_347 : i32
        %add3A_349 = arith.addi %mul3A_9, %mul3A_348 : i32
        %dma_start3A_350 = tpu.memref_slice %arg3[%add3A_349] : memref<655360xi32, #tpu.memory_space<hbm>> -> memref<128xi32, #tpu.memory_space<hbm>>
        %dma_start3A_351 = tpu.memref_slice %arg3[%add3A_349] : memref<655360xi32, #tpu.memory_space<hbm>> -> memref<128xi32, #tpu.memory_space<hbm>>
        tpu.enqueue_dma source(%dma_start3A_351 : memref<128xi32, #tpu.memory_space<hbm>>) target(%arg9 : memref<128xi32, #tpu.memory_space<vmem>>) target_semaphore(%arg33 : memref<!tpu.dma_semaphore, #tpu.memory_space<semaphore_mem>>)
        %mul3A_352 = arith.constant 64 : i32
        %mul3A_353 = arith.muli %add3A_344, %mul3A_352 : i32
        %add3A_354 = arith.addi %mul3A_11, %mul3A_353 : i32
        %dma_start3A_355 = tpu.memref_slice %arg4[%add3A_354] : memref<327680xf32, #tpu.memory_space<hbm>> -> memref<64xf32, #tpu.memory_space<hbm>>
        %dma_start3A_356 = tpu.memref_slice %arg4[%add3A_354] : memref<327680xf32, #tpu.memory_space<hbm>> -> memref<64xf32, #tpu.memory_space<hbm>>
        tpu.enqueue_dma source(%dma_start3A_356 : memref<64xf32, #tpu.memory_space<hbm>>) target(%arg17 : memref<64xf32, #tpu.memory_space<vmem>>) target_semaphore(%arg33 : memref<!tpu.dma_semaphore, #tpu.memory_space<semaphore_mem>>)
      } else {
      }
      %add3A_292 = arith.constant 2 : i32
      %add3A_293 = arith.addi %add3A_256, %add3A_292 : i32
      %lt3A_294 = arith.cmpi slt, %add3A_293, %select_n3A : i32
      %convert_element_type3A_295 = arith.extui %lt3A_294 : i1 to i32
      %cond3A_296 = arith.constant 0 : i32
      %cond3A_297 = arith.cmpi ne, %convert_element_type3A_295, %cond3A_296 : i32
      scf.if %cond3A_297 {
        %dma_wait3A_343 = arith.constant 0 : i32
        %dma_wait3A_344 = arith.constant 0 : i32
        %dma_wait3A_345 = tpu.memref_slice %arg6[%dma_wait3A_343, %dma_wait3A_344] : memref<10112x128xf32, #tpu.memory_space<vmem_shared>> -> memref<10112x128xf32, #tpu.memory_space<vmem_shared>>
        tpu.wait_indirect_dma semaphore(%arg27 : memref<!tpu.dma_semaphore, #tpu.memory_space<semaphore_mem>>) src(%arg19 : memref<64x128xf32, #tpu.memory_space<vmem>>) dst(%dma_wait3A_345 : memref<10112x128xf32, #tpu.memory_space<vmem_shared>>)
        %dma_wait3A_346 = arith.constant 0 : i32
        %dma_wait3A_347 = tpu.memref_slice %arg3[%dma_wait3A_346] : memref<655360xi32, #tpu.memory_space<hbm>> -> memref<128xi32, #tpu.memory_space<hbm>>
        %dma_wait3A_348 = arith.constant 0 : i32
        %dma_wait3A_349 = tpu.memref_slice %arg3[%dma_wait3A_348] : memref<655360xi32, #tpu.memory_space<hbm>> -> memref<128xi32, #tpu.memory_space<hbm>>
        tpu.wait_dma2 semaphore(%arg31 : memref<!tpu.dma_semaphore, #tpu.memory_space<semaphore_mem>>) src(%dma_wait3A_349 : memref<128xi32, #tpu.memory_space<hbm>>) dst(%arg7 : memref<128xi32, #tpu.memory_space<vmem>>)
        %dma_wait3A_350 = arith.constant 0 : i32
        %dma_wait3A_351 = tpu.memref_slice %arg4[%dma_wait3A_350] : memref<327680xf32, #tpu.memory_space<hbm>> -> memref<64xf32, #tpu.memory_space<hbm>>
        %dma_wait3A_352 = arith.constant 0 : i32
        %dma_wait3A_353 = tpu.memref_slice %arg4[%dma_wait3A_352] : memref<327680xf32, #tpu.memory_space<hbm>> -> memref<64xf32, #tpu.memory_space<hbm>>
        tpu.wait_dma2 semaphore(%arg31 : memref<!tpu.dma_semaphore, #tpu.memory_space<semaphore_mem>>) src(%dma_wait3A_353 : memref<64xf32, #tpu.memory_space<hbm>>) dst(%arg15 : memref<64xf32, #tpu.memory_space<vmem>>)
        %dma_start3A_354 = arith.constant 0 : i32
        %dma_start3A_355 = tpu.memref_slice %arg7[%dma_start3A_354] : memref<128xi32, #tpu.memory_space<vmem>> -> memref<64xi32, #tpu.memory_space<vmem>>
        %dma_start3A_356 = arith.constant 0 : i32
        %dma_start3A_357 = arith.constant 0 : i32
        %dma_start3A_358 = tpu.memref_slice %arg2[%dma_start3A_356, %dma_start3A_357] : memref<10112x128xf32, #tpu.memory_space<hbm>> -> memref<10112x128xf32, #tpu.memory_space<hbm>>
        tpu.enqueue_indirect_dma source(%dma_start3A_358 : memref<10112x128xf32, #tpu.memory_space<hbm>>) target(%arg19 : memref<64x128xf32, #tpu.memory_space<vmem>>) offsets(%dma_start3A_355 : memref<64xi32, #tpu.memory_space<vmem>>) semaphore(%arg23 : memref<!tpu.dma_semaphore, #tpu.memory_space<semaphore_mem>>)
      } else {
      }
      %mul3A_298 = arith.constant 4 : i32
      %mul3A_299 = arith.muli %add3A_167, %mul3A_298 : i32
      %add3A_300 = arith.constant 3 : i32
      %add3A_301 = arith.addi %mul3A_299, %add3A_300 : i32
      %dma_wait3A_302 = arith.constant 0 : i32
      %dma_wait3A_303 = tpu.memref_slice %arg10[%dma_wait3A_302] : memref<128xi32, #tpu.memory_space<vmem>> -> memref<64xi32, #tpu.memory_space<vmem>>
      %dma_wait3A_304 = arith.constant 0 : i32
      %dma_wait3A_305 = arith.constant 0 : i32
      %dma_wait3A_306 = tpu.memref_slice %arg2[%dma_wait3A_304, %dma_wait3A_305] : memref<10112x128xf32, #tpu.memory_space<hbm>> -> memref<10112x128xf32, #tpu.memory_space<hbm>>
      tpu.wait_indirect_dma semaphore(%arg26 : memref<!tpu.dma_semaphore, #tpu.memory_space<semaphore_mem>>) src(%dma_wait3A_306 : memref<10112x128xf32, #tpu.memory_space<hbm>>) dst(%arg22 : memref<64x128xf32, #tpu.memory_space<vmem>>)
      %get3A_307 = arith.constant 64 : index
      %get3A_308 = tpu.vector_load %arg10[%get3A_307] {strides = array<i32>} : memref<128xi32, #tpu.memory_space<vmem>>, vector<16xi32>,
      %swap3A_309 = arith.constant 0 : index
      %swap3A_310 = tpu.vector_load %arg14[%swap3A_309] {strides = array<i32>} : memref<64xi32, #tpu.memory_space<vmem>>, vector<16xi32>,
      tpu.vector_store %arg14[%swap3A_309], %get3A_308 {strides = array<i32>} : memref<64xi32, #tpu.memory_space<vmem>>, vector<16xi32>,
      %get3A_311 = arith.constant 80 : index
      %get3A_312 = tpu.vector_load %arg10[%get3A_311] {strides = array<i32>} : memref<128xi32, #tpu.memory_space<vmem>>, vector<16xi32>,
      %swap3A_313 = arith.constant 16 : index
      %swap3A_314 = tpu.vector_load %arg14[%swap3A_313] {strides = array<i32>} : memref<64xi32, #tpu.memory_space<vmem>>, vector<16xi32>,
      tpu.vector_store %arg14[%swap3A_313], %get3A_312 {strides = array<i32>} : memref<64xi32, #tpu.memory_space<vmem>>, vector<16xi32>,
      %get3A_315 = arith.constant 96 : index
      %get3A_316 = tpu.vector_load %arg10[%get3A_315] {strides = array<i32>} : memref<128xi32, #tpu.memory_space<vmem>>, vector<16xi32>,
      %swap3A_317 = arith.constant 32 : index
      %swap3A_318 = tpu.vector_load %arg14[%swap3A_317] {strides = array<i32>} : memref<64xi32, #tpu.memory_space<vmem>>, vector<16xi32>,
      tpu.vector_store %arg14[%swap3A_317], %get3A_316 {strides = array<i32>} : memref<64xi32, #tpu.memory_space<vmem>>, vector<16xi32>,
      %get3A_319 = arith.constant 112 : index
      %get3A_320 = tpu.vector_load %arg10[%get3A_319] {strides = array<i32>} : memref<128xi32, #tpu.memory_space<vmem>>, vector<16xi32>,
      %swap3A_321 = arith.constant 48 : index
      %swap3A_322 = tpu.vector_load %arg14[%swap3A_321] {strides = array<i32>} : memref<64xi32, #tpu.memory_space<vmem>>, vector<16xi32>,
      tpu.vector_store %arg14[%swap3A_321], %get3A_320 {strides = array<i32>} : memref<64xi32, #tpu.memory_space<vmem>>, vector<16xi32>,
      %scan3A_323 = arith.constant 0 : i32
      %scan3A_324 = arith.constant 16 : i32
      %scan3A_325 = arith.addi %scan3A_323, %scan3A_324 : i32
      %scan3A_326 = arith.constant 1 : i32
      scf.for %scan3A_343 = %scan3A_323 to %scan3A_325 step %scan3A_326  : i32 {
        %mul3A_344 = arith.constant 4 : i32
        %mul3A_345 = arith.muli %scan3A_343, %mul3A_344 : i32
        %add3A_346 = arith.constant 0 : i32
        %add3A_347 = arith.addi %add3A_346, %mul3A_345 : i32
        %add3A_348 = arith.constant 0 : i32
        %add3A_349 = arith.addi %add3A_347, %add3A_348 : i32
        %broadcast_in_dim3A = vector.broadcast %add3A_349 : i32 to vector<16xi32>
        %gather3A = tpu.vector_load_idx %arg18[%broadcast_in_dim3A] : memref<64xf32, #tpu.memory_space<vmem>>[vector<16xi32>], vector<16xf32>,
        %get3A_350 = arith.index_cast %add3A_349 : i32 to index
        %get3A_351 = arith.constant 0 : index
        %get3A_352 = tpu.vector_load %arg22[%get3A_350, %get3A_351] {strides = array<i32>} : memref<64x128xf32, #tpu.memory_space<vmem>>, vector<16xf32>,
        %mul3A_353 = arith.mulf %get3A_352, %gather3A : vector<16xf32>
        %swap3A_354 = arith.index_cast %add3A_349 : i32 to index
        %swap3A_355 = arith.constant 0 : index
        %swap3A_356 = tpu.vector_load %arg22[%swap3A_354, %swap3A_355] {strides = array<i32>} : memref<64x128xf32, #tpu.memory_space<vmem>>, vector<16xf32>,
        tpu.vector_store %arg22[%swap3A_354, %swap3A_355], %mul3A_353 {strides = array<i32>} : memref<64x128xf32, #tpu.memory_space<vmem>>, vector<16xf32>,
        %get3A_357 = arith.index_cast %add3A_349 : i32 to index
        %get3A_358 = arith.constant 16 : index
        %get3A_359 = tpu.vector_load %arg22[%get3A_357, %get3A_358] {strides = array<i32>} : memref<64x128xf32, #tpu.memory_space<vmem>>, vector<16xf32>,
        %mul3A_360 = arith.mulf %get3A_359, %gather3A : vector<16xf32>
        %swap3A_361 = arith.index_cast %add3A_349 : i32 to index
        %swap3A_362 = arith.constant 16 : index
        %swap3A_363 = tpu.vector_load %arg22[%swap3A_361, %swap3A_362] {strides = array<i32>} : memref<64x128xf32, #tpu.memory_space<vmem>>, vector<16xf32>,
        tpu.vector_store %arg22[%swap3A_361, %swap3A_362], %mul3A_360 {strides = array<i32>} : memref<64x128xf32, #tpu.memory_space<vmem>>, vector<16xf32>,
        %get3A_364 = arith.index_cast %add3A_349 : i32 to index
        %get3A_365 = arith.constant 32 : index
        %get3A_366 = tpu.vector_load %arg22[%get3A_364, %get3A_365] {strides = array<i32>} : memref<64x128xf32, #tpu.memory_space<vmem>>, vector<16xf32>,
        %mul3A_367 = arith.mulf %get3A_366, %gather3A : vector<16xf32>
        %swap3A_368 = arith.index_cast %add3A_349 : i32 to index
        %swap3A_369 = arith.constant 32 : index
        %swap3A_370 = tpu.vector_load %arg22[%swap3A_368, %swap3A_369] {strides = array<i32>} : memref<64x128xf32, #tpu.memory_space<vmem>>, vector<16xf32>,
        tpu.vector_store %arg22[%swap3A_368, %swap3A_369], %mul3A_367 {strides = array<i32>} : memref<64x128xf32, #tpu.memory_space<vmem>>, vector<16xf32>,
        %get3A_371 = arith.index_cast %add3A_349 : i32 to index
        %get3A_372 = arith.constant 48 : index
        %get3A_373 = tpu.vector_load %arg22[%get3A_371, %get3A_372] {strides = array<i32>} : memref<64x128xf32, #tpu.memory_space<vmem>>, vector<16xf32>,
        %mul3A_374 = arith.mulf %get3A_373, %gather3A : vector<16xf32>
        %swap3A_375 = arith.index_cast %add3A_349 : i32 to index
        %swap3A_376 = arith.constant 48 : index
        %swap3A_377 = tpu.vector_load %arg22[%swap3A_375, %swap3A_376] {strides = array<i32>} : memref<64x128xf32, #tpu.memory_space<vmem>>, vector<16xf32>,
        tpu.vector_store %arg22[%swap3A_375, %swap3A_376], %mul3A_374 {strides = array<i32>} : memref<64x128xf32, #tpu.memory_space<vmem>>, vector<16xf32>,
        %get3A_378 = arith.index_cast %add3A_349 : i32 to index
        %get3A_379 = arith.constant 64 : index
        %get3A_380 = tpu.vector_load %arg22[%get3A_378, %get3A_379] {strides = array<i32>} : memref<64x128xf32, #tpu.memory_space<vmem>>, vector<16xf32>,
        %mul3A_381 = arith.mulf %get3A_380, %gather3A : vector<16xf32>
        %swap3A_382 = arith.index_cast %add3A_349 : i32 to index
        %swap3A_383 = arith.constant 64 : index
        %swap3A_384 = tpu.vector_load %arg22[%swap3A_382, %swap3A_383] {strides = array<i32>} : memref<64x128xf32, #tpu.memory_space<vmem>>, vector<16xf32>,
        tpu.vector_store %arg22[%swap3A_382, %swap3A_383], %mul3A_381 {strides = array<i32>} : memref<64x128xf32, #tpu.memory_space<vmem>>, vector<16xf32>,
        %get3A_385 = arith.index_cast %add3A_349 : i32 to index
        %get3A_386 = arith.constant 80 : index
        %get3A_387 = tpu.vector_load %arg22[%get3A_385, %get3A_386] {strides = array<i32>} : memref<64x128xf32, #tpu.memory_space<vmem>>, vector<16xf32>,
        %mul3A_388 = arith.mulf %get3A_387, %gather3A : vector<16xf32>
        %swap3A_389 = arith.index_cast %add3A_349 : i32 to index
        %swap3A_390 = arith.constant 80 : index
        %swap3A_391 = tpu.vector_load %arg22[%swap3A_389, %swap3A_390] {strides = array<i32>} : memref<64x128xf32, #tpu.memory_space<vmem>>, vector<16xf32>,
        tpu.vector_store %arg22[%swap3A_389, %swap3A_390], %mul3A_388 {strides = array<i32>} : memref<64x128xf32, #tpu.memory_space<vmem>>, vector<16xf32>,
        %get3A_392 = arith.index_cast %add3A_349 : i32 to index
        %get3A_393 = arith.constant 96 : index
        %get3A_394 = tpu.vector_load %arg22[%get3A_392, %get3A_393] {strides = array<i32>} : memref<64x128xf32, #tpu.memory_space<vmem>>, vector<16xf32>,
        %mul3A_395 = arith.mulf %get3A_394, %gather3A : vector<16xf32>
        %swap3A_396 = arith.index_cast %add3A_349 : i32 to index
        %swap3A_397 = arith.constant 96 : index
        %swap3A_398 = tpu.vector_load %arg22[%swap3A_396, %swap3A_397] {strides = array<i32>} : memref<64x128xf32, #tpu.memory_space<vmem>>, vector<16xf32>,
        tpu.vector_store %arg22[%swap3A_396, %swap3A_397], %mul3A_395 {strides = array<i32>} : memref<64x128xf32, #tpu.memory_space<vmem>>, vector<16xf32>,
        %get3A_399 = arith.index_cast %add3A_349 : i32 to index
        %get3A_400 = arith.constant 112 : index
        %get3A_401 = tpu.vector_load %arg22[%get3A_399, %get3A_400] {strides = array<i32>} : memref<64x128xf32, #tpu.memory_space<vmem>>, vector<16xf32>,
        %mul3A_402 = arith.mulf %get3A_401, %gather3A : vector<16xf32>
        %swap3A_403 = arith.index_cast %add3A_349 : i32 to index
        %swap3A_404 = arith.constant 112 : index
        %swap3A_405 = tpu.vector_load %arg22[%swap3A_403, %swap3A_404] {strides = array<i32>} : memref<64x128xf32, #tpu.memory_space<vmem>>, vector<16xf32>,
        tpu.vector_store %arg22[%swap3A_403, %swap3A_404], %mul3A_402 {strides = array<i32>} : memref<64x128xf32, #tpu.memory_space<vmem>>, vector<16xf32>,
        %add3A_406 = arith.constant 1 : i32
        %add3A_407 = arith.addi %add3A_347, %add3A_406 : i32
        %broadcast_in_dim3A_408 = vector.broadcast %add3A_407 : i32 to vector<16xi32>
        %gather3A_409 = tpu.vector_load_idx %arg18[%broadcast_in_dim3A_408] : memref<64xf32, #tpu.memory_space<vmem>>[vector<16xi32>], vector<16xf32>,
        %get3A_410 = arith.index_cast %add3A_407 : i32 to index
        %get3A_411 = arith.constant 0 : index
        %get3A_412 = tpu.vector_load %arg22[%get3A_410, %get3A_411] {strides = array<i32>} : memref<64x128xf32, #tpu.memory_space<vmem>>, vector<16xf32>,
        %mul3A_413 = arith.mulf %get3A_412, %gather3A_409 : vector<16xf32>
        %swap3A_414 = arith.index_cast %add3A_407 : i32 to index
        %swap3A_415 = arith.constant 0 : index
        %swap3A_416 = tpu.vector_load %arg22[%swap3A_414, %swap3A_415] {strides = array<i32>} : memref<64x128xf32, #tpu.memory_space<vmem>>, vector<16xf32>,
        tpu.vector_store %arg22[%swap3A_414, %swap3A_415], %mul3A_413 {strides = array<i32>} : memref<64x128xf32, #tpu.memory_space<vmem>>, vector<16xf32>,
        %get3A_417 = arith.index_cast %add3A_407 : i32 to index
        %get3A_418 = arith.constant 16 : index
        %get3A_419 = tpu.vector_load %arg22[%get3A_417, %get3A_418] {strides = array<i32>} : memref<64x128xf32, #tpu.memory_space<vmem>>, vector<16xf32>,
        %mul3A_420 = arith.mulf %get3A_419, %gather3A_409 : vector<16xf32>
        %swap3A_421 = arith.index_cast %add3A_407 : i32 to index
        %swap3A_422 = arith.constant 16 : index
        %swap3A_423 = tpu.vector_load %arg22[%swap3A_421, %swap3A_422] {strides = array<i32>} : memref<64x128xf32, #tpu.memory_space<vmem>>, vector<16xf32>,
        tpu.vector_store %arg22[%swap3A_421, %swap3A_422], %mul3A_420 {strides = array<i32>} : memref<64x128xf32, #tpu.memory_space<vmem>>, vector<16xf32>,
        %get3A_424 = arith.index_cast %add3A_407 : i32 to index
        %get3A_425 = arith.constant 32 : index
        %get3A_426 = tpu.vector_load %arg22[%get3A_424, %get3A_425] {strides = array<i32>} : memref<64x128xf32, #tpu.memory_space<vmem>>, vector<16xf32>,
        %mul3A_427 = arith.mulf %get3A_426, %gather3A_409 : vector<16xf32>
        %swap3A_428 = arith.index_cast %add3A_407 : i32 to index
        %swap3A_429 = arith.constant 32 : index
        %swap3A_430 = tpu.vector_load %arg22[%swap3A_428, %swap3A_429] {strides = array<i32>} : memref<64x128xf32, #tpu.memory_space<vmem>>, vector<16xf32>,
        tpu.vector_store %arg22[%swap3A_428, %swap3A_429], %mul3A_427 {strides = array<i32>} : memref<64x128xf32, #tpu.memory_space<vmem>>, vector<16xf32>,
        %get3A_431 = arith.index_cast %add3A_407 : i32 to index
        %get3A_432 = arith.constant 48 : index
        %get3A_433 = tpu.vector_load %arg22[%get3A_431, %get3A_432] {strides = array<i32>} : memref<64x128xf32, #tpu.memory_space<vmem>>, vector<16xf32>,
        %mul3A_434 = arith.mulf %get3A_433, %gather3A_409 : vector<16xf32>
        %swap3A_435 = arith.index_cast %add3A_407 : i32 to index
        %swap3A_436 = arith.constant 48 : index
        %swap3A_437 = tpu.vector_load %arg22[%swap3A_435, %swap3A_436] {strides = array<i32>} : memref<64x128xf32, #tpu.memory_space<vmem>>, vector<16xf32>,
        tpu.vector_store %arg22[%swap3A_435, %swap3A_436], %mul3A_434 {strides = array<i32>} : memref<64x128xf32, #tpu.memory_space<vmem>>, vector<16xf32>,
        %get3A_438 = arith.index_cast %add3A_407 : i32 to index
        %get3A_439 = arith.constant 64 : index
        %get3A_440 = tpu.vector_load %arg22[%get3A_438, %get3A_439] {strides = array<i32>} : memref<64x128xf32, #tpu.memory_space<vmem>>, vector<16xf32>,
        %mul3A_441 = arith.mulf %get3A_440, %gather3A_409 : vector<16xf32>
        %swap3A_442 = arith.index_cast %add3A_407 : i32 to index
        %swap3A_443 = arith.constant 64 : index
        %swap3A_444 = tpu.vector_load %arg22[%swap3A_442, %swap3A_443] {strides = array<i32>} : memref<64x128xf32, #tpu.memory_space<vmem>>, vector<16xf32>,
        tpu.vector_store %arg22[%swap3A_442, %swap3A_443], %mul3A_441 {strides = array<i32>} : memref<64x128xf32, #tpu.memory_space<vmem>>, vector<16xf32>,
        %get3A_445 = arith.index_cast %add3A_407 : i32 to index
        %get3A_446 = arith.constant 80 : index
        %get3A_447 = tpu.vector_load %arg22[%get3A_445, %get3A_446] {strides = array<i32>} : memref<64x128xf32, #tpu.memory_space<vmem>>, vector<16xf32>,
        %mul3A_448 = arith.mulf %get3A_447, %gather3A_409 : vector<16xf32>
        %swap3A_449 = arith.index_cast %add3A_407 : i32 to index
        %swap3A_450 = arith.constant 80 : index
        %swap3A_451 = tpu.vector_load %arg22[%swap3A_449, %swap3A_450] {strides = array<i32>} : memref<64x128xf32, #tpu.memory_space<vmem>>, vector<16xf32>,
        tpu.vector_store %arg22[%swap3A_449, %swap3A_450], %mul3A_448 {strides = array<i32>} : memref<64x128xf32, #tpu.memory_space<vmem>>, vector<16xf32>,
        %get3A_452 = arith.index_cast %add3A_407 : i32 to index
        %get3A_453 = arith.constant 96 : index
        %get3A_454 = tpu.vector_load %arg22[%get3A_452, %get3A_453] {strides = array<i32>} : memref<64x128xf32, #tpu.memory_space<vmem>>, vector<16xf32>,
        %mul3A_455 = arith.mulf %get3A_454, %gather3A_409 : vector<16xf32>
        %swap3A_456 = arith.index_cast %add3A_407 : i32 to index
        %swap3A_457 = arith.constant 96 : index
        %swap3A_458 = tpu.vector_load %arg22[%swap3A_456, %swap3A_457] {strides = array<i32>} : memref<64x128xf32, #tpu.memory_space<vmem>>, vector<16xf32>,
        tpu.vector_store %arg22[%swap3A_456, %swap3A_457], %mul3A_455 {strides = array<i32>} : memref<64x128xf32, #tpu.memory_space<vmem>>, vector<16xf32>,
        %get3A_459 = arith.index_cast %add3A_407 : i32 to index
        %get3A_460 = arith.constant 112 : index
        %get3A_461 = tpu.vector_load %arg22[%get3A_459, %get3A_460] {strides = array<i32>} : memref<64x128xf32, #tpu.memory_space<vmem>>, vector<16xf32>,
        %mul3A_462 = arith.mulf %get3A_461, %gather3A_409 : vector<16xf32>
        %swap3A_463 = arith.index_cast %add3A_407 : i32 to index
        %swap3A_464 = arith.constant 112 : index
        %swap3A_465 = tpu.vector_load %arg22[%swap3A_463, %swap3A_464] {strides = array<i32>} : memref<64x128xf32, #tpu.memory_space<vmem>>, vector<16xf32>,
        tpu.vector_store %arg22[%swap3A_463, %swap3A_464], %mul3A_462 {strides = array<i32>} : memref<64x128xf32, #tpu.memory_space<vmem>>, vector<16xf32>,
        %add3A_466 = arith.constant 2 : i32
        %add3A_467 = arith.addi %add3A_347, %add3A_466 : i32
        %broadcast_in_dim3A_468 = vector.broadcast %add3A_467 : i32 to vector<16xi32>
        %gather3A_469 = tpu.vector_load_idx %arg18[%broadcast_in_dim3A_468] : memref<64xf32, #tpu.memory_space<vmem>>[vector<16xi32>], vector<16xf32>,
        %get3A_470 = arith.index_cast %add3A_467 : i32 to index
        %get3A_471 = arith.constant 0 : index
        %get3A_472 = tpu.vector_load %arg22[%get3A_470, %get3A_471] {strides = array<i32>} : memref<64x128xf32, #tpu.memory_space<vmem>>, vector<16xf32>,
        %mul3A_473 = arith.mulf %get3A_472, %gather3A_469 : vector<16xf32>
        %swap3A_474 = arith.index_cast %add3A_467 : i32 to index
        %swap3A_475 = arith.constant 0 : index
        %swap3A_476 = tpu.vector_load %arg22[%swap3A_474, %swap3A_475] {strides = array<i32>} : memref<64x128xf32, #tpu.memory_space<vmem>>, vector<16xf32>,
        tpu.vector_store %arg22[%swap3A_474, %swap3A_475], %mul3A_473 {strides = array<i32>} : memref<64x128xf32, #tpu.memory_space<vmem>>, vector<16xf32>,
        %get3A_477 = arith.index_cast %add3A_467 : i32 to index
        %get3A_478 = arith.constant 16 : index
        %get3A_479 = tpu.vector_load %arg22[%get3A_477, %get3A_478] {strides = array<i32>} : memref<64x128xf32, #tpu.memory_space<vmem>>, vector<16xf32>,
        %mul3A_480 = arith.mulf %get3A_479, %gather3A_469 : vector<16xf32>
        %swap3A_481 = arith.index_cast %add3A_467 : i32 to index
        %swap3A_482 = arith.constant 16 : index
        %swap3A_483 = tpu.vector_load %arg22[%swap3A_481, %swap3A_482] {strides = array<i32>} : memref<64x128xf32, #tpu.memory_space<vmem>>, vector<16xf32>,
        tpu.vector_store %arg22[%swap3A_481, %swap3A_482], %mul3A_480 {strides = array<i32>} : memref<64x128xf32, #tpu.memory_space<vmem>>, vector<16xf32>,
        %get3A_484 = arith.index_cast %add3A_467 : i32 to index
        %get3A_485 = arith.constant 32 : index
        %get3A_486 = tpu.vector_load %arg22[%get3A_484, %get3A_485] {strides = array<i32>} : memref<64x128xf32, #tpu.memory_space<vmem>>, vector<16xf32>,
        %mul3A_487 = arith.mulf %get3A_486, %gather3A_469 : vector<16xf32>
        %swap3A_488 = arith.index_cast %add3A_467 : i32 to index
        %swap3A_489 = arith.constant 32 : index
        %swap3A_490 = tpu.vector_load %arg22[%swap3A_488, %swap3A_489] {strides = array<i32>} : memref<64x128xf32, #tpu.memory_space<vmem>>, vector<16xf32>,
        tpu.vector_store %arg22[%swap3A_488, %swap3A_489], %mul3A_487 {strides = array<i32>} : memref<64x128xf32, #tpu.memory_space<vmem>>, vector<16xf32>,
        %get3A_491 = arith.index_cast %add3A_467 : i32 to index
        %get3A_492 = arith.constant 48 : index
        %get3A_493 = tpu.vector_load %arg22[%get3A_491, %get3A_492] {strides = array<i32>} : memref<64x128xf32, #tpu.memory_space<vmem>>, vector<16xf32>,
        %mul3A_494 = arith.mulf %get3A_493, %gather3A_469 : vector<16xf32>
        %swap3A_495 = arith.index_cast %add3A_467 : i32 to index
        %swap3A_496 = arith.constant 48 : index
        %swap3A_497 = tpu.vector_load %arg22[%swap3A_495, %swap3A_496] {strides = array<i32>} : memref<64x128xf32, #tpu.memory_space<vmem>>, vector<16xf32>,
        tpu.vector_store %arg22[%swap3A_495, %swap3A_496], %mul3A_494 {strides = array<i32>} : memref<64x128xf32, #tpu.memory_space<vmem>>, vector<16xf32>,
        %get3A_498 = arith.index_cast %add3A_467 : i32 to index
        %get3A_499 = arith.constant 64 : index
        %get3A_500 = tpu.vector_load %arg22[%get3A_498, %get3A_499] {strides = array<i32>} : memref<64x128xf32, #tpu.memory_space<vmem>>, vector<16xf32>,
        %mul3A_501 = arith.mulf %get3A_500, %gather3A_469 : vector<16xf32>
        %swap3A_502 = arith.index_cast %add3A_467 : i32 to index
        %swap3A_503 = arith.constant 64 : index
        %swap3A_504 = tpu.vector_load %arg22[%swap3A_502, %swap3A_503] {strides = array<i32>} : memref<64x128xf32, #tpu.memory_space<vmem>>, vector<16xf32>,
        tpu.vector_store %arg22[%swap3A_502, %swap3A_503], %mul3A_501 {strides = array<i32>} : memref<64x128xf32, #tpu.memory_space<vmem>>, vector<16xf32>,
        %get3A_505 = arith.index_cast %add3A_467 : i32 to index
        %get3A_506 = arith.constant 80 : index
        %get3A_507 = tpu.vector_load %arg22[%get3A_505, %get3A_506] {strides = array<i32>} : memref<64x128xf32, #tpu.memory_space<vmem>>, vector<16xf32>,
        %mul3A_508 = arith.mulf %get3A_507, %gather3A_469 : vector<16xf32>
        %swap3A_509 = arith.index_cast %add3A_467 : i32 to index
        %swap3A_510 = arith.constant 80 : index
        %swap3A_511 = tpu.vector_load %arg22[%swap3A_509, %swap3A_510] {strides = array<i32>} : memref<64x128xf32, #tpu.memory_space<vmem>>, vector<16xf32>,
        tpu.vector_store %arg22[%swap3A_509, %swap3A_510], %mul3A_508 {strides = array<i32>} : memref<64x128xf32, #tpu.memory_space<vmem>>, vector<16xf32>,
        %get3A_512 = arith.index_cast %add3A_467 : i32 to index
        %get3A_513 = arith.constant 96 : index
        %get3A_514 = tpu.vector_load %arg22[%get3A_512, %get3A_513] {strides = array<i32>} : memref<64x128xf32, #tpu.memory_space<vmem>>, vector<16xf32>,
        %mul3A_515 = arith.mulf %get3A_514, %gather3A_469 : vector<16xf32>
        %swap3A_516 = arith.index_cast %add3A_467 : i32 to index
        %swap3A_517 = arith.constant 96 : index
        %swap3A_518 = tpu.vector_load %arg22[%swap3A_516, %swap3A_517] {strides = array<i32>} : memref<64x128xf32, #tpu.memory_space<vmem>>, vector<16xf32>,
        tpu.vector_store %arg22[%swap3A_516, %swap3A_517], %mul3A_515 {strides = array<i32>} : memref<64x128xf32, #tpu.memory_space<vmem>>, vector<16xf32>,
        %get3A_519 = arith.index_cast %add3A_467 : i32 to index
        %get3A_520 = arith.constant 112 : index
        %get3A_521 = tpu.vector_load %arg22[%get3A_519, %get3A_520] {strides = array<i32>} : memref<64x128xf32, #tpu.memory_space<vmem>>, vector<16xf32>,
        %mul3A_522 = arith.mulf %get3A_521, %gather3A_469 : vector<16xf32>
        %swap3A_523 = arith.index_cast %add3A_467 : i32 to index
        %swap3A_524 = arith.constant 112 : index
        %swap3A_525 = tpu.vector_load %arg22[%swap3A_523, %swap3A_524] {strides = array<i32>} : memref<64x128xf32, #tpu.memory_space<vmem>>, vector<16xf32>,
        tpu.vector_store %arg22[%swap3A_523, %swap3A_524], %mul3A_522 {strides = array<i32>} : memref<64x128xf32, #tpu.memory_space<vmem>>, vector<16xf32>,
        %add3A_526 = arith.constant 3 : i32
        %add3A_527 = arith.addi %add3A_347, %add3A_526 : i32
        %broadcast_in_dim3A_528 = vector.broadcast %add3A_527 : i32 to vector<16xi32>
        %gather3A_529 = tpu.vector_load_idx %arg18[%broadcast_in_dim3A_528] : memref<64xf32, #tpu.memory_space<vmem>>[vector<16xi32>], vector<16xf32>,
        %get3A_530 = arith.index_cast %add3A_527 : i32 to index
        %get3A_531 = arith.constant 0 : index
        %get3A_532 = tpu.vector_load %arg22[%get3A_530, %get3A_531] {strides = array<i32>} : memref<64x128xf32, #tpu.memory_space<vmem>>, vector<16xf32>,
        %mul3A_533 = arith.mulf %get3A_532, %gather3A_529 : vector<16xf32>
        %swap3A_534 = arith.index_cast %add3A_527 : i32 to index
        %swap3A_535 = arith.constant 0 : index
        %swap3A_536 = tpu.vector_load %arg22[%swap3A_534, %swap3A_535] {strides = array<i32>} : memref<64x128xf32, #tpu.memory_space<vmem>>, vector<16xf32>,
        tpu.vector_store %arg22[%swap3A_534, %swap3A_535], %mul3A_533 {strides = array<i32>} : memref<64x128xf32, #tpu.memory_space<vmem>>, vector<16xf32>,
        %get3A_537 = arith.index_cast %add3A_527 : i32 to index
        %get3A_538 = arith.constant 16 : index
        %get3A_539 = tpu.vector_load %arg22[%get3A_537, %get3A_538] {strides = array<i32>} : memref<64x128xf32, #tpu.memory_space<vmem>>, vector<16xf32>,
        %mul3A_540 = arith.mulf %get3A_539, %gather3A_529 : vector<16xf32>
        %swap3A_541 = arith.index_cast %add3A_527 : i32 to index
        %swap3A_542 = arith.constant 16 : index
        %swap3A_543 = tpu.vector_load %arg22[%swap3A_541, %swap3A_542] {strides = array<i32>} : memref<64x128xf32, #tpu.memory_space<vmem>>, vector<16xf32>,
        tpu.vector_store %arg22[%swap3A_541, %swap3A_542], %mul3A_540 {strides = array<i32>} : memref<64x128xf32, #tpu.memory_space<vmem>>, vector<16xf32>,
        %get3A_544 = arith.index_cast %add3A_527 : i32 to index
        %get3A_545 = arith.constant 32 : index
        %get3A_546 = tpu.vector_load %arg22[%get3A_544, %get3A_545] {strides = array<i32>} : memref<64x128xf32, #tpu.memory_space<vmem>>, vector<16xf32>,
        %mul3A_547 = arith.mulf %get3A_546, %gather3A_529 : vector<16xf32>
        %swap3A_548 = arith.index_cast %add3A_527 : i32 to index
        %swap3A_549 = arith.constant 32 : index
        %swap3A_550 = tpu.vector_load %arg22[%swap3A_548, %swap3A_549] {strides = array<i32>} : memref<64x128xf32, #tpu.memory_space<vmem>>, vector<16xf32>,
        tpu.vector_store %arg22[%swap3A_548, %swap3A_549], %mul3A_547 {strides = array<i32>} : memref<64x128xf32, #tpu.memory_space<vmem>>, vector<16xf32>,
        %get3A_551 = arith.index_cast %add3A_527 : i32 to index
        %get3A_552 = arith.constant 48 : index
        %get3A_553 = tpu.vector_load %arg22[%get3A_551, %get3A_552] {strides = array<i32>} : memref<64x128xf32, #tpu.memory_space<vmem>>, vector<16xf32>,
        %mul3A_554 = arith.mulf %get3A_553, %gather3A_529 : vector<16xf32>
        %swap3A_555 = arith.index_cast %add3A_527 : i32 to index
        %swap3A_556 = arith.constant 48 : index
        %swap3A_557 = tpu.vector_load %arg22[%swap3A_555, %swap3A_556] {strides = array<i32>} : memref<64x128xf32, #tpu.memory_space<vmem>>, vector<16xf32>,
        tpu.vector_store %arg22[%swap3A_555, %swap3A_556], %mul3A_554 {strides = array<i32>} : memref<64x128xf32, #tpu.memory_space<vmem>>, vector<16xf32>,
        %get3A_558 = arith.index_cast %add3A_527 : i32 to index
        %get3A_559 = arith.constant 64 : index
        %get3A_560 = tpu.vector_load %arg22[%get3A_558, %get3A_559] {strides = array<i32>} : memref<64x128xf32, #tpu.memory_space<vmem>>, vector<16xf32>,
        %mul3A_561 = arith.mulf %get3A_560, %gather3A_529 : vector<16xf32>
        %swap3A_562 = arith.index_cast %add3A_527 : i32 to index
        %swap3A_563 = arith.constant 64 : index
        %swap3A_564 = tpu.vector_load %arg22[%swap3A_562, %swap3A_563] {strides = array<i32>} : memref<64x128xf32, #tpu.memory_space<vmem>>, vector<16xf32>,
        tpu.vector_store %arg22[%swap3A_562, %swap3A_563], %mul3A_561 {strides = array<i32>} : memref<64x128xf32, #tpu.memory_space<vmem>>, vector<16xf32>,
        %get3A_565 = arith.index_cast %add3A_527 : i32 to index
        %get3A_566 = arith.constant 80 : index
        %get3A_567 = tpu.vector_load %arg22[%get3A_565, %get3A_566] {strides = array<i32>} : memref<64x128xf32, #tpu.memory_space<vmem>>, vector<16xf32>,
        %mul3A_568 = arith.mulf %get3A_567, %gather3A_529 : vector<16xf32>
        %swap3A_569 = arith.index_cast %add3A_527 : i32 to index
        %swap3A_570 = arith.constant 80 : index
        %swap3A_571 = tpu.vector_load %arg22[%swap3A_569, %swap3A_570] {strides = array<i32>} : memref<64x128xf32, #tpu.memory_space<vmem>>, vector<16xf32>,
        tpu.vector_store %arg22[%swap3A_569, %swap3A_570], %mul3A_568 {strides = array<i32>} : memref<64x128xf32, #tpu.memory_space<vmem>>, vector<16xf32>,
        %get3A_572 = arith.index_cast %add3A_527 : i32 to index
        %get3A_573 = arith.constant 96 : index
        %get3A_574 = tpu.vector_load %arg22[%get3A_572, %get3A_573] {strides = array<i32>} : memref<64x128xf32, #tpu.memory_space<vmem>>, vector<16xf32>,
        %mul3A_575 = arith.mulf %get3A_574, %gather3A_529 : vector<16xf32>
        %swap3A_576 = arith.index_cast %add3A_527 : i32 to index
        %swap3A_577 = arith.constant 96 : index
        %swap3A_578 = tpu.vector_load %arg22[%swap3A_576, %swap3A_577] {strides = array<i32>} : memref<64x128xf32, #tpu.memory_space<vmem>>, vector<16xf32>,
        tpu.vector_store %arg22[%swap3A_576, %swap3A_577], %mul3A_575 {strides = array<i32>} : memref<64x128xf32, #tpu.memory_space<vmem>>, vector<16xf32>,
        %get3A_579 = arith.index_cast %add3A_527 : i32 to index
        %get3A_580 = arith.constant 112 : index
        %get3A_581 = tpu.vector_load %arg22[%get3A_579, %get3A_580] {strides = array<i32>} : memref<64x128xf32, #tpu.memory_space<vmem>>, vector<16xf32>,
        %mul3A_582 = arith.mulf %get3A_581, %gather3A_529 : vector<16xf32>
        %swap3A_583 = arith.index_cast %add3A_527 : i32 to index
        %swap3A_584 = arith.constant 112 : index
        %swap3A_585 = tpu.vector_load %arg22[%swap3A_583, %swap3A_584] {strides = array<i32>} : memref<64x128xf32, #tpu.memory_space<vmem>>, vector<16xf32>,
        tpu.vector_store %arg22[%swap3A_583, %swap3A_584], %mul3A_582 {strides = array<i32>} : memref<64x128xf32, #tpu.memory_space<vmem>>, vector<16xf32>,
      }
      %scan3A_327 = arith.constant 16 : i32
      %dma_start3A_328 = arith.constant 0 : i32
      %dma_start3A_329 = arith.constant 0 : i32
      %dma_start3A_330 = tpu.memref_slice %arg6[%dma_start3A_328, %dma_start3A_329] : memref<10112x128xf32, #tpu.memory_space<vmem_shared>> -> memref<10112x128xf32, #tpu.memory_space<vmem_shared>>
      tpu.enqueue_indirect_dma source(%arg22 : memref<64x128xf32, #tpu.memory_space<vmem>>) target(%dma_start3A_330 : memref<10112x128xf32, #tpu.memory_space<vmem_shared>>) offsets(%arg14 : memref<64xi32, #tpu.memory_space<vmem>>) semaphore(%arg30 : memref<!tpu.dma_semaphore, #tpu.memory_space<semaphore_mem>>) {add = true}
      %add3A_331 = arith.constant 4 : i32
      %add3A_332 = arith.addi %add3A_301, %add3A_331 : i32
      %lt3A_333 = arith.cmpi slt, %add3A_332, %select_n3A : i32
      %convert_element_type3A_334 = arith.extui %lt3A_333 : i1 to i32
      %cond3A_335 = arith.constant 0 : i32
      %cond3A_336 = arith.cmpi ne, %convert_element_type3A_334, %cond3A_335 : i32
      scf.if %cond3A_336 {
        %add3A_343 = arith.constant 4 : i32
        %add3A_344 = arith.addi %add3A_301, %add3A_343 : i32
        %mul3A_345 = arith.constant 2 : i32
        %mul3A_346 = arith.muli %add3A_344, %mul3A_345 : i32
        %mul3A_347 = arith.constant 64 : i32
        %mul3A_348 = arith.muli %mul3A_346, %mul3A_347 : i32
        %add3A_349 = arith.addi %mul3A_9, %mul3A_348 : i32
        %dma_start3A_350 = tpu.memref_slice %arg3[%add3A_349] : memref<655360xi32, #tpu.memory_space<hbm>> -> memref<128xi32, #tpu.memory_space<hbm>>
        %dma_start3A_351 = tpu.memref_slice %arg3[%add3A_349] : memref<655360xi32, #tpu.memory_space<hbm>> -> memref<128xi32, #tpu.memory_space<hbm>>
        tpu.enqueue_dma source(%dma_start3A_351 : memref<128xi32, #tpu.memory_space<hbm>>) target(%arg10 : memref<128xi32, #tpu.memory_space<vmem>>) target_semaphore(%arg34 : memref<!tpu.dma_semaphore, #tpu.memory_space<semaphore_mem>>)
        %mul3A_352 = arith.constant 64 : i32
        %mul3A_353 = arith.muli %add3A_344, %mul3A_352 : i32
        %add3A_354 = arith.addi %mul3A_11, %mul3A_353 : i32
        %dma_start3A_355 = tpu.memref_slice %arg4[%add3A_354] : memref<327680xf32, #tpu.memory_space<hbm>> -> memref<64xf32, #tpu.memory_space<hbm>>
        %dma_start3A_356 = tpu.memref_slice %arg4[%add3A_354] : memref<327680xf32, #tpu.memory_space<hbm>> -> memref<64xf32, #tpu.memory_space<hbm>>
        tpu.enqueue_dma source(%dma_start3A_356 : memref<64xf32, #tpu.memory_space<hbm>>) target(%arg18 : memref<64xf32, #tpu.memory_space<vmem>>) target_semaphore(%arg34 : memref<!tpu.dma_semaphore, #tpu.memory_space<semaphore_mem>>)
      } else {
      }
      %add3A_337 = arith.constant 2 : i32
      %add3A_338 = arith.addi %add3A_301, %add3A_337 : i32
      %lt3A_339 = arith.cmpi slt, %add3A_338, %select_n3A : i32
      %convert_element_type3A_340 = arith.extui %lt3A_339 : i1 to i32
      %cond3A_341 = arith.constant 0 : i32
      %cond3A_342 = arith.cmpi ne, %convert_element_type3A_340, %cond3A_341 : i32
      scf.if %cond3A_342 {
        %dma_wait3A_343 = arith.constant 0 : i32
        %dma_wait3A_344 = arith.constant 0 : i32
        %dma_wait3A_345 = tpu.memref_slice %arg6[%dma_wait3A_343, %dma_wait3A_344] : memref<10112x128xf32, #tpu.memory_space<vmem_shared>> -> memref<10112x128xf32, #tpu.memory_space<vmem_shared>>
        tpu.wait_indirect_dma semaphore(%arg28 : memref<!tpu.dma_semaphore, #tpu.memory_space<semaphore_mem>>) src(%arg20 : memref<64x128xf32, #tpu.memory_space<vmem>>) dst(%dma_wait3A_345 : memref<10112x128xf32, #tpu.memory_space<vmem_shared>>)
        %dma_wait3A_346 = arith.constant 0 : i32
        %dma_wait3A_347 = tpu.memref_slice %arg3[%dma_wait3A_346] : memref<655360xi32, #tpu.memory_space<hbm>> -> memref<128xi32, #tpu.memory_space<hbm>>
        %dma_wait3A_348 = arith.constant 0 : i32
        %dma_wait3A_349 = tpu.memref_slice %arg3[%dma_wait3A_348] : memref<655360xi32, #tpu.memory_space<hbm>> -> memref<128xi32, #tpu.memory_space<hbm>>
        tpu.wait_dma2 semaphore(%arg32 : memref<!tpu.dma_semaphore, #tpu.memory_space<semaphore_mem>>) src(%dma_wait3A_349 : memref<128xi32, #tpu.memory_space<hbm>>) dst(%arg8 : memref<128xi32, #tpu.memory_space<vmem>>)
        %dma_wait3A_350 = arith.constant 0 : i32
        %dma_wait3A_351 = tpu.memref_slice %arg4[%dma_wait3A_350] : memref<327680xf32, #tpu.memory_space<hbm>> -> memref<64xf32, #tpu.memory_space<hbm>>
        %dma_wait3A_352 = arith.constant 0 : i32
        %dma_wait3A_353 = tpu.memref_slice %arg4[%dma_wait3A_352] : memref<327680xf32, #tpu.memory_space<hbm>> -> memref<64xf32, #tpu.memory_space<hbm>>
        tpu.wait_dma2 semaphore(%arg32 : memref<!tpu.dma_semaphore, #tpu.memory_space<semaphore_mem>>) src(%dma_wait3A_353 : memref<64xf32, #tpu.memory_space<hbm>>) dst(%arg16 : memref<64xf32, #tpu.memory_space<vmem>>)
        %dma_start3A_354 = arith.constant 0 : i32
        %dma_start3A_355 = tpu.memref_slice %arg8[%dma_start3A_354] : memref<128xi32, #tpu.memory_space<vmem>> -> memref<64xi32, #tpu.memory_space<vmem>>
        %dma_start3A_356 = arith.constant 0 : i32
        %dma_start3A_357 = arith.constant 0 : i32
        %dma_start3A_358 = tpu.memref_slice %arg2[%dma_start3A_356, %dma_start3A_357] : memref<10112x128xf32, #tpu.memory_space<hbm>> -> memref<10112x128xf32, #tpu.memory_space<hbm>>
        tpu.enqueue_indirect_dma source(%dma_start3A_358 : memref<10112x128xf32, #tpu.memory_space<hbm>>) target(%arg20 : memref<64x128xf32, #tpu.memory_space<vmem>>) offsets(%dma_start3A_355 : memref<64xi32, #tpu.memory_space<vmem>>) semaphore(%arg24 : memref<!tpu.dma_semaphore, #tpu.memory_space<semaphore_mem>>)
      } else {
      }
    }
    %while3A_147 = arith.constant 1 : i32
    scf.for %while3A_165 = %while3A_145 to %while3A_141 step %while3A_147  : i32 {
      %mul3A_166 = arith.muli %while3A_165, %while3A : i32
      %add3A_167 = arith.addi %while3A_138, %mul3A_166 : i32
      %mul3A_168 = arith.constant 4 : i32
      %mul3A_169 = arith.muli %add3A_167, %mul3A_168 : i32
      %add3A_170 = arith.constant 0 : i32
      %add3A_171 = arith.addi %mul3A_169, %add3A_170 : i32
      %dma_wait3A_172 = arith.constant 0 : i32
      %dma_wait3A_173 = tpu.memref_slice %arg7[%dma_wait3A_172] : memref<128xi32, #tpu.memory_space<vmem>> -> memref<64xi32, #tpu.memory_space<vmem>>
      %dma_wait3A_174 = arith.constant 0 : i32
      %dma_wait3A_175 = arith.constant 0 : i32
      %dma_wait3A_176 = tpu.memref_slice %arg2[%dma_wait3A_174, %dma_wait3A_175] : memref<10112x128xf32, #tpu.memory_space<hbm>> -> memref<10112x128xf32, #tpu.memory_space<hbm>>
      tpu.wait_indirect_dma semaphore(%arg23 : memref<!tpu.dma_semaphore, #tpu.memory_space<semaphore_mem>>) src(%dma_wait3A_176 : memref<10112x128xf32, #tpu.memory_space<hbm>>) dst(%arg19 : memref<64x128xf32, #tpu.memory_space<vmem>>)
      %get3A = arith.constant 64 : index
      %get3A_177 = tpu.vector_load %arg7[%get3A] {strides = array<i32>} : memref<128xi32, #tpu.memory_space<vmem>>, vector<16xi32>,
      %swap3A = arith.constant 0 : index
      %swap3A_178 = tpu.vector_load %arg11[%swap3A] {strides = array<i32>} : memref<64xi32, #tpu.memory_space<vmem>>, vector<16xi32>,
      tpu.vector_store %arg11[%swap3A], %get3A_177 {strides = array<i32>} : memref<64xi32, #tpu.memory_space<vmem>>, vector<16xi32>,
      %get3A_179 = arith.constant 80 : index
      %get3A_180 = tpu.vector_load %arg7[%get3A_179] {strides = array<i32>} : memref<128xi32, #tpu.memory_space<vmem>>, vector<16xi32>,
      %swap3A_181 = arith.constant 16 : index
      %swap3A_182 = tpu.vector_load %arg11[%swap3A_181] {strides = array<i32>} : memref<64xi32, #tpu.memory_space<vmem>>, vector<16xi32>,
      tpu.vector_store %arg11[%swap3A_181], %get3A_180 {strides = array<i32>} : memref<64xi32, #tpu.memory_space<vmem>>, vector<16xi32>,
      %get3A_183 = arith.constant 96 : index
      %get3A_184 = tpu.vector_load %arg7[%get3A_183] {strides = array<i32>} : memref<128xi32, #tpu.memory_space<vmem>>, vector<16xi32>,
      %swap3A_185 = arith.constant 32 : index
      %swap3A_186 = tpu.vector_load %arg11[%swap3A_185] {strides = array<i32>} : memref<64xi32, #tpu.memory_space<vmem>>, vector<16xi32>,
      tpu.vector_store %arg11[%swap3A_185], %get3A_184 {strides = array<i32>} : memref<64xi32, #tpu.memory_space<vmem>>, vector<16xi32>,
      %get3A_187 = arith.constant 112 : index
      %get3A_188 = tpu.vector_load %arg7[%get3A_187] {strides = array<i32>} : memref<128xi32, #tpu.memory_space<vmem>>, vector<16xi32>,
      %swap3A_189 = arith.constant 48 : index
      %swap3A_190 = tpu.vector_load %arg11[%swap3A_189] {strides = array<i32>} : memref<64xi32, #tpu.memory_space<vmem>>, vector<16xi32>,
      tpu.vector_store %arg11[%swap3A_189], %get3A_188 {strides = array<i32>} : memref<64xi32, #tpu.memory_space<vmem>>, vector<16xi32>,
      %scan3A_191 = arith.constant 0 : i32
      %scan3A_192 = arith.constant 16 : i32
      %scan3A_193 = arith.addi %scan3A_191, %scan3A_192 : i32
      %scan3A_194 = arith.constant 1 : i32
      scf.for %scan3A_343 = %scan3A_191 to %scan3A_193 step %scan3A_194  : i32 {
        %mul3A_344 = arith.constant 4 : i32
        %mul3A_345 = arith.muli %scan3A_343, %mul3A_344 : i32
        %add3A_346 = arith.constant 0 : i32
        %add3A_347 = arith.addi %add3A_346, %mul3A_345 : i32
        %add3A_348 = arith.constant 0 : i32
        %add3A_349 = arith.addi %add3A_347, %add3A_348 : i32
        %broadcast_in_dim3A = vector.broadcast %add3A_349 : i32 to vector<16xi32>
        %gather3A = tpu.vector_load_idx %arg15[%broadcast_in_dim3A] : memref<64xf32, #tpu.memory_space<vmem>>[vector<16xi32>], vector<16xf32>,
        %get3A_350 = arith.index_cast %add3A_349 : i32 to index
        %get3A_351 = arith.constant 0 : index
        %get3A_352 = tpu.vector_load %arg19[%get3A_350, %get3A_351] {strides = array<i32>} : memref<64x128xf32, #tpu.memory_space<vmem>>, vector<16xf32>,
        %mul3A_353 = arith.mulf %get3A_352, %gather3A : vector<16xf32>
        %swap3A_354 = arith.index_cast %add3A_349 : i32 to index
        %swap3A_355 = arith.constant 0 : index
        %swap3A_356 = tpu.vector_load %arg19[%swap3A_354, %swap3A_355] {strides = array<i32>} : memref<64x128xf32, #tpu.memory_space<vmem>>, vector<16xf32>,
        tpu.vector_store %arg19[%swap3A_354, %swap3A_355], %mul3A_353 {strides = array<i32>} : memref<64x128xf32, #tpu.memory_space<vmem>>, vector<16xf32>,
        %get3A_357 = arith.index_cast %add3A_349 : i32 to index
        %get3A_358 = arith.constant 16 : index
        %get3A_359 = tpu.vector_load %arg19[%get3A_357, %get3A_358] {strides = array<i32>} : memref<64x128xf32, #tpu.memory_space<vmem>>, vector<16xf32>,
        %mul3A_360 = arith.mulf %get3A_359, %gather3A : vector<16xf32>
        %swap3A_361 = arith.index_cast %add3A_349 : i32 to index
        %swap3A_362 = arith.constant 16 : index
        %swap3A_363 = tpu.vector_load %arg19[%swap3A_361, %swap3A_362] {strides = array<i32>} : memref<64x128xf32, #tpu.memory_space<vmem>>, vector<16xf32>,
        tpu.vector_store %arg19[%swap3A_361, %swap3A_362], %mul3A_360 {strides = array<i32>} : memref<64x128xf32, #tpu.memory_space<vmem>>, vector<16xf32>,
        %get3A_364 = arith.index_cast %add3A_349 : i32 to index
        %get3A_365 = arith.constant 32 : index
        %get3A_366 = tpu.vector_load %arg19[%get3A_364, %get3A_365] {strides = array<i32>} : memref<64x128xf32, #tpu.memory_space<vmem>>, vector<16xf32>,
        %mul3A_367 = arith.mulf %get3A_366, %gather3A : vector<16xf32>
        %swap3A_368 = arith.index_cast %add3A_349 : i32 to index
        %swap3A_369 = arith.constant 32 : index
        %swap3A_370 = tpu.vector_load %arg19[%swap3A_368, %swap3A_369] {strides = array<i32>} : memref<64x128xf32, #tpu.memory_space<vmem>>, vector<16xf32>,
        tpu.vector_store %arg19[%swap3A_368, %swap3A_369], %mul3A_367 {strides = array<i32>} : memref<64x128xf32, #tpu.memory_space<vmem>>, vector<16xf32>,
        %get3A_371 = arith.index_cast %add3A_349 : i32 to index
        %get3A_372 = arith.constant 48 : index
        %get3A_373 = tpu.vector_load %arg19[%get3A_371, %get3A_372] {strides = array<i32>} : memref<64x128xf32, #tpu.memory_space<vmem>>, vector<16xf32>,
        %mul3A_374 = arith.mulf %get3A_373, %gather3A : vector<16xf32>
        %swap3A_375 = arith.index_cast %add3A_349 : i32 to index
        %swap3A_376 = arith.constant 48 : index
        %swap3A_377 = tpu.vector_load %arg19[%swap3A_375, %swap3A_376] {strides = array<i32>} : memref<64x128xf32, #tpu.memory_space<vmem>>, vector<16xf32>,
        tpu.vector_store %arg19[%swap3A_375, %swap3A_376], %mul3A_374 {strides = array<i32>} : memref<64x128xf32, #tpu.memory_space<vmem>>, vector<16xf32>,
        %get3A_378 = arith.index_cast %add3A_349 : i32 to index
        %get3A_379 = arith.constant 64 : index
        %get3A_380 = tpu.vector_load %arg19[%get3A_378, %get3A_379] {strides = array<i32>} : memref<64x128xf32, #tpu.memory_space<vmem>>, vector<16xf32>,
        %mul3A_381 = arith.mulf %get3A_380, %gather3A : vector<16xf32>
        %swap3A_382 = arith.index_cast %add3A_349 : i32 to index
        %swap3A_383 = arith.constant 64 : index
        %swap3A_384 = tpu.vector_load %arg19[%swap3A_382, %swap3A_383] {strides = array<i32>} : memref<64x128xf32, #tpu.memory_space<vmem>>, vector<16xf32>,
        tpu.vector_store %arg19[%swap3A_382, %swap3A_383], %mul3A_381 {strides = array<i32>} : memref<64x128xf32, #tpu.memory_space<vmem>>, vector<16xf32>,
        %get3A_385 = arith.index_cast %add3A_349 : i32 to index
        %get3A_386 = arith.constant 80 : index
        %get3A_387 = tpu.vector_load %arg19[%get3A_385, %get3A_386] {strides = array<i32>} : memref<64x128xf32, #tpu.memory_space<vmem>>, vector<16xf32>,
        %mul3A_388 = arith.mulf %get3A_387, %gather3A : vector<16xf32>
        %swap3A_389 = arith.index_cast %add3A_349 : i32 to index
        %swap3A_390 = arith.constant 80 : index
        %swap3A_391 = tpu.vector_load %arg19[%swap3A_389, %swap3A_390] {strides = array<i32>} : memref<64x128xf32, #tpu.memory_space<vmem>>, vector<16xf32>,
        tpu.vector_store %arg19[%swap3A_389, %swap3A_390], %mul3A_388 {strides = array<i32>} : memref<64x128xf32, #tpu.memory_space<vmem>>, vector<16xf32>,
        %get3A_392 = arith.index_cast %add3A_349 : i32 to index
        %get3A_393 = arith.constant 96 : index
        %get3A_394 = tpu.vector_load %arg19[%get3A_392, %get3A_393] {strides = array<i32>} : memref<64x128xf32, #tpu.memory_space<vmem>>, vector<16xf32>,
        %mul3A_395 = arith.mulf %get3A_394, %gather3A : vector<16xf32>
        %swap3A_396 = arith.index_cast %add3A_349 : i32 to index
        %swap3A_397 = arith.constant 96 : index
        %swap3A_398 = tpu.vector_load %arg19[%swap3A_396, %swap3A_397] {strides = array<i32>} : memref<64x128xf32, #tpu.memory_space<vmem>>, vector<16xf32>,
        tpu.vector_store %arg19[%swap3A_396, %swap3A_397], %mul3A_395 {strides = array<i32>} : memref<64x128xf32, #tpu.memory_space<vmem>>, vector<16xf32>,
        %get3A_399 = arith.index_cast %add3A_349 : i32 to index
        %get3A_400 = arith.constant 112 : index
        %get3A_401 = tpu.vector_load %arg19[%get3A_399, %get3A_400] {strides = array<i32>} : memref<64x128xf32, #tpu.memory_space<vmem>>, vector<16xf32>,
        %mul3A_402 = arith.mulf %get3A_401, %gather3A : vector<16xf32>
        %swap3A_403 = arith.index_cast %add3A_349 : i32 to index
        %swap3A_404 = arith.constant 112 : index
        %swap3A_405 = tpu.vector_load %arg19[%swap3A_403, %swap3A_404] {strides = array<i32>} : memref<64x128xf32, #tpu.memory_space<vmem>>, vector<16xf32>,
        tpu.vector_store %arg19[%swap3A_403, %swap3A_404], %mul3A_402 {strides = array<i32>} : memref<64x128xf32, #tpu.memory_space<vmem>>, vector<16xf32>,
        %add3A_406 = arith.constant 1 : i32
        %add3A_407 = arith.addi %add3A_347, %add3A_406 : i32
        %broadcast_in_dim3A_408 = vector.broadcast %add3A_407 : i32 to vector<16xi32>
        %gather3A_409 = tpu.vector_load_idx %arg15[%broadcast_in_dim3A_408] : memref<64xf32, #tpu.memory_space<vmem>>[vector<16xi32>], vector<16xf32>,
        %get3A_410 = arith.index_cast %add3A_407 : i32 to index
        %get3A_411 = arith.constant 0 : index
        %get3A_412 = tpu.vector_load %arg19[%get3A_410, %get3A_411] {strides = array<i32>} : memref<64x128xf32, #tpu.memory_space<vmem>>, vector<16xf32>,
        %mul3A_413 = arith.mulf %get3A_412, %gather3A_409 : vector<16xf32>
        %swap3A_414 = arith.index_cast %add3A_407 : i32 to index
        %swap3A_415 = arith.constant 0 : index
        %swap3A_416 = tpu.vector_load %arg19[%swap3A_414, %swap3A_415] {strides = array<i32>} : memref<64x128xf32, #tpu.memory_space<vmem>>, vector<16xf32>,
        tpu.vector_store %arg19[%swap3A_414, %swap3A_415], %mul3A_413 {strides = array<i32>} : memref<64x128xf32, #tpu.memory_space<vmem>>, vector<16xf32>,
        %get3A_417 = arith.index_cast %add3A_407 : i32 to index
        %get3A_418 = arith.constant 16 : index
        %get3A_419 = tpu.vector_load %arg19[%get3A_417, %get3A_418] {strides = array<i32>} : memref<64x128xf32, #tpu.memory_space<vmem>>, vector<16xf32>,
        %mul3A_420 = arith.mulf %get3A_419, %gather3A_409 : vector<16xf32>
        %swap3A_421 = arith.index_cast %add3A_407 : i32 to index
        %swap3A_422 = arith.constant 16 : index
        %swap3A_423 = tpu.vector_load %arg19[%swap3A_421, %swap3A_422] {strides = array<i32>} : memref<64x128xf32, #tpu.memory_space<vmem>>, vector<16xf32>,
        tpu.vector_store %arg19[%swap3A_421, %swap3A_422], %mul3A_420 {strides = array<i32>} : memref<64x128xf32, #tpu.memory_space<vmem>>, vector<16xf32>,
        %get3A_424 = arith.index_cast %add3A_407 : i32 to index
        %get3A_425 = arith.constant 32 : index
        %get3A_426 = tpu.vector_load %arg19[%get3A_424, %get3A_425] {strides = array<i32>} : memref<64x128xf32, #tpu.memory_space<vmem>>, vector<16xf32>,
        %mul3A_427 = arith.mulf %get3A_426, %gather3A_409 : vector<16xf32>
        %swap3A_428 = arith.index_cast %add3A_407 : i32 to index
        %swap3A_429 = arith.constant 32 : index
        %swap3A_430 = tpu.vector_load %arg19[%swap3A_428, %swap3A_429] {strides = array<i32>} : memref<64x128xf32, #tpu.memory_space<vmem>>, vector<16xf32>,
        tpu.vector_store %arg19[%swap3A_428, %swap3A_429], %mul3A_427 {strides = array<i32>} : memref<64x128xf32, #tpu.memory_space<vmem>>, vector<16xf32>,
        %get3A_431 = arith.index_cast %add3A_407 : i32 to index
        %get3A_432 = arith.constant 48 : index
        %get3A_433 = tpu.vector_load %arg19[%get3A_431, %get3A_432] {strides = array<i32>} : memref<64x128xf32, #tpu.memory_space<vmem>>, vector<16xf32>,
        %mul3A_434 = arith.mulf %get3A_433, %gather3A_409 : vector<16xf32>
        %swap3A_435 = arith.index_cast %add3A_407 : i32 to index
        %swap3A_436 = arith.constant 48 : index
        %swap3A_437 = tpu.vector_load %arg19[%swap3A_435, %swap3A_436] {strides = array<i32>} : memref<64x128xf32, #tpu.memory_space<vmem>>, vector<16xf32>,
        tpu.vector_store %arg19[%swap3A_435, %swap3A_436], %mul3A_434 {strides = array<i32>} : memref<64x128xf32, #tpu.memory_space<vmem>>, vector<16xf32>,
        %get3A_438 = arith.index_cast %add3A_407 : i32 to index
        %get3A_439 = arith.constant 64 : index
        %get3A_440 = tpu.vector_load %arg19[%get3A_438, %get3A_439] {strides = array<i32>} : memref<64x128xf32, #tpu.memory_space<vmem>>, vector<16xf32>,
        %mul3A_441 = arith.mulf %get3A_440, %gather3A_409 : vector<16xf32>
        %swap3A_442 = arith.index_cast %add3A_407 : i32 to index
        %swap3A_443 = arith.constant 64 : index
        %swap3A_444 = tpu.vector_load %arg19[%swap3A_442, %swap3A_443] {strides = array<i32>} : memref<64x128xf32, #tpu.memory_space<vmem>>, vector<16xf32>,
        tpu.vector_store %arg19[%swap3A_442, %swap3A_443], %mul3A_441 {strides = array<i32>} : memref<64x128xf32, #tpu.memory_space<vmem>>, vector<16xf32>,
        %get3A_445 = arith.index_cast %add3A_407 : i32 to index
        %get3A_446 = arith.constant 80 : index
        %get3A_447 = tpu.vector_load %arg19[%get3A_445, %get3A_446] {strides = array<i32>} : memref<64x128xf32, #tpu.memory_space<vmem>>, vector<16xf32>,
        %mul3A_448 = arith.mulf %get3A_447, %gather3A_409 : vector<16xf32>
        %swap3A_449 = arith.index_cast %add3A_407 : i32 to index
        %swap3A_450 = arith.constant 80 : index
        %swap3A_451 = tpu.vector_load %arg19[%swap3A_449, %swap3A_450] {strides = array<i32>} : memref<64x128xf32, #tpu.memory_space<vmem>>, vector<16xf32>,
        tpu.vector_store %arg19[%swap3A_449, %swap3A_450], %mul3A_448 {strides = array<i32>} : memref<64x128xf32, #tpu.memory_space<vmem>>, vector<16xf32>,
        %get3A_452 = arith.index_cast %add3A_407 : i32 to index
        %get3A_453 = arith.constant 96 : index
        %get3A_454 = tpu.vector_load %arg19[%get3A_452, %get3A_453] {strides = array<i32>} : memref<64x128xf32, #tpu.memory_space<vmem>>, vector<16xf32>,
        %mul3A_455 = arith.mulf %get3A_454, %gather3A_409 : vector<16xf32>
        %swap3A_456 = arith.index_cast %add3A_407 : i32 to index
        %swap3A_457 = arith.constant 96 : index
        %swap3A_458 = tpu.vector_load %arg19[%swap3A_456, %swap3A_457] {strides = array<i32>} : memref<64x128xf32, #tpu.memory_space<vmem>>, vector<16xf32>,
        tpu.vector_store %arg19[%swap3A_456, %swap3A_457], %mul3A_455 {strides = array<i32>} : memref<64x128xf32, #tpu.memory_space<vmem>>, vector<16xf32>,
        %get3A_459 = arith.index_cast %add3A_407 : i32 to index
        %get3A_460 = arith.constant 112 : index
        %get3A_461 = tpu.vector_load %arg19[%get3A_459, %get3A_460] {strides = array<i32>} : memref<64x128xf32, #tpu.memory_space<vmem>>, vector<16xf32>,
        %mul3A_462 = arith.mulf %get3A_461, %gather3A_409 : vector<16xf32>
        %swap3A_463 = arith.index_cast %add3A_407 : i32 to index
        %swap3A_464 = arith.constant 112 : index
        %swap3A_465 = tpu.vector_load %arg19[%swap3A_463, %swap3A_464] {strides = array<i32>} : memref<64x128xf32, #tpu.memory_space<vmem>>, vector<16xf32>,
        tpu.vector_store %arg19[%swap3A_463, %swap3A_464], %mul3A_462 {strides = array<i32>} : memref<64x128xf32, #tpu.memory_space<vmem>>, vector<16xf32>,
        %add3A_466 = arith.constant 2 : i32
        %add3A_467 = arith.addi %add3A_347, %add3A_466 : i32
        %broadcast_in_dim3A_468 = vector.broadcast %add3A_467 : i32 to vector<16xi32>
        %gather3A_469 = tpu.vector_load_idx %arg15[%broadcast_in_dim3A_468] : memref<64xf32, #tpu.memory_space<vmem>>[vector<16xi32>], vector<16xf32>,
        %get3A_470 = arith.index_cast %add3A_467 : i32 to index
        %get3A_471 = arith.constant 0 : index
        %get3A_472 = tpu.vector_load %arg19[%get3A_470, %get3A_471] {strides = array<i32>} : memref<64x128xf32, #tpu.memory_space<vmem>>, vector<16xf32>,
        %mul3A_473 = arith.mulf %get3A_472, %gather3A_469 : vector<16xf32>
        %swap3A_474 = arith.index_cast %add3A_467 : i32 to index
        %swap3A_475 = arith.constant 0 : index
        %swap3A_476 = tpu.vector_load %arg19[%swap3A_474, %swap3A_475] {strides = array<i32>} : memref<64x128xf32, #tpu.memory_space<vmem>>, vector<16xf32>,
        tpu.vector_store %arg19[%swap3A_474, %swap3A_475], %mul3A_473 {strides = array<i32>} : memref<64x128xf32, #tpu.memory_space<vmem>>, vector<16xf32>,
        %get3A_477 = arith.index_cast %add3A_467 : i32 to index
        %get3A_478 = arith.constant 16 : index
        %get3A_479 = tpu.vector_load %arg19[%get3A_477, %get3A_478] {strides = array<i32>} : memref<64x128xf32, #tpu.memory_space<vmem>>, vector<16xf32>,
        %mul3A_480 = arith.mulf %get3A_479, %gather3A_469 : vector<16xf32>
        %swap3A_481 = arith.index_cast %add3A_467 : i32 to index
        %swap3A_482 = arith.constant 16 : index
        %swap3A_483 = tpu.vector_load %arg19[%swap3A_481, %swap3A_482] {strides = array<i32>} : memref<64x128xf32, #tpu.memory_space<vmem>>, vector<16xf32>,
        tpu.vector_store %arg19[%swap3A_481, %swap3A_482], %mul3A_480 {strides = array<i32>} : memref<64x128xf32, #tpu.memory_space<vmem>>, vector<16xf32>,
        %get3A_484 = arith.index_cast %add3A_467 : i32 to index
        %get3A_485 = arith.constant 32 : index
        %get3A_486 = tpu.vector_load %arg19[%get3A_484, %get3A_485] {strides = array<i32>} : memref<64x128xf32, #tpu.memory_space<vmem>>, vector<16xf32>,
        %mul3A_487 = arith.mulf %get3A_486, %gather3A_469 : vector<16xf32>
        %swap3A_488 = arith.index_cast %add3A_467 : i32 to index
        %swap3A_489 = arith.constant 32 : index
        %swap3A_490 = tpu.vector_load %arg19[%swap3A_488, %swap3A_489] {strides = array<i32>} : memref<64x128xf32, #tpu.memory_space<vmem>>, vector<16xf32>,
        tpu.vector_store %arg19[%swap3A_488, %swap3A_489], %mul3A_487 {strides = array<i32>} : memref<64x128xf32, #tpu.memory_space<vmem>>, vector<16xf32>,
        %get3A_491 = arith.index_cast %add3A_467 : i32 to index
        %get3A_492 = arith.constant 48 : index
        %get3A_493 = tpu.vector_load %arg19[%get3A_491, %get3A_492] {strides = array<i32>} : memref<64x128xf32, #tpu.memory_space<vmem>>, vector<16xf32>,
        %mul3A_494 = arith.mulf %get3A_493, %gather3A_469 : vector<16xf32>
        %swap3A_495 = arith.index_cast %add3A_467 : i32 to index
        %swap3A_496 = arith.constant 48 : index
        %swap3A_497 = tpu.vector_load %arg19[%swap3A_495, %swap3A_496] {strides = array<i32>} : memref<64x128xf32, #tpu.memory_space<vmem>>, vector<16xf32>,
        tpu.vector_store %arg19[%swap3A_495, %swap3A_496], %mul3A_494 {strides = array<i32>} : memref<64x128xf32, #tpu.memory_space<vmem>>, vector<16xf32>,
        %get3A_498 = arith.index_cast %add3A_467 : i32 to index
        %get3A_499 = arith.constant 64 : index
        %get3A_500 = tpu.vector_load %arg19[%get3A_498, %get3A_499] {strides = array<i32>} : memref<64x128xf32, #tpu.memory_space<vmem>>, vector<16xf32>,
        %mul3A_501 = arith.mulf %get3A_500, %gather3A_469 : vector<16xf32>
        %swap3A_502 = arith.index_cast %add3A_467 : i32 to index
        %swap3A_503 = arith.constant 64 : index
        %swap3A_504 = tpu.vector_load %arg19[%swap3A_502, %swap3A_503] {strides = array<i32>} : memref<64x128xf32, #tpu.memory_space<vmem>>, vector<16xf32>,
        tpu.vector_store %arg19[%swap3A_502, %swap3A_503], %mul3A_501 {strides = array<i32>} : memref<64x128xf32, #tpu.memory_space<vmem>>, vector<16xf32>,
        %get3A_505 = arith.index_cast %add3A_467 : i32 to index
        %get3A_506 = arith.constant 80 : index
        %get3A_507 = tpu.vector_load %arg19[%get3A_505, %get3A_506] {strides = array<i32>} : memref<64x128xf32, #tpu.memory_space<vmem>>, vector<16xf32>,
        %mul3A_508 = arith.mulf %get3A_507, %gather3A_469 : vector<16xf32>
        %swap3A_509 = arith.index_cast %add3A_467 : i32 to index
        %swap3A_510 = arith.constant 80 : index
        %swap3A_511 = tpu.vector_load %arg19[%swap3A_509, %swap3A_510] {strides = array<i32>} : memref<64x128xf32, #tpu.memory_space<vmem>>, vector<16xf32>,
        tpu.vector_store %arg19[%swap3A_509, %swap3A_510], %mul3A_508 {strides = array<i32>} : memref<64x128xf32, #tpu.memory_space<vmem>>, vector<16xf32>,
        %get3A_512 = arith.index_cast %add3A_467 : i32 to index
        %get3A_513 = arith.constant 96 : index
        %get3A_514 = tpu.vector_load %arg19[%get3A_512, %get3A_513] {strides = array<i32>} : memref<64x128xf32, #tpu.memory_space<vmem>>, vector<16xf32>,
        %mul3A_515 = arith.mulf %get3A_514, %gather3A_469 : vector<16xf32>
        %swap3A_516 = arith.index_cast %add3A_467 : i32 to index
        %swap3A_517 = arith.constant 96 : index
        %swap3A_518 = tpu.vector_load %arg19[%swap3A_516, %swap3A_517] {strides = array<i32>} : memref<64x128xf32, #tpu.memory_space<vmem>>, vector<16xf32>,
        tpu.vector_store %arg19[%swap3A_516, %swap3A_517], %mul3A_515 {strides = array<i32>} : memref<64x128xf32, #tpu.memory_space<vmem>>, vector<16xf32>,
        %get3A_519 = arith.index_cast %add3A_467 : i32 to index
        %get3A_520 = arith.constant 112 : index
        %get3A_521 = tpu.vector_load %arg19[%get3A_519, %get3A_520] {strides = array<i32>} : memref<64x128xf32, #tpu.memory_space<vmem>>, vector<16xf32>,
        %mul3A_522 = arith.mulf %get3A_521, %gather3A_469 : vector<16xf32>
        %swap3A_523 = arith.index_cast %add3A_467 : i32 to index
        %swap3A_524 = arith.constant 112 : index
        %swap3A_525 = tpu.vector_load %arg19[%swap3A_523, %swap3A_524] {strides = array<i32>} : memref<64x128xf32, #tpu.memory_space<vmem>>, vector<16xf32>,
        tpu.vector_store %arg19[%swap3A_523, %swap3A_524], %mul3A_522 {strides = array<i32>} : memref<64x128xf32, #tpu.memory_space<vmem>>, vector<16xf32>,
        %add3A_526 = arith.constant 3 : i32
        %add3A_527 = arith.addi %add3A_347, %add3A_526 : i32
        %broadcast_in_dim3A_528 = vector.broadcast %add3A_527 : i32 to vector<16xi32>
        %gather3A_529 = tpu.vector_load_idx %arg15[%broadcast_in_dim3A_528] : memref<64xf32, #tpu.memory_space<vmem>>[vector<16xi32>], vector<16xf32>,
        %get3A_530 = arith.index_cast %add3A_527 : i32 to index
        %get3A_531 = arith.constant 0 : index
        %get3A_532 = tpu.vector_load %arg19[%get3A_530, %get3A_531] {strides = array<i32>} : memref<64x128xf32, #tpu.memory_space<vmem>>, vector<16xf32>,
        %mul3A_533 = arith.mulf %get3A_532, %gather3A_529 : vector<16xf32>
        %swap3A_534 = arith.index_cast %add3A_527 : i32 to index
        %swap3A_535 = arith.constant 0 : index
        %swap3A_536 = tpu.vector_load %arg19[%swap3A_534, %swap3A_535] {strides = array<i32>} : memref<64x128xf32, #tpu.memory_space<vmem>>, vector<16xf32>,
        tpu.vector_store %arg19[%swap3A_534, %swap3A_535], %mul3A_533 {strides = array<i32>} : memref<64x128xf32, #tpu.memory_space<vmem>>, vector<16xf32>,
        %get3A_537 = arith.index_cast %add3A_527 : i32 to index
        %get3A_538 = arith.constant 16 : index
        %get3A_539 = tpu.vector_load %arg19[%get3A_537, %get3A_538] {strides = array<i32>} : memref<64x128xf32, #tpu.memory_space<vmem>>, vector<16xf32>,
        %mul3A_540 = arith.mulf %get3A_539, %gather3A_529 : vector<16xf32>
        %swap3A_541 = arith.index_cast %add3A_527 : i32 to index
        %swap3A_542 = arith.constant 16 : index
        %swap3A_543 = tpu.vector_load %arg19[%swap3A_541, %swap3A_542] {strides = array<i32>} : memref<64x128xf32, #tpu.memory_space<vmem>>, vector<16xf32>,
        tpu.vector_store %arg19[%swap3A_541, %swap3A_542], %mul3A_540 {strides = array<i32>} : memref<64x128xf32, #tpu.memory_space<vmem>>, vector<16xf32>,
        %get3A_544 = arith.index_cast %add3A_527 : i32 to index
        %get3A_545 = arith.constant 32 : index
        %get3A_546 = tpu.vector_load %arg19[%get3A_544, %get3A_545] {strides = array<i32>} : memref<64x128xf32, #tpu.memory_space<vmem>>, vector<16xf32>,
        %mul3A_547 = arith.mulf %get3A_546, %gather3A_529 : vector<16xf32>
        %swap3A_548 = arith.index_cast %add3A_527 : i32 to index
        %swap3A_549 = arith.constant 32 : index
        %swap3A_550 = tpu.vector_load %arg19[%swap3A_548, %swap3A_549] {strides = array<i32>} : memref<64x128xf32, #tpu.memory_space<vmem>>, vector<16xf32>,
        tpu.vector_store %arg19[%swap3A_548, %swap3A_549], %mul3A_547 {strides = array<i32>} : memref<64x128xf32, #tpu.memory_space<vmem>>, vector<16xf32>,
        %get3A_551 = arith.index_cast %add3A_527 : i32 to index
        %get3A_552 = arith.constant 48 : index
        %get3A_553 = tpu.vector_load %arg19[%get3A_551, %get3A_552] {strides = array<i32>} : memref<64x128xf32, #tpu.memory_space<vmem>>, vector<16xf32>,
        %mul3A_554 = arith.mulf %get3A_553, %gather3A_529 : vector<16xf32>
        %swap3A_555 = arith.index_cast %add3A_527 : i32 to index
        %swap3A_556 = arith.constant 48 : index
        %swap3A_557 = tpu.vector_load %arg19[%swap3A_555, %swap3A_556] {strides = array<i32>} : memref<64x128xf32, #tpu.memory_space<vmem>>, vector<16xf32>,
        tpu.vector_store %arg19[%swap3A_555, %swap3A_556], %mul3A_554 {strides = array<i32>} : memref<64x128xf32, #tpu.memory_space<vmem>>, vector<16xf32>,
        %get3A_558 = arith.index_cast %add3A_527 : i32 to index
        %get3A_559 = arith.constant 64 : index
        %get3A_560 = tpu.vector_load %arg19[%get3A_558, %get3A_559] {strides = array<i32>} : memref<64x128xf32, #tpu.memory_space<vmem>>, vector<16xf32>,
        %mul3A_561 = arith.mulf %get3A_560, %gather3A_529 : vector<16xf32>
        %swap3A_562 = arith.index_cast %add3A_527 : i32 to index
        %swap3A_563 = arith.constant 64 : index
        %swap3A_564 = tpu.vector_load %arg19[%swap3A_562, %swap3A_563] {strides = array<i32>} : memref<64x128xf32, #tpu.memory_space<vmem>>, vector<16xf32>,
        tpu.vector_store %arg19[%swap3A_562, %swap3A_563], %mul3A_561 {strides = array<i32>} : memref<64x128xf32, #tpu.memory_space<vmem>>, vector<16xf32>,
        %get3A_565 = arith.index_cast %add3A_527 : i32 to index
        %get3A_566 = arith.constant 80 : index
        %get3A_567 = tpu.vector_load %arg19[%get3A_565, %get3A_566] {strides = array<i32>} : memref<64x128xf32, #tpu.memory_space<vmem>>, vector<16xf32>,
        %mul3A_568 = arith.mulf %get3A_567, %gather3A_529 : vector<16xf32>
        %swap3A_569 = arith.index_cast %add3A_527 : i32 to index
        %swap3A_570 = arith.constant 80 : index
        %swap3A_571 = tpu.vector_load %arg19[%swap3A_569, %swap3A_570] {strides = array<i32>} : memref<64x128xf32, #tpu.memory_space<vmem>>, vector<16xf32>,
        tpu.vector_store %arg19[%swap3A_569, %swap3A_570], %mul3A_568 {strides = array<i32>} : memref<64x128xf32, #tpu.memory_space<vmem>>, vector<16xf32>,
        %get3A_572 = arith.index_cast %add3A_527 : i32 to index
        %get3A_573 = arith.constant 96 : index
        %get3A_574 = tpu.vector_load %arg19[%get3A_572, %get3A_573] {strides = array<i32>} : memref<64x128xf32, #tpu.memory_space<vmem>>, vector<16xf32>,
        %mul3A_575 = arith.mulf %get3A_574, %gather3A_529 : vector<16xf32>
        %swap3A_576 = arith.index_cast %add3A_527 : i32 to index
        %swap3A_577 = arith.constant 96 : index
        %swap3A_578 = tpu.vector_load %arg19[%swap3A_576, %swap3A_577] {strides = array<i32>} : memref<64x128xf32, #tpu.memory_space<vmem>>, vector<16xf32>,
        tpu.vector_store %arg19[%swap3A_576, %swap3A_577], %mul3A_575 {strides = array<i32>} : memref<64x128xf32, #tpu.memory_space<vmem>>, vector<16xf32>,
        %get3A_579 = arith.index_cast %add3A_527 : i32 to index
        %get3A_580 = arith.constant 112 : index
        %get3A_581 = tpu.vector_load %arg19[%get3A_579, %get3A_580] {strides = array<i32>} : memref<64x128xf32, #tpu.memory_space<vmem>>, vector<16xf32>,
        %mul3A_582 = arith.mulf %get3A_581, %gather3A_529 : vector<16xf32>
        %swap3A_583 = arith.index_cast %add3A_527 : i32 to index
        %swap3A_584 = arith.constant 112 : index
        %swap3A_585 = tpu.vector_load %arg19[%swap3A_583, %swap3A_584] {strides = array<i32>} : memref<64x128xf32, #tpu.memory_space<vmem>>, vector<16xf32>,
        tpu.vector_store %arg19[%swap3A_583, %swap3A_584], %mul3A_582 {strides = array<i32>} : memref<64x128xf32, #tpu.memory_space<vmem>>, vector<16xf32>,
      }
      %scan3A_195 = arith.constant 16 : i32
      %dma_start3A_196 = arith.constant 0 : i32
      %dma_start3A_197 = arith.constant 0 : i32
      %dma_start3A_198 = tpu.memref_slice %arg6[%dma_start3A_196, %dma_start3A_197] : memref<10112x128xf32, #tpu.memory_space<vmem_shared>> -> memref<10112x128xf32, #tpu.memory_space<vmem_shared>>
      tpu.enqueue_indirect_dma source(%arg19 : memref<64x128xf32, #tpu.memory_space<vmem>>) target(%dma_start3A_198 : memref<10112x128xf32, #tpu.memory_space<vmem_shared>>) offsets(%arg11 : memref<64xi32, #tpu.memory_space<vmem>>) semaphore(%arg27 : memref<!tpu.dma_semaphore, #tpu.memory_space<semaphore_mem>>) {add = true}
      %add3A_199 = arith.constant 4 : i32
      %add3A_200 = arith.addi %add3A_171, %add3A_199 : i32
      %lt3A = arith.cmpi slt, %add3A_200, %select_n3A : i32
      %convert_element_type3A = arith.extui %lt3A : i1 to i32
      %cond3A = arith.constant 0 : i32
      %cond3A_201 = arith.cmpi ne, %convert_element_type3A, %cond3A : i32
      scf.if %cond3A_201 {
        %add3A_343 = arith.constant 4 : i32
        %add3A_344 = arith.addi %add3A_171, %add3A_343 : i32
        %mul3A_345 = arith.constant 2 : i32
        %mul3A_346 = arith.muli %add3A_344, %mul3A_345 : i32
        %mul3A_347 = arith.constant 64 : i32
        %mul3A_348 = arith.muli %mul3A_346, %mul3A_347 : i32
        %add3A_349 = arith.addi %mul3A_9, %mul3A_348 : i32
        %dma_start3A_350 = tpu.memref_slice %arg3[%add3A_349] : memref<655360xi32, #tpu.memory_space<hbm>> -> memref<128xi32, #tpu.memory_space<hbm>>
        %dma_start3A_351 = tpu.memref_slice %arg3[%add3A_349] : memref<655360xi32, #tpu.memory_space<hbm>> -> memref<128xi32, #tpu.memory_space<hbm>>
        tpu.enqueue_dma source(%dma_start3A_351 : memref<128xi32, #tpu.memory_space<hbm>>) target(%arg7 : memref<128xi32, #tpu.memory_space<vmem>>) target_semaphore(%arg31 : memref<!tpu.dma_semaphore, #tpu.memory_space<semaphore_mem>>)
        %mul3A_352 = arith.constant 64 : i32
        %mul3A_353 = arith.muli %add3A_344, %mul3A_352 : i32
        %add3A_354 = arith.addi %mul3A_11, %mul3A_353 : i32
        %dma_start3A_355 = tpu.memref_slice %arg4[%add3A_354] : memref<327680xf32, #tpu.memory_space<hbm>> -> memref<64xf32, #tpu.memory_space<hbm>>
        %dma_start3A_356 = tpu.memref_slice %arg4[%add3A_354] : memref<327680xf32, #tpu.memory_space<hbm>> -> memref<64xf32, #tpu.memory_space<hbm>>
        tpu.enqueue_dma source(%dma_start3A_356 : memref<64xf32, #tpu.memory_space<hbm>>) target(%arg15 : memref<64xf32, #tpu.memory_space<vmem>>) target_semaphore(%arg31 : memref<!tpu.dma_semaphore, #tpu.memory_space<semaphore_mem>>)
      } else {
      }
      %add3A_202 = arith.constant 2 : i32
      %add3A_203 = arith.addi %add3A_171, %add3A_202 : i32
      %lt3A_204 = arith.cmpi slt, %add3A_203, %select_n3A : i32
      %convert_element_type3A_205 = arith.extui %lt3A_204 : i1 to i32
      %cond3A_206 = arith.constant 0 : i32
      %cond3A_207 = arith.cmpi ne, %convert_element_type3A_205, %cond3A_206 : i32
      scf.if %cond3A_207 {
        %gt3A = arith.constant 0 : i32
        %gt3A_343 = arith.cmpi sgt, %add3A_167, %gt3A : i32
        %convert_element_type3A_344 = arith.extui %gt3A_343 : i1 to i32
        %cond3A_345 = arith.constant 0 : i32
        %cond3A_346 = arith.cmpi ne, %convert_element_type3A_344, %cond3A_345 : i32
        scf.if %cond3A_346 {
          %dma_wait3A_360 = arith.constant 0 : i32
          %dma_wait3A_361 = arith.constant 0 : i32
          %dma_wait3A_362 = tpu.memref_slice %arg6[%dma_wait3A_360, %dma_wait3A_361] : memref<10112x128xf32, #tpu.memory_space<vmem_shared>> -> memref<10112x128xf32, #tpu.memory_space<vmem_shared>>
          tpu.wait_indirect_dma semaphore(%arg29 : memref<!tpu.dma_semaphore, #tpu.memory_space<semaphore_mem>>) src(%arg21 : memref<64x128xf32, #tpu.memory_space<vmem>>) dst(%dma_wait3A_362 : memref<10112x128xf32, #tpu.memory_space<vmem_shared>>)
        } else {
        }
        %dma_wait3A_347 = arith.constant 0 : i32
        %dma_wait3A_348 = tpu.memref_slice %arg3[%dma_wait3A_347] : memref<655360xi32, #tpu.memory_space<hbm>> -> memref<128xi32, #tpu.memory_space<hbm>>
        %dma_wait3A_349 = arith.constant 0 : i32
        %dma_wait3A_350 = tpu.memref_slice %arg3[%dma_wait3A_349] : memref<655360xi32, #tpu.memory_space<hbm>> -> memref<128xi32, #tpu.memory_space<hbm>>
        tpu.wait_dma2 semaphore(%arg33 : memref<!tpu.dma_semaphore, #tpu.memory_space<semaphore_mem>>) src(%dma_wait3A_350 : memref<128xi32, #tpu.memory_space<hbm>>) dst(%arg9 : memref<128xi32, #tpu.memory_space<vmem>>)
        %dma_wait3A_351 = arith.constant 0 : i32
        %dma_wait3A_352 = tpu.memref_slice %arg4[%dma_wait3A_351] : memref<327680xf32, #tpu.memory_space<hbm>> -> memref<64xf32, #tpu.memory_space<hbm>>
        %dma_wait3A_353 = arith.constant 0 : i32
        %dma_wait3A_354 = tpu.memref_slice %arg4[%dma_wait3A_353] : memref<327680xf32, #tpu.memory_space<hbm>> -> memref<64xf32, #tpu.memory_space<hbm>>
        tpu.wait_dma2 semaphore(%arg33 : memref<!tpu.dma_semaphore, #tpu.memory_space<semaphore_mem>>) src(%dma_wait3A_354 : memref<64xf32, #tpu.memory_space<hbm>>) dst(%arg17 : memref<64xf32, #tpu.memory_space<vmem>>)
        %dma_start3A_355 = arith.constant 0 : i32
        %dma_start3A_356 = tpu.memref_slice %arg9[%dma_start3A_355] : memref<128xi32, #tpu.memory_space<vmem>> -> memref<64xi32, #tpu.memory_space<vmem>>
        %dma_start3A_357 = arith.constant 0 : i32
        %dma_start3A_358 = arith.constant 0 : i32
        %dma_start3A_359 = tpu.memref_slice %arg2[%dma_start3A_357, %dma_start3A_358] : memref<10112x128xf32, #tpu.memory_space<hbm>> -> memref<10112x128xf32, #tpu.memory_space<hbm>>
        tpu.enqueue_indirect_dma source(%dma_start3A_359 : memref<10112x128xf32, #tpu.memory_space<hbm>>) target(%arg21 : memref<64x128xf32, #tpu.memory_space<vmem>>) offsets(%dma_start3A_356 : memref<64xi32, #tpu.memory_space<vmem>>) semaphore(%arg25 : memref<!tpu.dma_semaphore, #tpu.memory_space<semaphore_mem>>)
      } else {
      }
      %mul3A_208 = arith.constant 4 : i32
      %mul3A_209 = arith.muli %add3A_167, %mul3A_208 : i32
      %add3A_210 = arith.constant 1 : i32
      %add3A_211 = arith.addi %mul3A_209, %add3A_210 : i32
      %dma_wait3A_212 = arith.constant 0 : i32
      %dma_wait3A_213 = tpu.memref_slice %arg8[%dma_wait3A_212] : memref<128xi32, #tpu.memory_space<vmem>> -> memref<64xi32, #tpu.memory_space<vmem>>
      %dma_wait3A_214 = arith.constant 0 : i32
      %dma_wait3A_215 = arith.constant 0 : i32
      %dma_wait3A_216 = tpu.memref_slice %arg2[%dma_wait3A_214, %dma_wait3A_215] : memref<10112x128xf32, #tpu.memory_space<hbm>> -> memref<10112x128xf32, #tpu.memory_space<hbm>>
      tpu.wait_indirect_dma semaphore(%arg24 : memref<!tpu.dma_semaphore, #tpu.memory_space<semaphore_mem>>) src(%dma_wait3A_216 : memref<10112x128xf32, #tpu.memory_space<hbm>>) dst(%arg20 : memref<64x128xf32, #tpu.memory_space<vmem>>)
      %get3A_217 = arith.constant 64 : index
      %get3A_218 = tpu.vector_load %arg8[%get3A_217] {strides = array<i32>} : memref<128xi32, #tpu.memory_space<vmem>>, vector<16xi32>,
      %swap3A_219 = arith.constant 0 : index
      %swap3A_220 = tpu.vector_load %arg12[%swap3A_219] {strides = array<i32>} : memref<64xi32, #tpu.memory_space<vmem>>, vector<16xi32>,
      tpu.vector_store %arg12[%swap3A_219], %get3A_218 {strides = array<i32>} : memref<64xi32, #tpu.memory_space<vmem>>, vector<16xi32>,
      %get3A_221 = arith.constant 80 : index
      %get3A_222 = tpu.vector_load %arg8[%get3A_221] {strides = array<i32>} : memref<128xi32, #tpu.memory_space<vmem>>, vector<16xi32>,
      %swap3A_223 = arith.constant 16 : index
      %swap3A_224 = tpu.vector_load %arg12[%swap3A_223] {strides = array<i32>} : memref<64xi32, #tpu.memory_space<vmem>>, vector<16xi32>,
      tpu.vector_store %arg12[%swap3A_223], %get3A_222 {strides = array<i32>} : memref<64xi32, #tpu.memory_space<vmem>>, vector<16xi32>,
      %get3A_225 = arith.constant 96 : index
      %get3A_226 = tpu.vector_load %arg8[%get3A_225] {strides = array<i32>} : memref<128xi32, #tpu.memory_space<vmem>>, vector<16xi32>,
      %swap3A_227 = arith.constant 32 : index
      %swap3A_228 = tpu.vector_load %arg12[%swap3A_227] {strides = array<i32>} : memref<64xi32, #tpu.memory_space<vmem>>, vector<16xi32>,
      tpu.vector_store %arg12[%swap3A_227], %get3A_226 {strides = array<i32>} : memref<64xi32, #tpu.memory_space<vmem>>, vector<16xi32>,
      %get3A_229 = arith.constant 112 : index
      %get3A_230 = tpu.vector_load %arg8[%get3A_229] {strides = array<i32>} : memref<128xi32, #tpu.memory_space<vmem>>, vector<16xi32>,
      %swap3A_231 = arith.constant 48 : index
      %swap3A_232 = tpu.vector_load %arg12[%swap3A_231] {strides = array<i32>} : memref<64xi32, #tpu.memory_space<vmem>>, vector<16xi32>,
      tpu.vector_store %arg12[%swap3A_231], %get3A_230 {strides = array<i32>} : memref<64xi32, #tpu.memory_space<vmem>>, vector<16xi32>,
      %scan3A_233 = arith.constant 0 : i32
      %scan3A_234 = arith.constant 16 : i32
      %scan3A_235 = arith.addi %scan3A_233, %scan3A_234 : i32
      %scan3A_236 = arith.constant 1 : i32
      scf.for %scan3A_343 = %scan3A_233 to %scan3A_235 step %scan3A_236  : i32 {
        %mul3A_344 = arith.constant 4 : i32
        %mul3A_345 = arith.muli %scan3A_343, %mul3A_344 : i32
        %add3A_346 = arith.constant 0 : i32
        %add3A_347 = arith.addi %add3A_346, %mul3A_345 : i32
        %add3A_348 = arith.constant 0 : i32
        %add3A_349 = arith.addi %add3A_347, %add3A_348 : i32
        %broadcast_in_dim3A = vector.broadcast %add3A_349 : i32 to vector<16xi32>
        %gather3A = tpu.vector_load_idx %arg16[%broadcast_in_dim3A] : memref<64xf32, #tpu.memory_space<vmem>>[vector<16xi32>], vector<16xf32>,
        %get3A_350 = arith.index_cast %add3A_349 : i32 to index
        %get3A_351 = arith.constant 0 : index
        %get3A_352 = tpu.vector_load %arg20[%get3A_350, %get3A_351] {strides = array<i32>} : memref<64x128xf32, #tpu.memory_space<vmem>>, vector<16xf32>,
        %mul3A_353 = arith.mulf %get3A_352, %gather3A : vector<16xf32>
        %swap3A_354 = arith.index_cast %add3A_349 : i32 to index
        %swap3A_355 = arith.constant 0 : index
        %swap3A_356 = tpu.vector_load %arg20[%swap3A_354, %swap3A_355] {strides = array<i32>} : memref<64x128xf32, #tpu.memory_space<vmem>>, vector<16xf32>,
        tpu.vector_store %arg20[%swap3A_354, %swap3A_355], %mul3A_353 {strides = array<i32>} : memref<64x128xf32, #tpu.memory_space<vmem>>, vector<16xf32>,
        %get3A_357 = arith.index_cast %add3A_349 : i32 to index
        %get3A_358 = arith.constant 16 : index
        %get3A_359 = tpu.vector_load %arg20[%get3A_357, %get3A_358] {strides = array<i32>} : memref<64x128xf32, #tpu.memory_space<vmem>>, vector<16xf32>,
        %mul3A_360 = arith.mulf %get3A_359, %gather3A : vector<16xf32>
        %swap3A_361 = arith.index_cast %add3A_349 : i32 to index
        %swap3A_362 = arith.constant 16 : index
        %swap3A_363 = tpu.vector_load %arg20[%swap3A_361, %swap3A_362] {strides = array<i32>} : memref<64x128xf32, #tpu.memory_space<vmem>>, vector<16xf32>,
        tpu.vector_store %arg20[%swap3A_361, %swap3A_362], %mul3A_360 {strides = array<i32>} : memref<64x128xf32, #tpu.memory_space<vmem>>, vector<16xf32>,
        %get3A_364 = arith.index_cast %add3A_349 : i32 to index
        %get3A_365 = arith.constant 32 : index
        %get3A_366 = tpu.vector_load %arg20[%get3A_364, %get3A_365] {strides = array<i32>} : memref<64x128xf32, #tpu.memory_space<vmem>>, vector<16xf32>,
        %mul3A_367 = arith.mulf %get3A_366, %gather3A : vector<16xf32>
        %swap3A_368 = arith.index_cast %add3A_349 : i32 to index
        %swap3A_369 = arith.constant 32 : index
        %swap3A_370 = tpu.vector_load %arg20[%swap3A_368, %swap3A_369] {strides = array<i32>} : memref<64x128xf32, #tpu.memory_space<vmem>>, vector<16xf32>,
        tpu.vector_store %arg20[%swap3A_368, %swap3A_369], %mul3A_367 {strides = array<i32>} : memref<64x128xf32, #tpu.memory_space<vmem>>, vector<16xf32>,
        %get3A_371 = arith.index_cast %add3A_349 : i32 to index
        %get3A_372 = arith.constant 48 : index
        %get3A_373 = tpu.vector_load %arg20[%get3A_371, %get3A_372] {strides = array<i32>} : memref<64x128xf32, #tpu.memory_space<vmem>>, vector<16xf32>,
        %mul3A_374 = arith.mulf %get3A_373, %gather3A : vector<16xf32>
        %swap3A_375 = arith.index_cast %add3A_349 : i32 to index
        %swap3A_376 = arith.constant 48 : index
        %swap3A_377 = tpu.vector_load %arg20[%swap3A_375, %swap3A_376] {strides = array<i32>} : memref<64x128xf32, #tpu.memory_space<vmem>>, vector<16xf32>,
        tpu.vector_store %arg20[%swap3A_375, %swap3A_376], %mul3A_374 {strides = array<i32>} : memref<64x128xf32, #tpu.memory_space<vmem>>, vector<16xf32>,
        %get3A_378 = arith.index_cast %add3A_349 : i32 to index
        %get3A_379 = arith.constant 64 : index
        %get3A_380 = tpu.vector_load %arg20[%get3A_378, %get3A_379] {strides = array<i32>} : memref<64x128xf32, #tpu.memory_space<vmem>>, vector<16xf32>,
        %mul3A_381 = arith.mulf %get3A_380, %gather3A : vector<16xf32>
        %swap3A_382 = arith.index_cast %add3A_349 : i32 to index
        %swap3A_383 = arith.constant 64 : index
        %swap3A_384 = tpu.vector_load %arg20[%swap3A_382, %swap3A_383] {strides = array<i32>} : memref<64x128xf32, #tpu.memory_space<vmem>>, vector<16xf32>,
        tpu.vector_store %arg20[%swap3A_382, %swap3A_383], %mul3A_381 {strides = array<i32>} : memref<64x128xf32, #tpu.memory_space<vmem>>, vector<16xf32>,
        %get3A_385 = arith.index_cast %add3A_349 : i32 to index
        %get3A_386 = arith.constant 80 : index
        %get3A_387 = tpu.vector_load %arg20[%get3A_385, %get3A_386] {strides = array<i32>} : memref<64x128xf32, #tpu.memory_space<vmem>>, vector<16xf32>,
        %mul3A_388 = arith.mulf %get3A_387, %gather3A : vector<16xf32>
        %swap3A_389 = arith.index_cast %add3A_349 : i32 to index
        %swap3A_390 = arith.constant 80 : index
        %swap3A_391 = tpu.vector_load %arg20[%swap3A_389, %swap3A_390] {strides = array<i32>} : memref<64x128xf32, #tpu.memory_space<vmem>>, vector<16xf32>,
        tpu.vector_store %arg20[%swap3A_389, %swap3A_390], %mul3A_388 {strides = array<i32>} : memref<64x128xf32, #tpu.memory_space<vmem>>, vector<16xf32>,
        %get3A_392 = arith.index_cast %add3A_349 : i32 to index
        %get3A_393 = arith.constant 96 : index
        %get3A_394 = tpu.vector_load %arg20[%get3A_392, %get3A_393] {strides = array<i32>} : memref<64x128xf32, #tpu.memory_space<vmem>>, vector<16xf32>,
        %mul3A_395 = arith.mulf %get3A_394, %gather3A : vector<16xf32>
        %swap3A_396 = arith.index_cast %add3A_349 : i32 to index
        %swap3A_397 = arith.constant 96 : index
        %swap3A_398 = tpu.vector_load %arg20[%swap3A_396, %swap3A_397] {strides = array<i32>} : memref<64x128xf32, #tpu.memory_space<vmem>>, vector<16xf32>,
        tpu.vector_store %arg20[%swap3A_396, %swap3A_397], %mul3A_395 {strides = array<i32>} : memref<64x128xf32, #tpu.memory_space<vmem>>, vector<16xf32>,
        %get3A_399 = arith.index_cast %add3A_349 : i32 to index
        %get3A_400 = arith.constant 112 : index
        %get3A_401 = tpu.vector_load %arg20[%get3A_399, %get3A_400] {strides = array<i32>} : memref<64x128xf32, #tpu.memory_space<vmem>>, vector<16xf32>,
        %mul3A_402 = arith.mulf %get3A_401, %gather3A : vector<16xf32>
        %swap3A_403 = arith.index_cast %add3A_349 : i32 to index
        %swap3A_404 = arith.constant 112 : index
        %swap3A_405 = tpu.vector_load %arg20[%swap3A_403, %swap3A_404] {strides = array<i32>} : memref<64x128xf32, #tpu.memory_space<vmem>>, vector<16xf32>,
        tpu.vector_store %arg20[%swap3A_403, %swap3A_404], %mul3A_402 {strides = array<i32>} : memref<64x128xf32, #tpu.memory_space<vmem>>, vector<16xf32>,
        %add3A_406 = arith.constant 1 : i32
        %add3A_407 = arith.addi %add3A_347, %add3A_406 : i32
        %broadcast_in_dim3A_408 = vector.broadcast %add3A_407 : i32 to vector<16xi32>
        %gather3A_409 = tpu.vector_load_idx %arg16[%broadcast_in_dim3A_408] : memref<64xf32, #tpu.memory_space<vmem>>[vector<16xi32>], vector<16xf32>,
        %get3A_410 = arith.index_cast %add3A_407 : i32 to index
        %get3A_411 = arith.constant 0 : index
        %get3A_412 = tpu.vector_load %arg20[%get3A_410, %get3A_411] {strides = array<i32>} : memref<64x128xf32, #tpu.memory_space<vmem>>, vector<16xf32>,
        %mul3A_413 = arith.mulf %get3A_412, %gather3A_409 : vector<16xf32>
        %swap3A_414 = arith.index_cast %add3A_407 : i32 to index
        %swap3A_415 = arith.constant 0 : index
        %swap3A_416 = tpu.vector_load %arg20[%swap3A_414, %swap3A_415] {strides = array<i32>} : memref<64x128xf32, #tpu.memory_space<vmem>>, vector<16xf32>,
        tpu.vector_store %arg20[%swap3A_414, %swap3A_415], %mul3A_413 {strides = array<i32>} : memref<64x128xf32, #tpu.memory_space<vmem>>, vector<16xf32>,
        %get3A_417 = arith.index_cast %add3A_407 : i32 to index
        %get3A_418 = arith.constant 16 : index
        %get3A_419 = tpu.vector_load %arg20[%get3A_417, %get3A_418] {strides = array<i32>} : memref<64x128xf32, #tpu.memory_space<vmem>>, vector<16xf32>,
        %mul3A_420 = arith.mulf %get3A_419, %gather3A_409 : vector<16xf32>
        %swap3A_421 = arith.index_cast %add3A_407 : i32 to index
        %swap3A_422 = arith.constant 16 : index
        %swap3A_423 = tpu.vector_load %arg20[%swap3A_421, %swap3A_422] {strides = array<i32>} : memref<64x128xf32, #tpu.memory_space<vmem>>, vector<16xf32>,
        tpu.vector_store %arg20[%swap3A_421, %swap3A_422], %mul3A_420 {strides = array<i32>} : memref<64x128xf32, #tpu.memory_space<vmem>>, vector<16xf32>,
        %get3A_424 = arith.index_cast %add3A_407 : i32 to index
        %get3A_425 = arith.constant 32 : index
        %get3A_426 = tpu.vector_load %arg20[%get3A_424, %get3A_425] {strides = array<i32>} : memref<64x128xf32, #tpu.memory_space<vmem>>, vector<16xf32>,
        %mul3A_427 = arith.mulf %get3A_426, %gather3A_409 : vector<16xf32>
        %swap3A_428 = arith.index_cast %add3A_407 : i32 to index
        %swap3A_429 = arith.constant 32 : index
        %swap3A_430 = tpu.vector_load %arg20[%swap3A_428, %swap3A_429] {strides = array<i32>} : memref<64x128xf32, #tpu.memory_space<vmem>>, vector<16xf32>,
        tpu.vector_store %arg20[%swap3A_428, %swap3A_429], %mul3A_427 {strides = array<i32>} : memref<64x128xf32, #tpu.memory_space<vmem>>, vector<16xf32>,
        %get3A_431 = arith.index_cast %add3A_407 : i32 to index
        %get3A_432 = arith.constant 48 : index
        %get3A_433 = tpu.vector_load %arg20[%get3A_431, %get3A_432] {strides = array<i32>} : memref<64x128xf32, #tpu.memory_space<vmem>>, vector<16xf32>,
        %mul3A_434 = arith.mulf %get3A_433, %gather3A_409 : vector<16xf32>
        %swap3A_435 = arith.index_cast %add3A_407 : i32 to index
        %swap3A_436 = arith.constant 48 : index
        %swap3A_437 = tpu.vector_load %arg20[%swap3A_435, %swap3A_436] {strides = array<i32>} : memref<64x128xf32, #tpu.memory_space<vmem>>, vector<16xf32>,
        tpu.vector_store %arg20[%swap3A_435, %swap3A_436], %mul3A_434 {strides = array<i32>} : memref<64x128xf32, #tpu.memory_space<vmem>>, vector<16xf32>,
        %get3A_438 = arith.index_cast %add3A_407 : i32 to index
        %get3A_439 = arith.constant 64 : index
        %get3A_440 = tpu.vector_load %arg20[%get3A_438, %get3A_439] {strides = array<i32>} : memref<64x128xf32, #tpu.memory_space<vmem>>, vector<16xf32>,
        %mul3A_441 = arith.mulf %get3A_440, %gather3A_409 : vector<16xf32>
        %swap3A_442 = arith.index_cast %add3A_407 : i32 to index
        %swap3A_443 = arith.constant 64 : index
        %swap3A_444 = tpu.vector_load %arg20[%swap3A_442, %swap3A_443] {strides = array<i32>} : memref<64x128xf32, #tpu.memory_space<vmem>>, vector<16xf32>,
        tpu.vector_store %arg20[%swap3A_442, %swap3A_443], %mul3A_441 {strides = array<i32>} : memref<64x128xf32, #tpu.memory_space<vmem>>, vector<16xf32>,
        %get3A_445 = arith.index_cast %add3A_407 : i32 to index
        %get3A_446 = arith.constant 80 : index
        %get3A_447 = tpu.vector_load %arg20[%get3A_445, %get3A_446] {strides = array<i32>} : memref<64x128xf32, #tpu.memory_space<vmem>>, vector<16xf32>,
        %mul3A_448 = arith.mulf %get3A_447, %gather3A_409 : vector<16xf32>
        %swap3A_449 = arith.index_cast %add3A_407 : i32 to index
        %swap3A_450 = arith.constant 80 : index
        %swap3A_451 = tpu.vector_load %arg20[%swap3A_449, %swap3A_450] {strides = array<i32>} : memref<64x128xf32, #tpu.memory_space<vmem>>, vector<16xf32>,
        tpu.vector_store %arg20[%swap3A_449, %swap3A_450], %mul3A_448 {strides = array<i32>} : memref<64x128xf32, #tpu.memory_space<vmem>>, vector<16xf32>,
        %get3A_452 = arith.index_cast %add3A_407 : i32 to index
        %get3A_453 = arith.constant 96 : index
        %get3A_454 = tpu.vector_load %arg20[%get3A_452, %get3A_453] {strides = array<i32>} : memref<64x128xf32, #tpu.memory_space<vmem>>, vector<16xf32>,
        %mul3A_455 = arith.mulf %get3A_454, %gather3A_409 : vector<16xf32>
        %swap3A_456 = arith.index_cast %add3A_407 : i32 to index
        %swap3A_457 = arith.constant 96 : index
        %swap3A_458 = tpu.vector_load %arg20[%swap3A_456, %swap3A_457] {strides = array<i32>} : memref<64x128xf32, #tpu.memory_space<vmem>>, vector<16xf32>,
        tpu.vector_store %arg20[%swap3A_456, %swap3A_457], %mul3A_455 {strides = array<i32>} : memref<64x128xf32, #tpu.memory_space<vmem>>, vector<16xf32>,
        %get3A_459 = arith.index_cast %add3A_407 : i32 to index
        %get3A_460 = arith.constant 112 : index
        %get3A_461 = tpu.vector_load %arg20[%get3A_459, %get3A_460] {strides = array<i32>} : memref<64x128xf32, #tpu.memory_space<vmem>>, vector<16xf32>,
        %mul3A_462 = arith.mulf %get3A_461, %gather3A_409 : vector<16xf32>
        %swap3A_463 = arith.index_cast %add3A_407 : i32 to index
        %swap3A_464 = arith.constant 112 : index
        %swap3A_465 = tpu.vector_load %arg20[%swap3A_463, %swap3A_464] {strides = array<i32>} : memref<64x128xf32, #tpu.memory_space<vmem>>, vector<16xf32>,
        tpu.vector_store %arg20[%swap3A_463, %swap3A_464], %mul3A_462 {strides = array<i32>} : memref<64x128xf32, #tpu.memory_space<vmem>>, vector<16xf32>,
        %add3A_466 = arith.constant 2 : i32
        %add3A_467 = arith.addi %add3A_347, %add3A_466 : i32
        %broadcast_in_dim3A_468 = vector.broadcast %add3A_467 : i32 to vector<16xi32>
        %gather3A_469 = tpu.vector_load_idx %arg16[%broadcast_in_dim3A_468] : memref<64xf32, #tpu.memory_space<vmem>>[vector<16xi32>], vector<16xf32>,
        %get3A_470 = arith.index_cast %add3A_467 : i32 to index
        %get3A_471 = arith.constant 0 : index
        %get3A_472 = tpu.vector_load %arg20[%get3A_470, %get3A_471] {strides = array<i32>} : memref<64x128xf32, #tpu.memory_space<vmem>>, vector<16xf32>,
        %mul3A_473 = arith.mulf %get3A_472, %gather3A_469 : vector<16xf32>
        %swap3A_474 = arith.index_cast %add3A_467 : i32 to index
        %swap3A_475 = arith.constant 0 : index
        %swap3A_476 = tpu.vector_load %arg20[%swap3A_474, %swap3A_475] {strides = array<i32>} : memref<64x128xf32, #tpu.memory_space<vmem>>, vector<16xf32>,
        tpu.vector_store %arg20[%swap3A_474, %swap3A_475], %mul3A_473 {strides = array<i32>} : memref<64x128xf32, #tpu.memory_space<vmem>>, vector<16xf32>,
        %get3A_477 = arith.index_cast %add3A_467 : i32 to index
        %get3A_478 = arith.constant 16 : index
        %get3A_479 = tpu.vector_load %arg20[%get3A_477, %get3A_478] {strides = array<i32>} : memref<64x128xf32, #tpu.memory_space<vmem>>, vector<16xf32>,
        %mul3A_480 = arith.mulf %get3A_479, %gather3A_469 : vector<16xf32>
        %swap3A_481 = arith.index_cast %add3A_467 : i32 to index
        %swap3A_482 = arith.constant 16 : index
        %swap3A_483 = tpu.vector_load %arg20[%swap3A_481, %swap3A_482] {strides = array<i32>} : memref<64x128xf32, #tpu.memory_space<vmem>>, vector<16xf32>,
        tpu.vector_store %arg20[%swap3A_481, %swap3A_482], %mul3A_480 {strides = array<i32>} : memref<64x128xf32, #tpu.memory_space<vmem>>, vector<16xf32>,
        %get3A_484 = arith.index_cast %add3A_467 : i32 to index
        %get3A_485 = arith.constant 32 : index
        %get3A_486 = tpu.vector_load %arg20[%get3A_484, %get3A_485] {strides = array<i32>} : memref<64x128xf32, #tpu.memory_space<vmem>>, vector<16xf32>,
        %mul3A_487 = arith.mulf %get3A_486, %gather3A_469 : vector<16xf32>
        %swap3A_488 = arith.index_cast %add3A_467 : i32 to index
        %swap3A_489 = arith.constant 32 : index
        %swap3A_490 = tpu.vector_load %arg20[%swap3A_488, %swap3A_489] {strides = array<i32>} : memref<64x128xf32, #tpu.memory_space<vmem>>, vector<16xf32>,
        tpu.vector_store %arg20[%swap3A_488, %swap3A_489], %mul3A_487 {strides = array<i32>} : memref<64x128xf32, #tpu.memory_space<vmem>>, vector<16xf32>,
        %get3A_491 = arith.index_cast %add3A_467 : i32 to index
        %get3A_492 = arith.constant 48 : index
        %get3A_493 = tpu.vector_load %arg20[%get3A_491, %get3A_492] {strides = array<i32>} : memref<64x128xf32, #tpu.memory_space<vmem>>, vector<16xf32>,
        %mul3A_494 = arith.mulf %get3A_493, %gather3A_469 : vector<16xf32>
        %swap3A_495 = arith.index_cast %add3A_467 : i32 to index
        %swap3A_496 = arith.constant 48 : index
        %swap3A_497 = tpu.vector_load %arg20[%swap3A_495, %swap3A_496] {strides = array<i32>} : memref<64x128xf32, #tpu.memory_space<vmem>>, vector<16xf32>,
        tpu.vector_store %arg20[%swap3A_495, %swap3A_496], %mul3A_494 {strides = array<i32>} : memref<64x128xf32, #tpu.memory_space<vmem>>, vector<16xf32>,
        %get3A_498 = arith.index_cast %add3A_467 : i32 to index
        %get3A_499 = arith.constant 64 : index
        %get3A_500 = tpu.vector_load %arg20[%get3A_498, %get3A_499] {strides = array<i32>} : memref<64x128xf32, #tpu.memory_space<vmem>>, vector<16xf32>,
        %mul3A_501 = arith.mulf %get3A_500, %gather3A_469 : vector<16xf32>
        %swap3A_502 = arith.index_cast %add3A_467 : i32 to index
        %swap3A_503 = arith.constant 64 : index
        %swap3A_504 = tpu.vector_load %arg20[%swap3A_502, %swap3A_503] {strides = array<i32>} : memref<64x128xf32, #tpu.memory_space<vmem>>, vector<16xf32>,
        tpu.vector_store %arg20[%swap3A_502, %swap3A_503], %mul3A_501 {strides = array<i32>} : memref<64x128xf32, #tpu.memory_space<vmem>>, vector<16xf32>,
        %get3A_505 = arith.index_cast %add3A_467 : i32 to index
        %get3A_506 = arith.constant 80 : index
        %get3A_507 = tpu.vector_load %arg20[%get3A_505, %get3A_506] {strides = array<i32>} : memref<64x128xf32, #tpu.memory_space<vmem>>, vector<16xf32>,
        %mul3A_508 = arith.mulf %get3A_507, %gather3A_469 : vector<16xf32>
        %swap3A_509 = arith.index_cast %add3A_467 : i32 to index
        %swap3A_510 = arith.constant 80 : index
        %swap3A_511 = tpu.vector_load %arg20[%swap3A_509, %swap3A_510] {strides = array<i32>} : memref<64x128xf32, #tpu.memory_space<vmem>>, vector<16xf32>,
        tpu.vector_store %arg20[%swap3A_509, %swap3A_510], %mul3A_508 {strides = array<i32>} : memref<64x128xf32, #tpu.memory_space<vmem>>, vector<16xf32>,
        %get3A_512 = arith.index_cast %add3A_467 : i32 to index
        %get3A_513 = arith.constant 96 : index
        %get3A_514 = tpu.vector_load %arg20[%get3A_512, %get3A_513] {strides = array<i32>} : memref<64x128xf32, #tpu.memory_space<vmem>>, vector<16xf32>,
        %mul3A_515 = arith.mulf %get3A_514, %gather3A_469 : vector<16xf32>
        %swap3A_516 = arith.index_cast %add3A_467 : i32 to index
        %swap3A_517 = arith.constant 96 : index
        %swap3A_518 = tpu.vector_load %arg20[%swap3A_516, %swap3A_517] {strides = array<i32>} : memref<64x128xf32, #tpu.memory_space<vmem>>, vector<16xf32>,
        tpu.vector_store %arg20[%swap3A_516, %swap3A_517], %mul3A_515 {strides = array<i32>} : memref<64x128xf32, #tpu.memory_space<vmem>>, vector<16xf32>,
        %get3A_519 = arith.index_cast %add3A_467 : i32 to index
        %get3A_520 = arith.constant 112 : index
        %get3A_521 = tpu.vector_load %arg20[%get3A_519, %get3A_520] {strides = array<i32>} : memref<64x128xf32, #tpu.memory_space<vmem>>, vector<16xf32>,
        %mul3A_522 = arith.mulf %get3A_521, %gather3A_469 : vector<16xf32>
        %swap3A_523 = arith.index_cast %add3A_467 : i32 to index
        %swap3A_524 = arith.constant 112 : index
        %swap3A_525 = tpu.vector_load %arg20[%swap3A_523, %swap3A_524] {strides = array<i32>} : memref<64x128xf32, #tpu.memory_space<vmem>>, vector<16xf32>,
        tpu.vector_store %arg20[%swap3A_523, %swap3A_524], %mul3A_522 {strides = array<i32>} : memref<64x128xf32, #tpu.memory_space<vmem>>, vector<16xf32>,
        %add3A_526 = arith.constant 3 : i32
        %add3A_527 = arith.addi %add3A_347, %add3A_526 : i32
        %broadcast_in_dim3A_528 = vector.broadcast %add3A_527 : i32 to vector<16xi32>
        %gather3A_529 = tpu.vector_load_idx %arg16[%broadcast_in_dim3A_528] : memref<64xf32, #tpu.memory_space<vmem>>[vector<16xi32>], vector<16xf32>,
        %get3A_530 = arith.index_cast %add3A_527 : i32 to index
        %get3A_531 = arith.constant 0 : index
        %get3A_532 = tpu.vector_load %arg20[%get3A_530, %get3A_531] {strides = array<i32>} : memref<64x128xf32, #tpu.memory_space<vmem>>, vector<16xf32>,
        %mul3A_533 = arith.mulf %get3A_532, %gather3A_529 : vector<16xf32>
        %swap3A_534 = arith.index_cast %add3A_527 : i32 to index
        %swap3A_535 = arith.constant 0 : index
        %swap3A_536 = tpu.vector_load %arg20[%swap3A_534, %swap3A_535] {strides = array<i32>} : memref<64x128xf32, #tpu.memory_space<vmem>>, vector<16xf32>,
        tpu.vector_store %arg20[%swap3A_534, %swap3A_535], %mul3A_533 {strides = array<i32>} : memref<64x128xf32, #tpu.memory_space<vmem>>, vector<16xf32>,
        %get3A_537 = arith.index_cast %add3A_527 : i32 to index
        %get3A_538 = arith.constant 16 : index
        %get3A_539 = tpu.vector_load %arg20[%get3A_537, %get3A_538] {strides = array<i32>} : memref<64x128xf32, #tpu.memory_space<vmem>>, vector<16xf32>,
        %mul3A_540 = arith.mulf %get3A_539, %gather3A_529 : vector<16xf32>
        %swap3A_541 = arith.index_cast %add3A_527 : i32 to index
        %swap3A_542 = arith.constant 16 : index
        %swap3A_543 = tpu.vector_load %arg20[%swap3A_541, %swap3A_542] {strides = array<i32>} : memref<64x128xf32, #tpu.memory_space<vmem>>, vector<16xf32>,
        tpu.vector_store %arg20[%swap3A_541, %swap3A_542], %mul3A_540 {strides = array<i32>} : memref<64x128xf32, #tpu.memory_space<vmem>>, vector<16xf32>,
        %get3A_544 = arith.index_cast %add3A_527 : i32 to index
        %get3A_545 = arith.constant 32 : index
        %get3A_546 = tpu.vector_load %arg20[%get3A_544, %get3A_545] {strides = array<i32>} : memref<64x128xf32, #tpu.memory_space<vmem>>, vector<16xf32>,
        %mul3A_547 = arith.mulf %get3A_546, %gather3A_529 : vector<16xf32>
        %swap3A_548 = arith.index_cast %add3A_527 : i32 to index
        %swap3A_549 = arith.constant 32 : index
        %swap3A_550 = tpu.vector_load %arg20[%swap3A_548, %swap3A_549] {strides = array<i32>} : memref<64x128xf32, #tpu.memory_space<vmem>>, vector<16xf32>,
        tpu.vector_store %arg20[%swap3A_548, %swap3A_549], %mul3A_547 {strides = array<i32>} : memref<64x128xf32, #tpu.memory_space<vmem>>, vector<16xf32>,
        %get3A_551 = arith.index_cast %add3A_527 : i32 to index
        %get3A_552 = arith.constant 48 : index
        %get3A_553 = tpu.vector_load %arg20[%get3A_551, %get3A_552] {strides = array<i32>} : memref<64x128xf32, #tpu.memory_space<vmem>>, vector<16xf32>,
        %mul3A_554 = arith.mulf %get3A_553, %gather3A_529 : vector<16xf32>
        %swap3A_555 = arith.index_cast %add3A_527 : i32 to index
        %swap3A_556 = arith.constant 48 : index
        %swap3A_557 = tpu.vector_load %arg20[%swap3A_555, %swap3A_556] {strides = array<i32>} : memref<64x128xf32, #tpu.memory_space<vmem>>, vector<16xf32>,
        tpu.vector_store %arg20[%swap3A_555, %swap3A_556], %mul3A_554 {strides = array<i32>} : memref<64x128xf32, #tpu.memory_space<vmem>>, vector<16xf32>,
        %get3A_558 = arith.index_cast %add3A_527 : i32 to index
        %get3A_559 = arith.constant 64 : index
        %get3A_560 = tpu.vector_load %arg20[%get3A_558, %get3A_559] {strides = array<i32>} : memref<64x128xf32, #tpu.memory_space<vmem>>, vector<16xf32>,
        %mul3A_561 = arith.mulf %get3A_560, %gather3A_529 : vector<16xf32>
        %swap3A_562 = arith.index_cast %add3A_527 : i32 to index
        %swap3A_563 = arith.constant 64 : index
        %swap3A_564 = tpu.vector_load %arg20[%swap3A_562, %swap3A_563] {strides = array<i32>} : memref<64x128xf32, #tpu.memory_space<vmem>>, vector<16xf32>,
        tpu.vector_store %arg20[%swap3A_562, %swap3A_563], %mul3A_561 {strides = array<i32>} : memref<64x128xf32, #tpu.memory_space<vmem>>, vector<16xf32>,
        %get3A_565 = arith.index_cast %add3A_527 : i32 to index
        %get3A_566 = arith.constant 80 : index
        %get3A_567 = tpu.vector_load %arg20[%get3A_565, %get3A_566] {strides = array<i32>} : memref<64x128xf32, #tpu.memory_space<vmem>>, vector<16xf32>,
        %mul3A_568 = arith.mulf %get3A_567, %gather3A_529 : vector<16xf32>
        %swap3A_569 = arith.index_cast %add3A_527 : i32 to index
        %swap3A_570 = arith.constant 80 : index
        %swap3A_571 = tpu.vector_load %arg20[%swap3A_569, %swap3A_570] {strides = array<i32>} : memref<64x128xf32, #tpu.memory_space<vmem>>, vector<16xf32>,
        tpu.vector_store %arg20[%swap3A_569, %swap3A_570], %mul3A_568 {strides = array<i32>} : memref<64x128xf32, #tpu.memory_space<vmem>>, vector<16xf32>,
        %get3A_572 = arith.index_cast %add3A_527 : i32 to index
        %get3A_573 = arith.constant 96 : index
        %get3A_574 = tpu.vector_load %arg20[%get3A_572, %get3A_573] {strides = array<i32>} : memref<64x128xf32, #tpu.memory_space<vmem>>, vector<16xf32>,
        %mul3A_575 = arith.mulf %get3A_574, %gather3A_529 : vector<16xf32>
        %swap3A_576 = arith.index_cast %add3A_527 : i32 to index
        %swap3A_577 = arith.constant 96 : index
        %swap3A_578 = tpu.vector_load %arg20[%swap3A_576, %swap3A_577] {strides = array<i32>} : memref<64x128xf32, #tpu.memory_space<vmem>>, vector<16xf32>,
        tpu.vector_store %arg20[%swap3A_576, %swap3A_577], %mul3A_575 {strides = array<i32>} : memref<64x128xf32, #tpu.memory_space<vmem>>, vector<16xf32>,
        %get3A_579 = arith.index_cast %add3A_527 : i32 to index
        %get3A_580 = arith.constant 112 : index
        %get3A_581 = tpu.vector_load %arg20[%get3A_579, %get3A_580] {strides = array<i32>} : memref<64x128xf32, #tpu.memory_space<vmem>>, vector<16xf32>,
        %mul3A_582 = arith.mulf %get3A_581, %gather3A_529 : vector<16xf32>
        %swap3A_583 = arith.index_cast %add3A_527 : i32 to index
        %swap3A_584 = arith.constant 112 : index
        %swap3A_585 = tpu.vector_load %arg20[%swap3A_583, %swap3A_584] {strides = array<i32>} : memref<64x128xf32, #tpu.memory_space<vmem>>, vector<16xf32>,
        tpu.vector_store %arg20[%swap3A_583, %swap3A_584], %mul3A_582 {strides = array<i32>} : memref<64x128xf32, #tpu.memory_space<vmem>>, vector<16xf32>,
      }
      %scan3A_237 = arith.constant 16 : i32
      %dma_start3A_238 = arith.constant 0 : i32
      %dma_start3A_239 = arith.constant 0 : i32
      %dma_start3A_240 = tpu.memref_slice %arg6[%dma_start3A_238, %dma_start3A_239] : memref<10112x128xf32, #tpu.memory_space<vmem_shared>> -> memref<10112x128xf32, #tpu.memory_space<vmem_shared>>
      tpu.enqueue_indirect_dma source(%arg20 : memref<64x128xf32, #tpu.memory_space<vmem>>) target(%dma_start3A_240 : memref<10112x128xf32, #tpu.memory_space<vmem_shared>>) offsets(%arg12 : memref<64xi32, #tpu.memory_space<vmem>>) semaphore(%arg28 : memref<!tpu.dma_semaphore, #tpu.memory_space<semaphore_mem>>) {add = true}
      %add3A_241 = arith.constant 4 : i32
      %add3A_242 = arith.addi %add3A_211, %add3A_241 : i32
      %lt3A_243 = arith.cmpi slt, %add3A_242, %select_n3A : i32
      %convert_element_type3A_244 = arith.extui %lt3A_243 : i1 to i32
      %cond3A_245 = arith.constant 0 : i32
      %cond3A_246 = arith.cmpi ne, %convert_element_type3A_244, %cond3A_245 : i32
      scf.if %cond3A_246 {
        %add3A_343 = arith.constant 4 : i32
        %add3A_344 = arith.addi %add3A_211, %add3A_343 : i32
        %mul3A_345 = arith.constant 2 : i32
        %mul3A_346 = arith.muli %add3A_344, %mul3A_345 : i32
        %mul3A_347 = arith.constant 64 : i32
        %mul3A_348 = arith.muli %mul3A_346, %mul3A_347 : i32
        %add3A_349 = arith.addi %mul3A_9, %mul3A_348 : i32
        %dma_start3A_350 = tpu.memref_slice %arg3[%add3A_349] : memref<655360xi32, #tpu.memory_space<hbm>> -> memref<128xi32, #tpu.memory_space<hbm>>
        %dma_start3A_351 = tpu.memref_slice %arg3[%add3A_349] : memref<655360xi32, #tpu.memory_space<hbm>> -> memref<128xi32, #tpu.memory_space<hbm>>
        tpu.enqueue_dma source(%dma_start3A_351 : memref<128xi32, #tpu.memory_space<hbm>>) target(%arg8 : memref<128xi32, #tpu.memory_space<vmem>>) target_semaphore(%arg32 : memref<!tpu.dma_semaphore, #tpu.memory_space<semaphore_mem>>)
        %mul3A_352 = arith.constant 64 : i32
        %mul3A_353 = arith.muli %add3A_344, %mul3A_352 : i32
        %add3A_354 = arith.addi %mul3A_11, %mul3A_353 : i32
        %dma_start3A_355 = tpu.memref_slice %arg4[%add3A_354] : memref<327680xf32, #tpu.memory_space<hbm>> -> memref<64xf32, #tpu.memory_space<hbm>>
        %dma_start3A_356 = tpu.memref_slice %arg4[%add3A_354] : memref<327680xf32, #tpu.memory_space<hbm>> -> memref<64xf32, #tpu.memory_space<hbm>>
        tpu.enqueue_dma source(%dma_start3A_356 : memref<64xf32, #tpu.memory_space<hbm>>) target(%arg16 : memref<64xf32, #tpu.memory_space<vmem>>) target_semaphore(%arg32 : memref<!tpu.dma_semaphore, #tpu.memory_space<semaphore_mem>>)
      } else {
      }
      %add3A_247 = arith.constant 2 : i32
      %add3A_248 = arith.addi %add3A_211, %add3A_247 : i32
      %lt3A_249 = arith.cmpi slt, %add3A_248, %select_n3A : i32
      %convert_element_type3A_250 = arith.extui %lt3A_249 : i1 to i32
      %cond3A_251 = arith.constant 0 : i32
      %cond3A_252 = arith.cmpi ne, %convert_element_type3A_250, %cond3A_251 : i32
      scf.if %cond3A_252 {
        %gt3A = arith.constant 0 : i32
        %gt3A_343 = arith.cmpi sgt, %add3A_167, %gt3A : i32
        %convert_element_type3A_344 = arith.extui %gt3A_343 : i1 to i32
        %cond3A_345 = arith.constant 0 : i32
        %cond3A_346 = arith.cmpi ne, %convert_element_type3A_344, %cond3A_345 : i32
        scf.if %cond3A_346 {
          %dma_wait3A_360 = arith.constant 0 : i32
          %dma_wait3A_361 = arith.constant 0 : i32
          %dma_wait3A_362 = tpu.memref_slice %arg6[%dma_wait3A_360, %dma_wait3A_361] : memref<10112x128xf32, #tpu.memory_space<vmem_shared>> -> memref<10112x128xf32, #tpu.memory_space<vmem_shared>>
          tpu.wait_indirect_dma semaphore(%arg30 : memref<!tpu.dma_semaphore, #tpu.memory_space<semaphore_mem>>) src(%arg22 : memref<64x128xf32, #tpu.memory_space<vmem>>) dst(%dma_wait3A_362 : memref<10112x128xf32, #tpu.memory_space<vmem_shared>>)
        } else {
        }
        %dma_wait3A_347 = arith.constant 0 : i32
        %dma_wait3A_348 = tpu.memref_slice %arg3[%dma_wait3A_347] : memref<655360xi32, #tpu.memory_space<hbm>> -> memref<128xi32, #tpu.memory_space<hbm>>
        %dma_wait3A_349 = arith.constant 0 : i32
        %dma_wait3A_350 = tpu.memref_slice %arg3[%dma_wait3A_349] : memref<655360xi32, #tpu.memory_space<hbm>> -> memref<128xi32, #tpu.memory_space<hbm>>
        tpu.wait_dma2 semaphore(%arg34 : memref<!tpu.dma_semaphore, #tpu.memory_space<semaphore_mem>>) src(%dma_wait3A_350 : memref<128xi32, #tpu.memory_space<hbm>>) dst(%arg10 : memref<128xi32, #tpu.memory_space<vmem>>)
        %dma_wait3A_351 = arith.constant 0 : i32
        %dma_wait3A_352 = tpu.memref_slice %arg4[%dma_wait3A_351] : memref<327680xf32, #tpu.memory_space<hbm>> -> memref<64xf32, #tpu.memory_space<hbm>>
        %dma_wait3A_353 = arith.constant 0 : i32
        %dma_wait3A_354 = tpu.memref_slice %arg4[%dma_wait3A_353] : memref<327680xf32, #tpu.memory_space<hbm>> -> memref<64xf32, #tpu.memory_space<hbm>>
        tpu.wait_dma2 semaphore(%arg34 : memref<!tpu.dma_semaphore, #tpu.memory_space<semaphore_mem>>) src(%dma_wait3A_354 : memref<64xf32, #tpu.memory_space<hbm>>) dst(%arg18 : memref<64xf32, #tpu.memory_space<vmem>>)
        %dma_start3A_355 = arith.constant 0 : i32
        %dma_start3A_356 = tpu.memref_slice %arg10[%dma_start3A_355] : memref<128xi32, #tpu.memory_space<vmem>> -> memref<64xi32, #tpu.memory_space<vmem>>
        %dma_start3A_357 = arith.constant 0 : i32
        %dma_start3A_358 = arith.constant 0 : i32
        %dma_start3A_359 = tpu.memref_slice %arg2[%dma_start3A_357, %dma_start3A_358] : memref<10112x128xf32, #tpu.memory_space<hbm>> -> memref<10112x128xf32, #tpu.memory_space<hbm>>
        tpu.enqueue_indirect_dma source(%dma_start3A_359 : memref<10112x128xf32, #tpu.memory_space<hbm>>) target(%arg22 : memref<64x128xf32, #tpu.memory_space<vmem>>) offsets(%dma_start3A_356 : memref<64xi32, #tpu.memory_space<vmem>>) semaphore(%arg26 : memref<!tpu.dma_semaphore, #tpu.memory_space<semaphore_mem>>)
      } else {
      }
      %mul3A_253 = arith.constant 4 : i32
      %mul3A_254 = arith.muli %add3A_167, %mul3A_253 : i32
      %add3A_255 = arith.constant 2 : i32
      %add3A_256 = arith.addi %mul3A_254, %add3A_255 : i32
      %dma_wait3A_257 = arith.constant 0 : i32
      %dma_wait3A_258 = tpu.memref_slice %arg9[%dma_wait3A_257] : memref<128xi32, #tpu.memory_space<vmem>> -> memref<64xi32, #tpu.memory_space<vmem>>
      %dma_wait3A_259 = arith.constant 0 : i32
      %dma_wait3A_260 = arith.constant 0 : i32
      %dma_wait3A_261 = tpu.memref_slice %arg2[%dma_wait3A_259, %dma_wait3A_260] : memref<10112x128xf32, #tpu.memory_space<hbm>> -> memref<10112x128xf32, #tpu.memory_space<hbm>>
      tpu.wait_indirect_dma semaphore(%arg25 : memref<!tpu.dma_semaphore, #tpu.memory_space<semaphore_mem>>) src(%dma_wait3A_261 : memref<10112x128xf32, #tpu.memory_space<hbm>>) dst(%arg21 : memref<64x128xf32, #tpu.memory_space<vmem>>)
      %get3A_262 = arith.constant 64 : index
      %get3A_263 = tpu.vector_load %arg9[%get3A_262] {strides = array<i32>} : memref<128xi32, #tpu.memory_space<vmem>>, vector<16xi32>,
      %swap3A_264 = arith.constant 0 : index
      %swap3A_265 = tpu.vector_load %arg13[%swap3A_264] {strides = array<i32>} : memref<64xi32, #tpu.memory_space<vmem>>, vector<16xi32>,
      tpu.vector_store %arg13[%swap3A_264], %get3A_263 {strides = array<i32>} : memref<64xi32, #tpu.memory_space<vmem>>, vector<16xi32>,
      %get3A_266 = arith.constant 80 : index
      %get3A_267 = tpu.vector_load %arg9[%get3A_266] {strides = array<i32>} : memref<128xi32, #tpu.memory_space<vmem>>, vector<16xi32>,
      %swap3A_268 = arith.constant 16 : index
      %swap3A_269 = tpu.vector_load %arg13[%swap3A_268] {strides = array<i32>} : memref<64xi32, #tpu.memory_space<vmem>>, vector<16xi32>,
      tpu.vector_store %arg13[%swap3A_268], %get3A_267 {strides = array<i32>} : memref<64xi32, #tpu.memory_space<vmem>>, vector<16xi32>,
      %get3A_270 = arith.constant 96 : index
      %get3A_271 = tpu.vector_load %arg9[%get3A_270] {strides = array<i32>} : memref<128xi32, #tpu.memory_space<vmem>>, vector<16xi32>,
      %swap3A_272 = arith.constant 32 : index
      %swap3A_273 = tpu.vector_load %arg13[%swap3A_272] {strides = array<i32>} : memref<64xi32, #tpu.memory_space<vmem>>, vector<16xi32>,
      tpu.vector_store %arg13[%swap3A_272], %get3A_271 {strides = array<i32>} : memref<64xi32, #tpu.memory_space<vmem>>, vector<16xi32>,
      %get3A_274 = arith.constant 112 : index
      %get3A_275 = tpu.vector_load %arg9[%get3A_274] {strides = array<i32>} : memref<128xi32, #tpu.memory_space<vmem>>, vector<16xi32>,
      %swap3A_276 = arith.constant 48 : index
      %swap3A_277 = tpu.vector_load %arg13[%swap3A_276] {strides = array<i32>} : memref<64xi32, #tpu.memory_space<vmem>>, vector<16xi32>,
      tpu.vector_store %arg13[%swap3A_276], %get3A_275 {strides = array<i32>} : memref<64xi32, #tpu.memory_space<vmem>>, vector<16xi32>,
      %scan3A_278 = arith.constant 0 : i32
      %scan3A_279 = arith.constant 16 : i32
      %scan3A_280 = arith.addi %scan3A_278, %scan3A_279 : i32
      %scan3A_281 = arith.constant 1 : i32
      scf.for %scan3A_343 = %scan3A_278 to %scan3A_280 step %scan3A_281  : i32 {
        %mul3A_344 = arith.constant 4 : i32
        %mul3A_345 = arith.muli %scan3A_343, %mul3A_344 : i32
        %add3A_346 = arith.constant 0 : i32
        %add3A_347 = arith.addi %add3A_346, %mul3A_345 : i32
        %add3A_348 = arith.constant 0 : i32
        %add3A_349 = arith.addi %add3A_347, %add3A_348 : i32
        %broadcast_in_dim3A = vector.broadcast %add3A_349 : i32 to vector<16xi32>
        %gather3A = tpu.vector_load_idx %arg17[%broadcast_in_dim3A] : memref<64xf32, #tpu.memory_space<vmem>>[vector<16xi32>], vector<16xf32>,
        %get3A_350 = arith.index_cast %add3A_349 : i32 to index
        %get3A_351 = arith.constant 0 : index
        %get3A_352 = tpu.vector_load %arg21[%get3A_350, %get3A_351] {strides = array<i32>} : memref<64x128xf32, #tpu.memory_space<vmem>>, vector<16xf32>,
        %mul3A_353 = arith.mulf %get3A_352, %gather3A : vector<16xf32>
        %swap3A_354 = arith.index_cast %add3A_349 : i32 to index
        %swap3A_355 = arith.constant 0 : index
        %swap3A_356 = tpu.vector_load %arg21[%swap3A_354, %swap3A_355] {strides = array<i32>} : memref<64x128xf32, #tpu.memory_space<vmem>>, vector<16xf32>,
        tpu.vector_store %arg21[%swap3A_354, %swap3A_355], %mul3A_353 {strides = array<i32>} : memref<64x128xf32, #tpu.memory_space<vmem>>, vector<16xf32>,
        %get3A_357 = arith.index_cast %add3A_349 : i32 to index
        %get3A_358 = arith.constant 16 : index
        %get3A_359 = tpu.vector_load %arg21[%get3A_357, %get3A_358] {strides = array<i32>} : memref<64x128xf32, #tpu.memory_space<vmem>>, vector<16xf32>,
        %mul3A_360 = arith.mulf %get3A_359, %gather3A : vector<16xf32>
        %swap3A_361 = arith.index_cast %add3A_349 : i32 to index
        %swap3A_362 = arith.constant 16 : index
        %swap3A_363 = tpu.vector_load %arg21[%swap3A_361, %swap3A_362] {strides = array<i32>} : memref<64x128xf32, #tpu.memory_space<vmem>>, vector<16xf32>,
        tpu.vector_store %arg21[%swap3A_361, %swap3A_362], %mul3A_360 {strides = array<i32>} : memref<64x128xf32, #tpu.memory_space<vmem>>, vector<16xf32>,
        %get3A_364 = arith.index_cast %add3A_349 : i32 to index
        %get3A_365 = arith.constant 32 : index
        %get3A_366 = tpu.vector_load %arg21[%get3A_364, %get3A_365] {strides = array<i32>} : memref<64x128xf32, #tpu.memory_space<vmem>>, vector<16xf32>,
        %mul3A_367 = arith.mulf %get3A_366, %gather3A : vector<16xf32>
        %swap3A_368 = arith.index_cast %add3A_349 : i32 to index
        %swap3A_369 = arith.constant 32 : index
        %swap3A_370 = tpu.vector_load %arg21[%swap3A_368, %swap3A_369] {strides = array<i32>} : memref<64x128xf32, #tpu.memory_space<vmem>>, vector<16xf32>,
        tpu.vector_store %arg21[%swap3A_368, %swap3A_369], %mul3A_367 {strides = array<i32>} : memref<64x128xf32, #tpu.memory_space<vmem>>, vector<16xf32>,
        %get3A_371 = arith.index_cast %add3A_349 : i32 to index
        %get3A_372 = arith.constant 48 : index
        %get3A_373 = tpu.vector_load %arg21[%get3A_371, %get3A_372] {strides = array<i32>} : memref<64x128xf32, #tpu.memory_space<vmem>>, vector<16xf32>,
        %mul3A_374 = arith.mulf %get3A_373, %gather3A : vector<16xf32>
        %swap3A_375 = arith.index_cast %add3A_349 : i32 to index
        %swap3A_376 = arith.constant 48 : index
        %swap3A_377 = tpu.vector_load %arg21[%swap3A_375, %swap3A_376] {strides = array<i32>} : memref<64x128xf32, #tpu.memory_space<vmem>>, vector<16xf32>,
        tpu.vector_store %arg21[%swap3A_375, %swap3A_376], %mul3A_374 {strides = array<i32>} : memref<64x128xf32, #tpu.memory_space<vmem>>, vector<16xf32>,
        %get3A_378 = arith.index_cast %add3A_349 : i32 to index
        %get3A_379 = arith.constant 64 : index
        %get3A_380 = tpu.vector_load %arg21[%get3A_378, %get3A_379] {strides = array<i32>} : memref<64x128xf32, #tpu.memory_space<vmem>>, vector<16xf32>,
        %mul3A_381 = arith.mulf %get3A_380, %gather3A : vector<16xf32>
        %swap3A_382 = arith.index_cast %add3A_349 : i32 to index
        %swap3A_383 = arith.constant 64 : index
        %swap3A_384 = tpu.vector_load %arg21[%swap3A_382, %swap3A_383] {strides = array<i32>} : memref<64x128xf32, #tpu.memory_space<vmem>>, vector<16xf32>,
        tpu.vector_store %arg21[%swap3A_382, %swap3A_383], %mul3A_381 {strides = array<i32>} : memref<64x128xf32, #tpu.memory_space<vmem>>, vector<16xf32>,
        %get3A_385 = arith.index_cast %add3A_349 : i32 to index
        %get3A_386 = arith.constant 80 : index
        %get3A_387 = tpu.vector_load %arg21[%get3A_385, %get3A_386] {strides = array<i32>} : memref<64x128xf32, #tpu.memory_space<vmem>>, vector<16xf32>,
        %mul3A_388 = arith.mulf %get3A_387, %gather3A : vector<16xf32>
        %swap3A_389 = arith.index_cast %add3A_349 : i32 to index
        %swap3A_390 = arith.constant 80 : index
        %swap3A_391 = tpu.vector_load %arg21[%swap3A_389, %swap3A_390] {strides = array<i32>} : memref<64x128xf32, #tpu.memory_space<vmem>>, vector<16xf32>,
        tpu.vector_store %arg21[%swap3A_389, %swap3A_390], %mul3A_388 {strides = array<i32>} : memref<64x128xf32, #tpu.memory_space<vmem>>, vector<16xf32>,
        %get3A_392 = arith.index_cast %add3A_349 : i32 to index
        %get3A_393 = arith.constant 96 : index
        %get3A_394 = tpu.vector_load %arg21[%get3A_392, %get3A_393] {strides = array<i32>} : memref<64x128xf32, #tpu.memory_space<vmem>>, vector<16xf32>,
        %mul3A_395 = arith.mulf %get3A_394, %gather3A : vector<16xf32>
        %swap3A_396 = arith.index_cast %add3A_349 : i32 to index
        %swap3A_397 = arith.constant 96 : index
        %swap3A_398 = tpu.vector_load %arg21[%swap3A_396, %swap3A_397] {strides = array<i32>} : memref<64x128xf32, #tpu.memory_space<vmem>>, vector<16xf32>,
        tpu.vector_store %arg21[%swap3A_396, %swap3A_397], %mul3A_395 {strides = array<i32>} : memref<64x128xf32, #tpu.memory_space<vmem>>, vector<16xf32>,
        %get3A_399 = arith.index_cast %add3A_349 : i32 to index
        %get3A_400 = arith.constant 112 : index
        %get3A_401 = tpu.vector_load %arg21[%get3A_399, %get3A_400] {strides = array<i32>} : memref<64x128xf32, #tpu.memory_space<vmem>>, vector<16xf32>,
        %mul3A_402 = arith.mulf %get3A_401, %gather3A : vector<16xf32>
        %swap3A_403 = arith.index_cast %add3A_349 : i32 to index
        %swap3A_404 = arith.constant 112 : index
        %swap3A_405 = tpu.vector_load %arg21[%swap3A_403, %swap3A_404] {strides = array<i32>} : memref<64x128xf32, #tpu.memory_space<vmem>>, vector<16xf32>,
        tpu.vector_store %arg21[%swap3A_403, %swap3A_404], %mul3A_402 {strides = array<i32>} : memref<64x128xf32, #tpu.memory_space<vmem>>, vector<16xf32>,
        %add3A_406 = arith.constant 1 : i32
        %add3A_407 = arith.addi %add3A_347, %add3A_406 : i32
        %broadcast_in_dim3A_408 = vector.broadcast %add3A_407 : i32 to vector<16xi32>
        %gather3A_409 = tpu.vector_load_idx %arg17[%broadcast_in_dim3A_408] : memref<64xf32, #tpu.memory_space<vmem>>[vector<16xi32>], vector<16xf32>,
        %get3A_410 = arith.index_cast %add3A_407 : i32 to index
        %get3A_411 = arith.constant 0 : index
        %get3A_412 = tpu.vector_load %arg21[%get3A_410, %get3A_411] {strides = array<i32>} : memref<64x128xf32, #tpu.memory_space<vmem>>, vector<16xf32>,
        %mul3A_413 = arith.mulf %get3A_412, %gather3A_409 : vector<16xf32>
        %swap3A_414 = arith.index_cast %add3A_407 : i32 to index
        %swap3A_415 = arith.constant 0 : index
        %swap3A_416 = tpu.vector_load %arg21[%swap3A_414, %swap3A_415] {strides = array<i32>} : memref<64x128xf32, #tpu.memory_space<vmem>>, vector<16xf32>,
        tpu.vector_store %arg21[%swap3A_414, %swap3A_415], %mul3A_413 {strides = array<i32>} : memref<64x128xf32, #tpu.memory_space<vmem>>, vector<16xf32>,
        %get3A_417 = arith.index_cast %add3A_407 : i32 to index
        %get3A_418 = arith.constant 16 : index
        %get3A_419 = tpu.vector_load %arg21[%get3A_417, %get3A_418] {strides = array<i32>} : memref<64x128xf32, #tpu.memory_space<vmem>>, vector<16xf32>,
        %mul3A_420 = arith.mulf %get3A_419, %gather3A_409 : vector<16xf32>
        %swap3A_421 = arith.index_cast %add3A_407 : i32 to index
        %swap3A_422 = arith.constant 16 : index
        %swap3A_423 = tpu.vector_load %arg21[%swap3A_421, %swap3A_422] {strides = array<i32>} : memref<64x128xf32, #tpu.memory_space<vmem>>, vector<16xf32>,
        tpu.vector_store %arg21[%swap3A_421, %swap3A_422], %mul3A_420 {strides = array<i32>} : memref<64x128xf32, #tpu.memory_space<vmem>>, vector<16xf32>,
        %get3A_424 = arith.index_cast %add3A_407 : i32 to index
        %get3A_425 = arith.constant 32 : index
        %get3A_426 = tpu.vector_load %arg21[%get3A_424, %get3A_425] {strides = array<i32>} : memref<64x128xf32, #tpu.memory_space<vmem>>, vector<16xf32>,
        %mul3A_427 = arith.mulf %get3A_426, %gather3A_409 : vector<16xf32>
        %swap3A_428 = arith.index_cast %add3A_407 : i32 to index
        %swap3A_429 = arith.constant 32 : index
        %swap3A_430 = tpu.vector_load %arg21[%swap3A_428, %swap3A_429] {strides = array<i32>} : memref<64x128xf32, #tpu.memory_space<vmem>>, vector<16xf32>,
        tpu.vector_store %arg21[%swap3A_428, %swap3A_429], %mul3A_427 {strides = array<i32>} : memref<64x128xf32, #tpu.memory_space<vmem>>, vector<16xf32>,
        %get3A_431 = arith.index_cast %add3A_407 : i32 to index
        %get3A_432 = arith.constant 48 : index
        %get3A_433 = tpu.vector_load %arg21[%get3A_431, %get3A_432] {strides = array<i32>} : memref<64x128xf32, #tpu.memory_space<vmem>>, vector<16xf32>,
        %mul3A_434 = arith.mulf %get3A_433, %gather3A_409 : vector<16xf32>
        %swap3A_435 = arith.index_cast %add3A_407 : i32 to index
        %swap3A_436 = arith.constant 48 : index
        %swap3A_437 = tpu.vector_load %arg21[%swap3A_435, %swap3A_436] {strides = array<i32>} : memref<64x128xf32, #tpu.memory_space<vmem>>, vector<16xf32>,
        tpu.vector_store %arg21[%swap3A_435, %swap3A_436], %mul3A_434 {strides = array<i32>} : memref<64x128xf32, #tpu.memory_space<vmem>>, vector<16xf32>,
        %get3A_438 = arith.index_cast %add3A_407 : i32 to index
        %get3A_439 = arith.constant 64 : index
        %get3A_440 = tpu.vector_load %arg21[%get3A_438, %get3A_439] {strides = array<i32>} : memref<64x128xf32, #tpu.memory_space<vmem>>, vector<16xf32>,
        %mul3A_441 = arith.mulf %get3A_440, %gather3A_409 : vector<16xf32>
        %swap3A_442 = arith.index_cast %add3A_407 : i32 to index
        %swap3A_443 = arith.constant 64 : index
        %swap3A_444 = tpu.vector_load %arg21[%swap3A_442, %swap3A_443] {strides = array<i32>} : memref<64x128xf32, #tpu.memory_space<vmem>>, vector<16xf32>,
        tpu.vector_store %arg21[%swap3A_442, %swap3A_443], %mul3A_441 {strides = array<i32>} : memref<64x128xf32, #tpu.memory_space<vmem>>, vector<16xf32>,
        %get3A_445 = arith.index_cast %add3A_407 : i32 to index
        %get3A_446 = arith.constant 80 : index
        %get3A_447 = tpu.vector_load %arg21[%get3A_445, %get3A_446] {strides = array<i32>} : memref<64x128xf32, #tpu.memory_space<vmem>>, vector<16xf32>,
        %mul3A_448 = arith.mulf %get3A_447, %gather3A_409 : vector<16xf32>
        %swap3A_449 = arith.index_cast %add3A_407 : i32 to index
        %swap3A_450 = arith.constant 80 : index
        %swap3A_451 = tpu.vector_load %arg21[%swap3A_449, %swap3A_450] {strides = array<i32>} : memref<64x128xf32, #tpu.memory_space<vmem>>, vector<16xf32>,
        tpu.vector_store %arg21[%swap3A_449, %swap3A_450], %mul3A_448 {strides = array<i32>} : memref<64x128xf32, #tpu.memory_space<vmem>>, vector<16xf32>,
        %get3A_452 = arith.index_cast %add3A_407 : i32 to index
        %get3A_453 = arith.constant 96 : index
        %get3A_454 = tpu.vector_load %arg21[%get3A_452, %get3A_453] {strides = array<i32>} : memref<64x128xf32, #tpu.memory_space<vmem>>, vector<16xf32>,
        %mul3A_455 = arith.mulf %get3A_454, %gather3A_409 : vector<16xf32>
        %swap3A_456 = arith.index_cast %add3A_407 : i32 to index
        %swap3A_457 = arith.constant 96 : index
        %swap3A_458 = tpu.vector_load %arg21[%swap3A_456, %swap3A_457] {strides = array<i32>} : memref<64x128xf32, #tpu.memory_space<vmem>>, vector<16xf32>,
        tpu.vector_store %arg21[%swap3A_456, %swap3A_457], %mul3A_455 {strides = array<i32>} : memref<64x128xf32, #tpu.memory_space<vmem>>, vector<16xf32>,
        %get3A_459 = arith.index_cast %add3A_407 : i32 to index
        %get3A_460 = arith.constant 112 : index
        %get3A_461 = tpu.vector_load %arg21[%get3A_459, %get3A_460] {strides = array<i32>} : memref<64x128xf32, #tpu.memory_space<vmem>>, vector<16xf32>,
        %mul3A_462 = arith.mulf %get3A_461, %gather3A_409 : vector<16xf32>
        %swap3A_463 = arith.index_cast %add3A_407 : i32 to index
        %swap3A_464 = arith.constant 112 : index
        %swap3A_465 = tpu.vector_load %arg21[%swap3A_463, %swap3A_464] {strides = array<i32>} : memref<64x128xf32, #tpu.memory_space<vmem>>, vector<16xf32>,
        tpu.vector_store %arg21[%swap3A_463, %swap3A_464], %mul3A_462 {strides = array<i32>} : memref<64x128xf32, #tpu.memory_space<vmem>>, vector<16xf32>,
        %add3A_466 = arith.constant 2 : i32
        %add3A_467 = arith.addi %add3A_347, %add3A_466 : i32
        %broadcast_in_dim3A_468 = vector.broadcast %add3A_467 : i32 to vector<16xi32>
        %gather3A_469 = tpu.vector_load_idx %arg17[%broadcast_in_dim3A_468] : memref<64xf32, #tpu.memory_space<vmem>>[vector<16xi32>], vector<16xf32>,
        %get3A_470 = arith.index_cast %add3A_467 : i32 to index
        %get3A_471 = arith.constant 0 : index
        %get3A_472 = tpu.vector_load %arg21[%get3A_470, %get3A_471] {strides = array<i32>} : memref<64x128xf32, #tpu.memory_space<vmem>>, vector<16xf32>,
        %mul3A_473 = arith.mulf %get3A_472, %gather3A_469 : vector<16xf32>
        %swap3A_474 = arith.index_cast %add3A_467 : i32 to index
        %swap3A_475 = arith.constant 0 : index
        %swap3A_476 = tpu.vector_load %arg21[%swap3A_474, %swap3A_475] {strides = array<i32>} : memref<64x128xf32, #tpu.memory_space<vmem>>, vector<16xf32>,
        tpu.vector_store %arg21[%swap3A_474, %swap3A_475], %mul3A_473 {strides = array<i32>} : memref<64x128xf32, #tpu.memory_space<vmem>>, vector<16xf32>,
        %get3A_477 = arith.index_cast %add3A_467 : i32 to index
        %get3A_478 = arith.constant 16 : index
        %get3A_479 = tpu.vector_load %arg21[%get3A_477, %get3A_478] {strides = array<i32>} : memref<64x128xf32, #tpu.memory_space<vmem>>, vector<16xf32>,
        %mul3A_480 = arith.mulf %get3A_479, %gather3A_469 : vector<16xf32>
        %swap3A_481 = arith.index_cast %add3A_467 : i32 to index
        %swap3A_482 = arith.constant 16 : index
        %swap3A_483 = tpu.vector_load %arg21[%swap3A_481, %swap3A_482] {strides = array<i32>} : memref<64x128xf32, #tpu.memory_space<vmem>>, vector<16xf32>,
        tpu.vector_store %arg21[%swap3A_481, %swap3A_482], %mul3A_480 {strides = array<i32>} : memref<64x128xf32, #tpu.memory_space<vmem>>, vector<16xf32>,
        %get3A_484 = arith.index_cast %add3A_467 : i32 to index
        %get3A_485 = arith.constant 32 : index
        %get3A_486 = tpu.vector_load %arg21[%get3A_484, %get3A_485] {strides = array<i32>} : memref<64x128xf32, #tpu.memory_space<vmem>>, vector<16xf32>,
        %mul3A_487 = arith.mulf %get3A_486, %gather3A_469 : vector<16xf32>
        %swap3A_488 = arith.index_cast %add3A_467 : i32 to index
        %swap3A_489 = arith.constant 32 : index
        %swap3A_490 = tpu.vector_load %arg21[%swap3A_488, %swap3A_489] {strides = array<i32>} : memref<64x128xf32, #tpu.memory_space<vmem>>, vector<16xf32>,
        tpu.vector_store %arg21[%swap3A_488, %swap3A_489], %mul3A_487 {strides = array<i32>} : memref<64x128xf32, #tpu.memory_space<vmem>>, vector<16xf32>,
        %get3A_491 = arith.index_cast %add3A_467 : i32 to index
        %get3A_492 = arith.constant 48 : index
        %get3A_493 = tpu.vector_load %arg21[%get3A_491, %get3A_492] {strides = array<i32>} : memref<64x128xf32, #tpu.memory_space<vmem>>, vector<16xf32>,
        %mul3A_494 = arith.mulf %get3A_493, %gather3A_469 : vector<16xf32>
        %swap3A_495 = arith.index_cast %add3A_467 : i32 to index
        %swap3A_496 = arith.constant 48 : index
        %swap3A_497 = tpu.vector_load %arg21[%swap3A_495, %swap3A_496] {strides = array<i32>} : memref<64x128xf32, #tpu.memory_space<vmem>>, vector<16xf32>,
        tpu.vector_store %arg21[%swap3A_495, %swap3A_496], %mul3A_494 {strides = array<i32>} : memref<64x128xf32, #tpu.memory_space<vmem>>, vector<16xf32>,
        %get3A_498 = arith.index_cast %add3A_467 : i32 to index
        %get3A_499 = arith.constant 64 : index
        %get3A_500 = tpu.vector_load %arg21[%get3A_498, %get3A_499] {strides = array<i32>} : memref<64x128xf32, #tpu.memory_space<vmem>>, vector<16xf32>,
        %mul3A_501 = arith.mulf %get3A_500, %gather3A_469 : vector<16xf32>
        %swap3A_502 = arith.index_cast %add3A_467 : i32 to index
        %swap3A_503 = arith.constant 64 : index
        %swap3A_504 = tpu.vector_load %arg21[%swap3A_502, %swap3A_503] {strides = array<i32>} : memref<64x128xf32, #tpu.memory_space<vmem>>, vector<16xf32>,
        tpu.vector_store %arg21[%swap3A_502, %swap3A_503], %mul3A_501 {strides = array<i32>} : memref<64x128xf32, #tpu.memory_space<vmem>>, vector<16xf32>,
        %get3A_505 = arith.index_cast %add3A_467 : i32 to index
        %get3A_506 = arith.constant 80 : index
        %get3A_507 = tpu.vector_load %arg21[%get3A_505, %get3A_506] {strides = array<i32>} : memref<64x128xf32, #tpu.memory_space<vmem>>, vector<16xf32>,
        %mul3A_508 = arith.mulf %get3A_507, %gather3A_469 : vector<16xf32>
        %swap3A_509 = arith.index_cast %add3A_467 : i32 to index
        %swap3A_510 = arith.constant 80 : index
        %swap3A_511 = tpu.vector_load %arg21[%swap3A_509, %swap3A_510] {strides = array<i32>} : memref<64x128xf32, #tpu.memory_space<vmem>>, vector<16xf32>,
        tpu.vector_store %arg21[%swap3A_509, %swap3A_510], %mul3A_508 {strides = array<i32>} : memref<64x128xf32, #tpu.memory_space<vmem>>, vector<16xf32>,
        %get3A_512 = arith.index_cast %add3A_467 : i32 to index
        %get3A_513 = arith.constant 96 : index
        %get3A_514 = tpu.vector_load %arg21[%get3A_512, %get3A_513] {strides = array<i32>} : memref<64x128xf32, #tpu.memory_space<vmem>>, vector<16xf32>,
        %mul3A_515 = arith.mulf %get3A_514, %gather3A_469 : vector<16xf32>
        %swap3A_516 = arith.index_cast %add3A_467 : i32 to index
        %swap3A_517 = arith.constant 96 : index
        %swap3A_518 = tpu.vector_load %arg21[%swap3A_516, %swap3A_517] {strides = array<i32>} : memref<64x128xf32, #tpu.memory_space<vmem>>, vector<16xf32>,
        tpu.vector_store %arg21[%swap3A_516, %swap3A_517], %mul3A_515 {strides = array<i32>} : memref<64x128xf32, #tpu.memory_space<vmem>>, vector<16xf32>,
        %get3A_519 = arith.index_cast %add3A_467 : i32 to index
        %get3A_520 = arith.constant 112 : index
        %get3A_521 = tpu.vector_load %arg21[%get3A_519, %get3A_520] {strides = array<i32>} : memref<64x128xf32, #tpu.memory_space<vmem>>, vector<16xf32>,
        %mul3A_522 = arith.mulf %get3A_521, %gather3A_469 : vector<16xf32>
        %swap3A_523 = arith.index_cast %add3A_467 : i32 to index
        %swap3A_524 = arith.constant 112 : index
        %swap3A_525 = tpu.vector_load %arg21[%swap3A_523, %swap3A_524] {strides = array<i32>} : memref<64x128xf32, #tpu.memory_space<vmem>>, vector<16xf32>,
        tpu.vector_store %arg21[%swap3A_523, %swap3A_524], %mul3A_522 {strides = array<i32>} : memref<64x128xf32, #tpu.memory_space<vmem>>, vector<16xf32>,
        %add3A_526 = arith.constant 3 : i32
        %add3A_527 = arith.addi %add3A_347, %add3A_526 : i32
        %broadcast_in_dim3A_528 = vector.broadcast %add3A_527 : i32 to vector<16xi32>
        %gather3A_529 = tpu.vector_load_idx %arg17[%broadcast_in_dim3A_528] : memref<64xf32, #tpu.memory_space<vmem>>[vector<16xi32>], vector<16xf32>,
        %get3A_530 = arith.index_cast %add3A_527 : i32 to index
        %get3A_531 = arith.constant 0 : index
        %get3A_532 = tpu.vector_load %arg21[%get3A_530, %get3A_531] {strides = array<i32>} : memref<64x128xf32, #tpu.memory_space<vmem>>, vector<16xf32>,
        %mul3A_533 = arith.mulf %get3A_532, %gather3A_529 : vector<16xf32>
        %swap3A_534 = arith.index_cast %add3A_527 : i32 to index
        %swap3A_535 = arith.constant 0 : index
        %swap3A_536 = tpu.vector_load %arg21[%swap3A_534, %swap3A_535] {strides = array<i32>} : memref<64x128xf32, #tpu.memory_space<vmem>>, vector<16xf32>,
        tpu.vector_store %arg21[%swap3A_534, %swap3A_535], %mul3A_533 {strides = array<i32>} : memref<64x128xf32, #tpu.memory_space<vmem>>, vector<16xf32>,
        %get3A_537 = arith.index_cast %add3A_527 : i32 to index
        %get3A_538 = arith.constant 16 : index
        %get3A_539 = tpu.vector_load %arg21[%get3A_537, %get3A_538] {strides = array<i32>} : memref<64x128xf32, #tpu.memory_space<vmem>>, vector<16xf32>,
        %mul3A_540 = arith.mulf %get3A_539, %gather3A_529 : vector<16xf32>
        %swap3A_541 = arith.index_cast %add3A_527 : i32 to index
        %swap3A_542 = arith.constant 16 : index
        %swap3A_543 = tpu.vector_load %arg21[%swap3A_541, %swap3A_542] {strides = array<i32>} : memref<64x128xf32, #tpu.memory_space<vmem>>, vector<16xf32>,
        tpu.vector_store %arg21[%swap3A_541, %swap3A_542], %mul3A_540 {strides = array<i32>} : memref<64x128xf32, #tpu.memory_space<vmem>>, vector<16xf32>,
        %get3A_544 = arith.index_cast %add3A_527 : i32 to index
        %get3A_545 = arith.constant 32 : index
        %get3A_546 = tpu.vector_load %arg21[%get3A_544, %get3A_545] {strides = array<i32>} : memref<64x128xf32, #tpu.memory_space<vmem>>, vector<16xf32>,
        %mul3A_547 = arith.mulf %get3A_546, %gather3A_529 : vector<16xf32>
        %swap3A_548 = arith.index_cast %add3A_527 : i32 to index
        %swap3A_549 = arith.constant 32 : index
        %swap3A_550 = tpu.vector_load %arg21[%swap3A_548, %swap3A_549] {strides = array<i32>} : memref<64x128xf32, #tpu.memory_space<vmem>>, vector<16xf32>,
        tpu.vector_store %arg21[%swap3A_548, %swap3A_549], %mul3A_547 {strides = array<i32>} : memref<64x128xf32, #tpu.memory_space<vmem>>, vector<16xf32>,
        %get3A_551 = arith.index_cast %add3A_527 : i32 to index
        %get3A_552 = arith.constant 48 : index
        %get3A_553 = tpu.vector_load %arg21[%get3A_551, %get3A_552] {strides = array<i32>} : memref<64x128xf32, #tpu.memory_space<vmem>>, vector<16xf32>,
        %mul3A_554 = arith.mulf %get3A_553, %gather3A_529 : vector<16xf32>
        %swap3A_555 = arith.index_cast %add3A_527 : i32 to index
        %swap3A_556 = arith.constant 48 : index
        %swap3A_557 = tpu.vector_load %arg21[%swap3A_555, %swap3A_556] {strides = array<i32>} : memref<64x128xf32, #tpu.memory_space<vmem>>, vector<16xf32>,
        tpu.vector_store %arg21[%swap3A_555, %swap3A_556], %mul3A_554 {strides = array<i32>} : memref<64x128xf32, #tpu.memory_space<vmem>>, vector<16xf32>,
        %get3A_558 = arith.index_cast %add3A_527 : i32 to index
        %get3A_559 = arith.constant 64 : index
        %get3A_560 = tpu.vector_load %arg21[%get3A_558, %get3A_559] {strides = array<i32>} : memref<64x128xf32, #tpu.memory_space<vmem>>, vector<16xf32>,
        %mul3A_561 = arith.mulf %get3A_560, %gather3A_529 : vector<16xf32>
        %swap3A_562 = arith.index_cast %add3A_527 : i32 to index
        %swap3A_563 = arith.constant 64 : index
        %swap3A_564 = tpu.vector_load %arg21[%swap3A_562, %swap3A_563] {strides = array<i32>} : memref<64x128xf32, #tpu.memory_space<vmem>>, vector<16xf32>,
        tpu.vector_store %arg21[%swap3A_562, %swap3A_563], %mul3A_561 {strides = array<i32>} : memref<64x128xf32, #tpu.memory_space<vmem>>, vector<16xf32>,
        %get3A_565 = arith.index_cast %add3A_527 : i32 to index
        %get3A_566 = arith.constant 80 : index
        %get3A_567 = tpu.vector_load %arg21[%get3A_565, %get3A_566] {strides = array<i32>} : memref<64x128xf32, #tpu.memory_space<vmem>>, vector<16xf32>,
        %mul3A_568 = arith.mulf %get3A_567, %gather3A_529 : vector<16xf32>
        %swap3A_569 = arith.index_cast %add3A_527 : i32 to index
        %swap3A_570 = arith.constant 80 : index
        %swap3A_571 = tpu.vector_load %arg21[%swap3A_569, %swap3A_570] {strides = array<i32>} : memref<64x128xf32, #tpu.memory_space<vmem>>, vector<16xf32>,
        tpu.vector_store %arg21[%swap3A_569, %swap3A_570], %mul3A_568 {strides = array<i32>} : memref<64x128xf32, #tpu.memory_space<vmem>>, vector<16xf32>,
        %get3A_572 = arith.index_cast %add3A_527 : i32 to index
        %get3A_573 = arith.constant 96 : index
        %get3A_574 = tpu.vector_load %arg21[%get3A_572, %get3A_573] {strides = array<i32>} : memref<64x128xf32, #tpu.memory_space<vmem>>, vector<16xf32>,
        %mul3A_575 = arith.mulf %get3A_574, %gather3A_529 : vector<16xf32>
        %swap3A_576 = arith.index_cast %add3A_527 : i32 to index
        %swap3A_577 = arith.constant 96 : index
        %swap3A_578 = tpu.vector_load %arg21[%swap3A_576, %swap3A_577] {strides = array<i32>} : memref<64x128xf32, #tpu.memory_space<vmem>>, vector<16xf32>,
        tpu.vector_store %arg21[%swap3A_576, %swap3A_577], %mul3A_575 {strides = array<i32>} : memref<64x128xf32, #tpu.memory_space<vmem>>, vector<16xf32>,
        %get3A_579 = arith.index_cast %add3A_527 : i32 to index
        %get3A_580 = arith.constant 112 : index
        %get3A_581 = tpu.vector_load %arg21[%get3A_579, %get3A_580] {strides = array<i32>} : memref<64x128xf32, #tpu.memory_space<vmem>>, vector<16xf32>,
        %mul3A_582 = arith.mulf %get3A_581, %gather3A_529 : vector<16xf32>
        %swap3A_583 = arith.index_cast %add3A_527 : i32 to index
        %swap3A_584 = arith.constant 112 : index
        %swap3A_585 = tpu.vector_load %arg21[%swap3A_583, %swap3A_584] {strides = array<i32>} : memref<64x128xf32, #tpu.memory_space<vmem>>, vector<16xf32>,
        tpu.vector_store %arg21[%swap3A_583, %swap3A_584], %mul3A_582 {strides = array<i32>} : memref<64x128xf32, #tpu.memory_space<vmem>>, vector<16xf32>,
      }
      %scan3A_282 = arith.constant 16 : i32
      %dma_start3A_283 = arith.constant 0 : i32
      %dma_start3A_284 = arith.constant 0 : i32
      %dma_start3A_285 = tpu.memref_slice %arg6[%dma_start3A_283, %dma_start3A_284] : memref<10112x128xf32, #tpu.memory_space<vmem_shared>> -> memref<10112x128xf32, #tpu.memory_space<vmem_shared>>
      tpu.enqueue_indirect_dma source(%arg21 : memref<64x128xf32, #tpu.memory_space<vmem>>) target(%dma_start3A_285 : memref<10112x128xf32, #tpu.memory_space<vmem_shared>>) offsets(%arg13 : memref<64xi32, #tpu.memory_space<vmem>>) semaphore(%arg29 : memref<!tpu.dma_semaphore, #tpu.memory_space<semaphore_mem>>) {add = true}
      %add3A_286 = arith.constant 4 : i32
      %add3A_287 = arith.addi %add3A_256, %add3A_286 : i32
      %lt3A_288 = arith.cmpi slt, %add3A_287, %select_n3A : i32
      %convert_element_type3A_289 = arith.extui %lt3A_288 : i1 to i32
      %cond3A_290 = arith.constant 0 : i32
      %cond3A_291 = arith.cmpi ne, %convert_element_type3A_289, %cond3A_290 : i32
      scf.if %cond3A_291 {
        %add3A_343 = arith.constant 4 : i32
        %add3A_344 = arith.addi %add3A_256, %add3A_343 : i32
        %mul3A_345 = arith.constant 2 : i32
        %mul3A_346 = arith.muli %add3A_344, %mul3A_345 : i32
        %mul3A_347 = arith.constant 64 : i32
        %mul3A_348 = arith.muli %mul3A_346, %mul3A_347 : i32
        %add3A_349 = arith.addi %mul3A_9, %mul3A_348 : i32
        %dma_start3A_350 = tpu.memref_slice %arg3[%add3A_349] : memref<655360xi32, #tpu.memory_space<hbm>> -> memref<128xi32, #tpu.memory_space<hbm>>
        %dma_start3A_351 = tpu.memref_slice %arg3[%add3A_349] : memref<655360xi32, #tpu.memory_space<hbm>> -> memref<128xi32, #tpu.memory_space<hbm>>
        tpu.enqueue_dma source(%dma_start3A_351 : memref<128xi32, #tpu.memory_space<hbm>>) target(%arg9 : memref<128xi32, #tpu.memory_space<vmem>>) target_semaphore(%arg33 : memref<!tpu.dma_semaphore, #tpu.memory_space<semaphore_mem>>)
        %mul3A_352 = arith.constant 64 : i32
        %mul3A_353 = arith.muli %add3A_344, %mul3A_352 : i32
        %add3A_354 = arith.addi %mul3A_11, %mul3A_353 : i32
        %dma_start3A_355 = tpu.memref_slice %arg4[%add3A_354] : memref<327680xf32, #tpu.memory_space<hbm>> -> memref<64xf32, #tpu.memory_space<hbm>>
        %dma_start3A_356 = tpu.memref_slice %arg4[%add3A_354] : memref<327680xf32, #tpu.memory_space<hbm>> -> memref<64xf32, #tpu.memory_space<hbm>>
        tpu.enqueue_dma source(%dma_start3A_356 : memref<64xf32, #tpu.memory_space<hbm>>) target(%arg17 : memref<64xf32, #tpu.memory_space<vmem>>) target_semaphore(%arg33 : memref<!tpu.dma_semaphore, #tpu.memory_space<semaphore_mem>>)
      } else {
      }
      %add3A_292 = arith.constant 2 : i32
      %add3A_293 = arith.addi %add3A_256, %add3A_292 : i32
      %lt3A_294 = arith.cmpi slt, %add3A_293, %select_n3A : i32
      %convert_element_type3A_295 = arith.extui %lt3A_294 : i1 to i32
      %cond3A_296 = arith.constant 0 : i32
      %cond3A_297 = arith.cmpi ne, %convert_element_type3A_295, %cond3A_296 : i32
      scf.if %cond3A_297 {
        %dma_wait3A_343 = arith.constant 0 : i32
        %dma_wait3A_344 = arith.constant 0 : i32
        %dma_wait3A_345 = tpu.memref_slice %arg6[%dma_wait3A_343, %dma_wait3A_344] : memref<10112x128xf32, #tpu.memory_space<vmem_shared>> -> memref<10112x128xf32, #tpu.memory_space<vmem_shared>>
        tpu.wait_indirect_dma semaphore(%arg27 : memref<!tpu.dma_semaphore, #tpu.memory_space<semaphore_mem>>) src(%arg19 : memref<64x128xf32, #tpu.memory_space<vmem>>) dst(%dma_wait3A_345 : memref<10112x128xf32, #tpu.memory_space<vmem_shared>>)
        %dma_wait3A_346 = arith.constant 0 : i32
        %dma_wait3A_347 = tpu.memref_slice %arg3[%dma_wait3A_346] : memref<655360xi32, #tpu.memory_space<hbm>> -> memref<128xi32, #tpu.memory_space<hbm>>
        %dma_wait3A_348 = arith.constant 0 : i32
        %dma_wait3A_349 = tpu.memref_slice %arg3[%dma_wait3A_348] : memref<655360xi32, #tpu.memory_space<hbm>> -> memref<128xi32, #tpu.memory_space<hbm>>
        tpu.wait_dma2 semaphore(%arg31 : memref<!tpu.dma_semaphore, #tpu.memory_space<semaphore_mem>>) src(%dma_wait3A_349 : memref<128xi32, #tpu.memory_space<hbm>>) dst(%arg7 : memref<128xi32, #tpu.memory_space<vmem>>)
        %dma_wait3A_350 = arith.constant 0 : i32
        %dma_wait3A_351 = tpu.memref_slice %arg4[%dma_wait3A_350] : memref<327680xf32, #tpu.memory_space<hbm>> -> memref<64xf32, #tpu.memory_space<hbm>>
        %dma_wait3A_352 = arith.constant 0 : i32
        %dma_wait3A_353 = tpu.memref_slice %arg4[%dma_wait3A_352] : memref<327680xf32, #tpu.memory_space<hbm>> -> memref<64xf32, #tpu.memory_space<hbm>>
        tpu.wait_dma2 semaphore(%arg31 : memref<!tpu.dma_semaphore, #tpu.memory_space<semaphore_mem>>) src(%dma_wait3A_353 : memref<64xf32, #tpu.memory_space<hbm>>) dst(%arg15 : memref<64xf32, #tpu.memory_space<vmem>>)
        %dma_start3A_354 = arith.constant 0 : i32
        %dma_start3A_355 = tpu.memref_slice %arg7[%dma_start3A_354] : memref<128xi32, #tpu.memory_space<vmem>> -> memref<64xi32, #tpu.memory_space<vmem>>
        %dma_start3A_356 = arith.constant 0 : i32
        %dma_start3A_357 = arith.constant 0 : i32
        %dma_start3A_358 = tpu.memref_slice %arg2[%dma_start3A_356, %dma_start3A_357] : memref<10112x128xf32, #tpu.memory_space<hbm>> -> memref<10112x128xf32, #tpu.memory_space<hbm>>
        tpu.enqueue_indirect_dma source(%dma_start3A_358 : memref<10112x128xf32, #tpu.memory_space<hbm>>) target(%arg19 : memref<64x128xf32, #tpu.memory_space<vmem>>) offsets(%dma_start3A_355 : memref<64xi32, #tpu.memory_space<vmem>>) semaphore(%arg23 : memref<!tpu.dma_semaphore, #tpu.memory_space<semaphore_mem>>)
      } else {
      }
      %mul3A_298 = arith.constant 4 : i32
      %mul3A_299 = arith.muli %add3A_167, %mul3A_298 : i32
      %add3A_300 = arith.constant 3 : i32
      %add3A_301 = arith.addi %mul3A_299, %add3A_300 : i32
      %dma_wait3A_302 = arith.constant 0 : i32
      %dma_wait3A_303 = tpu.memref_slice %arg10[%dma_wait3A_302] : memref<128xi32, #tpu.memory_space<vmem>> -> memref<64xi32, #tpu.memory_space<vmem>>
      %dma_wait3A_304 = arith.constant 0 : i32
      %dma_wait3A_305 = arith.constant 0 : i32
      %dma_wait3A_306 = tpu.memref_slice %arg2[%dma_wait3A_304, %dma_wait3A_305] : memref<10112x128xf32, #tpu.memory_space<hbm>> -> memref<10112x128xf32, #tpu.memory_space<hbm>>
      tpu.wait_indirect_dma semaphore(%arg26 : memref<!tpu.dma_semaphore, #tpu.memory_space<semaphore_mem>>) src(%dma_wait3A_306 : memref<10112x128xf32, #tpu.memory_space<hbm>>) dst(%arg22 : memref<64x128xf32, #tpu.memory_space<vmem>>)
      %get3A_307 = arith.constant 64 : index
      %get3A_308 = tpu.vector_load %arg10[%get3A_307] {strides = array<i32>} : memref<128xi32, #tpu.memory_space<vmem>>, vector<16xi32>,
      %swap3A_309 = arith.constant 0 : index
      %swap3A_310 = tpu.vector_load %arg14[%swap3A_309] {strides = array<i32>} : memref<64xi32, #tpu.memory_space<vmem>>, vector<16xi32>,
      tpu.vector_store %arg14[%swap3A_309], %get3A_308 {strides = array<i32>} : memref<64xi32, #tpu.memory_space<vmem>>, vector<16xi32>,
      %get3A_311 = arith.constant 80 : index
      %get3A_312 = tpu.vector_load %arg10[%get3A_311] {strides = array<i32>} : memref<128xi32, #tpu.memory_space<vmem>>, vector<16xi32>,
      %swap3A_313 = arith.constant 16 : index
      %swap3A_314 = tpu.vector_load %arg14[%swap3A_313] {strides = array<i32>} : memref<64xi32, #tpu.memory_space<vmem>>, vector<16xi32>,
      tpu.vector_store %arg14[%swap3A_313], %get3A_312 {strides = array<i32>} : memref<64xi32, #tpu.memory_space<vmem>>, vector<16xi32>,
      %get3A_315 = arith.constant 96 : index
      %get3A_316 = tpu.vector_load %arg10[%get3A_315] {strides = array<i32>} : memref<128xi32, #tpu.memory_space<vmem>>, vector<16xi32>,
      %swap3A_317 = arith.constant 32 : index
      %swap3A_318 = tpu.vector_load %arg14[%swap3A_317] {strides = array<i32>} : memref<64xi32, #tpu.memory_space<vmem>>, vector<16xi32>,
      tpu.vector_store %arg14[%swap3A_317], %get3A_316 {strides = array<i32>} : memref<64xi32, #tpu.memory_space<vmem>>, vector<16xi32>,
      %get3A_319 = arith.constant 112 : index
      %get3A_320 = tpu.vector_load %arg10[%get3A_319] {strides = array<i32>} : memref<128xi32, #tpu.memory_space<vmem>>, vector<16xi32>,
      %swap3A_321 = arith.constant 48 : index
      %swap3A_322 = tpu.vector_load %arg14[%swap3A_321] {strides = array<i32>} : memref<64xi32, #tpu.memory_space<vmem>>, vector<16xi32>,
      tpu.vector_store %arg14[%swap3A_321], %get3A_320 {strides = array<i32>} : memref<64xi32, #tpu.memory_space<vmem>>, vector<16xi32>,
      %scan3A_323 = arith.constant 0 : i32
      %scan3A_324 = arith.constant 16 : i32
      %scan3A_325 = arith.addi %scan3A_323, %scan3A_324 : i32
      %scan3A_326 = arith.constant 1 : i32
      scf.for %scan3A_343 = %scan3A_323 to %scan3A_325 step %scan3A_326  : i32 {
        %mul3A_344 = arith.constant 4 : i32
        %mul3A_345 = arith.muli %scan3A_343, %mul3A_344 : i32
        %add3A_346 = arith.constant 0 : i32
        %add3A_347 = arith.addi %add3A_346, %mul3A_345 : i32
        %add3A_348 = arith.constant 0 : i32
        %add3A_349 = arith.addi %add3A_347, %add3A_348 : i32
        %broadcast_in_dim3A = vector.broadcast %add3A_349 : i32 to vector<16xi32>
        %gather3A = tpu.vector_load_idx %arg18[%broadcast_in_dim3A] : memref<64xf32, #tpu.memory_space<vmem>>[vector<16xi32>], vector<16xf32>,
        %get3A_350 = arith.index_cast %add3A_349 : i32 to index
        %get3A_351 = arith.constant 0 : index
        %get3A_352 = tpu.vector_load %arg22[%get3A_350, %get3A_351] {strides = array<i32>} : memref<64x128xf32, #tpu.memory_space<vmem>>, vector<16xf32>,
        %mul3A_353 = arith.mulf %get3A_352, %gather3A : vector<16xf32>
        %swap3A_354 = arith.index_cast %add3A_349 : i32 to index
        %swap3A_355 = arith.constant 0 : index
        %swap3A_356 = tpu.vector_load %arg22[%swap3A_354, %swap3A_355] {strides = array<i32>} : memref<64x128xf32, #tpu.memory_space<vmem>>, vector<16xf32>,
        tpu.vector_store %arg22[%swap3A_354, %swap3A_355], %mul3A_353 {strides = array<i32>} : memref<64x128xf32, #tpu.memory_space<vmem>>, vector<16xf32>,
        %get3A_357 = arith.index_cast %add3A_349 : i32 to index
        %get3A_358 = arith.constant 16 : index
        %get3A_359 = tpu.vector_load %arg22[%get3A_357, %get3A_358] {strides = array<i32>} : memref<64x128xf32, #tpu.memory_space<vmem>>, vector<16xf32>,
        %mul3A_360 = arith.mulf %get3A_359, %gather3A : vector<16xf32>
        %swap3A_361 = arith.index_cast %add3A_349 : i32 to index
        %swap3A_362 = arith.constant 16 : index
        %swap3A_363 = tpu.vector_load %arg22[%swap3A_361, %swap3A_362] {strides = array<i32>} : memref<64x128xf32, #tpu.memory_space<vmem>>, vector<16xf32>,
        tpu.vector_store %arg22[%swap3A_361, %swap3A_362], %mul3A_360 {strides = array<i32>} : memref<64x128xf32, #tpu.memory_space<vmem>>, vector<16xf32>,
        %get3A_364 = arith.index_cast %add3A_349 : i32 to index
        %get3A_365 = arith.constant 32 : index
        %get3A_366 = tpu.vector_load %arg22[%get3A_364, %get3A_365] {strides = array<i32>} : memref<64x128xf32, #tpu.memory_space<vmem>>, vector<16xf32>,
        %mul3A_367 = arith.mulf %get3A_366, %gather3A : vector<16xf32>
        %swap3A_368 = arith.index_cast %add3A_349 : i32 to index
        %swap3A_369 = arith.constant 32 : index
        %swap3A_370 = tpu.vector_load %arg22[%swap3A_368, %swap3A_369] {strides = array<i32>} : memref<64x128xf32, #tpu.memory_space<vmem>>, vector<16xf32>,
        tpu.vector_store %arg22[%swap3A_368, %swap3A_369], %mul3A_367 {strides = array<i32>} : memref<64x128xf32, #tpu.memory_space<vmem>>, vector<16xf32>,
        %get3A_371 = arith.index_cast %add3A_349 : i32 to index
        %get3A_372 = arith.constant 48 : index
        %get3A_373 = tpu.vector_load %arg22[%get3A_371, %get3A_372] {strides = array<i32>} : memref<64x128xf32, #tpu.memory_space<vmem>>, vector<16xf32>,
        %mul3A_374 = arith.mulf %get3A_373, %gather3A : vector<16xf32>
        %swap3A_375 = arith.index_cast %add3A_349 : i32 to index
        %swap3A_376 = arith.constant 48 : index
        %swap3A_377 = tpu.vector_load %arg22[%swap3A_375, %swap3A_376] {strides = array<i32>} : memref<64x128xf32, #tpu.memory_space<vmem>>, vector<16xf32>,
        tpu.vector_store %arg22[%swap3A_375, %swap3A_376], %mul3A_374 {strides = array<i32>} : memref<64x128xf32, #tpu.memory_space<vmem>>, vector<16xf32>,
        %get3A_378 = arith.index_cast %add3A_349 : i32 to index
        %get3A_379 = arith.constant 64 : index
        %get3A_380 = tpu.vector_load %arg22[%get3A_378, %get3A_379] {strides = array<i32>} : memref<64x128xf32, #tpu.memory_space<vmem>>, vector<16xf32>,
        %mul3A_381 = arith.mulf %get3A_380, %gather3A : vector<16xf32>
        %swap3A_382 = arith.index_cast %add3A_349 : i32 to index
        %swap3A_383 = arith.constant 64 : index
        %swap3A_384 = tpu.vector_load %arg22[%swap3A_382, %swap3A_383] {strides = array<i32>} : memref<64x128xf32, #tpu.memory_space<vmem>>, vector<16xf32>,
        tpu.vector_store %arg22[%swap3A_382, %swap3A_383], %mul3A_381 {strides = array<i32>} : memref<64x128xf32, #tpu.memory_space<vmem>>, vector<16xf32>,
        %get3A_385 = arith.index_cast %add3A_349 : i32 to index
        %get3A_386 = arith.constant 80 : index
        %get3A_387 = tpu.vector_load %arg22[%get3A_385, %get3A_386] {strides = array<i32>} : memref<64x128xf32, #tpu.memory_space<vmem>>, vector<16xf32>,
        %mul3A_388 = arith.mulf %get3A_387, %gather3A : vector<16xf32>
        %swap3A_389 = arith.index_cast %add3A_349 : i32 to index
        %swap3A_390 = arith.constant 80 : index
        %swap3A_391 = tpu.vector_load %arg22[%swap3A_389, %swap3A_390] {strides = array<i32>} : memref<64x128xf32, #tpu.memory_space<vmem>>, vector<16xf32>,
        tpu.vector_store %arg22[%swap3A_389, %swap3A_390], %mul3A_388 {strides = array<i32>} : memref<64x128xf32, #tpu.memory_space<vmem>>, vector<16xf32>,
        %get3A_392 = arith.index_cast %add3A_349 : i32 to index
        %get3A_393 = arith.constant 96 : index
        %get3A_394 = tpu.vector_load %arg22[%get3A_392, %get3A_393] {strides = array<i32>} : memref<64x128xf32, #tpu.memory_space<vmem>>, vector<16xf32>,
        %mul3A_395 = arith.mulf %get3A_394, %gather3A : vector<16xf32>
        %swap3A_396 = arith.index_cast %add3A_349 : i32 to index
        %swap3A_397 = arith.constant 96 : index
        %swap3A_398 = tpu.vector_load %arg22[%swap3A_396, %swap3A_397] {strides = array<i32>} : memref<64x128xf32, #tpu.memory_space<vmem>>, vector<16xf32>,
        tpu.vector_store %arg22[%swap3A_396, %swap3A_397], %mul3A_395 {strides = array<i32>} : memref<64x128xf32, #tpu.memory_space<vmem>>, vector<16xf32>,
        %get3A_399 = arith.index_cast %add3A_349 : i32 to index
        %get3A_400 = arith.constant 112 : index
        %get3A_401 = tpu.vector_load %arg22[%get3A_399, %get3A_400] {strides = array<i32>} : memref<64x128xf32, #tpu.memory_space<vmem>>, vector<16xf32>,
        %mul3A_402 = arith.mulf %get3A_401, %gather3A : vector<16xf32>
        %swap3A_403 = arith.index_cast %add3A_349 : i32 to index
        %swap3A_404 = arith.constant 112 : index
        %swap3A_405 = tpu.vector_load %arg22[%swap3A_403, %swap3A_404] {strides = array<i32>} : memref<64x128xf32, #tpu.memory_space<vmem>>, vector<16xf32>,
        tpu.vector_store %arg22[%swap3A_403, %swap3A_404], %mul3A_402 {strides = array<i32>} : memref<64x128xf32, #tpu.memory_space<vmem>>, vector<16xf32>,
        %add3A_406 = arith.constant 1 : i32
        %add3A_407 = arith.addi %add3A_347, %add3A_406 : i32
        %broadcast_in_dim3A_408 = vector.broadcast %add3A_407 : i32 to vector<16xi32>
        %gather3A_409 = tpu.vector_load_idx %arg18[%broadcast_in_dim3A_408] : memref<64xf32, #tpu.memory_space<vmem>>[vector<16xi32>], vector<16xf32>,
        %get3A_410 = arith.index_cast %add3A_407 : i32 to index
        %get3A_411 = arith.constant 0 : index
        %get3A_412 = tpu.vector_load %arg22[%get3A_410, %get3A_411] {strides = array<i32>} : memref<64x128xf32, #tpu.memory_space<vmem>>, vector<16xf32>,
        %mul3A_413 = arith.mulf %get3A_412, %gather3A_409 : vector<16xf32>
        %swap3A_414 = arith.index_cast %add3A_407 : i32 to index
        %swap3A_415 = arith.constant 0 : index
        %swap3A_416 = tpu.vector_load %arg22[%swap3A_414, %swap3A_415] {strides = array<i32>} : memref<64x128xf32, #tpu.memory_space<vmem>>, vector<16xf32>,
        tpu.vector_store %arg22[%swap3A_414, %swap3A_415], %mul3A_413 {strides = array<i32>} : memref<64x128xf32, #tpu.memory_space<vmem>>, vector<16xf32>,
        %get3A_417 = arith.index_cast %add3A_407 : i32 to index
        %get3A_418 = arith.constant 16 : index
        %get3A_419 = tpu.vector_load %arg22[%get3A_417, %get3A_418] {strides = array<i32>} : memref<64x128xf32, #tpu.memory_space<vmem>>, vector<16xf32>,
        %mul3A_420 = arith.mulf %get3A_419, %gather3A_409 : vector<16xf32>
        %swap3A_421 = arith.index_cast %add3A_407 : i32 to index
        %swap3A_422 = arith.constant 16 : index
        %swap3A_423 = tpu.vector_load %arg22[%swap3A_421, %swap3A_422] {strides = array<i32>} : memref<64x128xf32, #tpu.memory_space<vmem>>, vector<16xf32>,
        tpu.vector_store %arg22[%swap3A_421, %swap3A_422], %mul3A_420 {strides = array<i32>} : memref<64x128xf32, #tpu.memory_space<vmem>>, vector<16xf32>,
        %get3A_424 = arith.index_cast %add3A_407 : i32 to index
        %get3A_425 = arith.constant 32 : index
        %get3A_426 = tpu.vector_load %arg22[%get3A_424, %get3A_425] {strides = array<i32>} : memref<64x128xf32, #tpu.memory_space<vmem>>, vector<16xf32>,
        %mul3A_427 = arith.mulf %get3A_426, %gather3A_409 : vector<16xf32>
        %swap3A_428 = arith.index_cast %add3A_407 : i32 to index
        %swap3A_429 = arith.constant 32 : index
        %swap3A_430 = tpu.vector_load %arg22[%swap3A_428, %swap3A_429] {strides = array<i32>} : memref<64x128xf32, #tpu.memory_space<vmem>>, vector<16xf32>,
        tpu.vector_store %arg22[%swap3A_428, %swap3A_429], %mul3A_427 {strides = array<i32>} : memref<64x128xf32, #tpu.memory_space<vmem>>, vector<16xf32>,
        %get3A_431 = arith.index_cast %add3A_407 : i32 to index
        %get3A_432 = arith.constant 48 : index
        %get3A_433 = tpu.vector_load %arg22[%get3A_431, %get3A_432] {strides = array<i32>} : memref<64x128xf32, #tpu.memory_space<vmem>>, vector<16xf32>,
        %mul3A_434 = arith.mulf %get3A_433, %gather3A_409 : vector<16xf32>
        %swap3A_435 = arith.index_cast %add3A_407 : i32 to index
        %swap3A_436 = arith.constant 48 : index
        %swap3A_437 = tpu.vector_load %arg22[%swap3A_435, %swap3A_436] {strides = array<i32>} : memref<64x128xf32, #tpu.memory_space<vmem>>, vector<16xf32>,
        tpu.vector_store %arg22[%swap3A_435, %swap3A_436], %mul3A_434 {strides = array<i32>} : memref<64x128xf32, #tpu.memory_space<vmem>>, vector<16xf32>,
        %get3A_438 = arith.index_cast %add3A_407 : i32 to index
        %get3A_439 = arith.constant 64 : index
        %get3A_440 = tpu.vector_load %arg22[%get3A_438, %get3A_439] {strides = array<i32>} : memref<64x128xf32, #tpu.memory_space<vmem>>, vector<16xf32>,
        %mul3A_441 = arith.mulf %get3A_440, %gather3A_409 : vector<16xf32>
        %swap3A_442 = arith.index_cast %add3A_407 : i32 to index
        %swap3A_443 = arith.constant 64 : index
        %swap3A_444 = tpu.vector_load %arg22[%swap3A_442, %swap3A_443] {strides = array<i32>} : memref<64x128xf32, #tpu.memory_space<vmem>>, vector<16xf32>,
        tpu.vector_store %arg22[%swap3A_442, %swap3A_443], %mul3A_441 {strides = array<i32>} : memref<64x128xf32, #tpu.memory_space<vmem>>, vector<16xf32>,
        %get3A_445 = arith.index_cast %add3A_407 : i32 to index
        %get3A_446 = arith.constant 80 : index
        %get3A_447 = tpu.vector_load %arg22[%get3A_445, %get3A_446] {strides = array<i32>} : memref<64x128xf32, #tpu.memory_space<vmem>>, vector<16xf32>,
        %mul3A_448 = arith.mulf %get3A_447, %gather3A_409 : vector<16xf32>
        %swap3A_449 = arith.index_cast %add3A_407 : i32 to index
        %swap3A_450 = arith.constant 80 : index
        %swap3A_451 = tpu.vector_load %arg22[%swap3A_449, %swap3A_450] {strides = array<i32>} : memref<64x128xf32, #tpu.memory_space<vmem>>, vector<16xf32>,
        tpu.vector_store %arg22[%swap3A_449, %swap3A_450], %mul3A_448 {strides = array<i32>} : memref<64x128xf32, #tpu.memory_space<vmem>>, vector<16xf32>,
        %get3A_452 = arith.index_cast %add3A_407 : i32 to index
        %get3A_453 = arith.constant 96 : index
        %get3A_454 = tpu.vector_load %arg22[%get3A_452, %get3A_453] {strides = array<i32>} : memref<64x128xf32, #tpu.memory_space<vmem>>, vector<16xf32>,
        %mul3A_455 = arith.mulf %get3A_454, %gather3A_409 : vector<16xf32>
        %swap3A_456 = arith.index_cast %add3A_407 : i32 to index
        %swap3A_457 = arith.constant 96 : index
        %swap3A_458 = tpu.vector_load %arg22[%swap3A_456, %swap3A_457] {strides = array<i32>} : memref<64x128xf32, #tpu.memory_space<vmem>>, vector<16xf32>,
        tpu.vector_store %arg22[%swap3A_456, %swap3A_457], %mul3A_455 {strides = array<i32>} : memref<64x128xf32, #tpu.memory_space<vmem>>, vector<16xf32>,
        %get3A_459 = arith.index_cast %add3A_407 : i32 to index
        %get3A_460 = arith.constant 112 : index
        %get3A_461 = tpu.vector_load %arg22[%get3A_459, %get3A_460] {strides = array<i32>} : memref<64x128xf32, #tpu.memory_space<vmem>>, vector<16xf32>,
        %mul3A_462 = arith.mulf %get3A_461, %gather3A_409 : vector<16xf32>
        %swap3A_463 = arith.index_cast %add3A_407 : i32 to index
        %swap3A_464 = arith.constant 112 : index
        %swap3A_465 = tpu.vector_load %arg22[%swap3A_463, %swap3A_464] {strides = array<i32>} : memref<64x128xf32, #tpu.memory_space<vmem>>, vector<16xf32>,
        tpu.vector_store %arg22[%swap3A_463, %swap3A_464], %mul3A_462 {strides = array<i32>} : memref<64x128xf32, #tpu.memory_space<vmem>>, vector<16xf32>,
        %add3A_466 = arith.constant 2 : i32
        %add3A_467 = arith.addi %add3A_347, %add3A_466 : i32
        %broadcast_in_dim3A_468 = vector.broadcast %add3A_467 : i32 to vector<16xi32>
        %gather3A_469 = tpu.vector_load_idx %arg18[%broadcast_in_dim3A_468] : memref<64xf32, #tpu.memory_space<vmem>>[vector<16xi32>], vector<16xf32>,
        %get3A_470 = arith.index_cast %add3A_467 : i32 to index
        %get3A_471 = arith.constant 0 : index
        %get3A_472 = tpu.vector_load %arg22[%get3A_470, %get3A_471] {strides = array<i32>} : memref<64x128xf32, #tpu.memory_space<vmem>>, vector<16xf32>,
        %mul3A_473 = arith.mulf %get3A_472, %gather3A_469 : vector<16xf32>
        %swap3A_474 = arith.index_cast %add3A_467 : i32 to index
        %swap3A_475 = arith.constant 0 : index
        %swap3A_476 = tpu.vector_load %arg22[%swap3A_474, %swap3A_475] {strides = array<i32>} : memref<64x128xf32, #tpu.memory_space<vmem>>, vector<16xf32>,
        tpu.vector_store %arg22[%swap3A_474, %swap3A_475], %mul3A_473 {strides = array<i32>} : memref<64x128xf32, #tpu.memory_space<vmem>>, vector<16xf32>,
        %get3A_477 = arith.index_cast %add3A_467 : i32 to index
        %get3A_478 = arith.constant 16 : index
        %get3A_479 = tpu.vector_load %arg22[%get3A_477, %get3A_478] {strides = array<i32>} : memref<64x128xf32, #tpu.memory_space<vmem>>, vector<16xf32>,
        %mul3A_480 = arith.mulf %get3A_479, %gather3A_469 : vector<16xf32>
        %swap3A_481 = arith.index_cast %add3A_467 : i32 to index
        %swap3A_482 = arith.constant 16 : index
        %swap3A_483 = tpu.vector_load %arg22[%swap3A_481, %swap3A_482] {strides = array<i32>} : memref<64x128xf32, #tpu.memory_space<vmem>>, vector<16xf32>,
        tpu.vector_store %arg22[%swap3A_481, %swap3A_482], %mul3A_480 {strides = array<i32>} : memref<64x128xf32, #tpu.memory_space<vmem>>, vector<16xf32>,
        %get3A_484 = arith.index_cast %add3A_467 : i32 to index
        %get3A_485 = arith.constant 32 : index
        %get3A_486 = tpu.vector_load %arg22[%get3A_484, %get3A_485] {strides = array<i32>} : memref<64x128xf32, #tpu.memory_space<vmem>>, vector<16xf32>,
        %mul3A_487 = arith.mulf %get3A_486, %gather3A_469 : vector<16xf32>
        %swap3A_488 = arith.index_cast %add3A_467 : i32 to index
        %swap3A_489 = arith.constant 32 : index
        %swap3A_490 = tpu.vector_load %arg22[%swap3A_488, %swap3A_489] {strides = array<i32>} : memref<64x128xf32, #tpu.memory_space<vmem>>, vector<16xf32>,
        tpu.vector_store %arg22[%swap3A_488, %swap3A_489], %mul3A_487 {strides = array<i32>} : memref<64x128xf32, #tpu.memory_space<vmem>>, vector<16xf32>,
        %get3A_491 = arith.index_cast %add3A_467 : i32 to index
        %get3A_492 = arith.constant 48 : index
        %get3A_493 = tpu.vector_load %arg22[%get3A_491, %get3A_492] {strides = array<i32>} : memref<64x128xf32, #tpu.memory_space<vmem>>, vector<16xf32>,
        %mul3A_494 = arith.mulf %get3A_493, %gather3A_469 : vector<16xf32>
        %swap3A_495 = arith.index_cast %add3A_467 : i32 to index
        %swap3A_496 = arith.constant 48 : index
        %swap3A_497 = tpu.vector_load %arg22[%swap3A_495, %swap3A_496] {strides = array<i32>} : memref<64x128xf32, #tpu.memory_space<vmem>>, vector<16xf32>,
        tpu.vector_store %arg22[%swap3A_495, %swap3A_496], %mul3A_494 {strides = array<i32>} : memref<64x128xf32, #tpu.memory_space<vmem>>, vector<16xf32>,
        %get3A_498 = arith.index_cast %add3A_467 : i32 to index
        %get3A_499 = arith.constant 64 : index
        %get3A_500 = tpu.vector_load %arg22[%get3A_498, %get3A_499] {strides = array<i32>} : memref<64x128xf32, #tpu.memory_space<vmem>>, vector<16xf32>,
        %mul3A_501 = arith.mulf %get3A_500, %gather3A_469 : vector<16xf32>
        %swap3A_502 = arith.index_cast %add3A_467 : i32 to index
        %swap3A_503 = arith.constant 64 : index
        %swap3A_504 = tpu.vector_load %arg22[%swap3A_502, %swap3A_503] {strides = array<i32>} : memref<64x128xf32, #tpu.memory_space<vmem>>, vector<16xf32>,
        tpu.vector_store %arg22[%swap3A_502, %swap3A_503], %mul3A_501 {strides = array<i32>} : memref<64x128xf32, #tpu.memory_space<vmem>>, vector<16xf32>,
        %get3A_505 = arith.index_cast %add3A_467 : i32 to index
        %get3A_506 = arith.constant 80 : index
        %get3A_507 = tpu.vector_load %arg22[%get3A_505, %get3A_506] {strides = array<i32>} : memref<64x128xf32, #tpu.memory_space<vmem>>, vector<16xf32>,
        %mul3A_508 = arith.mulf %get3A_507, %gather3A_469 : vector<16xf32>
        %swap3A_509 = arith.index_cast %add3A_467 : i32 to index
        %swap3A_510 = arith.constant 80 : index
        %swap3A_511 = tpu.vector_load %arg22[%swap3A_509, %swap3A_510] {strides = array<i32>} : memref<64x128xf32, #tpu.memory_space<vmem>>, vector<16xf32>,
        tpu.vector_store %arg22[%swap3A_509, %swap3A_510], %mul3A_508 {strides = array<i32>} : memref<64x128xf32, #tpu.memory_space<vmem>>, vector<16xf32>,
        %get3A_512 = arith.index_cast %add3A_467 : i32 to index
        %get3A_513 = arith.constant 96 : index
        %get3A_514 = tpu.vector_load %arg22[%get3A_512, %get3A_513] {strides = array<i32>} : memref<64x128xf32, #tpu.memory_space<vmem>>, vector<16xf32>,
        %mul3A_515 = arith.mulf %get3A_514, %gather3A_469 : vector<16xf32>
        %swap3A_516 = arith.index_cast %add3A_467 : i32 to index
        %swap3A_517 = arith.constant 96 : index
        %swap3A_518 = tpu.vector_load %arg22[%swap3A_516, %swap3A_517] {strides = array<i32>} : memref<64x128xf32, #tpu.memory_space<vmem>>, vector<16xf32>,
        tpu.vector_store %arg22[%swap3A_516, %swap3A_517], %mul3A_515 {strides = array<i32>} : memref<64x128xf32, #tpu.memory_space<vmem>>, vector<16xf32>,
        %get3A_519 = arith.index_cast %add3A_467 : i32 to index
        %get3A_520 = arith.constant 112 : index
        %get3A_521 = tpu.vector_load %arg22[%get3A_519, %get3A_520] {strides = array<i32>} : memref<64x128xf32, #tpu.memory_space<vmem>>, vector<16xf32>,
        %mul3A_522 = arith.mulf %get3A_521, %gather3A_469 : vector<16xf32>
        %swap3A_523 = arith.index_cast %add3A_467 : i32 to index
        %swap3A_524 = arith.constant 112 : index
        %swap3A_525 = tpu.vector_load %arg22[%swap3A_523, %swap3A_524] {strides = array<i32>} : memref<64x128xf32, #tpu.memory_space<vmem>>, vector<16xf32>,
        tpu.vector_store %arg22[%swap3A_523, %swap3A_524], %mul3A_522 {strides = array<i32>} : memref<64x128xf32, #tpu.memory_space<vmem>>, vector<16xf32>,
        %add3A_526 = arith.constant 3 : i32
        %add3A_527 = arith.addi %add3A_347, %add3A_526 : i32
        %broadcast_in_dim3A_528 = vector.broadcast %add3A_527 : i32 to vector<16xi32>
        %gather3A_529 = tpu.vector_load_idx %arg18[%broadcast_in_dim3A_528] : memref<64xf32, #tpu.memory_space<vmem>>[vector<16xi32>], vector<16xf32>,
        %get3A_530 = arith.index_cast %add3A_527 : i32 to index
        %get3A_531 = arith.constant 0 : index
        %get3A_532 = tpu.vector_load %arg22[%get3A_530, %get3A_531] {strides = array<i32>} : memref<64x128xf32, #tpu.memory_space<vmem>>, vector<16xf32>,
        %mul3A_533 = arith.mulf %get3A_532, %gather3A_529 : vector<16xf32>
        %swap3A_534 = arith.index_cast %add3A_527 : i32 to index
        %swap3A_535 = arith.constant 0 : index
        %swap3A_536 = tpu.vector_load %arg22[%swap3A_534, %swap3A_535] {strides = array<i32>} : memref<64x128xf32, #tpu.memory_space<vmem>>, vector<16xf32>,
        tpu.vector_store %arg22[%swap3A_534, %swap3A_535], %mul3A_533 {strides = array<i32>} : memref<64x128xf32, #tpu.memory_space<vmem>>, vector<16xf32>,
        %get3A_537 = arith.index_cast %add3A_527 : i32 to index
        %get3A_538 = arith.constant 16 : index
        %get3A_539 = tpu.vector_load %arg22[%get3A_537, %get3A_538] {strides = array<i32>} : memref<64x128xf32, #tpu.memory_space<vmem>>, vector<16xf32>,
        %mul3A_540 = arith.mulf %get3A_539, %gather3A_529 : vector<16xf32>
        %swap3A_541 = arith.index_cast %add3A_527 : i32 to index
        %swap3A_542 = arith.constant 16 : index
        %swap3A_543 = tpu.vector_load %arg22[%swap3A_541, %swap3A_542] {strides = array<i32>} : memref<64x128xf32, #tpu.memory_space<vmem>>, vector<16xf32>,
        tpu.vector_store %arg22[%swap3A_541, %swap3A_542], %mul3A_540 {strides = array<i32>} : memref<64x128xf32, #tpu.memory_space<vmem>>, vector<16xf32>,
        %get3A_544 = arith.index_cast %add3A_527 : i32 to index
        %get3A_545 = arith.constant 32 : index
        %get3A_546 = tpu.vector_load %arg22[%get3A_544, %get3A_545] {strides = array<i32>} : memref<64x128xf32, #tpu.memory_space<vmem>>, vector<16xf32>,
        %mul3A_547 = arith.mulf %get3A_546, %gather3A_529 : vector<16xf32>
        %swap3A_548 = arith.index_cast %add3A_527 : i32 to index
        %swap3A_549 = arith.constant 32 : index
        %swap3A_550 = tpu.vector_load %arg22[%swap3A_548, %swap3A_549] {strides = array<i32>} : memref<64x128xf32, #tpu.memory_space<vmem>>, vector<16xf32>,
        tpu.vector_store %arg22[%swap3A_548, %swap3A_549], %mul3A_547 {strides = array<i32>} : memref<64x128xf32, #tpu.memory_space<vmem>>, vector<16xf32>,
        %get3A_551 = arith.index_cast %add3A_527 : i32 to index
        %get3A_552 = arith.constant 48 : index
        %get3A_553 = tpu.vector_load %arg22[%get3A_551, %get3A_552] {strides = array<i32>} : memref<64x128xf32, #tpu.memory_space<vmem>>, vector<16xf32>,
        %mul3A_554 = arith.mulf %get3A_553, %gather3A_529 : vector<16xf32>
        %swap3A_555 = arith.index_cast %add3A_527 : i32 to index
        %swap3A_556 = arith.constant 48 : index
        %swap3A_557 = tpu.vector_load %arg22[%swap3A_555, %swap3A_556] {strides = array<i32>} : memref<64x128xf32, #tpu.memory_space<vmem>>, vector<16xf32>,
        tpu.vector_store %arg22[%swap3A_555, %swap3A_556], %mul3A_554 {strides = array<i32>} : memref<64x128xf32, #tpu.memory_space<vmem>>, vector<16xf32>,
        %get3A_558 = arith.index_cast %add3A_527 : i32 to index
        %get3A_559 = arith.constant 64 : index
        %get3A_560 = tpu.vector_load %arg22[%get3A_558, %get3A_559] {strides = array<i32>} : memref<64x128xf32, #tpu.memory_space<vmem>>, vector<16xf32>,
        %mul3A_561 = arith.mulf %get3A_560, %gather3A_529 : vector<16xf32>
        %swap3A_562 = arith.index_cast %add3A_527 : i32 to index
        %swap3A_563 = arith.constant 64 : index
        %swap3A_564 = tpu.vector_load %arg22[%swap3A_562, %swap3A_563] {strides = array<i32>} : memref<64x128xf32, #tpu.memory_space<vmem>>, vector<16xf32>,
        tpu.vector_store %arg22[%swap3A_562, %swap3A_563], %mul3A_561 {strides = array<i32>} : memref<64x128xf32, #tpu.memory_space<vmem>>, vector<16xf32>,
        %get3A_565 = arith.index_cast %add3A_527 : i32 to index
        %get3A_566 = arith.constant 80 : index
        %get3A_567 = tpu.vector_load %arg22[%get3A_565, %get3A_566] {strides = array<i32>} : memref<64x128xf32, #tpu.memory_space<vmem>>, vector<16xf32>,
        %mul3A_568 = arith.mulf %get3A_567, %gather3A_529 : vector<16xf32>
        %swap3A_569 = arith.index_cast %add3A_527 : i32 to index
        %swap3A_570 = arith.constant 80 : index
        %swap3A_571 = tpu.vector_load %arg22[%swap3A_569, %swap3A_570] {strides = array<i32>} : memref<64x128xf32, #tpu.memory_space<vmem>>, vector<16xf32>,
        tpu.vector_store %arg22[%swap3A_569, %swap3A_570], %mul3A_568 {strides = array<i32>} : memref<64x128xf32, #tpu.memory_space<vmem>>, vector<16xf32>,
        %get3A_572 = arith.index_cast %add3A_527 : i32 to index
        %get3A_573 = arith.constant 96 : index
        %get3A_574 = tpu.vector_load %arg22[%get3A_572, %get3A_573] {strides = array<i32>} : memref<64x128xf32, #tpu.memory_space<vmem>>, vector<16xf32>,
        %mul3A_575 = arith.mulf %get3A_574, %gather3A_529 : vector<16xf32>
        %swap3A_576 = arith.index_cast %add3A_527 : i32 to index
        %swap3A_577 = arith.constant 96 : index
        %swap3A_578 = tpu.vector_load %arg22[%swap3A_576, %swap3A_577] {strides = array<i32>} : memref<64x128xf32, #tpu.memory_space<vmem>>, vector<16xf32>,
        tpu.vector_store %arg22[%swap3A_576, %swap3A_577], %mul3A_575 {strides = array<i32>} : memref<64x128xf32, #tpu.memory_space<vmem>>, vector<16xf32>,
        %get3A_579 = arith.index_cast %add3A_527 : i32 to index
        %get3A_580 = arith.constant 112 : index
        %get3A_581 = tpu.vector_load %arg22[%get3A_579, %get3A_580] {strides = array<i32>} : memref<64x128xf32, #tpu.memory_space<vmem>>, vector<16xf32>,
        %mul3A_582 = arith.mulf %get3A_581, %gather3A_529 : vector<16xf32>
        %swap3A_583 = arith.index_cast %add3A_527 : i32 to index
        %swap3A_584 = arith.constant 112 : index
        %swap3A_585 = tpu.vector_load %arg22[%swap3A_583, %swap3A_584] {strides = array<i32>} : memref<64x128xf32, #tpu.memory_space<vmem>>, vector<16xf32>,
        tpu.vector_store %arg22[%swap3A_583, %swap3A_584], %mul3A_582 {strides = array<i32>} : memref<64x128xf32, #tpu.memory_space<vmem>>, vector<16xf32>,
      }
      %scan3A_327 = arith.constant 16 : i32
      %dma_start3A_328 = arith.constant 0 : i32
      %dma_start3A_329 = arith.constant 0 : i32
      %dma_start3A_330 = tpu.memref_slice %arg6[%dma_start3A_328, %dma_start3A_329] : memref<10112x128xf32, #tpu.memory_space<vmem_shared>> -> memref<10112x128xf32, #tpu.memory_space<vmem_shared>>
      tpu.enqueue_indirect_dma source(%arg22 : memref<64x128xf32, #tpu.memory_space<vmem>>) target(%dma_start3A_330 : memref<10112x128xf32, #tpu.memory_space<vmem_shared>>) offsets(%arg14 : memref<64xi32, #tpu.memory_space<vmem>>) semaphore(%arg30 : memref<!tpu.dma_semaphore, #tpu.memory_space<semaphore_mem>>) {add = true}
      %add3A_331 = arith.constant 4 : i32
      %add3A_332 = arith.addi %add3A_301, %add3A_331 : i32
      %lt3A_333 = arith.cmpi slt, %add3A_332, %select_n3A : i32
      %convert_element_type3A_334 = arith.extui %lt3A_333 : i1 to i32
      %cond3A_335 = arith.constant 0 : i32
      %cond3A_336 = arith.cmpi ne, %convert_element_type3A_334, %cond3A_335 : i32
      scf.if %cond3A_336 {
        %add3A_343 = arith.constant 4 : i32
        %add3A_344 = arith.addi %add3A_301, %add3A_343 : i32
        %mul3A_345 = arith.constant 2 : i32
        %mul3A_346 = arith.muli %add3A_344, %mul3A_345 : i32
        %mul3A_347 = arith.constant 64 : i32
        %mul3A_348 = arith.muli %mul3A_346, %mul3A_347 : i32
        %add3A_349 = arith.addi %mul3A_9, %mul3A_348 : i32
        %dma_start3A_350 = tpu.memref_slice %arg3[%add3A_349] : memref<655360xi32, #tpu.memory_space<hbm>> -> memref<128xi32, #tpu.memory_space<hbm>>
        %dma_start3A_351 = tpu.memref_slice %arg3[%add3A_349] : memref<655360xi32, #tpu.memory_space<hbm>> -> memref<128xi32, #tpu.memory_space<hbm>>
        tpu.enqueue_dma source(%dma_start3A_351 : memref<128xi32, #tpu.memory_space<hbm>>) target(%arg10 : memref<128xi32, #tpu.memory_space<vmem>>) target_semaphore(%arg34 : memref<!tpu.dma_semaphore, #tpu.memory_space<semaphore_mem>>)
        %mul3A_352 = arith.constant 64 : i32
        %mul3A_353 = arith.muli %add3A_344, %mul3A_352 : i32
        %add3A_354 = arith.addi %mul3A_11, %mul3A_353 : i32
        %dma_start3A_355 = tpu.memref_slice %arg4[%add3A_354] : memref<327680xf32, #tpu.memory_space<hbm>> -> memref<64xf32, #tpu.memory_space<hbm>>
        %dma_start3A_356 = tpu.memref_slice %arg4[%add3A_354] : memref<327680xf32, #tpu.memory_space<hbm>> -> memref<64xf32, #tpu.memory_space<hbm>>
        tpu.enqueue_dma source(%dma_start3A_356 : memref<64xf32, #tpu.memory_space<hbm>>) target(%arg18 : memref<64xf32, #tpu.memory_space<vmem>>) target_semaphore(%arg34 : memref<!tpu.dma_semaphore, #tpu.memory_space<semaphore_mem>>)
      } else {
      }
      %add3A_337 = arith.constant 2 : i32
      %add3A_338 = arith.addi %add3A_301, %add3A_337 : i32
      %lt3A_339 = arith.cmpi slt, %add3A_338, %select_n3A : i32
      %convert_element_type3A_340 = arith.extui %lt3A_339 : i1 to i32
      %cond3A_341 = arith.constant 0 : i32
      %cond3A_342 = arith.cmpi ne, %convert_element_type3A_340, %cond3A_341 : i32
      scf.if %cond3A_342 {
        %dma_wait3A_343 = arith.constant 0 : i32
        %dma_wait3A_344 = arith.constant 0 : i32
        %dma_wait3A_345 = tpu.memref_slice %arg6[%dma_wait3A_343, %dma_wait3A_344] : memref<10112x128xf32, #tpu.memory_space<vmem_shared>> -> memref<10112x128xf32, #tpu.memory_space<vmem_shared>>
        tpu.wait_indirect_dma semaphore(%arg28 : memref<!tpu.dma_semaphore, #tpu.memory_space<semaphore_mem>>) src(%arg20 : memref<64x128xf32, #tpu.memory_space<vmem>>) dst(%dma_wait3A_345 : memref<10112x128xf32, #tpu.memory_space<vmem_shared>>)
        %dma_wait3A_346 = arith.constant 0 : i32
        %dma_wait3A_347 = tpu.memref_slice %arg3[%dma_wait3A_346] : memref<655360xi32, #tpu.memory_space<hbm>> -> memref<128xi32, #tpu.memory_space<hbm>>
        %dma_wait3A_348 = arith.constant 0 : i32
        %dma_wait3A_349 = tpu.memref_slice %arg3[%dma_wait3A_348] : memref<655360xi32, #tpu.memory_space<hbm>> -> memref<128xi32, #tpu.memory_space<hbm>>
        tpu.wait_dma2 semaphore(%arg32 : memref<!tpu.dma_semaphore, #tpu.memory_space<semaphore_mem>>) src(%dma_wait3A_349 : memref<128xi32, #tpu.memory_space<hbm>>) dst(%arg8 : memref<128xi32, #tpu.memory_space<vmem>>)
        %dma_wait3A_350 = arith.constant 0 : i32
        %dma_wait3A_351 = tpu.memref_slice %arg4[%dma_wait3A_350] : memref<327680xf32, #tpu.memory_space<hbm>> -> memref<64xf32, #tpu.memory_space<hbm>>
        %dma_wait3A_352 = arith.constant 0 : i32
        %dma_wait3A_353 = tpu.memref_slice %arg4[%dma_wait3A_352] : memref<327680xf32, #tpu.memory_space<hbm>> -> memref<64xf32, #tpu.memory_space<hbm>>
        tpu.wait_dma2 semaphore(%arg32 : memref<!tpu.dma_semaphore, #tpu.memory_space<semaphore_mem>>) src(%dma_wait3A_353 : memref<64xf32, #tpu.memory_space<hbm>>) dst(%arg16 : memref<64xf32, #tpu.memory_space<vmem>>)
        %dma_start3A_354 = arith.constant 0 : i32
        %dma_start3A_355 = tpu.memref_slice %arg8[%dma_start3A_354] : memref<128xi32, #tpu.memory_space<vmem>> -> memref<64xi32, #tpu.memory_space<vmem>>
        %dma_start3A_356 = arith.constant 0 : i32
        %dma_start3A_357 = arith.constant 0 : i32
        %dma_start3A_358 = tpu.memref_slice %arg2[%dma_start3A_356, %dma_start3A_357] : memref<10112x128xf32, #tpu.memory_space<hbm>> -> memref<10112x128xf32, #tpu.memory_space<hbm>>
        tpu.enqueue_indirect_dma source(%dma_start3A_358 : memref<10112x128xf32, #tpu.memory_space<hbm>>) target(%arg20 : memref<64x128xf32, #tpu.memory_space<vmem>>) offsets(%dma_start3A_355 : memref<64xi32, #tpu.memory_space<vmem>>) semaphore(%arg24 : memref<!tpu.dma_semaphore, #tpu.memory_space<semaphore_mem>>)
      } else {
      }
    }
    %dma_wait3A_148 = arith.constant 0 : i32
    %dma_wait3A_149 = arith.constant 0 : i32
    %dma_wait3A_150 = tpu.memref_slice %arg6[%dma_wait3A_148, %dma_wait3A_149] : memref<10112x128xf32, #tpu.memory_space<vmem_shared>> -> memref<10112x128xf32, #tpu.memory_space<vmem_shared>>
    tpu.wait_indirect_dma semaphore(%arg27 : memref<!tpu.dma_semaphore, #tpu.memory_space<semaphore_mem>>) src(%arg19 : memref<64x128xf32, #tpu.memory_space<vmem>>) dst(%dma_wait3A_150 : memref<10112x128xf32, #tpu.memory_space<vmem_shared>>)
    %dma_wait3A_151 = arith.constant 0 : i32
    %dma_wait3A_152 = arith.constant 0 : i32
    %dma_wait3A_153 = tpu.memref_slice %arg6[%dma_wait3A_151, %dma_wait3A_152] : memref<10112x128xf32, #tpu.memory_space<vmem_shared>> -> memref<10112x128xf32, #tpu.memory_space<vmem_shared>>
    tpu.wait_indirect_dma semaphore(%arg28 : memref<!tpu.dma_semaphore, #tpu.memory_space<semaphore_mem>>) src(%arg20 : memref<64x128xf32, #tpu.memory_space<vmem>>) dst(%dma_wait3A_153 : memref<10112x128xf32, #tpu.memory_space<vmem_shared>>)
    %dma_wait3A_154 = arith.constant 0 : i32
    %dma_wait3A_155 = arith.constant 0 : i32
    %dma_wait3A_156 = tpu.memref_slice %arg6[%dma_wait3A_154, %dma_wait3A_155] : memref<10112x128xf32, #tpu.memory_space<vmem_shared>> -> memref<10112x128xf32, #tpu.memory_space<vmem_shared>>
    tpu.wait_indirect_dma semaphore(%arg29 : memref<!tpu.dma_semaphore, #tpu.memory_space<semaphore_mem>>) src(%arg21 : memref<64x128xf32, #tpu.memory_space<vmem>>) dst(%dma_wait3A_156 : memref<10112x128xf32, #tpu.memory_space<vmem_shared>>)
    %dma_wait3A_157 = arith.constant 0 : i32
    %dma_wait3A_158 = arith.constant 0 : i32
    %dma_wait3A_159 = tpu.memref_slice %arg6[%dma_wait3A_157, %dma_wait3A_158] : memref<10112x128xf32, #tpu.memory_space<vmem_shared>> -> memref<10112x128xf32, #tpu.memory_space<vmem_shared>>
    tpu.wait_indirect_dma semaphore(%arg30 : memref<!tpu.dma_semaphore, #tpu.memory_space<semaphore_mem>>) src(%arg22 : memref<64x128xf32, #tpu.memory_space<vmem>>) dst(%dma_wait3A_159 : memref<10112x128xf32, #tpu.memory_space<vmem_shared>>)
    %barrier3A_160 = arith.constant 0 : index
    tpu.barrier barrier_id(%barrier3A_160)
    %mul3A_161 = arith.constant 632 : i32
    %mul3A_162 = arith.muli %arg1, %mul3A_161 : i32
    %mul3A_163 = arith.constant 632 : i32
    %mul3A_164 = arith.muli %arg1, %mul3A_163 : i32
    "tpu.region"() ({
      %run_scoped3A = tpu.sem_alloc : memref<!tpu.dma_semaphore, #tpu.memory_space<semaphore_mem>>
      %dma_start3A_165 = arith.constant 0 : i32
      %dma_start3A_166 = tpu.memref_slice %arg5[%arg0, %mul3A_164, %dma_start3A_165] : memref<2x10112x128xf32, #tpu.memory_space<hbm>> -> memref<1x632x128xf32, #tpu.memory_space<hbm>>
      %dma_start3A_167 = tpu.memref_squeeze %dma_start3A_166 : memref<1x632x128xf32, #tpu.memory_space<hbm>> -> memref<632x128xf32, #tpu.memory_space<hbm>>
      %dma_start3A_168 = arith.constant 0 : i32
      %dma_start3A_169 = tpu.memref_slice %arg6[%mul3A_162, %dma_start3A_168] : memref<10112x128xf32, #tpu.memory_space<vmem_shared>> -> memref<632x128xf32, #tpu.memory_space<vmem_shared>>
      tpu.enqueue_dma source(%dma_start3A_169 : memref<632x128xf32, #tpu.memory_space<vmem_shared>>) target(%dma_start3A_167 : memref<632x128xf32, #tpu.memory_space<hbm>>) target_semaphore(%run_scoped3A : memref<!tpu.dma_semaphore, #tpu.memory_space<semaphore_mem>>)
      %dma_wait3A_170 = arith.constant 0 : i32
      %dma_wait3A_171 = tpu.memref_slice %arg5[%arg0, %mul3A_164, %dma_wait3A_170] : memref<2x10112x128xf32, #tpu.memory_space<hbm>> -> memref<1x632x128xf32, #tpu.memory_space<hbm>>
      %dma_wait3A_172 = tpu.memref_squeeze %dma_wait3A_171 : memref<1x632x128xf32, #tpu.memory_space<hbm>> -> memref<632x128xf32, #tpu.memory_space<hbm>>
      %dma_wait3A_173 = arith.constant 0 : i32
      %dma_wait3A_174 = tpu.memref_slice %arg6[%mul3A_162, %dma_wait3A_173] : memref<10112x128xf32, #tpu.memory_space<vmem_shared>> -> memref<632x128xf32, #tpu.memory_space<vmem_shared>>
      tpu.wait_dma2 semaphore(%run_scoped3A : memref<!tpu.dma_semaphore, #tpu.memory_space<semaphore_mem>>) src(%dma_wait3A_174 : memref<632x128xf32, #tpu.memory_space<vmem_shared>>) dst(%dma_wait3A_172 : memref<632x128xf32, #tpu.memory_space<hbm>>)
      tpu.yield
    }) : () -> ()
    return
  }
}

module attributes {stable_mosaic.version = 14 : i64} {
  func.func @_matvec_body(%arg0: memref<10112x128xf32, #tpu.memory_space<vmem>>, %arg1: memref<1x128xf32, #tpu.memory_space<vmem>>, %arg2: memref<1x128xf32, #tpu.memory_space<vmem>>, %arg3: memref<10112x1xf32, #tpu.memory_space<vmem>>, %arg4: memref<10112x1xf32, #tpu.memory_space<vmem>>) attributes {dimension_semantics = [], scalar_prefetch = 0 : i64, scratch_operands = 0 : i64, tpu.core_type = #tpu.core_type<tc>} {
    %get3A = arith.constant 0 : index
    %get3A_0 = arith.constant 0 : index
    %get3A_1 = vector.load %arg0[%get3A, %get3A_0] : memref<10112x128xf32, #tpu.memory_space<vmem>>, vector<10112x128xf32>
    %get3A_2 = arith.constant 0 : index
    %get3A_3 = arith.constant 0 : index
    %get3A_4 = vector.load %arg1[%get3A_2, %get3A_3] : memref<1x128xf32, #tpu.memory_space<vmem>>, vector<1x128xf32>
    %mul3A = vector.broadcast %get3A_4 : vector<1x128xf32> to vector<10112x128xf32>
    %mul3A_5 = arith.mulf %get3A_1, %mul3A : vector<10112x128xf32>
    %reduce_sum3A = arith.constant dense<0.000000e+00> : vector<10112xf32>
    %reduce_sum3A_6 = vector.multi_reduction <add>, %mul3A_5, %reduce_sum3A [1] : vector<10112x128xf32> to vector<10112xf32>
    %broadcast_in_dim3A = vector.shape_cast %reduce_sum3A_6 : vector<10112xf32> to vector<10112x1xf32>
    %swap3A = arith.constant 0 : index
    %swap3A_7 = arith.constant 0 : index
    %swap3A_8 = vector.load %arg3[%swap3A, %swap3A_7] : memref<10112x1xf32, #tpu.memory_space<vmem>>, vector<10112x1xf32>
    tpu.vector_store %arg3[%swap3A, %swap3A_7], %broadcast_in_dim3A {strides = array<i32>} : memref<10112x1xf32, #tpu.memory_space<vmem>>, vector<10112x1xf32>,
    %get3A_9 = arith.constant 0 : index
    %get3A_10 = arith.constant 0 : index
    %get3A_11 = vector.load %arg2[%get3A_9, %get3A_10] : memref<1x128xf32, #tpu.memory_space<vmem>>, vector<1x128xf32>
    %mul3A_12 = vector.broadcast %get3A_11 : vector<1x128xf32> to vector<10112x128xf32>
    %mul3A_13 = arith.mulf %get3A_1, %mul3A_12 : vector<10112x128xf32>
    %reduce_sum3A_14 = arith.constant dense<0.000000e+00> : vector<10112xf32>
    %reduce_sum3A_15 = vector.multi_reduction <add>, %mul3A_13, %reduce_sum3A_14 [1] : vector<10112x128xf32> to vector<10112xf32>
    %broadcast_in_dim3A_16 = vector.shape_cast %reduce_sum3A_15 : vector<10112xf32> to vector<10112x1xf32>
    %swap3A_17 = arith.constant 0 : index
    %swap3A_18 = arith.constant 0 : index
    %swap3A_19 = vector.load %arg4[%swap3A_17, %swap3A_18] : memref<10112x1xf32, #tpu.memory_space<vmem>>, vector<10112x1xf32>
    tpu.vector_store %arg4[%swap3A_17, %swap3A_18], %broadcast_in_dim3A_16 {strides = array<i32>} : memref<10112x1xf32, #tpu.memory_space<vmem>>, vector<10112x1xf32>,
    return
  }
}

module attributes {stable_mosaic.version = 14 : i64} {
  func.func @_prep_body(%arg0: memref<10112x128xf32, #tpu.memory_space<vmem>>, %arg1: memref<10112x32xf32, #tpu.memory_space<vmem>>, %arg2: memref<10112x1xf32, #tpu.memory_space<vmem>>, %arg3: memref<10112x128xf32, #tpu.memory_space<vmem>>) attributes {dimension_semantics = [], scalar_prefetch = 0 : i64, scratch_operands = 0 : i64, tpu.core_type = #tpu.core_type<tc>} {
    %get3A = arith.constant 0 : index
    %get3A_0 = arith.constant 0 : index
    %get3A_1 = vector.load %arg1[%get3A, %get3A_0] : memref<10112x32xf32, #tpu.memory_space<vmem>>, vector<10112x32xf32>
    %reduce_sum3A = arith.constant dense<0.000000e+00> : vector<10112xf32>
    %reduce_sum3A_2 = vector.multi_reduction <add>, %get3A_1, %reduce_sum3A [1] : vector<10112x32xf32> to vector<10112xf32>
    %broadcast_in_dim3A = vector.shape_cast %reduce_sum3A_2 : vector<10112xf32> to vector<10112x1xf32>
    %add3A = arith.constant 1.000000e+00 : f32
    %add3A_3 = vector.broadcast %add3A : f32 to vector<10112x1xf32>
    %add3A_4 = arith.addf %broadcast_in_dim3A, %add3A_3 : vector<10112x1xf32>
    %rsqrt3A = math.rsqrt %add3A_4 : vector<10112x1xf32>
    %iota3A = tpu.iota {dimensions = array<i32: 0>} : vector<10112x1xi32>
    %lt3A = arith.constant 10000 : i32
    %lt3A_5 = vector.broadcast %lt3A : i32 to vector<10112x1xi32>
    %lt3A_6 = arith.cmpi slt, %iota3A, %lt3A_5 : vector<10112x1xi32>
    %jit3A = arith.constant 0.000000e+00 : f32
    %broadcast_in_dim3A_7 = vector.broadcast %jit3A : f32 to vector<10112x1xf32>
    %select_n3A = arith.select %lt3A_6, %rsqrt3A, %broadcast_in_dim3A_7 : vector<10112x1xi1>, vector<10112x1xf32>
    %swap3A = arith.constant 0 : index
    %swap3A_8 = arith.constant 0 : index
    %swap3A_9 = vector.load %arg2[%swap3A, %swap3A_8] : memref<10112x1xf32, #tpu.memory_space<vmem>>, vector<10112x1xf32>
    tpu.vector_store %arg2[%swap3A, %swap3A_8], %select_n3A {strides = array<i32>} : memref<10112x1xf32, #tpu.memory_space<vmem>>, vector<10112x1xf32>,
    %get3A_10 = arith.constant 0 : index
    %get3A_11 = arith.constant 0 : index
    %get3A_12 = vector.load %arg0[%get3A_10, %get3A_11] : memref<10112x128xf32, #tpu.memory_space<vmem>>, vector<10112x128xf32>
    %mul3A = vector.broadcast %select_n3A : vector<10112x1xf32> to vector<10112x128xf32>
    %mul3A_13 = arith.mulf %get3A_12, %mul3A : vector<10112x128xf32>
    %swap3A_14 = arith.constant 0 : index
    %swap3A_15 = arith.constant 0 : index
    %swap3A_16 = vector.load %arg3[%swap3A_14, %swap3A_15] : memref<10112x128xf32, #tpu.memory_space<vmem>>, vector<10112x128xf32>
    tpu.vector_store %arg3[%swap3A_14, %swap3A_15], %mul3A_13 {strides = array<i32>} : memref<10112x128xf32, #tpu.memory_space<vmem>>, vector<10112x128xf32>,
    return
  }
}

module attributes {stable_mosaic.version = 14 : i64} {
  func.func @_final_body(%arg0: i32, %arg1: memref<1000x128xf32, #tpu.memory_space<vmem>>, %arg2: memref<1000x128xf32, #tpu.memory_space<vmem>>, %arg3: memref<1000x128xf32, #tpu.memory_space<vmem>>, %arg4: memref<1000x1xf32, #tpu.memory_space<vmem>>, %arg5: memref<1000x1xf32, #tpu.memory_space<vmem>>, %arg6: memref<1000x1xf32, #tpu.memory_space<vmem>>, %arg7: memref<128x128xf32, #tpu.memory_space<vmem>>, %arg8: memref<1x128xf32, #tpu.memory_space<vmem>>, %arg9: memref<1000x128xf32, #tpu.memory_space<vmem>>) attributes {dimension_semantics = [#tpu.dimension_semantics<arbitrary>], iteration_bounds = array<i64: 10>, scalar_prefetch = 0 : i64, scratch_operands = 0 : i64, tpu.core_type = #tpu.core_type<tc>, window_params = [{transform_indices = @transform_0, window_bounds = array<i64: 1000, 128>}, {transform_indices = @transform_1, window_bounds = array<i64: 1000, 128>}, {transform_indices = @transform_2, window_bounds = array<i64: 1000, 128>}, {transform_indices = @transform_3, window_bounds = array<i64: 1000, 1>}, {transform_indices = @transform_4, window_bounds = array<i64: 1000, 1>}, {transform_indices = @transform_5, window_bounds = array<i64: 1000, 1>}, {pipeline_mode = #tpu.pipeline_mode<synchronous>, transform_indices = @transform_6, window_bounds = array<i64: 128, 128>}, {pipeline_mode = #tpu.pipeline_mode<synchronous>, transform_indices = @transform_7, window_bounds = array<i64: 1, 128>}, {transform_indices = @transform_8, window_bounds = array<i64: 1000, 128>}]} {
    %get3A = arith.constant 0 : index
    %get3A_0 = arith.constant 0 : index
    %get3A_1 = vector.load %arg6[%get3A, %get3A_0] : memref<1000x1xf32, #tpu.memory_space<vmem>>, vector<1000x1xf32>
    %get3A_2 = arith.constant 0 : index
    %get3A_3 = arith.constant 0 : index
    %get3A_4 = vector.load %arg4[%get3A_2, %get3A_3] : memref<1000x1xf32, #tpu.memory_space<vmem>>, vector<1000x1xf32>
    %get3A_5 = arith.constant 0 : index
    %get3A_6 = arith.constant 0 : index
    %get3A_7 = vector.load %arg5[%get3A_5, %get3A_6] : memref<1000x1xf32, #tpu.memory_space<vmem>>, vector<1000x1xf32>
    %add3A = arith.addf %get3A_4, %get3A_7 : vector<1000x1xf32>
    %tanh3A = math.tanh %add3A : vector<1000x1xf32>
    %mul3A = arith.mulf %tanh3A, %get3A_1 : vector<1000x1xf32>
    %mul3A_8 = arith.mulf %mul3A, %get3A_1 : vector<1000x1xf32>
    %add3A_9 = arith.constant 1.000000e-01 : f32
    %add3A_10 = vector.broadcast %add3A_9 : f32 to vector<1000x1xf32>
    %add3A_11 = arith.addf %add3A_10, %mul3A_8 : vector<1000x1xf32>
    %get3A_12 = arith.constant 0 : index
    %get3A_13 = arith.constant 0 : index
    %get3A_14 = vector.load %arg1[%get3A_12, %get3A_13] : memref<1000x128xf32, #tpu.memory_space<vmem>>, vector<1000x128xf32>
    %get3A_15 = arith.constant 0 : index
    %get3A_16 = arith.constant 0 : index
    %get3A_17 = vector.load %arg2[%get3A_15, %get3A_16] : memref<1000x128xf32, #tpu.memory_space<vmem>>, vector<1000x128xf32>
    %add3A_18 = arith.addf %get3A_14, %get3A_17 : vector<1000x128xf32>
    %mul3A_19 = vector.broadcast %get3A_1 : vector<1000x1xf32> to vector<1000x128xf32>
    %mul3A_20 = arith.mulf %add3A_18, %mul3A_19 : vector<1000x128xf32>
    %get3A_21 = arith.constant 0 : index
    %get3A_22 = arith.constant 0 : index
    %get3A_23 = vector.load %arg3[%get3A_21, %get3A_22] : memref<1000x128xf32, #tpu.memory_space<vmem>>, vector<1000x128xf32>
    %mul3A_24 = vector.broadcast %add3A_11 : vector<1000x1xf32> to vector<1000x128xf32>
    %mul3A_25 = arith.mulf %get3A_23, %mul3A_24 : vector<1000x128xf32>
    %add3A_26 = arith.addf %mul3A_20, %mul3A_25 : vector<1000x128xf32>
    %get3A_27 = arith.constant 0 : index
    %get3A_28 = arith.constant 0 : index
    %get3A_29 = vector.load %arg7[%get3A_27, %get3A_28] : memref<128x128xf32, #tpu.memory_space<vmem>>, vector<128x128xf32>
    %dot_general3A = arith.constant dense<0.000000e+00> : vector<1000x128xf32>
    %dot_general3A_30 = tpu.matmul %add3A_26, %get3A_29, %dot_general3A {dimension_numbers = #tpu.dot_dimension_numbers<[1], [0], [0], [1], [0, 0, 1, 1], [], []>, transpose_lhs_hint = false} : vector<1000x128xf32>, vector<128x128xf32>, vector<1000x128xf32> -> vector<1000x128xf32>
    %get3A_31 = arith.constant 0 : index
    %get3A_32 = arith.constant 0 : index
    %get3A_33 = vector.load %arg8[%get3A_31, %get3A_32] : memref<1x128xf32, #tpu.memory_space<vmem>>, vector<1x128xf32>
    %add3A_34 = vector.broadcast %get3A_33 : vector<1x128xf32> to vector<1000x128xf32>
    %add3A_35 = arith.addf %dot_general3A_30, %add3A_34 : vector<1000x128xf32>
    %swap3A = arith.constant 0 : index
    %swap3A_36 = arith.constant 0 : index
    %swap3A_37 = vector.load %arg9[%swap3A, %swap3A_36] : memref<1000x128xf32, #tpu.memory_space<vmem>>, vector<1000x128xf32>
    tpu.vector_store %arg9[%swap3A, %swap3A_36], %add3A_35 {strides = array<i32>} : memref<1000x128xf32, #tpu.memory_space<vmem>>, vector<1000x128xf32>,
    return
  }
  func.func @transform_0(%arg0: i32) -> (i32, i32) {
    %c0_i32 = arith.constant 0 : i32
    %c0_i32_0 = arith.constant 0 : i32
    return %arg0, %c0_i32 : i32, i32
  }
  func.func @transform_1(%arg0: i32) -> (i32, i32) {
    %c0_i32 = arith.constant 0 : i32
    %c0_i32_0 = arith.constant 0 : i32
    return %arg0, %c0_i32 : i32, i32
  }
  func.func @transform_2(%arg0: i32) -> (i32, i32) {
    %c0_i32 = arith.constant 0 : i32
    %c0_i32_0 = arith.constant 0 : i32
    return %arg0, %c0_i32 : i32, i32
  }
  func.func @transform_3(%arg0: i32) -> (i32, i32) {
    %c0_i32 = arith.constant 0 : i32
    %c0_i32_0 = arith.constant 0 : i32
    return %arg0, %c0_i32 : i32, i32
  }
  func.func @transform_4(%arg0: i32) -> (i32, i32) {
    %c0_i32 = arith.constant 0 : i32
    %c0_i32_0 = arith.constant 0 : i32
    return %arg0, %c0_i32 : i32, i32
  }
  func.func @transform_5(%arg0: i32) -> (i32, i32) {
    %c0_i32 = arith.constant 0 : i32
    %c0_i32_0 = arith.constant 0 : i32
    return %arg0, %c0_i32 : i32, i32
  }
  func.func @transform_6(%arg0: i32) -> (i32, i32) {
    %c0_i32 = arith.constant 0 : i32
    %c0_i32_0 = arith.constant 0 : i32
    %c0_i32_1 = arith.constant 0 : i32
    return %c0_i32, %c0_i32_0 : i32, i32
  }
  func.func @transform_7(%arg0: i32) -> (i32, i32) {
    %c0_i32 = arith.constant 0 : i32
    %c0_i32_0 = arith.constant 0 : i32
    %c0_i32_1 = arith.constant 0 : i32
    return %c0_i32, %c0_i32_0 : i32, i32
  }
  func.func @transform_8(%arg0: i32) -> (i32, i32) {
    %c0_i32 = arith.constant 0 : i32
    %c0_i32_0 = arith.constant 0 : i32
    return %arg0, %c0_i32 : i32, i32
  }
}

</mosaic_0001>

<sc_bundles>
// kernel: kernel.10.cloned.1.call-start
scs
__scs_entry_jumppad:
0x0: {  	(pc) =	sbr.rel $0x88, $3  }
0x1: {  	(tag) =	ssettag $0x0;
	lr =	simm.s32 $0x1  }
0x2: {  	[smem:$0x3F9B] =	sst lr;
	_ =	strace $0xD0000000  }
0x3: {  	_ = 	snop  }
0x4: {  	_ = 	snop  }
0x5: {  	_ = 	snop  }
0x6: {  	_ = 	snop  }
0x7: {  	_ = 	snop  }
__scs_overlays_trampoline_lowered:
0x8: {  	[smem:$0x3FAA] =	sst s0  }
0x9: {  	[smem:$0x3FAB] =	sst s1  }
0xa: {  	[smem:$0x3FAC] =	sst s2  }
0xb: {  	[smem:$0x3FAD] =	sst s3  }
0xc: {  	[smem:$0x3FAE] =	sst s4  }
0xd: {  	[smem:$0x3FAF] =	sst s5  }
0xe: {  	[smem:$0x3FB0] =	sst s6  }
0xf: {  	[smem:$0x3FB1] =	sst s7  }
0x10: {  	[smem:$0x3FB2] =	sst s8  }
0x11: {  	[smem:$0x3FB3] =	sst s9;
	s0 =	simm.s32 @!p0 $0x0  }
0x12: {  	s1 =	sld [smem:$0x3F99];
	s0 =	simm.s32 @p0 $0x1  }
0x13: {  	[smem:$0x3FB4] =	sst s0;
	s0 =	simm.s32 @!p1 $0x0  }
0x14: {  	s2 =	sld [smem:$0x3F98];
	s0 =	simm.s32 @p1 $0x1  }
0x15: {  	[smem:$0x3FB5] =	sst s0;
	s0 =	simm.s32 @!p2 $0x0  }
0x16: {  	s3 =	sld [smem:$0x3FDB];
	s0 =	simm.s32 @p2 $0x1  }
0x17: {  	s4 =	simm.s32 $0x1BF5;
	[smem:$0x3FB7] =	sst s0  }
0x18: {  	s0 =	sld [smem:$0x3F9A];
	_ =	swait.ge [sflag:s4], $0x0  }
0x19: {  	s7 =	sld [smem:$0x3F9B]  }
0x1a: {  	s8 =	sadd.s32 $0xFFFFE003, lr  }
0x1b: {  	s9 =	sadd.s32 $0xFFFFFEF7, lr;
	s5 =	simm.s32 $0xFFFFFFFF;
	p2 =	slt.u32 s8, $0xFFFFF086  }
0x1c: {  	p1 =	slt.u32 s9, $0xF7A;
	s5 =	simm.s32 @!p2 $0x0  }
0x1d: {  	s5 =	simm.s32 @p1 $0x1;
	p0 =	seq.s32 s7, s2  }
0x1e: {  	s7 =	smul.u32 @!p0 $0xF7A, s2;
	p2 =	seq.s32 @!p0 s5, $0x0  }
0x1f: {  	s9 =	smul.u32 $0xF7A, s1;
	s8 =	simm.s32 @!p0 $0x1BF5;
	p2 =	por !p2, p0  }
0x20: {  	[sflag:s8] =	ssyncset.s32 @!p0 $0xFFFFF086;
	s6 =	sadd.s32 @!p0 s3, s7;
	s7 =	simm.s32 @!p0 $0x108  }
0x21: {  	s3 =	sadd.s32 s3, s9;
	s6 =	sadd.s32 @!p0 $0x88, s6;
	s7 =	simm.s32 @p2 $0x1082  }
0x22: {  	[simem:s7], [sflag:s8] =	dma.local @!p0 [hbm:s6], $0xF7A  }
0x23: {  	s9 =	sor.u32 $0xD0000000, s2;
	s6 =	simm.s32 $0x108;
	_ =	swait.ge @!p0 [sflag:s8], $0x0  }
0x24: {  	s3 =	sadd.s32 $0x88, s3;
	s6 =	simm.s32 @!p1 $0x1082;
	[sflag:s4] =	ssyncset.s32 $0xFFFFF086  }
0x25: {  	[simem:s6], [sflag:s4] =	dma.local [hbm:s3], $0xF7A  }
0x26: {  	[smem:$0x3F9B] =	sst s1;
	(tag) =	ssettag s2;
	_ =	strace s9  }
0x27: {  	s1 =	sld [smem:$0x3FAB]  }
0x28: {  	s2 =	sld [smem:$0x3FAC]  }
0x29: {  	s4 =	sld [smem:$0x3FAE]  }
0x2a: {  	p0 =	seq.s32 s5, $0x0;
	s5 =	sld [smem:$0x3FAF]  }
0x2b: {  	s6 =	sld [smem:$0x3FB0]  }
0x2c: {  	s7 =	sld [smem:$0x3FB1]  }
0x2d: {  	s3 =	simm.s32 $0x108;
	s8 =	sld [smem:$0x3FB2]  }
0x2e: {  	s3 =	simm.s32 @!p0 $0x1082;
	s9 =	sld [smem:$0x3FB3]  }
0x2f: {  	lr =	sadd.s32 s0, s3;
	s0 =	sld [smem:$0x3FAA]  }
0x30: {  	s3 =	sld [smem:$0x3FAD]  }
0x31: {  	[smem:$0x3FB6] =	sst s10  }
0x32: {  	s10 =	sld [smem:$0x3FB4];
	_ =	sdelay $0x3  }
0x33: {  	p0 =	seq.s32 s10, $0x1;
	s10 =	sld [smem:$0x3FB6];
	_ =	sdelay $0x3  }
0x34: {  	[smem:$0x3FB6] =	sst s10  }
0x35: {  	s10 =	sld [smem:$0x3FB5];
	_ =	sdelay $0x3  }
0x36: {  	p1 =	seq.s32 s10, $0x1;
	s10 =	sld [smem:$0x3FB6];
	_ =	sdelay $0x3  }
0x37: {  	[smem:$0x3FB6] =	sst s10  }
0x38: {  	s10 =	sld [smem:$0x3FB7]  }
0x39: {  	_ = 	snop;
	(pc) =	sbr.ind lr, $3  }
0x3a: {  	_ = 	snop  }
0x3b: {  	_ = 	snop  }
0x3c: {  	p2 =	seq.s32 s10, $0x1;
	s10 =	sld [smem:$0x3FB6]  }
0x3d: {  	_ =	shalt  }
0x3e: {  	_ =	shalt  }
0x3f: {  	_ =	shalt  }
0x40: {  	_ =	shalt  }
0x41: {  	_ =	shalt  }
0x42: {  	_ =	shalt  }
0x43: {  	_ =	shalt  }
0x44: {  	_ =	shalt  }
0x45: {  	_ =	shalt  }
0x46: {  	_ =	shalt  }
0x47: {  	_ =	shalt  }
0x48: {  	_ =	shalt  }
0x49: {  	_ =	shalt  }
0x4a: {  	_ =	shalt  }
0x4b: {  	_ =	shalt  }
0x4c: {  	_ =	shalt  }
0x4d: {  	_ =	shalt  }
0x4e: {  	_ =	shalt  }
0x4f: {  	_ =	shalt  }
0x50: {  	_ =	shalt  }
0x51: {  	_ =	shalt  }
0x52: {  	_ =	shalt  }
0x53: {  	_ =	shalt  }
0x54: {  	_ =	shalt  }
0x55: {  	_ =	shalt  }
0x56: {  	_ =	shalt  }
0x57: {  	_ =	shalt  }
0x58: {  	_ =	shalt  }
0x59: {  	_ =	shalt  }
0x5a: {  	_ =	shalt  }
0x5b: {  	_ =	shalt  }
0x5c: {  	_ =	shalt  }
0x5d: {  	_ =	shalt  }
0x5e: {  	_ =	shalt  }
0x5f: {  	_ =	shalt  }
0x60: {  	_ =	shalt  }
0x61: {  	_ =	shalt  }
0x62: {  	_ =	shalt  }
0x63: {  	_ =	shalt  }
0x64: {  	_ =	shalt  }
0x65: {  	_ =	shalt  }
0x66: {  	_ =	shalt  }
0x67: {  	_ =	shalt  }
0x68: {  	_ =	shalt  }
0x69: {  	_ =	shalt  }
0x6a: {  	_ =	shalt  }
0x6b: {  	_ =	shalt  }
0x6c: {  	_ =	shalt  }
0x6d: {  	_ =	shalt  }
0x6e: {  	_ =	shalt  }
0x6f: {  	_ =	shalt  }
0x70: {  	_ =	shalt  }
0x71: {  	_ =	shalt  }
0x72: {  	_ =	shalt  }
0x73: {  	_ =	shalt  }
0x74: {  	_ =	shalt  }
0x75: {  	_ =	shalt  }
0x76: {  	_ =	shalt  }
0x77: {  	_ =	shalt  }
0x78: {  	_ =	shalt  }
0x79: {  	_ =	shalt  }
0x7a: {  	_ =	shalt  }
0x7b: {  	_ =	shalt  }
0x7c: {  	_ =	shalt  }
0x7d: {  	_ =	shalt  }
0x7e: {  	_ =	shalt  }
0x7f: {  	_ =	shalt  }
0x80: {  	_ =	shalt  }
0x81: {  	_ =	shalt  }
0x82: {  	_ =	shalt  }
0x83: {  	_ =	shalt  }
0x84: {  	_ =	shalt  }
0x85: {  	_ =	shalt  }
0x86: {  	_ =	shalt  }
0x87: {  	_ =	shalt  }
.Lfunc_end0:
.L_simem_size_0:
called_computation.1_lowered:
.L_overlay_start_0:
0x88: {  	s2 =	sld [smem:$0x3FD9]  }
0x89: {  	s3 =	sld [smem:$0x3FFE];
	_ =	sdelay $0x1  }
0x8a: {  	s1 =	srdreg.scid  }
0x8b: {  	s0 =	sand.u32 $0x1, s1  }
0x8c: {  	s17 =	sshll.u32 s0, $0xA;
	s2 =	sadd.s32 s3, s2  }
0x8d: {  	s2 =	sadd.s32 s2, s17  }
0x8e: {  	[smem:$0x3FC2] =	sst s2  }
0x8f: {  	_ = 	snop  }
0x90: {  	s2 =	sld [smem:$0x3FD0];
	(tm) =	ssettm $0x1  }
0x91: {  	s18 =	sld [smem:$0x3FFB];
	_ =	sdelay $0x3  }
0x92: {  	_ =	strace s18  }
0x93: {  	s3 =	sld [smem:$0x3FFC];
	_ =	sdelay $0x3  }
0x94: {  	_ =	strace s3  }
0x95: {  	s3 =	sld [smem:$0x3FFD];
	_ =	sdelay $0x3  }
0x96: {  	_ =	strace s3  }
0x97: {  	_ =	strace $0x8FFFFFFF  }
0x98: {  	s19 =	sld [smem:$0x3FDB];
	_ =	sdelay $0x1  }
0x99: {  	s4 =	simm.s32 $_scs_section_size  }
0x9a: {  	s5 =	simm.s32 $_size__tile_overlayer_lowered;
	s6 =	simm.s32 $_tile_overlayer_lowered  }
0x9b: {  	s22 =	simm.s32 $0x1BFF;
	s21 =	sshll.u32 s6, $0x1;
	s3 =	sadd.s32 s4, s19  }
0x9c: {  	s7 =	simm.s32 $0x0;
	s20 =	sshll.u32 s5, $0x1;
	s5 =	sadd.s32 s21, s3  }
0x9d: {  	[timem:s7], [sflag:s22] =	dma.local [hbm:s5], s20  }
0x9e: {  	_ =	swait.ge [sflag:s22], s20  }
0x9f: {  	s4 =	ssub.s32 $0x0, s20;
	[sflag:s22] =	ssyncset.done $0x0  }
0xa0: {  	[sflag:s22] =	ssyncadd.s32 s4;
	_ =	sdelay $0x1  }
0xa1: {  	s23 =	simm.s32 $0x1B8B  }
0xa2: {  	_ =	swait.ge [sflag:s23], $0x1  }
0xa3: {  	[sflag:s23] =	ssyncset.done $0x0  }
0xa4: {  	s25 =	simm.s32 $0x1B8E;
	s24 =	sld [smem:$0x3FFE];
	[sflag:s23] =	ssyncadd.s32 $0xFFFFFFFF  }
0xa5: {  	s26 =	simm.s32 $execute0_lowered;
	[smem:$0x3FD2] =	sst s25  }
0xa6: {  	s5 =	sshll.u32 s26, $0x1;
	_ =	strace $0x80000049;
	[dreg:$0x1] =	wrdreg $0xFFFFFFFF  }
0xa7: {  	s28 =	simm.s32 $_size_execute0_lowered;
	s3 =	sadd.s32 s3, s5;
	[dreg:$0x0] =	wrdreg $0x0  }
0xa8: {  	s5 =	sshll.u32 s28, $0x1;
	[dreg:$0x2] =	wrdreg s3  }
0xa9: {  	[dreg:$0x3] =	wrdreg s5  }
0xaa: {  	[dreg:$0x4] =	wrdreg $0xC0  }
0xab: {  	_ =	task [dreg:s7], $0x5FFFF  }
0xac: {  	[dreg:$0x1] =	wrdreg $0xFFFFFFFF  }
0xad: {  	[dreg:$0x0] =	wrdreg $0x60  }
0xae: {  	[dreg:$0x2] =	wrdreg s24  }
0xaf: {  	[dreg:$0x3] =	wrdreg s2  }
0xb0: {  	[dreg:$0x4] =	wrdreg $0x0  }
0xb1: {  	[dreg:$0x5] =	wrdreg $0x9  }
0xb2: {  	_ =	task.clear_ibuf [dreg:s7], $0x6FFFF;
	_ =	strace $0x90000049  }
0xb3: {  	s29 =	simm.s32 $0x9;
	_ =	strace $0x8000004B  }
0xb4: {  	_ =	swait.ge [sflag:s29], $0x1  }
0xb5: {  	[sflag:s29] =	ssyncadd.s32 $0xFFFFFFFF  }
0xb6: {  	_ =	strace $0x9000004B  }
0xb7: {  	_ =	sfence  }
0xb8: {  	s30 =	sld [smem:$0x0];
	_ =	sdelay $0x2  }
0xb9: {  	s31 =	sshll.u32 s1, $0xD;
	s1 =	sshrl.u32 s1, $0x2  }
0xba: {  	s3 =	sand.u32 $0x4000, s31;
	s1 =	sadd.s32 s1, s30  }
0xbb: {  	s0 =	sor.u32 s3, s0;
	s1 =	sshll.u32 s1, $0x11  }
0xbc: {  	s0 =	sor.u32 s1, s0  }
0xbd: {  	s0 =	sadd.s32 $0x8F2B, s0  }
0xbe: {  	[sflag:s0] =	ssyncadd.remote.s32 $0x1  }
0xbf: {  	_ =	sfence.sel $0xFFFF  }
0xc0: {  	[dreg:$0x0] =	wrdreg $0xFFFFFFFF;
	(pc) =	sbr.abs _section_cstart, $3  }
0xc1: {  	[dreg:$0x1] =	wrdreg $0xFFFFFFFF  }
0xc2: {  	_ =	task.clear_ibuf [dreg:s7], $0x2FFFF;
	_ =	strace $0x9FFFFFFF  }
0xc3: {  	(tm) =	ssettm $0x7FFFFFFF  }
tec
execute0_lowered:
.L_overlay_start_1:
0x0: {  	(tag) =	ssettag $0x1  }
0x1: {  	s0 =	rddreg [dreg:$0x0]  }
0x2: {  	s1 =	rddreg [dreg:$0x1]  }
0x3: {  	s2 =	rddreg [dreg:$0x2];
	s3 =	srdreg.scid  }
0x4: {  	s15 =	simm.s32 $0x0;
	s10 =	stileid.u32;
	s29 =	simm.s32 $0x4  }
0x5: {  	s3 =	sand.u32 $0x1, s3;
	[smem:$0x7FF] =	sst s15;
	s8 =	smul.u32 $0x4F000, s10  }
0x6: {  	s7 =	smul.u32 $0x13C00, s10;
	s5 =	sadd.s32 $0x16C00, s0;
	s6 =	sadd.s32 $0xCC00, s0  }
0x7: {  	s4 =	smul.u32 $0x13C000, s3;
	_ =	strace $0x8000004A;
	s8 =	sshrl.u32 s8, $0x2  }
0x8: {  	p0 =	seq.s32 s3, $0x0;
	s9 =	smul.u32 $0x1200, s3;
	s17 =	sadd.s32 s8, s2  }
0x9: {  	s3 =	ssub.s32 $0x2, s3;
	s28 =	sadd.s32 $0x2000, s17;
	[dreg:$0x5] =	wrdreg s17  }
0xa: {  	s26 =	sshrl.u32 s3, $0x1;
	s8 =	sadd.s32 $0x4000, s17;
	[dreg:$0x6] =	wrdreg s28  }
0xb: {  	s4 =	sadd.s32 s7, s4;
	s11 =	sadd.s32 $0x8000, s17;
	[dreg:$0x7] =	wrdreg s8  }
0xc: {  	s7 =	simm.s32 $0x120;
	s12 =	sadd.s32 $0xA000, s17;
	[dreg:$0x9] =	wrdreg s11  }
0xd: {  	s3 =	ssub.s32 s3, s26;
	s13 =	sadd.s32 $0xC000, s17;
	[dreg:$0xa] =	wrdreg s12  }
0xe: {  	s4 =	sshrl.u32 s4, $0x3;
	s14 =	sadd.s32 $0xE000, s17;
	[dreg:$0xb] =	wrdreg s13  }
0xf: {  	s7 =	simm.s32 @!p0 $0x20;
	s16 =	sadd.s32 $0x10000, s17;
	[dreg:$0xc] =	wrdreg s14  }
0x10: {  	s20 =	sadd.s32 $0x12000, s17;
	s24 =	smax.u32 s3, $0x1;
	[dreg:$0xd] =	wrdreg s16  }
0x11: {  	s3 =	simm.s32 $0x14200;
	s10 =	smul.u32 s10, s7;
	[dreg:$0xe] =	wrdreg s20  }
0x12: {  	s0 =	sadd.s32 s4, s0;
	[dreg:$0x15] =	wrdreg s24;
	s30 =	sshrl.u32 s7, $0x2  }
0x13: {  	s31 =	sadd.s32 $0xFFFFFFFE, s7;
	s0 =	sadd.s32 $0x65C00, s0;
	s9 =	sadd.s32 s9, s10  }
0x14: {  	s10 =	sadd.s32 $0x6000, s17;
	[dreg:$0x14] =	wrdreg s0;
	s18 =	sshll.u32 s9, $0x4  }
0x15: {  	[dreg:$0x8] =	wrdreg s10;
	s19 =	sshll.u32 s9, $0x3;
	s4 =	sadd.s32 s1, s18  }
0x16: {  	s11 =	simm.s32 $0x14000;
	s8 =	sadd.s32 s6, s19;
	[dreg:$0xf] =	wrdreg s4  }
0x17: {  	s13 =	simm.s32 $0x14080;
	s21 =	sadd.s32 $0x10, s4;
	[dreg:$0x10] =	wrdreg s8  }
0x18: {  	s12 =	simm.s32 $0x14100;
	s22 =	sadd.s32 $0x8, s8;
	[dreg:$0x11] =	wrdreg s21  }
0x19: {  	s14 =	simm.s32 $0x14180;
	s23 =	sadd.s32 $0x20, s4;
	[dreg:$0x12] =	wrdreg s22  }
0x1a: {  	s16 =	simm.s32 $0x40;
	s25 =	sadd.s32 $0x10, s8;
	[dreg:$0x13] =	wrdreg s23  }
0x1b: {  	s20 =	simm.s32 $0x1A200;
	s26 =	sadd.s32 $0x30, s4;
	[dreg:$0x16] =	wrdreg s25  }
0x1c: {  	s0 =	sadd.s32 $0xFFFFFFFD, s7;
	s28 =	sadd.s32 $0x18, s8;
	[dreg:$0x17] =	wrdreg s26  }
0x1d: {  	s10 =	simm.s32 $0xD;
	s18 =	simm.s32 $0x16200;
	[dreg:$0x18] =	wrdreg s28  }
0x1e: {  	v0 =	vimm.f32 $0.0e+00;
	s21 =	simm.s32 $0x1;
	s23 =	simm.s32 $0x2;
	s25 =	simm.s32 $0x3  }
.LBB2_1:
0x1f: {  	[dreg:$0x4] =	wrdreg s15;
	s4 =	simm.s32 $0x0;
	s8 =	simm.s32 $0x200  }
.LBB2_2:
0x20: {  	p0 =	sne.s32 s8, $0x7E00;
	[tilespmem:s4+$0x14270] =	vst v0  }
0x21: {  	[tilespmem:s4+$0x14200] =	vst v0  }
0x22: {  	[tilespmem:s4+$0x14210] =	vst v0  }
.Ltmp0:
0x23: {  	[tilespmem:s4+$0x14220] =	vst v0;
	(pc) =	sbr.rel @p0 .LBB2_2-.Ltmp0, $4  }
0x24: {  	[tilespmem:s4+$0x14230] =	vst v0  }
0x25: {  	[tilespmem:s4+$0x14240] =	vst v0  }
0x26: {  	[tilespmem:s4+$0x14250] =	vst v0  }
0x27: {  	[tilespmem:s4+$0x14260] =	vst v0;
	s4 =	sshra.s32 s8, $0x2;
	s8 =	sadd.s32 $0x200, s8  }
0x28: {  	[tilespmem:s4+$0x14270] =	vst v0  }
0x29: {  	[tilespmem:s4+$0x14200] =	vst v0  }
0x2a: {  	[tilespmem:s4+$0x14210] =	vst v0  }
0x2b: {  	[tilespmem:s4+$0x14220] =	vst v0  }
0x2c: {  	[tilespmem:s4+$0x14230] =	vst v0  }
0x2d: {  	[tilespmem:s4+$0x14240] =	vst v0  }
0x2e: {  	[tilespmem:s4+$0x14250] =	vst v0  }
0x2f: {  	[tilespmem:s4+$0x14260] =	vst v0  }
0x30: {  	[spmem:s17] =	stream.linear.scatter [tilespmem:s3], [sflag:$0xD], $0x2000, $0x38;
	[tilespmem:$0x1C200] =	vst v63  }
0x31: {  	_ =	swait.ge [sflag:s10], $0x2000  }
0x32: {  	[sflag:s10] =	ssyncset.done $0x0  }
0x33: {  	s15 =	rddreg [dreg:$0x6];
	[sflag:s10] =	ssyncadd.s32 $0xFFFFE000  }
0x34: {  	[spmem:s15] =	stream.linear.scatter [tilespmem:s3], [sflag:$0xD], $0x2000, $0x38;
	[tilespmem:$0x1C200] =	vst v63  }
0x35: {  	_ =	swait.ge [sflag:s10], $0x2000  }
0x36: {  	[sflag:s10] =	ssyncset.done $0x0  }
0x37: {  	s17 =	rddreg [dreg:$0x7];
	[sflag:s10] =	ssyncadd.s32 $0xFFFFE000  }
0x38: {  	[spmem:s17] =	stream.linear.scatter [tilespmem:s3], [sflag:$0xD], $0x2000, $0x38;
	[tilespmem:$0x1C200] =	vst v63  }
0x39: {  	_ =	swait.ge [sflag:s10], $0x2000  }
0x3a: {  	[sflag:s10] =	ssyncset.done $0x0  }
0x3b: {  	s19 =	rddreg [dreg:$0x8];
	[sflag:s10] =	ssyncadd.s32 $0xFFFFE000  }
0x3c: {  	[spmem:s19] =	stream.linear.scatter [tilespmem:s3], [sflag:$0xD], $0x2000, $0x38;
	[tilespmem:$0x1C200] =	vst v63  }
0x3d: {  	_ =	swait.ge [sflag:s10], $0x2000  }
0x3e: {  	[sflag:s10] =	ssyncset.done $0x0  }
0x3f: {  	s22 =	rddreg [dreg:$0x9];
	[sflag:s10] =	ssyncadd.s32 $0xFFFFE000  }
0x40: {  	[spmem:s22] =	stream.linear.scatter [tilespmem:s3], [sflag:$0xD], $0x2000, $0x38;
	[tilespmem:$0x1C200] =	vst v63  }
0x41: {  	_ =	swait.ge [sflag:s10], $0x2000  }
0x42: {  	[sflag:s10] =	ssyncset.done $0x0  }
0x43: {  	s24 =	rddreg [dreg:$0xa];
	[sflag:s10] =	ssyncadd.s32 $0xFFFFE000  }
0x44: {  	[spmem:s24] =	stream.linear.scatter [tilespmem:s3], [sflag:$0xD], $0x2000, $0x38;
	[tilespmem:$0x1C200] =	vst v63  }
0x45: {  	_ =	swait.ge [sflag:s10], $0x2000  }
0x46: {  	[sflag:s10] =	ssyncset.done $0x0  }
0x47: {  	s26 =	rddreg [dreg:$0xb];
	[sflag:s10] =	ssyncadd.s32 $0xFFFFE000  }
0x48: {  	[spmem:s26] =	stream.linear.scatter [tilespmem:s3], [sflag:$0xD], $0x2000, $0x38;
	[tilespmem:$0x1C200] =	vst v63  }
0x49: {  	_ =	swait.ge [sflag:s10], $0x2000  }
0x4a: {  	[sflag:s10] =	ssyncset.done $0x0  }
0x4b: {  	s28 =	rddreg [dreg:$0xc];
	[sflag:s10] =	ssyncadd.s32 $0xFFFFE000  }
0x4c: {  	[spmem:s28] =	stream.linear.scatter [tilespmem:s3], [sflag:$0xD], $0x2000, $0x38;
	[tilespmem:$0x1C200] =	vst v63  }
0x4d: {  	_ =	swait.ge [sflag:s10], $0x2000  }
0x4e: {  	[sflag:s10] =	ssyncset.done $0x0  }
0x4f: {  	s8 =	rddreg [dreg:$0xd];
	[sflag:s10] =	ssyncadd.s32 $0xFFFFE000  }
0x50: {  	[spmem:s8] =	stream.linear.scatter [tilespmem:s3], [sflag:$0xD], $0x2000, $0x38;
	[tilespmem:$0x1C200] =	vst v63  }
0x51: {  	_ =	swait.ge [sflag:s10], $0x2000  }
0x52: {  	[sflag:s10] =	ssyncset.done $0x0  }
0x53: {  	s15 =	rddreg [dreg:$0xe];
	[sflag:s10] =	ssyncadd.s32 $0xFFFFE000  }
0x54: {  	[spmem:s15] =	stream.linear.scatter [tilespmem:s3], [sflag:$0xD], $0x1C00, $0x38;
	[tilespmem:$0x1C200] =	vst v63  }
0x55: {  	_ =	swait.ge [sflag:s10], $0x1C00  }
0x56: {  	s8 =	simm.s32 $0x0;
	[sflag:s10] =	ssyncset.done $0x0  }
0x57: {  	s15 =	simm.s32 $0x13C00;
	s17 =	rddreg [dreg:$0xf];
	[sflag:s10] =	ssyncadd.s32 $0xFFFFE400  }
0x58: {  	[tilespmem:s15], [sflag:$0x9] =	stream.linear.gather [hbm4b:s17+s8], $0x80, $0x38;
	[tilespmem:$0x1C200] =	vst v63  }
0x59: {  	s19 =	rddreg [dreg:$0x10]  }
0x5a: {  	[tilespmem:s11], [sflag:$0x9] =	stream.linear.gather [hbm4b:s19+s8], $0x40, $0x38;
	[tilespmem:$0x1C200] =	vst v63  }
0x5b: {  	s22 =	rddreg [dreg:$0x11];
	s17 =	simm.s32 $0x13C80  }
0x5c: {  	[tilespmem:s17], [sflag:$0xA] =	stream.linear.gather [hbm4b:s22+s8], $0x80, $0x38;
	[tilespmem:$0x1C200] =	vst v63  }
0x5d: {  	s24 =	rddreg [dreg:$0x12]  }
0x5e: {  	[tilespmem:s13], [sflag:$0xA] =	stream.linear.gather [hbm4b:s24+s8], $0x40, $0x38;
	[tilespmem:$0x1C200] =	vst v63  }
0x5f: {  	s26 =	rddreg [dreg:$0x13];
	s19 =	simm.s32 $0x13D00  }
0x60: {  	[tilespmem:s19], [sflag:$0xB] =	stream.linear.gather [hbm4b:s26+s8], $0x80, $0x38;
	[tilespmem:$0x1C200] =	vst v63  }
0x61: {  	s28 =	rddreg [dreg:$0x16]  }
0x62: {  	[tilespmem:s12], [sflag:$0xB] =	stream.linear.gather [hbm4b:s28+s8], $0x40, $0x38;
	[tilespmem:$0x1C200] =	vst v63  }
0x63: {  	s22 =	simm.s32 $0x13D80;
	s19 =	rddreg [dreg:$0x17]  }
0x64: {  	[tilespmem:s22], [sflag:$0xC] =	stream.linear.gather [hbm4b:s19+s8], $0x80, $0x38;
	[tilespmem:$0x1C200] =	vst v63  }
0x65: {  	s24 =	rddreg [dreg:$0x18];
	s26 =	simm.s32 $0x9  }
0x66: {  	[tilespmem:s14], [sflag:$0xC] =	stream.linear.gather [hbm4b:s24+s8], $0x40, $0x38;
	[tilespmem:$0x1C200] =	vst v63  }
0x67: {  	_ =	swait.ge [sflag:s26], $0x80  }
0x68: {  	[sflag:s26] =	ssyncset.done $0x0  }
0x69: {  	[sflag:s26] =	ssyncadd.s32 $0xFFFFFF80  }
0x6a: {  	_ =	swait.ge [sflag:s26], $0x40  }
0x6b: {  	[sflag:s26] =	ssyncset.done $0x0  }
0x6c: {  	s28 =	simm.s32 $0xA;
	[sflag:s26] =	ssyncadd.s32 $0xFFFFFFC0  }
0x6d: {  	[tilespmem:s3], [sflag:$0x1] =	stream.indirect.gather [hbm4b:s5+s16], $0x80, s15, s16, $0xb8;
	[tilespmem:$0x1C200] =	vst v63  }
0x6e: {  	_ =	swait.ge [sflag:s28], $0x80  }
0x6f: {  	[sflag:s28] =	ssyncset.done $0x0  }
0x70: {  	[sflag:s28] =	ssyncadd.s32 $0xFFFFFF80  }
0x71: {  	_ =	swait.ge [sflag:s28], $0x40  }
0x72: {  	[sflag:s28] =	ssyncset.done $0x0  }
0x73: {  	[sflag:s28] =	ssyncadd.s32 $0xFFFFFFC0  }
0x74: {  	[tilespmem:s18], [sflag:$0x2] =	stream.indirect.gather [hbm4b:s5+s16], $0x80, s17, s16, $0xb8;
	[tilespmem:$0x1C200] =	vst v63  }
0x75: {  	s15 =	simm.s32 $0x0;
	[bflag:$0x0] =	sbarrier.arrive $0xFFFF  }
.LBB2_4:
0x76: {  	_ =	swait.ge [sflag:s21], $0x2000  }
0x77: {  	[sflag:s21] =	ssyncset.done $0x0  }
0x78: {  	[sflag:s21] =	ssyncadd.s32 $0xFFFFE000  }
0x79: {  	v1 =	vld [tilespmem:$0x13C40]  }
0x7a: {  	v2 =	vld [tilespmem:$0x13C50]  }
0x7b: {  	v4 =	vmov s8;
	v3 =	vld [tilespmem:$0x13C60]  }
0x7c: {  	v4 =	vand.u32 $0xFFFFFFFC, v4;
	v5 =	vld [tilespmem:$0x13C70]  }
0x7d: {  	v4 =	vbroadcast v4, $0x0  }
0x7e: {  	[tilespmem:$0x13E00] =	vst v1  }
0x7f: {  	[tilespmem:$0x13E10] =	vst v2  }
0x80: {  	[tilespmem:$0x13E20] =	vst v3  }
0x81: {  	s17 =	simm.s32 $0x14300;
	[tilespmem:$0x13E30] =	vst v5  }
0x82: {  	v1 =	vld [tilespmem:s17+$0xFFFFFF70]  }
0x83: {  	v2 =	vld.idx.msk [tilespmem:v4+s11+$0x0], $0xffff  }
0x84: {  	v3 =	vld [tilespmem:s17+$0xFFFFFF00]  }
0x85: {  	v4 =	vld [tilespmem:s17+$0xFFFFFF20]  }
0x86: {  	v5 =	vld [tilespmem:s17+$0xFFFFFF50]  }
0x87: {  	v6 =	vld [tilespmem:s17+$0xFFFFFF40]  }
0x88: {  	v7 =	vld [tilespmem:s17+$0xFFFFFF60];
	v1 =	vmul.f32 v1, v2  }
0x89: {  	s4 =	simm.s32 $0x1;
	v8 =	vld [tilespmem:s17+$0xFFFFFF30];
	v3 =	vmul.f32 v3, v2  }
0x8a: {  	v9 =	vld [tilespmem:s17+$0xFFFFFF10];
	v4 =	vmul.f32 v4, v2;
	[tilespmem:s17+$0xFFFFFF70] =	vst v1;
	v1 =	vmov s4  }
0x8b: {  	v5 =	vmul.f32 v5, v2;
	[tilespmem:s17+$0xFFFFFF00] =	vst v3;
	v1 =	vand.u32 $0xFFFFFFFD, v1  }
0x8c: {  	v3 =	vmul.f32 v6, v2;
	[tilespmem:s17+$0xFFFFFF20] =	vst v4;
	v1 =	vbroadcast v1, $0x0  }
0x8d: {  	v4 =	vmul.f32 v7, v2;
	[tilespmem:s17+$0xFFFFFF50] =	vst v5  }
0x8e: {  	v5 =	vmul.f32 v8, v2;
	[tilespmem:s17+$0xFFFFFF40] =	vst v3  }
0x8f: {  	v2 =	vmul.f32 v9, v2;
	[tilespmem:s17+$0xFFFFFF60] =	vst v4  }
0x90: {  	v6 =	vld [tilespmem:s17+$0xFFFFFFC0];
	[tilespmem:s17+$0xFFFFFF30] =	vst v5  }
0x91: {  	[tilespmem:s17+$0xFFFFFF10] =	vst v2;
	v2 =	vld [tilespmem:s17+$0xFFFFFF90]  }
0x92: {  	v3 =	vld.idx.msk [tilespmem:v1+s11+$0x0], $0xffff  }
0x93: {  	v1 =	vld [tilespmem:s17+$0xFFFFFFA0]  }
0x94: {  	v4 =	vld [tilespmem:s17+$0xFFFFFF80]  }
0x95: {  	v5 =	vld [tilespmem:s17+$0xFFFFFFB0]  }
0x96: {  	v7 =	vld [tilespmem:s17+$0xFFFFFFD0]  }
0x97: {  	v8 =	vld [tilespmem:s17+$0xFFFFFFF0];
	v2 =	vmul.f32 v2, v3  }
0x98: {  	s28 =	simm.s32 $0x2;
	v1 =	vmul.f32 v1, v3  }
0x99: {  	v63 =	vld [tilespmem:s17+$0xFFFFFFE0];
	v4 =	vmul.f32 v4, v3;
	[tilespmem:s17+$0xFFFFFF90] =	vst v2;
	v2 =	vmov s28  }
0x9a: {  	v5 =	vmul.f32 v5, v3;
	[tilespmem:s17+$0xFFFFFFA0] =	vst v1;
	v1 =	vand.u32 $0xFFFFFFFE, v2  }
0x9b: {  	[tilespmem:s17+$0xFFFFFF80] =	vst v4;
	v4 =	vmul.f32 v7, v3;
	v7 =	vld [tilespmem:s17+$0x0];
	v10 =	vbroadcast v1, $0x0  }
0x9c: {  	[tilespmem:s17+$0xFFFFFFB0] =	vst v5;
	v5 =	vmul.f32 v8, v3;
	v2 =	vmul.f32 v6, v3;
	v6 =	vld [tilespmem:s17+$0x60]  }
0x9d: {  	v1 =	vld [tilespmem:s17+$0x20];
	[tilespmem:s17+$0xFFFFFFD0] =	vst v4  }
0x9e: {  	v3 =	vmul.f32 v63, v3;
	[tilespmem:s17+$0xFFFFFFF0] =	vst v5;
	v4 =	vld [tilespmem:s17+$0x40]  }
0x9f: {  	v5 =	vld [tilespmem:s17+$0x10];
	[tilespmem:s17+$0xFFFFFFC0] =	vst v2  }
0xa0: {  	v2 =	vld [tilespmem:s17+$0x30];
	[tilespmem:s17+$0xFFFFFFE0] =	vst v3  }
0xa1: {  	s22 =	simm.s32 $0x4;
	s24 =	simm.s32 $0x14300;
	s4 =	simm.s32 $0x0;
	v3 =	vld.idx.msk [tilespmem:v10+s11+$0x0], $0xffff  }
.LBB2_5:
0xa2: {  	p0 =	sne.s32 s22, $0x3C  }
0xa3: {  	v8 =	vld [tilespmem:s17+$0x50];
	s24 =	sadd.s32 $0x200, s24;
	s26 =	smov.u32 s22;
	s22 =	sadd.s32 $0x4, s22  }
0xa4: {  	v9 =	vld [tilespmem:s17+$0x70];
	_ =	sdelay $0x1  }
0xa5: {  	v6 =	vmul.f32 v6, v3;
	v7 =	vmul.f32 v7, v3  }
0xa6: {  	v4 =	vmul.f32 v4, v3;
	v5 =	vmul.f32 v5, v3  }
0xa7: {  	v1 =	vmul.f32 v1, v3;
	v2 =	vmul.f32 v2, v3;
	[tilespmem:s17+$0x60] =	vst v6  }
0xa8: {  	[tilespmem:s17+$0x40] =	vst v4;
	v4 =	vmul.f32 v8, v3;
	v3 =	vmul.f32 v9, v3  }
0xa9: {  	s28 =	sadd.s32 $0x3, s4;
	s4 =	smov.u32 s26;
	[tilespmem:s17+$0x20] =	vst v1;
	v6 =	vld [tilespmem:s17+$0x80]  }
0xaa: {  	v1 =	vld [tilespmem:s24+$0x20];
	[tilespmem:s17+$0x0] =	vst v7;
	v7 =	vmov s28  }
0xab: {  	[tilespmem:s17+$0x50] =	vst v4;
	v4 =	vld [tilespmem:s17+$0xE0]  }
0xac: {  	[tilespmem:s17+$0x30] =	vst v2;
	v8 =	vld [tilespmem:s17+$0xC0]  }
0xad: {  	v2 =	vld [tilespmem:s24+$0x30];
	[tilespmem:s17+$0x10] =	vst v5  }
0xae: {  	[tilespmem:s17+$0x70] =	vst v3;
	v3 =	vld [tilespmem:s17+$0xA0]  }
0xaf: {  	v5 =	vld.idx.msk [tilespmem:v7+s11+$0x0], $0xffff  }
0xb0: {  	v7 =	vld [tilespmem:s17+$0x90]  }
0xb1: {  	v9 =	vld [tilespmem:s17+$0xB0]  }
0xb2: {  	v10 =	vld [tilespmem:s17+$0xD0]  }
0xb3: {  	v11 =	vld [tilespmem:s17+$0xF0];
	_ =	sdelay $0x1  }
0xb4: {  	v6 =	vmul.f32 v6, v5;
	v7 =	vmul.f32 v7, v5  }
0xb5: {  	v3 =	vmul.f32 v3, v5;
	v9 =	vmul.f32 v9, v5  }
0xb6: {  	v12 =	vmov s4;
	[tilespmem:s17+$0x80] =	vst v6;
	v6 =	vmul.f32 v8, v5;
	v8 =	vmul.f32 v10, v5  }
0xb7: {  	v10 =	vand.u32 $0xFFFFFFFC, v12;
	[tilespmem:s17+$0xA0] =	vst v3;
	v3 =	vmul.f32 v4, v5;
	v4 =	vmul.f32 v11, v5  }
0xb8: {  	v5 =	vbroadcast v10, $0x0;
	[tilespmem:s17+$0xC0] =	vst v6  }
0xb9: {  	[tilespmem:s17+$0xF0] =	vst v4  }
0xba: {  	v4 =	vld [tilespmem:s24+$0xFFFFFF40];
	[tilespmem:s17+$0xE0] =	vst v3  }
0xbb: {  	v3 =	vld [tilespmem:s24+$0xFFFFFF50];
	[tilespmem:s17+$0x90] =	vst v7  }
0xbc: {  	v6 =	vld [tilespmem:s24+$0xFFFFFF60];
	[tilespmem:s17+$0xB0] =	vst v9  }
0xbd: {  	v7 =	vld [tilespmem:s24+$0xFFFFFF70];
	[tilespmem:s17+$0xD0] =	vst v8;
	s17 =	smov.u32 s24  }
0xbe: {  	v5 =	vld.idx.msk [tilespmem:v5+s11+$0x0], $0xffff  }
0xbf: {  	v8 =	vld [tilespmem:s24+$0xFFFFFF00]  }
0xc0: {  	v9 =	vld [tilespmem:s24+$0xFFFFFF20]  }
0xc1: {  	v10 =	vld [tilespmem:s24+$0xFFFFFF10]  }
0xc2: {  	v11 =	vld [tilespmem:s24+$0xFFFFFF30];
	_ =	sdelay $0x1  }
0xc3: {  	v7 =	vmul.f32 v7, v5;
	v8 =	vmul.f32 v8, v5  }
0xc4: {  	s26 =	sadd.s32 $0x1, s4;
	v6 =	vmul.f32 v6, v5;
	v9 =	vmul.f32 v9, v5  }
0xc5: {  	v3 =	vmul.f32 v3, v5;
	v10 =	vmul.f32 v10, v5;
	[tilespmem:s24+$0xFFFFFF70] =	vst v7;
	v7 =	vmov s26  }
0xc6: {  	v4 =	vmul.f32 v4, v5;
	[tilespmem:s24+$0xFFFFFF00] =	vst v8;
	v8 =	vmul.f32 v11, v5;
	v5 =	vand.u32 $0xFFFFFFFD, v7  }
0xc7: {  	[tilespmem:s24+$0xFFFFFF20] =	vst v9;
	v5 =	vbroadcast v5, $0x0  }
0xc8: {  	[tilespmem:s24+$0xFFFFFF50] =	vst v3  }
0xc9: {  	[tilespmem:s24+$0xFFFFFF40] =	vst v4;
	v3 =	vld [tilespmem:s24+$0xFFFFFFF0]  }
0xca: {  	[tilespmem:s24+$0xFFFFFF60] =	vst v6;
	v4 =	vld [tilespmem:s24+$0xFFFFFFC0]  }
0xcb: {  	[tilespmem:s24+$0xFFFFFF30] =	vst v8;
	v6 =	vld [tilespmem:s24+$0xFFFFFFD0]  }
0xcc: {  	[tilespmem:s24+$0xFFFFFF10] =	vst v10;
	v7 =	vld [tilespmem:s24+$0xFFFFFF90]  }
0xcd: {  	v5 =	vld.idx.msk [tilespmem:v5+s11+$0x0], $0xffff  }
0xce: {  	v8 =	vld [tilespmem:s24+$0xFFFFFF80]  }
0xcf: {  	v9 =	vld [tilespmem:s24+$0xFFFFFFA0]  }
0xd0: {  	v10 =	vld [tilespmem:s24+$0xFFFFFFB0]  }
0xd1: {  	v11 =	vld [tilespmem:s24+$0xFFFFFFE0];
	_ =	sdelay $0x1  }
0xd2: {  	v7 =	vmul.f32 v7, v5;
	v8 =	vmul.f32 v8, v5  }
0xd3: {  	s26 =	sadd.s32 $0x2, s4;
	v6 =	vmul.f32 v6, v5;
	v9 =	vmul.f32 v9, v5  }
0xd4: {  	v4 =	vmul.f32 v4, v5;
	[tilespmem:s24+$0xFFFFFF90] =	vst v7;
	v7 =	vmul.f32 v10, v5;
	v10 =	vmov s26  }
0xd5: {  	v3 =	vmul.f32 v3, v5;
	[tilespmem:s24+$0xFFFFFFA0] =	vst v9;
	v9 =	vmul.f32 v11, v5;
	v5 =	vand.u32 $0xFFFFFFFE, v10  }
0xd6: {  	[tilespmem:s24+$0xFFFFFF80] =	vst v8;
	v5 =	vbroadcast v5, $0x0  }
0xd7: {  	[tilespmem:s24+$0xFFFFFFB0] =	vst v7  }
0xd8: {  	[tilespmem:s24+$0xFFFFFFC0] =	vst v4  }
0xd9: {  	[tilespmem:s24+$0xFFFFFFD0] =	vst v6  }
.Ltmp1:
0xda: {  	[tilespmem:s24+$0xFFFFFFF0] =	vst v3;
	v4 =	vld [tilespmem:s24+$0x40];
	(pc) =	sbr.rel @p0 .LBB2_5-.Ltmp1, $4  }
0xdb: {  	[tilespmem:s24+$0xFFFFFFE0] =	vst v9;
	v6 =	vld [tilespmem:s24+$0x60]  }
0xdc: {  	v3 =	vld.idx.msk [tilespmem:v5+s11+$0x0], $0xffff  }
0xdd: {  	v7 =	vld [tilespmem:s24+$0x0]  }
0xde: {  	v5 =	vld [tilespmem:s24+$0x10]  }
0xdf: {  	_ =	sdelay $0x1  }
0xe0: {  	v6 =	vmul.f32 v6, v3  }
0xe1: {  	v8 =	vld [tilespmem:s17+$0x50];
	v4 =	vmul.f32 v4, v3  }
0xe2: {  	v9 =	vld [tilespmem:s17+$0x70];
	v1 =	vmul.f32 v1, v3;
	[tilespmem:s17+$0x60] =	vst v6  }
0xe3: {  	v6 =	vmul.f32 v7, v3;
	[tilespmem:s17+$0x40] =	vst v4  }
0xe4: {  	s4 =	sadd.s32 $0x3, s4;
	[tilespmem:s17+$0x20] =	vst v1;
	v1 =	vmul.f32 v2, v3  }
0xe5: {  	v5 =	vmul.f32 v5, v3;
	[tilespmem:s17+$0x0] =	vst v6;
	v6 =	vmov s4  }
0xe6: {  	v4 =	vmul.f32 v8, v3;
	[tilespmem:s17+$0x30] =	vst v1  }
0xe7: {  	v3 =	vmul.f32 v9, v3;
	[tilespmem:s17+$0x10] =	vst v5  }
0xe8: {  	[tilespmem:s17+$0x50] =	vst v4  }
0xe9: {  	v2 =	vld [tilespmem:s17+$0x80];
	[tilespmem:s17+$0x70] =	vst v3  }
0xea: {  	v1 =	vld.idx.msk [tilespmem:v6+s11+$0x0], $0xffff  }
0xeb: {  	v3 =	vld [tilespmem:s17+$0xA0]  }
0xec: {  	v4 =	vld [tilespmem:s17+$0xC0]  }
0xed: {  	v5 =	vld [tilespmem:s17+$0xF0]  }
0xee: {  	v6 =	vld [tilespmem:s17+$0xE0]  }
0xef: {  	v7 =	vld [tilespmem:s17+$0x90];
	v2 =	vmul.f32 v2, v1  }
0xf0: {  	v8 =	vld [tilespmem:s17+$0xB0];
	v3 =	vmul.f32 v3, v1  }
0xf1: {  	v61 =	vld [tilespmem:s17+$0xD0];
	[tilespmem:s17+$0x80] =	vst v2;
	v2 =	vmul.f32 v4, v1  }
0xf2: {  	[tilespmem:s17+$0xA0] =	vst v3;
	v3 =	vmul.f32 v5, v1  }
0xf3: {  	v4 =	vmul.f32 v6, v1;
	[tilespmem:s17+$0xC0] =	vst v2  }
0xf4: {  	v2 =	vmul.f32 v7, v1;
	[tilespmem:s17+$0xF0] =	vst v3  }
0xf5: {  	v3 =	vmul.f32 v8, v1;
	[tilespmem:s17+$0xE0] =	vst v4  }
0xf6: {  	v1 =	vmul.f32 v61, v1;
	[tilespmem:s17+$0x90] =	vst v2  }
0xf7: {  	[tilespmem:s17+$0xB0] =	vst v3  }
0xf8: {  	s24 =	simm.s32 $0x13E00;
	[tilespmem:s17+$0xD0] =	vst v1;
	s17 =	sshll.u32 s15, $0x2  }
0xf9: {  	[spmem:s2] =	stream.indirect.scatter.add.f32 [tilespmem:s3], [sflag:$0x5], $0x80, s24, s16, $0xb8;
	[tilespmem:$0x1C200] =	vst v63  }
0xfa: {  	s4 =	sadd.s32 $0x4, s17  }
0xfb: {  	p0 =	sge.u32 s4, s7  }
0xfc: {  	p1 =	sge.u32 s17, s31;
	s4 =	sadd.s32 @!p0 s9, s4  }
0xfd: {  	p2 =	seq.s32 @!p1 s15, $0x0;
	s22 =	sshll.u32 @!p0 s4, $0x4  }
0xfe: {  	s24 =	simm.s32 @!p0 $0x0;
	s4 =	sshll.u32 @!p0 s4, $0x3;
	s22 =	sand.u32 @!p0 $0x1FFFFFC0, s22  }
0xff: {  	s26 =	simm.s32 @!p0 $0x13C00;
	s4 =	sand.u32 @!p0 $0x1FFFFFE0, s4;
	s22 =	sadd.s32 @!p0 s1, s22  }
0x100: {  	[tilespmem:s26], [sflag:$0x9] =	stream.linear.gather @!p0 [hbm4b:s22+s24], $0x80, $0x38;
	[tilespmem:$0x1C200] =	vst v63  }
0x101: {  	p2 =	por p2, p1;
	s4 =	sadd.s32 @!p0 s6, s4;
	s22 =	simm.s32 @!p0 $0x14000  }
0x102: {  	[tilespmem:s22], [sflag:$0x9] =	stream.linear.gather @!p0 [hbm4b:s4+s24], $0x40, $0x38;
	[tilespmem:$0x1C200] =	vst v63  }
0x103: {  	s4 =	simm.s32 @!p2 $0x7  }
0x104: {  	_ =	swait.ge @!p2 [sflag:s4], $0x2000  }
0x105: {  	[sflag:s4] =	ssyncset.done @!p2 $0x0  }
0x106: {  	[sflag:s4] =	ssyncadd.s32 @!p2 $0xFFFFE000;
	s4 =	simm.s32 @!p1 $0xB  }
0x107: {  	_ =	swait.ge @!p1 [sflag:s4], $0x80  }
0x108: {  	[sflag:s4] =	ssyncset.done @!p1 $0x0  }
0x109: {  	[sflag:s4] =	ssyncadd.s32 @!p1 $0xFFFFFF80  }
0x10a: {  	_ =	swait.ge @!p1 [sflag:s4], $0x40  }
0x10b: {  	s22 =	simm.s32 @!p1 $0x13D00;
	[sflag:s4] =	ssyncset.done @!p1 $0x0  }
0x10c: {  	s24 =	simm.s32 @!p1 $0x18200;
	[sflag:s4] =	ssyncadd.s32 @!p1 $0xFFFFFFC0;
	s4 =	simm.s32 @!p1 $0x40  }
0x10d: {  	[tilespmem:s24], [sflag:$0x3] =	stream.indirect.gather @!p1 [hbm4b:s5+s4], $0x80, s22, s4, $0xb8;
	[tilespmem:$0x1C200] =	vst v63  }
0x10e: {  	_ =	swait.ge [sflag:s23], $0x2000  }
0x10f: {  	[sflag:s23] =	ssyncset.done $0x0  }
0x110: {  	[sflag:s23] =	ssyncadd.s32 $0xFFFFE000  }
0x111: {  	v1 =	vld [tilespmem:$0x13CC0]  }
0x112: {  	s22 =	simm.s32 $0x0;
	v2 =	vld [tilespmem:$0x13CD0]  }
0x113: {  	v4 =	vmov s22;
	v3 =	vld [tilespmem:$0x13CE0]  }
0x114: {  	v4 =	vand.u32 $0xFFFFFFFC, v4;
	v5 =	vld [tilespmem:$0x13CF0]  }
0x115: {  	v4 =	vbroadcast v4, $0x0  }
0x116: {  	[tilespmem:$0x13E80] =	vst v1  }
0x117: {  	[tilespmem:$0x13E90] =	vst v2  }
0x118: {  	[tilespmem:$0x13EA0] =	vst v3  }
0x119: {  	s4 =	simm.s32 $0x16300;
	[tilespmem:$0x13EB0] =	vst v5  }
0x11a: {  	v1 =	vld [tilespmem:s4+$0xFFFFFF70]  }
0x11b: {  	v2 =	vld.idx.msk [tilespmem:v4+s13+$0x0], $0xffff  }
0x11c: {  	v3 =	vld [tilespmem:s4+$0xFFFFFF00]  }
0x11d: {  	v4 =	vld [tilespmem:s4+$0xFFFFFF20]  }
0x11e: {  	v5 =	vld [tilespmem:s4+$0xFFFFFF50]  }
0x11f: {  	v6 =	vld [tilespmem:s4+$0xFFFFFF40]  }
0x120: {  	v7 =	vld [tilespmem:s4+$0xFFFFFF60];
	v1 =	vmul.f32 v1, v2  }
0x121: {  	s26 =	simm.s32 $0x1;
	v8 =	vld [tilespmem:s4+$0xFFFFFF30];
	v3 =	vmul.f32 v3, v2  }
0x122: {  	v62 =	vld [tilespmem:s4+$0xFFFFFF10];
	v4 =	vmul.f32 v4, v2;
	[tilespmem:s4+$0xFFFFFF70] =	vst v1;
	v1 =	vmov s26  }
0x123: {  	v5 =	vmul.f32 v5, v2;
	[tilespmem:s4+$0xFFFFFF00] =	vst v3;
	v1 =	vand.u32 $0xFFFFFFFD, v1  }
0x124: {  	v3 =	vmul.f32 v6, v2;
	[tilespmem:s4+$0xFFFFFF20] =	vst v4;
	v1 =	vbroadcast v1, $0x0  }
0x125: {  	v4 =	vmul.f32 v7, v2;
	[tilespmem:s4+$0xFFFFFF50] =	vst v5  }
0x126: {  	v5 =	vmul.f32 v8, v2;
	[tilespmem:s4+$0xFFFFFF40] =	vst v3  }
0x127: {  	v2 =	vmul.f32 v62, v2;
	[tilespmem:s4+$0xFFFFFF60] =	vst v4  }
0x128: {  	v6 =	vld [tilespmem:s4+$0xFFFFFFC0];
	[tilespmem:s4+$0xFFFFFF30] =	vst v5  }
0x129: {  	[tilespmem:s4+$0xFFFFFF10] =	vst v2;
	v2 =	vld [tilespmem:s4+$0xFFFFFF90]  }
0x12a: {  	v3 =	vld.idx.msk [tilespmem:v1+s13+$0x0], $0xffff  }
0x12b: {  	v1 =	vld [tilespmem:s4+$0xFFFFFFA0]  }
0x12c: {  	v4 =	vld [tilespmem:s4+$0xFFFFFF80]  }
0x12d: {  	v5 =	vld [tilespmem:s4+$0xFFFFFFB0]  }
0x12e: {  	v7 =	vld [tilespmem:s4+$0xFFFFFFD0]  }
0x12f: {  	v8 =	vld [tilespmem:s4+$0xFFFFFFF0];
	v2 =	vmul.f32 v2, v3  }
0x130: {  	s28 =	simm.s32 $0x2;
	v1 =	vmul.f32 v1, v3  }
0x131: {  	v63 =	vld [tilespmem:s4+$0xFFFFFFE0];
	v4 =	vmul.f32 v4, v3;
	[tilespmem:s4+$0xFFFFFF90] =	vst v2;
	v2 =	vmov s28  }
0x132: {  	v5 =	vmul.f32 v5, v3;
	[tilespmem:s4+$0xFFFFFFA0] =	vst v1;
	v1 =	vand.u32 $0xFFFFFFFE, v2  }
0x133: {  	[tilespmem:s4+$0xFFFFFF80] =	vst v4;
	v4 =	vmul.f32 v7, v3;
	v7 =	vld [tilespmem:s4+$0x0];
	v10 =	vbroadcast v1, $0x0  }
0x134: {  	[tilespmem:s4+$0xFFFFFFB0] =	vst v5;
	v5 =	vmul.f32 v8, v3;
	v2 =	vmul.f32 v6, v3;
	v6 =	vld [tilespmem:s4+$0x60]  }
0x135: {  	v1 =	vld [tilespmem:s4+$0x20];
	[tilespmem:s4+$0xFFFFFFD0] =	vst v4  }
0x136: {  	v3 =	vmul.f32 v63, v3;
	[tilespmem:s4+$0xFFFFFFF0] =	vst v5;
	v4 =	vld [tilespmem:s4+$0x40]  }
0x137: {  	v5 =	vld [tilespmem:s4+$0x10];
	[tilespmem:s4+$0xFFFFFFC0] =	vst v2  }
0x138: {  	v2 =	vld [tilespmem:s4+$0x30];
	[tilespmem:s4+$0xFFFFFFE0] =	vst v3  }
0x139: {  	s24 =	simm.s32 $0x4;
	s26 =	simm.s32 $0x16300;
	v3 =	vld.idx.msk [tilespmem:v10+s13+$0x0], $0xffff  }
.LBB2_7:
0x13a: {  	p1 =	sne.s32 s24, $0x3C  }
0x13b: {  	v8 =	vld [tilespmem:s4+$0x50];
	s26 =	sadd.s32 $0x200, s26;
	s28 =	smov.u32 s24;
	s24 =	sadd.s32 $0x4, s24  }
0x13c: {  	v9 =	vld [tilespmem:s4+$0x70];
	_ =	sdelay $0x1  }
0x13d: {  	v6 =	vmul.f32 v6, v3;
	v7 =	vmul.f32 v7, v3  }
0x13e: {  	v4 =	vmul.f32 v4, v3;
	v5 =	vmul.f32 v5, v3  }
0x13f: {  	v1 =	vmul.f32 v1, v3;
	v2 =	vmul.f32 v2, v3;
	[tilespmem:s4+$0x60] =	vst v6  }
0x140: {  	[tilespmem:s4+$0x40] =	vst v4;
	v4 =	vmul.f32 v8, v3;
	v3 =	vmul.f32 v9, v3  }
0x141: {  	s19 =	sadd.s32 $0x3, s22;
	s22 =	smov.u32 s28;
	[tilespmem:s4+$0x20] =	vst v1;
	v6 =	vld [tilespmem:s4+$0x80]  }
0x142: {  	v1 =	vld [tilespmem:s26+$0x20];
	[tilespmem:s4+$0x0] =	vst v7;
	v7 =	vmov s19  }
0x143: {  	[tilespmem:s4+$0x50] =	vst v4;
	v4 =	vld [tilespmem:s4+$0xE0]  }
0x144: {  	[tilespmem:s4+$0x30] =	vst v2;
	v8 =	vld [tilespmem:s4+$0xC0]  }
0x145: {  	v2 =	vld [tilespmem:s26+$0x30];
	[tilespmem:s4+$0x10] =	vst v5  }
0x146: {  	[tilespmem:s4+$0x70] =	vst v3;
	v3 =	vld [tilespmem:s4+$0xA0]  }
0x147: {  	v5 =	vld.idx.msk [tilespmem:v7+s13+$0x0], $0xffff  }
0x148: {  	v7 =	vld [tilespmem:s4+$0x90]  }
0x149: {  	v9 =	vld [tilespmem:s4+$0xB0]  }
0x14a: {  	v10 =	vld [tilespmem:s4+$0xD0]  }
0x14b: {  	v11 =	vld [tilespmem:s4+$0xF0];
	_ =	sdelay $0x1  }
0x14c: {  	v6 =	vmul.f32 v6, v5;
	v7 =	vmul.f32 v7, v5  }
0x14d: {  	v3 =	vmul.f32 v3, v5;
	v9 =	vmul.f32 v9, v5  }
0x14e: {  	v12 =	vmov s22;
	[tilespmem:s4+$0x80] =	vst v6;
	v6 =	vmul.f32 v8, v5;
	v8 =	vmul.f32 v10, v5  }
0x14f: {  	v10 =	vand.u32 $0xFFFFFFFC, v12;
	[tilespmem:s4+$0xA0] =	vst v3;
	v3 =	vmul.f32 v4, v5;
	v4 =	vmul.f32 v11, v5  }
0x150: {  	v5 =	vbroadcast v10, $0x0;
	[tilespmem:s4+$0xC0] =	vst v6  }
0x151: {  	[tilespmem:s4+$0xF0] =	vst v4  }
0x152: {  	v4 =	vld [tilespmem:s26+$0xFFFFFF40];
	[tilespmem:s4+$0xE0] =	vst v3  }
0x153: {  	v3 =	vld [tilespmem:s26+$0xFFFFFF50];
	[tilespmem:s4+$0x90] =	vst v7  }
0x154: {  	v6 =	vld [tilespmem:s26+$0xFFFFFF60];
	[tilespmem:s4+$0xB0] =	vst v9  }
0x155: {  	v7 =	vld [tilespmem:s26+$0xFFFFFF70];
	[tilespmem:s4+$0xD0] =	vst v8;
	s4 =	smov.u32 s26  }
0x156: {  	v5 =	vld.idx.msk [tilespmem:v5+s13+$0x0], $0xffff  }
0x157: {  	v8 =	vld [tilespmem:s26+$0xFFFFFF00]  }
0x158: {  	v9 =	vld [tilespmem:s26+$0xFFFFFF20]  }
0x159: {  	v10 =	vld [tilespmem:s26+$0xFFFFFF10]  }
0x15a: {  	v11 =	vld [tilespmem:s26+$0xFFFFFF30];
	_ =	sdelay $0x1  }
0x15b: {  	v7 =	vmul.f32 v7, v5;
	v8 =	vmul.f32 v8, v5  }
0x15c: {  	s19 =	sadd.s32 $0x1, s22;
	v6 =	vmul.f32 v6, v5;
	v9 =	vmul.f32 v9, v5  }
0x15d: {  	v3 =	vmul.f32 v3, v5;
	v10 =	vmul.f32 v10, v5;
	[tilespmem:s26+$0xFFFFFF70] =	vst v7;
	v7 =	vmov s19  }
0x15e: {  	v4 =	vmul.f32 v4, v5;
	[tilespmem:s26+$0xFFFFFF00] =	vst v8;
	v8 =	vmul.f32 v11, v5;
	v5 =	vand.u32 $0xFFFFFFFD, v7  }
0x15f: {  	[tilespmem:s26+$0xFFFFFF20] =	vst v9;
	v5 =	vbroadcast v5, $0x0  }
0x160: {  	[tilespmem:s26+$0xFFFFFF50] =	vst v3  }
0x161: {  	[tilespmem:s26+$0xFFFFFF40] =	vst v4;
	v3 =	vld [tilespmem:s26+$0xFFFFFFF0]  }
0x162: {  	[tilespmem:s26+$0xFFFFFF60] =	vst v6;
	v4 =	vld [tilespmem:s26+$0xFFFFFFC0]  }
0x163: {  	[tilespmem:s26+$0xFFFFFF30] =	vst v8;
	v6 =	vld [tilespmem:s26+$0xFFFFFFD0]  }
0x164: {  	[tilespmem:s26+$0xFFFFFF10] =	vst v10;
	v7 =	vld [tilespmem:s26+$0xFFFFFF90]  }
0x165: {  	v5 =	vld.idx.msk [tilespmem:v5+s13+$0x0], $0xffff  }
0x166: {  	v8 =	vld [tilespmem:s26+$0xFFFFFF80]  }
0x167: {  	v9 =	vld [tilespmem:s26+$0xFFFFFFA0]  }
0x168: {  	v10 =	vld [tilespmem:s26+$0xFFFFFFB0]  }
0x169: {  	v11 =	vld [tilespmem:s26+$0xFFFFFFE0];
	_ =	sdelay $0x1  }
0x16a: {  	v7 =	vmul.f32 v7, v5;
	v8 =	vmul.f32 v8, v5  }
0x16b: {  	s19 =	sadd.s32 $0x2, s22;
	v6 =	vmul.f32 v6, v5;
	v9 =	vmul.f32 v9, v5  }
0x16c: {  	v4 =	vmul.f32 v4, v5;
	[tilespmem:s26+$0xFFFFFF90] =	vst v7;
	v7 =	vmul.f32 v10, v5;
	v10 =	vmov s19  }
0x16d: {  	v3 =	vmul.f32 v3, v5;
	[tilespmem:s26+$0xFFFFFFA0] =	vst v9;
	v9 =	vmul.f32 v11, v5;
	v5 =	vand.u32 $0xFFFFFFFE, v10  }
0x16e: {  	[tilespmem:s26+$0xFFFFFF80] =	vst v8;
	v5 =	vbroadcast v5, $0x0  }
0x16f: {  	[tilespmem:s26+$0xFFFFFFB0] =	vst v7  }
0x170: {  	[tilespmem:s26+$0xFFFFFFC0] =	vst v4  }
0x171: {  	[tilespmem:s26+$0xFFFFFFD0] =	vst v6  }
.Ltmp2:
0x172: {  	[tilespmem:s26+$0xFFFFFFF0] =	vst v3;
	v4 =	vld [tilespmem:s26+$0x40];
	(pc) =	sbr.rel @p1 .LBB2_7-.Ltmp2, $4  }
0x173: {  	[tilespmem:s26+$0xFFFFFFE0] =	vst v9;
	v6 =	vld [tilespmem:s26+$0x60]  }
0x174: {  	v3 =	vld.idx.msk [tilespmem:v5+s13+$0x0], $0xffff  }
0x175: {  	v7 =	vld [tilespmem:s26+$0x0]  }
0x176: {  	v5 =	vld [tilespmem:s26+$0x10]  }
0x177: {  	_ =	sdelay $0x1  }
0x178: {  	v6 =	vmul.f32 v6, v3  }
0x179: {  	v8 =	vld [tilespmem:s4+$0x50];
	v4 =	vmul.f32 v4, v3  }
0x17a: {  	v9 =	vld [tilespmem:s4+$0x70];
	v1 =	vmul.f32 v1, v3;
	[tilespmem:s4+$0x60] =	vst v6  }
0x17b: {  	v6 =	vmul.f32 v7, v3;
	[tilespmem:s4+$0x40] =	vst v4  }
0x17c: {  	s19 =	sadd.s32 $0x3, s22;
	[tilespmem:s4+$0x20] =	vst v1;
	v1 =	vmul.f32 v2, v3  }
0x17d: {  	v5 =	vmul.f32 v5, v3;
	[tilespmem:s4+$0x0] =	vst v6;
	v6 =	vmov s19  }
0x17e: {  	v4 =	vmul.f32 v8, v3;
	[tilespmem:s4+$0x30] =	vst v1  }
0x17f: {  	v3 =	vmul.f32 v9, v3;
	[tilespmem:s4+$0x10] =	vst v5  }
0x180: {  	[tilespmem:s4+$0x50] =	vst v4  }
0x181: {  	v2 =	vld [tilespmem:s4+$0x80];
	[tilespmem:s4+$0x70] =	vst v3  }
0x182: {  	v1 =	vld.idx.msk [tilespmem:v6+s13+$0x0], $0xffff  }
0x183: {  	v3 =	vld [tilespmem:s4+$0xA0]  }
0x184: {  	v4 =	vld [tilespmem:s4+$0xC0]  }
0x185: {  	v5 =	vld [tilespmem:s4+$0xF0]  }
0x186: {  	v6 =	vld [tilespmem:s4+$0xE0]  }
0x187: {  	v7 =	vld [tilespmem:s4+$0x90];
	v2 =	vmul.f32 v2, v1  }
0x188: {  	v8 =	vld [tilespmem:s4+$0xB0];
	v3 =	vmul.f32 v3, v1  }
0x189: {  	v61 =	vld [tilespmem:s4+$0xD0];
	[tilespmem:s4+$0x80] =	vst v2;
	v2 =	vmul.f32 v4, v1  }
0x18a: {  	[tilespmem:s4+$0xA0] =	vst v3;
	v3 =	vmul.f32 v5, v1  }
0x18b: {  	v4 =	vmul.f32 v6, v1;
	[tilespmem:s4+$0xC0] =	vst v2  }
0x18c: {  	v2 =	vmul.f32 v7, v1;
	[tilespmem:s4+$0xF0] =	vst v3  }
0x18d: {  	v3 =	vmul.f32 v8, v1;
	[tilespmem:s4+$0xE0] =	vst v4  }
0x18e: {  	v1 =	vmul.f32 v61, v1;
	[tilespmem:s4+$0x90] =	vst v2  }
0x18f: {  	[tilespmem:s4+$0xB0] =	vst v3  }
0x190: {  	s24 =	simm.s32 $0x13E80;
	[tilespmem:s4+$0xD0] =	vst v1;
	s4 =	sadd.s32 $0x5, s17  }
0x191: {  	[spmem:s2] =	stream.indirect.scatter.add.f32 [tilespmem:s18], [sflag:$0x6], $0x80, s24, s16, $0xb8;
	[tilespmem:$0x1C200] =	vst v63  }
0x192: {  	p1 =	sge.u32 s4, s7  }
0x193: {  	p2 =	sge.u32 s17, s0;
	s4 =	sadd.s32 @!p1 s9, s4  }
0x194: {  	p3 =	seq.s32 @!p2 s15, $0x0;
	s19 =	sshll.u32 @!p1 s4, $0x4  }
0x195: {  	s22 =	simm.s32 @!p1 $0x0;
	s4 =	sshll.u32 @!p1 s4, $0x3;
	s19 =	sand.u32 @!p1 $0x1FFFFFD0, s19  }
0x196: {  	s24 =	simm.s32 @!p1 $0x13C80;
	s4 =	sand.u32 @!p1 $0x1FFFFFE8, s4;
	s19 =	sadd.s32 @!p1 s1, s19  }
0x197: {  	[tilespmem:s24], [sflag:$0xA] =	stream.linear.gather @!p1 [hbm4b:s19+s22], $0x80, $0x38;
	[tilespmem:$0x1C200] =	vst v63  }
0x198: {  	p3 =	por p3, p2;
	s4 =	sadd.s32 @!p1 s6, s4;
	s19 =	simm.s32 @!p1 $0x14080  }
0x199: {  	[tilespmem:s19], [sflag:$0xA] =	stream.linear.gather @!p1 [hbm4b:s4+s22], $0x40, $0x38;
	[tilespmem:$0x1C200] =	vst v63  }
0x19a: {  	s4 =	simm.s32 @!p3 $0x8  }
0x19b: {  	_ =	swait.ge @!p3 [sflag:s4], $0x2000  }
0x19c: {  	[sflag:s4] =	ssyncset.done @!p3 $0x0  }
0x19d: {  	[sflag:s4] =	ssyncadd.s32 @!p3 $0xFFFFE000;
	s4 =	simm.s32 @!p2 $0xC  }
0x19e: {  	_ =	swait.ge @!p2 [sflag:s4], $0x80  }
0x19f: {  	[sflag:s4] =	ssyncset.done @!p2 $0x0  }
0x1a0: {  	[sflag:s4] =	ssyncadd.s32 @!p2 $0xFFFFFF80  }
0x1a1: {  	_ =	swait.ge @!p2 [sflag:s4], $0x40  }
0x1a2: {  	s19 =	simm.s32 @!p2 $0x13D80;
	[sflag:s4] =	ssyncset.done @!p2 $0x0  }
0x1a3: {  	s22 =	simm.s32 @!p2 $0x1A200;
	[sflag:s4] =	ssyncadd.s32 @!p2 $0xFFFFFFC0;
	s4 =	simm.s32 @!p2 $0x40  }
0x1a4: {  	[tilespmem:s22], [sflag:$0x4] =	stream.indirect.gather @!p2 [hbm4b:s5+s4], $0x80, s19, s4, $0xb8;
	[tilespmem:$0x1C200] =	vst v63  }
0x1a5: {  	_ =	swait.ge [sflag:s25], $0x2000  }
0x1a6: {  	[sflag:s25] =	ssyncset.done $0x0  }
0x1a7: {  	[sflag:s25] =	ssyncadd.s32 $0xFFFFE000  }
0x1a8: {  	v1 =	vld [tilespmem:$0x13D40]  }
0x1a9: {  	s22 =	simm.s32 $0x0;
	v2 =	vld [tilespmem:$0x13D50]  }
0x1aa: {  	v4 =	vmov s22;
	v3 =	vld [tilespmem:$0x13D60]  }
0x1ab: {  	v4 =	vand.u32 $0xFFFFFFFC, v4;
	v5 =	vld [tilespmem:$0x13D70]  }
0x1ac: {  	v4 =	vbroadcast v4, $0x0  }
0x1ad: {  	[tilespmem:$0x13F00] =	vst v1  }
0x1ae: {  	[tilespmem:$0x13F10] =	vst v2  }
0x1af: {  	[tilespmem:$0x13F20] =	vst v3  }
0x1b0: {  	s4 =	simm.s32 $0x18300;
	[tilespmem:$0x13F30] =	vst v5  }
0x1b1: {  	v1 =	vld [tilespmem:s4+$0xFFFFFF70]  }
0x1b2: {  	v2 =	vld.idx.msk [tilespmem:v4+s12+$0x0], $0xffff  }
0x1b3: {  	v3 =	vld [tilespmem:s4+$0xFFFFFF00]  }
0x1b4: {  	v4 =	vld [tilespmem:s4+$0xFFFFFF20]  }
0x1b5: {  	v5 =	vld [tilespmem:s4+$0xFFFFFF50]  }
0x1b6: {  	v6 =	vld [tilespmem:s4+$0xFFFFFF40]  }
0x1b7: {  	v7 =	vld [tilespmem:s4+$0xFFFFFF60];
	v1 =	vmul.f32 v1, v2  }
0x1b8: {  	s26 =	simm.s32 $0x1;
	v8 =	vld [tilespmem:s4+$0xFFFFFF30];
	v3 =	vmul.f32 v3, v2  }
0x1b9: {  	v62 =	vld [tilespmem:s4+$0xFFFFFF10];
	v4 =	vmul.f32 v4, v2;
	[tilespmem:s4+$0xFFFFFF70] =	vst v1;
	v1 =	vmov s26  }
0x1ba: {  	v5 =	vmul.f32 v5, v2;
	[tilespmem:s4+$0xFFFFFF00] =	vst v3;
	v1 =	vand.u32 $0xFFFFFFFD, v1  }
0x1bb: {  	v3 =	vmul.f32 v6, v2;
	[tilespmem:s4+$0xFFFFFF20] =	vst v4;
	v1 =	vbroadcast v1, $0x0  }
0x1bc: {  	v4 =	vmul.f32 v7, v2;
	[tilespmem:s4+$0xFFFFFF50] =	vst v5  }
0x1bd: {  	v5 =	vmul.f32 v8, v2;
	[tilespmem:s4+$0xFFFFFF40] =	vst v3  }
0x1be: {  	v2 =	vmul.f32 v62, v2;
	[tilespmem:s4+$0xFFFFFF60] =	vst v4  }
0x1bf: {  	v6 =	vld [tilespmem:s4+$0xFFFFFFC0];
	[tilespmem:s4+$0xFFFFFF30] =	vst v5  }
0x1c0: {  	[tilespmem:s4+$0xFFFFFF10] =	vst v2;
	v2 =	vld [tilespmem:s4+$0xFFFFFF90]  }
0x1c1: {  	v3 =	vld.idx.msk [tilespmem:v1+s12+$0x0], $0xffff  }
0x1c2: {  	v1 =	vld [tilespmem:s4+$0xFFFFFFA0]  }
0x1c3: {  	v4 =	vld [tilespmem:s4+$0xFFFFFF80]  }
0x1c4: {  	v5 =	vld [tilespmem:s4+$0xFFFFFFB0]  }
0x1c5: {  	v7 =	vld [tilespmem:s4+$0xFFFFFFD0]  }
0x1c6: {  	v8 =	vld [tilespmem:s4+$0xFFFFFFF0];
	v2 =	vmul.f32 v2, v3  }
0x1c7: {  	s28 =	simm.s32 $0x2;
	v1 =	vmul.f32 v1, v3  }
0x1c8: {  	v63 =	vld [tilespmem:s4+$0xFFFFFFE0];
	v4 =	vmul.f32 v4, v3;
	[tilespmem:s4+$0xFFFFFF90] =	vst v2;
	v2 =	vmov s28  }
0x1c9: {  	v5 =	vmul.f32 v5, v3;
	[tilespmem:s4+$0xFFFFFFA0] =	vst v1;
	v1 =	vand.u32 $0xFFFFFFFE, v2  }
0x1ca: {  	[tilespmem:s4+$0xFFFFFF80] =	vst v4;
	v4 =	vmul.f32 v7, v3;
	v7 =	vld [tilespmem:s4+$0x0];
	v10 =	vbroadcast v1, $0x0  }
0x1cb: {  	[tilespmem:s4+$0xFFFFFFB0] =	vst v5;
	v5 =	vmul.f32 v8, v3;
	v2 =	vmul.f32 v6, v3;
	v6 =	vld [tilespmem:s4+$0x60]  }
0x1cc: {  	v1 =	vld [tilespmem:s4+$0x20];
	[tilespmem:s4+$0xFFFFFFD0] =	vst v4  }
0x1cd: {  	v3 =	vmul.f32 v63, v3;
	[tilespmem:s4+$0xFFFFFFF0] =	vst v5;
	v4 =	vld [tilespmem:s4+$0x40]  }
0x1ce: {  	v5 =	vld [tilespmem:s4+$0x10];
	[tilespmem:s4+$0xFFFFFFC0] =	vst v2  }
0x1cf: {  	v2 =	vld [tilespmem:s4+$0x30];
	[tilespmem:s4+$0xFFFFFFE0] =	vst v3  }
0x1d0: {  	s24 =	simm.s32 $0x4;
	s26 =	simm.s32 $0x18300;
	v3 =	vld.idx.msk [tilespmem:v10+s12+$0x0], $0xffff  }
.LBB2_9:
0x1d1: {  	p2 =	sne.s32 s24, $0x3C  }
0x1d2: {  	v8 =	vld [tilespmem:s4+$0x50];
	s26 =	sadd.s32 $0x200, s26;
	s19 =	smov.u32 s24;
	s24 =	sadd.s32 $0x4, s24  }
0x1d3: {  	v9 =	vld [tilespmem:s4+$0x70];
	_ =	sdelay $0x1  }
0x1d4: {  	v6 =	vmul.f32 v6, v3;
	v7 =	vmul.f32 v7, v3  }
0x1d5: {  	v4 =	vmul.f32 v4, v3;
	v5 =	vmul.f32 v5, v3  }
0x1d6: {  	v1 =	vmul.f32 v1, v3;
	v2 =	vmul.f32 v2, v3;
	[tilespmem:s4+$0x60] =	vst v6  }
0x1d7: {  	[tilespmem:s4+$0x40] =	vst v4;
	v4 =	vmul.f32 v8, v3;
	v3 =	vmul.f32 v9, v3  }
0x1d8: {  	s28 =	sadd.s32 $0x3, s22;
	s22 =	smov.u32 s19;
	[tilespmem:s4+$0x20] =	vst v1;
	v6 =	vld [tilespmem:s4+$0x80]  }
0x1d9: {  	v1 =	vld [tilespmem:s26+$0x20];
	[tilespmem:s4+$0x0] =	vst v7;
	v7 =	vmov s28  }
0x1da: {  	[tilespmem:s4+$0x50] =	vst v4;
	v4 =	vld [tilespmem:s4+$0xE0]  }
0x1db: {  	[tilespmem:s4+$0x30] =	vst v2;
	v8 =	vld [tilespmem:s4+$0xC0]  }
0x1dc: {  	v2 =	vld [tilespmem:s26+$0x30];
	[tilespmem:s4+$0x10] =	vst v5  }
0x1dd: {  	[tilespmem:s4+$0x70] =	vst v3;
	v3 =	vld [tilespmem:s4+$0xA0]  }
0x1de: {  	v5 =	vld.idx.msk [tilespmem:v7+s12+$0x0], $0xffff  }
0x1df: {  	v7 =	vld [tilespmem:s4+$0x90]  }
0x1e0: {  	v9 =	vld [tilespmem:s4+$0xB0]  }
0x1e1: {  	v10 =	vld [tilespmem:s4+$0xD0]  }
0x1e2: {  	v11 =	vld [tilespmem:s4+$0xF0];
	_ =	sdelay $0x1  }
0x1e3: {  	v6 =	vmul.f32 v6, v5;
	v7 =	vmul.f32 v7, v5  }
0x1e4: {  	v3 =	vmul.f32 v3, v5;
	v9 =	vmul.f32 v9, v5  }
0x1e5: {  	v12 =	vmov s22;
	[tilespmem:s4+$0x80] =	vst v6;
	v6 =	vmul.f32 v8, v5;
	v8 =	vmul.f32 v10, v5  }
0x1e6: {  	v10 =	vand.u32 $0xFFFFFFFC, v12;
	[tilespmem:s4+$0xA0] =	vst v3;
	v3 =	vmul.f32 v4, v5;
	v4 =	vmul.f32 v11, v5  }
0x1e7: {  	v5 =	vbroadcast v10, $0x0;
	[tilespmem:s4+$0xC0] =	vst v6  }
0x1e8: {  	[tilespmem:s4+$0xF0] =	vst v4  }
0x1e9: {  	v4 =	vld [tilespmem:s26+$0xFFFFFF40];
	[tilespmem:s4+$0xE0] =	vst v3  }
0x1ea: {  	v3 =	vld [tilespmem:s26+$0xFFFFFF50];
	[tilespmem:s4+$0x90] =	vst v7  }
0x1eb: {  	v6 =	vld [tilespmem:s26+$0xFFFFFF60];
	[tilespmem:s4+$0xB0] =	vst v9  }
0x1ec: {  	v7 =	vld [tilespmem:s26+$0xFFFFFF70];
	[tilespmem:s4+$0xD0] =	vst v8;
	s4 =	smov.u32 s26  }
0x1ed: {  	v5 =	vld.idx.msk [tilespmem:v5+s12+$0x0], $0xffff  }
0x1ee: {  	v8 =	vld [tilespmem:s26+$0xFFFFFF00]  }
0x1ef: {  	v9 =	vld [tilespmem:s26+$0xFFFFFF20]  }
0x1f0: {  	v10 =	vld [tilespmem:s26+$0xFFFFFF10]  }
0x1f1: {  	v11 =	vld [tilespmem:s26+$0xFFFFFF30];
	_ =	sdelay $0x1  }
0x1f2: {  	v7 =	vmul.f32 v7, v5;
	v8 =	vmul.f32 v8, v5  }
0x1f3: {  	s19 =	sadd.s32 $0x1, s22;
	v6 =	vmul.f32 v6, v5;
	v9 =	vmul.f32 v9, v5  }
0x1f4: {  	v3 =	vmul.f32 v3, v5;
	v10 =	vmul.f32 v10, v5;
	[tilespmem:s26+$0xFFFFFF70] =	vst v7;
	v7 =	vmov s19  }
0x1f5: {  	v4 =	vmul.f32 v4, v5;
	[tilespmem:s26+$0xFFFFFF00] =	vst v8;
	v8 =	vmul.f32 v11, v5;
	v5 =	vand.u32 $0xFFFFFFFD, v7  }
0x1f6: {  	[tilespmem:s26+$0xFFFFFF20] =	vst v9;
	v5 =	vbroadcast v5, $0x0  }
0x1f7: {  	[tilespmem:s26+$0xFFFFFF50] =	vst v3  }
0x1f8: {  	[tilespmem:s26+$0xFFFFFF40] =	vst v4;
	v3 =	vld [tilespmem:s26+$0xFFFFFFF0]  }
0x1f9: {  	[tilespmem:s26+$0xFFFFFF60] =	vst v6;
	v4 =	vld [tilespmem:s26+$0xFFFFFFC0]  }
0x1fa: {  	[tilespmem:s26+$0xFFFFFF30] =	vst v8;
	v6 =	vld [tilespmem:s26+$0xFFFFFFD0]  }
0x1fb: {  	[tilespmem:s26+$0xFFFFFF10] =	vst v10;
	v7 =	vld [tilespmem:s26+$0xFFFFFF90]  }
0x1fc: {  	v5 =	vld.idx.msk [tilespmem:v5+s12+$0x0], $0xffff  }
0x1fd: {  	v8 =	vld [tilespmem:s26+$0xFFFFFF80]  }
0x1fe: {  	v9 =	vld [tilespmem:s26+$0xFFFFFFA0]  }
0x1ff: {  	v10 =	vld [tilespmem:s26+$0xFFFFFFB0]  }
0x200: {  	v11 =	vld [tilespmem:s26+$0xFFFFFFE0];
	_ =	sdelay $0x1  }
0x201: {  	v7 =	vmul.f32 v7, v5;
	v8 =	vmul.f32 v8, v5  }
0x202: {  	s19 =	sadd.s32 $0x2, s22;
	v6 =	vmul.f32 v6, v5;
	v9 =	vmul.f32 v9, v5  }
0x203: {  	v4 =	vmul.f32 v4, v5;
	[tilespmem:s26+$0xFFFFFF90] =	vst v7;
	v7 =	vmul.f32 v10, v5;
	v10 =	vmov s19  }
0x204: {  	v3 =	vmul.f32 v3, v5;
	[tilespmem:s26+$0xFFFFFFA0] =	vst v9;
	v9 =	vmul.f32 v11, v5;
	v5 =	vand.u32 $0xFFFFFFFE, v10  }
0x205: {  	[tilespmem:s26+$0xFFFFFF80] =	vst v8;
	v5 =	vbroadcast v5, $0x0  }
0x206: {  	[tilespmem:s26+$0xFFFFFFB0] =	vst v7  }
0x207: {  	[tilespmem:s26+$0xFFFFFFC0] =	vst v4  }
0x208: {  	[tilespmem:s26+$0xFFFFFFD0] =	vst v6  }
.Ltmp3:
0x209: {  	[tilespmem:s26+$0xFFFFFFF0] =	vst v3;
	v4 =	vld [tilespmem:s26+$0x40];
	(pc) =	sbr.rel @p2 .LBB2_9-.Ltmp3, $4  }
0x20a: {  	[tilespmem:s26+$0xFFFFFFE0] =	vst v9;
	v6 =	vld [tilespmem:s26+$0x60]  }
0x20b: {  	v3 =	vld.idx.msk [tilespmem:v5+s12+$0x0], $0xffff  }
0x20c: {  	v7 =	vld [tilespmem:s26+$0x0]  }
0x20d: {  	v5 =	vld [tilespmem:s26+$0x10]  }
0x20e: {  	_ =	sdelay $0x1  }
0x20f: {  	v6 =	vmul.f32 v6, v3  }
0x210: {  	v8 =	vld [tilespmem:s4+$0x50];
	v4 =	vmul.f32 v4, v3  }
0x211: {  	v9 =	vld [tilespmem:s4+$0x70];
	v1 =	vmul.f32 v1, v3;
	[tilespmem:s4+$0x60] =	vst v6  }
0x212: {  	v6 =	vmul.f32 v7, v3;
	[tilespmem:s4+$0x40] =	vst v4  }
0x213: {  	s19 =	sadd.s32 $0x3, s22;
	[tilespmem:s4+$0x20] =	vst v1;
	v1 =	vmul.f32 v2, v3  }
0x214: {  	v5 =	vmul.f32 v5, v3;
	[tilespmem:s4+$0x0] =	vst v6;
	v6 =	vmov s19  }
0x215: {  	v4 =	vmul.f32 v8, v3;
	[tilespmem:s4+$0x30] =	vst v1  }
0x216: {  	v3 =	vmul.f32 v9, v3;
	[tilespmem:s4+$0x10] =	vst v5  }
0x217: {  	[tilespmem:s4+$0x50] =	vst v4  }
0x218: {  	v2 =	vld [tilespmem:s4+$0x80];
	[tilespmem:s4+$0x70] =	vst v3  }
0x219: {  	v1 =	vld.idx.msk [tilespmem:v6+s12+$0x0], $0xffff  }
0x21a: {  	v3 =	vld [tilespmem:s4+$0xA0]  }
0x21b: {  	v4 =	vld [tilespmem:s4+$0xC0]  }
0x21c: {  	v5 =	vld [tilespmem:s4+$0xF0]  }
0x21d: {  	v6 =	vld [tilespmem:s4+$0xE0]  }
0x21e: {  	v7 =	vld [tilespmem:s4+$0x90];
	v2 =	vmul.f32 v2, v1  }
0x21f: {  	v8 =	vld [tilespmem:s4+$0xB0];
	v3 =	vmul.f32 v3, v1  }
0x220: {  	v61 =	vld [tilespmem:s4+$0xD0];
	[tilespmem:s4+$0x80] =	vst v2;
	v2 =	vmul.f32 v4, v1  }
0x221: {  	[tilespmem:s4+$0xA0] =	vst v3;
	v3 =	vmul.f32 v5, v1  }
0x222: {  	v4 =	vmul.f32 v6, v1;
	[tilespmem:s4+$0xC0] =	vst v2  }
0x223: {  	v2 =	vmul.f32 v7, v1;
	[tilespmem:s4+$0xF0] =	vst v3  }
0x224: {  	v3 =	vmul.f32 v8, v1;
	[tilespmem:s4+$0xE0] =	vst v4  }
0x225: {  	v1 =	vmul.f32 v61, v1;
	[tilespmem:s4+$0x90] =	vst v2  }
0x226: {  	[tilespmem:s4+$0xB0] =	vst v3  }
0x227: {  	s22 =	simm.s32 $0x13F00;
	s24 =	simm.s32 $0x18200;
	[tilespmem:s4+$0xD0] =	vst v1;
	s4 =	sadd.s32 $0x6, s17  }
0x228: {  	[spmem:s2] =	stream.indirect.scatter.add.f32 [tilespmem:s24], [sflag:$0x7], $0x80, s22, s16, $0xb8;
	[tilespmem:$0x1C200] =	vst v63  }
0x229: {  	p2 =	sge.u32 s4, s7  }
0x22a: {  	s4 =	sadd.s32 @!p2 s9, s4  }
0x22b: {  	s19 =	sshll.u32 @!p2 s4, $0x4  }
0x22c: {  	s22 =	simm.s32 @!p2 $0x0;
	s4 =	sshll.u32 @!p2 s4, $0x3;
	s19 =	sand.u32 @!p2 $0x1FFFFFE0, s19  }
0x22d: {  	s24 =	simm.s32 @!p2 $0x13D00;
	s4 =	sand.u32 @!p2 $0x1FFFFFF0, s4;
	s19 =	sadd.s32 @!p2 s1, s19  }
0x22e: {  	[tilespmem:s24], [sflag:$0xB] =	stream.linear.gather @!p2 [hbm4b:s19+s22], $0x80, $0x38;
	[tilespmem:$0x1C200] =	vst v63  }
0x22f: {  	s4 =	sadd.s32 @!p2 s6, s4;
	s19 =	simm.s32 @!p2 $0x14100  }
0x230: {  	[tilespmem:s19], [sflag:$0xB] =	stream.linear.gather @!p2 [hbm4b:s4+s22], $0x40, $0x38;
	[tilespmem:$0x1C200] =	vst v63  }
0x231: {  	s4 =	simm.s32 @!p0 $0x5  }
0x232: {  	_ =	swait.ge @!p0 [sflag:s4], $0x2000  }
0x233: {  	[sflag:s4] =	ssyncset.done @!p0 $0x0  }
0x234: {  	[sflag:s4] =	ssyncadd.s32 @!p0 $0xFFFFE000;
	s4 =	simm.s32 @!p0 $0x9  }
0x235: {  	_ =	swait.ge @!p0 [sflag:s4], $0x80  }
0x236: {  	[sflag:s4] =	ssyncset.done @!p0 $0x0  }
0x237: {  	[sflag:s4] =	ssyncadd.s32 @!p0 $0xFFFFFF80  }
0x238: {  	_ =	swait.ge @!p0 [sflag:s4], $0x40  }
0x239: {  	s19 =	simm.s32 @!p0 $0x13C00;
	[sflag:s4] =	ssyncset.done @!p0 $0x0  }
0x23a: {  	s22 =	simm.s32 @!p0 $0x14200;
	[sflag:s4] =	ssyncadd.s32 @!p0 $0xFFFFFFC0;
	s4 =	simm.s32 @!p0 $0x40  }
0x23b: {  	[tilespmem:s22], [sflag:$0x1] =	stream.indirect.gather @!p0 [hbm4b:s5+s4], $0x80, s19, s4, $0xb8;
	[tilespmem:$0x1C200] =	vst v63  }
0x23c: {  	_ =	swait.ge [sflag:s29], $0x2000  }
0x23d: {  	[sflag:s29] =	ssyncset.done $0x0  }
0x23e: {  	[sflag:s29] =	ssyncadd.s32 $0xFFFFE000  }
0x23f: {  	v1 =	vld [tilespmem:$0x13DC0]  }
0x240: {  	s22 =	simm.s32 $0x0;
	v2 =	vld [tilespmem:$0x13DD0]  }
0x241: {  	v4 =	vmov s22;
	v3 =	vld [tilespmem:$0x13DE0]  }
0x242: {  	v4 =	vand.u32 $0xFFFFFFFC, v4;
	v5 =	vld [tilespmem:$0x13DF0]  }
0x243: {  	v4 =	vbroadcast v4, $0x0  }
0x244: {  	[tilespmem:$0x13F80] =	vst v1  }
0x245: {  	[tilespmem:$0x13F90] =	vst v2  }
0x246: {  	[tilespmem:$0x13FA0] =	vst v3  }
0x247: {  	s4 =	simm.s32 $0x1A300;
	[tilespmem:$0x13FB0] =	vst v5  }
0x248: {  	v1 =	vld [tilespmem:s4+$0xFFFFFF70]  }
0x249: {  	v2 =	vld.idx.msk [tilespmem:v4+s14+$0x0], $0xffff  }
0x24a: {  	v3 =	vld [tilespmem:s4+$0xFFFFFF00]  }
0x24b: {  	v4 =	vld [tilespmem:s4+$0xFFFFFF20]  }
0x24c: {  	v5 =	vld [tilespmem:s4+$0xFFFFFF50]  }
0x24d: {  	v6 =	vld [tilespmem:s4+$0xFFFFFF40]  }
0x24e: {  	v7 =	vld [tilespmem:s4+$0xFFFFFF60];
	v1 =	vmul.f32 v1, v2  }
0x24f: {  	s26 =	simm.s32 $0x1;
	v8 =	vld [tilespmem:s4+$0xFFFFFF30];
	v3 =	vmul.f32 v3, v2  }
0x250: {  	v62 =	vld [tilespmem:s4+$0xFFFFFF10];
	v4 =	vmul.f32 v4, v2;
	[tilespmem:s4+$0xFFFFFF70] =	vst v1;
	v1 =	vmov s26  }
0x251: {  	v5 =	vmul.f32 v5, v2;
	[tilespmem:s4+$0xFFFFFF00] =	vst v3;
	v1 =	vand.u32 $0xFFFFFFFD, v1  }
0x252: {  	v3 =	vmul.f32 v6, v2;
	[tilespmem:s4+$0xFFFFFF20] =	vst v4;
	v1 =	vbroadcast v1, $0x0  }
0x253: {  	v4 =	vmul.f32 v7, v2;
	[tilespmem:s4+$0xFFFFFF50] =	vst v5  }
0x254: {  	v5 =	vmul.f32 v8, v2;
	[tilespmem:s4+$0xFFFFFF40] =	vst v3  }
0x255: {  	v2 =	vmul.f32 v62, v2;
	[tilespmem:s4+$0xFFFFFF60] =	vst v4  }
0x256: {  	v6 =	vld [tilespmem:s4+$0xFFFFFFC0];
	[tilespmem:s4+$0xFFFFFF30] =	vst v5  }
0x257: {  	[tilespmem:s4+$0xFFFFFF10] =	vst v2;
	v2 =	vld [tilespmem:s4+$0xFFFFFF90]  }
0x258: {  	v3 =	vld.idx.msk [tilespmem:v1+s14+$0x0], $0xffff  }
0x259: {  	v1 =	vld [tilespmem:s4+$0xFFFFFFA0]  }
0x25a: {  	v4 =	vld [tilespmem:s4+$0xFFFFFF80]  }
0x25b: {  	v5 =	vld [tilespmem:s4+$0xFFFFFFB0]  }
0x25c: {  	v7 =	vld [tilespmem:s4+$0xFFFFFFD0]  }
0x25d: {  	v8 =	vld [tilespmem:s4+$0xFFFFFFF0];
	v2 =	vmul.f32 v2, v3  }
0x25e: {  	s28 =	simm.s32 $0x2;
	v1 =	vmul.f32 v1, v3  }
0x25f: {  	v63 =	vld [tilespmem:s4+$0xFFFFFFE0];
	v4 =	vmul.f32 v4, v3;
	[tilespmem:s4+$0xFFFFFF90] =	vst v2;
	v2 =	vmov s28  }
0x260: {  	v5 =	vmul.f32 v5, v3;
	[tilespmem:s4+$0xFFFFFFA0] =	vst v1;
	v1 =	vand.u32 $0xFFFFFFFE, v2  }
0x261: {  	[tilespmem:s4+$0xFFFFFF80] =	vst v4;
	v4 =	vmul.f32 v7, v3;
	v7 =	vld [tilespmem:s4+$0x0];
	v10 =	vbroadcast v1, $0x0  }
0x262: {  	[tilespmem:s4+$0xFFFFFFB0] =	vst v5;
	v5 =	vmul.f32 v8, v3;
	v2 =	vmul.f32 v6, v3;
	v6 =	vld [tilespmem:s4+$0x60]  }
0x263: {  	v1 =	vld [tilespmem:s4+$0x20];
	[tilespmem:s4+$0xFFFFFFD0] =	vst v4  }
0x264: {  	v3 =	vmul.f32 v63, v3;
	[tilespmem:s4+$0xFFFFFFF0] =	vst v5;
	v4 =	vld [tilespmem:s4+$0x40]  }
0x265: {  	v5 =	vld [tilespmem:s4+$0x10];
	[tilespmem:s4+$0xFFFFFFC0] =	vst v2  }
0x266: {  	v2 =	vld [tilespmem:s4+$0x30];
	[tilespmem:s4+$0xFFFFFFE0] =	vst v3  }
0x267: {  	s24 =	simm.s32 $0x4;
	s26 =	simm.s32 $0x1A300;
	v3 =	vld.idx.msk [tilespmem:v10+s14+$0x0], $0xffff  }
.LBB2_11:
0x268: {  	p0 =	sne.s32 s24, $0x3C  }
0x269: {  	v8 =	vld [tilespmem:s4+$0x50];
	s26 =	sadd.s32 $0x200, s26;
	s19 =	smov.u32 s24;
	s24 =	sadd.s32 $0x4, s24  }
0x26a: {  	v9 =	vld [tilespmem:s4+$0x70];
	_ =	sdelay $0x1  }
0x26b: {  	v6 =	vmul.f32 v6, v3;
	v7 =	vmul.f32 v7, v3  }
0x26c: {  	v4 =	vmul.f32 v4, v3;
	v5 =	vmul.f32 v5, v3  }
0x26d: {  	v1 =	vmul.f32 v1, v3;
	v2 =	vmul.f32 v2, v3;
	[tilespmem:s4+$0x60] =	vst v6  }
0x26e: {  	[tilespmem:s4+$0x40] =	vst v4;
	v4 =	vmul.f32 v8, v3;
	v3 =	vmul.f32 v9, v3  }
0x26f: {  	s28 =	sadd.s32 $0x3, s22;
	s22 =	smov.u32 s19;
	[tilespmem:s4+$0x20] =	vst v1;
	v6 =	vld [tilespmem:s4+$0x80]  }
0x270: {  	v1 =	vld [tilespmem:s26+$0x20];
	[tilespmem:s4+$0x0] =	vst v7;
	v7 =	vmov s28  }
0x271: {  	[tilespmem:s4+$0x50] =	vst v4;
	v4 =	vld [tilespmem:s4+$0xE0]  }
0x272: {  	[tilespmem:s4+$0x30] =	vst v2;
	v8 =	vld [tilespmem:s4+$0xC0]  }
0x273: {  	v2 =	vld [tilespmem:s26+$0x30];
	[tilespmem:s4+$0x10] =	vst v5  }
0x274: {  	[tilespmem:s4+$0x70] =	vst v3;
	v3 =	vld [tilespmem:s4+$0xA0]  }
0x275: {  	v5 =	vld.idx.msk [tilespmem:v7+s14+$0x0], $0xffff  }
0x276: {  	v7 =	vld [tilespmem:s4+$0x90]  }
0x277: {  	v9 =	vld [tilespmem:s4+$0xB0]  }
0x278: {  	v10 =	vld [tilespmem:s4+$0xD0]  }
0x279: {  	v11 =	vld [tilespmem:s4+$0xF0];
	_ =	sdelay $0x1  }
0x27a: {  	v6 =	vmul.f32 v6, v5;
	v7 =	vmul.f32 v7, v5  }
0x27b: {  	v3 =	vmul.f32 v3, v5;
	v9 =	vmul.f32 v9, v5  }
0x27c: {  	v12 =	vmov s22;
	[tilespmem:s4+$0x80] =	vst v6;
	v6 =	vmul.f32 v8, v5;
	v8 =	vmul.f32 v10, v5  }
0x27d: {  	v10 =	vand.u32 $0xFFFFFFFC, v12;
	[tilespmem:s4+$0xA0] =	vst v3;
	v3 =	vmul.f32 v4, v5;
	v4 =	vmul.f32 v11, v5  }
0x27e: {  	v5 =	vbroadcast v10, $0x0;
	[tilespmem:s4+$0xC0] =	vst v6  }
0x27f: {  	[tilespmem:s4+$0xF0] =	vst v4  }
0x280: {  	v4 =	vld [tilespmem:s26+$0xFFFFFF40];
	[tilespmem:s4+$0xE0] =	vst v3  }
0x281: {  	v3 =	vld [tilespmem:s26+$0xFFFFFF50];
	[tilespmem:s4+$0x90] =	vst v7  }
0x282: {  	v6 =	vld [tilespmem:s26+$0xFFFFFF60];
	[tilespmem:s4+$0xB0] =	vst v9  }
0x283: {  	v7 =	vld [tilespmem:s26+$0xFFFFFF70];
	[tilespmem:s4+$0xD0] =	vst v8;
	s4 =	smov.u32 s26  }
0x284: {  	v5 =	vld.idx.msk [tilespmem:v5+s14+$0x0], $0xffff  }
0x285: {  	v8 =	vld [tilespmem:s26+$0xFFFFFF00]  }
0x286: {  	v9 =	vld [tilespmem:s26+$0xFFFFFF20]  }
0x287: {  	v10 =	vld [tilespmem:s26+$0xFFFFFF10]  }
0x288: {  	v11 =	vld [tilespmem:s26+$0xFFFFFF30];
	_ =	sdelay $0x1  }
0x289: {  	v7 =	vmul.f32 v7, v5;
	v8 =	vmul.f32 v8, v5  }
0x28a: {  	s19 =	sadd.s32 $0x1, s22;
	v6 =	vmul.f32 v6, v5;
	v9 =	vmul.f32 v9, v5  }
0x28b: {  	v3 =	vmul.f32 v3, v5;
	v10 =	vmul.f32 v10, v5;
	[tilespmem:s26+$0xFFFFFF70] =	vst v7;
	v7 =	vmov s19  }
0x28c: {  	v4 =	vmul.f32 v4, v5;
	[tilespmem:s26+$0xFFFFFF00] =	vst v8;
	v8 =	vmul.f32 v11, v5;
	v5 =	vand.u32 $0xFFFFFFFD, v7  }
0x28d: {  	[tilespmem:s26+$0xFFFFFF20] =	vst v9;
	v5 =	vbroadcast v5, $0x0  }
0x28e: {  	[tilespmem:s26+$0xFFFFFF50] =	vst v3  }
0x28f: {  	[tilespmem:s26+$0xFFFFFF40] =	vst v4;
	v3 =	vld [tilespmem:s26+$0xFFFFFFF0]  }
0x290: {  	[tilespmem:s26+$0xFFFFFF60] =	vst v6;
	v4 =	vld [tilespmem:s26+$0xFFFFFFC0]  }
0x291: {  	[tilespmem:s26+$0xFFFFFF30] =	vst v8;
	v6 =	vld [tilespmem:s26+$0xFFFFFFD0]  }
0x292: {  	[tilespmem:s26+$0xFFFFFF10] =	vst v10;
	v7 =	vld [tilespmem:s26+$0xFFFFFF90]  }
0x293: {  	v5 =	vld.idx.msk [tilespmem:v5+s14+$0x0], $0xffff  }
0x294: {  	v8 =	vld [tilespmem:s26+$0xFFFFFF80]  }
0x295: {  	v9 =	vld [tilespmem:s26+$0xFFFFFFA0]  }
0x296: {  	v10 =	vld [tilespmem:s26+$0xFFFFFFB0]  }
0x297: {  	v11 =	vld [tilespmem:s26+$0xFFFFFFE0];
	_ =	sdelay $0x1  }
0x298: {  	v7 =	vmul.f32 v7, v5;
	v8 =	vmul.f32 v8, v5  }
0x299: {  	s19 =	sadd.s32 $0x2, s22;
	v6 =	vmul.f32 v6, v5;
	v9 =	vmul.f32 v9, v5  }
0x29a: {  	v4 =	vmul.f32 v4, v5;
	[tilespmem:s26+$0xFFFFFF90] =	vst v7;
	v7 =	vmul.f32 v10, v5;
	v10 =	vmov s19  }
0x29b: {  	v3 =	vmul.f32 v3, v5;
	[tilespmem:s26+$0xFFFFFFA0] =	vst v9;
	v9 =	vmul.f32 v11, v5;
	v5 =	vand.u32 $0xFFFFFFFE, v10  }
0x29c: {  	[tilespmem:s26+$0xFFFFFF80] =	vst v8;
	v5 =	vbroadcast v5, $0x0  }
0x29d: {  	[tilespmem:s26+$0xFFFFFFB0] =	vst v7  }
0x29e: {  	[tilespmem:s26+$0xFFFFFFC0] =	vst v4  }
0x29f: {  	[tilespmem:s26+$0xFFFFFFD0] =	vst v6  }
.Ltmp4:
0x2a0: {  	[tilespmem:s26+$0xFFFFFFF0] =	vst v3;
	v4 =	vld [tilespmem:s26+$0x40];
	(pc) =	sbr.rel @p0 .LBB2_11-.Ltmp4, $4  }
0x2a1: {  	[tilespmem:s26+$0xFFFFFFE0] =	vst v9;
	v6 =	vld [tilespmem:s26+$0x60]  }
0x2a2: {  	v3 =	vld.idx.msk [tilespmem:v5+s14+$0x0], $0xffff  }
0x2a3: {  	v7 =	vld [tilespmem:s26+$0x0]  }
0x2a4: {  	v5 =	vld [tilespmem:s26+$0x10]  }
0x2a5: {  	_ =	sdelay $0x1  }
0x2a6: {  	v6 =	vmul.f32 v6, v3  }
0x2a7: {  	v8 =	vld [tilespmem:s4+$0x50];
	v4 =	vmul.f32 v4, v3  }
0x2a8: {  	v9 =	vld [tilespmem:s4+$0x70];
	v1 =	vmul.f32 v1, v3;
	[tilespmem:s4+$0x60] =	vst v6  }
0x2a9: {  	v54 =	vmul.f32 v7, v3;
	[tilespmem:s4+$0x40] =	vst v4  }
0x2aa: {  	s19 =	sadd.s32 $0x3, s22;
	[tilespmem:s4+$0x20] =	vst v1;
	v1 =	vmul.f32 v2, v3  }
0x2ab: {  	v56 =	vmov s19;
	v5 =	vmul.f32 v5, v3;
	[tilespmem:s4+$0x0] =	vst v54  }
0x2ac: {  	v55 =	vmul.f32 v8, v3;
	[tilespmem:s4+$0x30] =	vst v1  }
0x2ad: {  	v3 =	vmul.f32 v9, v3;
	[tilespmem:s4+$0x10] =	vst v5  }
0x2ae: {  	[tilespmem:s4+$0x50] =	vst v55  }
0x2af: {  	v2 =	vld [tilespmem:s4+$0x80];
	[tilespmem:s4+$0x70] =	vst v3  }
0x2b0: {  	v1 =	vld.idx.msk [tilespmem:v56+s14+$0x0], $0xffff  }
0x2b1: {  	v3 =	vld [tilespmem:s4+$0xA0]  }
0x2b2: {  	v59 =	vld [tilespmem:s4+$0xE0]  }
0x2b3: {  	v57 =	vld [tilespmem:s4+$0xC0]  }
0x2b4: {  	v58 =	vld [tilespmem:s4+$0xF0]  }
0x2b5: {  	v60 =	vld [tilespmem:s4+$0x90];
	v2 =	vmul.f32 v2, v1  }
0x2b6: {  	v61 =	vld [tilespmem:s4+$0xB0];
	v3 =	vmul.f32 v3, v1  }
0x2b7: {  	v62 =	vld [tilespmem:s4+$0xD0];
	v63 =	vmul.f32 v59, v1;
	[tilespmem:s4+$0x80] =	vst v2  }
0x2b8: {  	v2 =	vmul.f32 v57, v1;
	[tilespmem:s4+$0xA0] =	vst v3  }
0x2b9: {  	v3 =	vmul.f32 v58, v1;
	[tilespmem:s4+$0xE0] =	vst v63  }
0x2ba: {  	[tilespmem:s4+$0xC0] =	vst v2;
	v2 =	vmul.f32 v60, v1  }
0x2bb: {  	[tilespmem:s4+$0xF0] =	vst v3;
	v3 =	vmul.f32 v61, v1  }
0x2bc: {  	v1 =	vmul.f32 v62, v1;
	[tilespmem:s4+$0x90] =	vst v2  }
0x2bd: {  	[tilespmem:s4+$0xB0] =	vst v3  }
0x2be: {  	s28 =	simm.s32 $0x13F80;
	[tilespmem:s4+$0xD0] =	vst v1;
	s4 =	sadd.s32 $0x7, s17  }
0x2bf: {  	[spmem:s2] =	stream.indirect.scatter.add.f32 [tilespmem:s20], [sflag:$0x8], $0x80, s28, s16, $0xb8;
	[tilespmem:$0x1C200] =	vst v63  }
0x2c0: {  	p0 =	sge.u32 s4, s7  }
0x2c1: {  	s4 =	sadd.s32 @!p0 s9, s4  }
0x2c2: {  	s17 =	sshll.u32 @!p0 s4, $0x4  }
0x2c3: {  	s19 =	simm.s32 @!p0 $0x0;
	s4 =	sshll.u32 @!p0 s4, $0x3;
	s17 =	sand.u32 @!p0 $0x1FFFFFF0, s17  }
0x2c4: {  	s22 =	simm.s32 @!p0 $0x13D80;
	s4 =	sand.u32 @!p0 $0x1FFFFFF8, s4;
	s17 =	sadd.s32 @!p0 s1, s17  }
0x2c5: {  	[tilespmem:s22], [sflag:$0xC] =	stream.linear.gather @!p0 [hbm4b:s17+s19], $0x80, $0x38;
	[tilespmem:$0x1C200] =	vst v63  }
0x2c6: {  	s4 =	sadd.s32 @!p0 s6, s4;
	s17 =	simm.s32 @!p0 $0x14180  }
0x2c7: {  	[tilespmem:s17], [sflag:$0xC] =	stream.linear.gather @!p0 [hbm4b:s4+s19], $0x40, $0x38;
	[tilespmem:$0x1C200] =	vst v63  }
0x2c8: {  	s4 =	simm.s32 @!p1 $0x6  }
0x2c9: {  	_ =	swait.ge @!p1 [sflag:s4], $0x2000  }
0x2ca: {  	[sflag:s4] =	ssyncset.done @!p1 $0x0  }
0x2cb: {  	[sflag:s4] =	ssyncadd.s32 @!p1 $0xFFFFE000;
	s4 =	simm.s32 @!p1 $0xA  }
0x2cc: {  	s15 =	sadd.s32 $0x1, s15;
	_ =	swait.ge @!p1 [sflag:s4], $0x80  }
0x2cd: {  	p0 =	sne.s32 s15, s30;
	[sflag:s4] =	ssyncset.done @!p1 $0x0  }
.Ltmp5:
0x2ce: {  	[sflag:s4] =	ssyncadd.s32 @!p1 $0xFFFFFF80;
	(pc) =	sbr.rel @p0 .LBB2_4-.Ltmp5, $4  }
0x2cf: {  	_ =	swait.ge @!p1 [sflag:s4], $0x40  }
0x2d0: {  	s17 =	simm.s32 @!p1 $0x13C80;
	[sflag:s4] =	ssyncset.done @!p1 $0x0  }
0x2d1: {  	s19 =	simm.s32 @!p1 $0x16200;
	[sflag:s4] =	ssyncadd.s32 @!p1 $0xFFFFFFC0;
	s4 =	simm.s32 @!p1 $0x40  }
0x2d2: {  	[tilespmem:s19], [sflag:$0x2] =	stream.indirect.gather @!p1 [hbm4b:s5+s4], $0x80, s17, s4, $0xb8;
	[tilespmem:$0x1C200] =	vst v63  }
0x2d3: {  	s4 =	simm.s32 $0x5  }
0x2d4: {  	_ =	swait.ge [sflag:s4], $0x2000  }
0x2d5: {  	[sflag:s4] =	ssyncset.done $0x0  }
0x2d6: {  	s17 =	simm.s32 $0x6;
	[sflag:s4] =	ssyncadd.s32 $0xFFFFE000  }
0x2d7: {  	_ =	swait.ge [sflag:s17], $0x2000  }
0x2d8: {  	[sflag:s17] =	ssyncset.done $0x0  }
0x2d9: {  	s19 =	simm.s32 $0x7;
	[sflag:s17] =	ssyncadd.s32 $0xFFFFE000  }
0x2da: {  	_ =	swait.ge [sflag:s19], $0x2000  }
0x2db: {  	[sflag:s19] =	ssyncset.done $0x0  }
0x2dc: {  	s22 =	simm.s32 $0x8;
	[sflag:s19] =	ssyncadd.s32 $0xFFFFE000  }
0x2dd: {  	_ =	swait.ge [sflag:s22], $0x2000  }
0x2de: {  	[sflag:s22] =	ssyncset.done $0x0  }
0x2df: {  	[sflag:s22] =	ssyncadd.s32 $0xFFFFE000  }
0x2e0: {  	s24 =	stileid.u32;
	[bflag:$0x0] =	sbarrier.arrive $0xFFFF  }
0x2e1: {  	s4 =	sshll.u32 s24, $0x6;
	s17 =	rddreg [dreg:$0x5]  }
0x2e2: {  	s4 =	sor.u32 $0x1C0D, s4;
	s15 =	rddreg [dreg:$0x14];
	s8 =	sshrl.u32 s17, $0x3  }
0x2e3: {  	[hbm:s15], [sflag:s4] =	dma.local [spmem:s8], $0x2780  }
0x2e4: {  	_ =	swait.ge [sflag:s10], $0x2780  }
0x2e5: {  	s26 =	rddreg [dreg:$0x4]  }
0x2e6: {  	s28 =	rddreg [dreg:$0x15];
	s15 =	sadd.s32 $0x1, s26  }
0x2e7: {  	p0 =	sne.s32 s15, s28  }
.Ltmp6:
0x2e8: {  	_ = 	snop;
	(pc) =	sbr.rel @p0 .LBB2_1-.Ltmp6, $3  }
0x2e9: {  	_ =	sdelay $0x1  }
0x2ea: {  	[sflag:s10] =	ssyncset.done $0x0  }
0x2eb: {  	[sflag:s10] =	ssyncadd.s32 $0xFFFFD880  }
0x2ec: {  	_ =	sfence.sel $0x180000  }
0x2ed: {  	[bflag:$0x0] =	sbarrier.arrive $0xFFFF  }
0x2ee: {  	_ =	strace $0x9000004A  }
0x2ef: {  	s0 =	stileid.u32;
	[bflag:$0x2] =	sbarrier.arrive $0xFFFF  }
0x2f0: {  	p0 =	sne.s32 s0, $0x0;
	s0 =	rddreg [dreg:$0x3]  }
0x2f1: {  	s0 =	sadd.s32 @!p0 $0x100000, s0  }
0x2f2: {  	[sflag:s0] =	ssyncadd.tile.s32 @!p0 $0x1;
	_ =	shalt  }
.Lfunc_end2:
_tile_overlayer_lowered:
.L_overlay_start_2:
0x2f3: {  	(tag) =	ssettag $0x2  }
0x2f4: {  	s0 =	rddreg [dreg:$0x0];
	s2 =	stileid.u32  }
0x2f5: {  	s1 =	rddreg [dreg:$0x1];
	p0 =	sne.s32 s2, $0x0  }
0x2f6: {  	s3 =	rddreg [dreg:$0x2];
	[bflag:$0x3] =	sbarrier.arrive $0xFFFF;
	s2 =	simm.s32 @!p0 $0x1C0D  }
0x2f7: {  	[timem:s3], [sflag:s2] =	dma.local @!p0 [hbm:s0], s1  }
0x2f8: {  	s0 =	simm.s32 @!p0 $0xD  }
0x2f9: {  	_ =	swait.ge @!p0 [sflag:s0], s1  }
0x2fa: {  	s1 =	ssub.s32 @!p0 $0x0, s1;
	[sflag:s0] =	ssyncset.done @!p0 $0x0  }
0x2fb: {  	[sflag:s0] =	ssyncadd.s32 @!p0 s1  }
0x2fc: {  	[bflag:$0x3] =	sbarrier.arrive $0xFFFF  }
0x2fd: {  	_ =	shalt  }

// kernel: kernel.7.cloned.1.call-start
scs
__scs_entry_jumppad:
0x0: {  	(pc) =	sbr.rel $0x88, $3  }
0x1: {  	(tag) =	ssettag $0x0;
	lr =	simm.s32 $0x1  }
0x2: {  	[smem:$0x3F9B] =	sst lr;
	_ =	strace $0xD0000000  }
0x3: {  	_ = 	snop  }
0x4: {  	_ = 	snop  }
0x5: {  	_ = 	snop  }
0x6: {  	_ = 	snop  }
0x7: {  	_ = 	snop  }
__scs_overlays_trampoline_lowered:
0x8: {  	[smem:$0x3FAA] =	sst s0  }
0x9: {  	[smem:$0x3FAB] =	sst s1  }
0xa: {  	[smem:$0x3FAC] =	sst s2  }
0xb: {  	[smem:$0x3FAD] =	sst s3  }
0xc: {  	[smem:$0x3FAE] =	sst s4  }
0xd: {  	[smem:$0x3FAF] =	sst s5  }
0xe: {  	[smem:$0x3FB0] =	sst s6  }
0xf: {  	[smem:$0x3FB1] =	sst s7  }
0x10: {  	[smem:$0x3FB2] =	sst s8  }
0x11: {  	[smem:$0x3FB3] =	sst s9;
	s0 =	simm.s32 @!p0 $0x0  }
0x12: {  	s1 =	sld [smem:$0x3F99];
	s0 =	simm.s32 @p0 $0x1  }
0x13: {  	[smem:$0x3FB4] =	sst s0;
	s0 =	simm.s32 @!p1 $0x0  }
0x14: {  	s2 =	sld [smem:$0x3F98];
	s0 =	simm.s32 @p1 $0x1  }
0x15: {  	[smem:$0x3FB5] =	sst s0;
	s0 =	simm.s32 @!p2 $0x0  }
0x16: {  	s3 =	sld [smem:$0x3FDB];
	s0 =	simm.s32 @p2 $0x1  }
0x17: {  	s4 =	simm.s32 $0x1BF5;
	[smem:$0x3FB7] =	sst s0  }
0x18: {  	s0 =	sld [smem:$0x3F9A];
	_ =	swait.ge [sflag:s4], $0x0  }
0x19: {  	s7 =	sld [smem:$0x3F9B]  }
0x1a: {  	s8 =	sadd.s32 $0xFFFFE003, lr  }
0x1b: {  	s9 =	sadd.s32 $0xFFFFFEF7, lr;
	s5 =	simm.s32 $0xFFFFFFFF;
	p2 =	slt.u32 s8, $0xFFFFF086  }
0x1c: {  	p1 =	slt.u32 s9, $0xF7A;
	s5 =	simm.s32 @!p2 $0x0  }
0x1d: {  	s5 =	simm.s32 @p1 $0x1;
	p0 =	seq.s32 s7, s2  }
0x1e: {  	s7 =	smul.u32 @!p0 $0xF7A, s2;
	p2 =	seq.s32 @!p0 s5, $0x0  }
0x1f: {  	s9 =	smul.u32 $0xF7A, s1;
	s8 =	simm.s32 @!p0 $0x1BF5;
	p2 =	por !p2, p0  }
0x20: {  	[sflag:s8] =	ssyncset.s32 @!p0 $0xFFFFF086;
	s6 =	sadd.s32 @!p0 s3, s7;
	s7 =	simm.s32 @!p0 $0x108  }
0x21: {  	s3 =	sadd.s32 s3, s9;
	s6 =	sadd.s32 @!p0 $0x88, s6;
	s7 =	simm.s32 @p2 $0x1082  }
0x22: {  	[simem:s7], [sflag:s8] =	dma.local @!p0 [hbm:s6], $0xF7A  }
0x23: {  	s9 =	sor.u32 $0xD0000000, s2;
	s6 =	simm.s32 $0x108;
	_ =	swait.ge @!p0 [sflag:s8], $0x0  }
0x24: {  	s3 =	sadd.s32 $0x88, s3;
	s6 =	simm.s32 @!p1 $0x1082;
	[sflag:s4] =	ssyncset.s32 $0xFFFFF086  }
0x25: {  	[simem:s6], [sflag:s4] =	dma.local [hbm:s3], $0xF7A  }
0x26: {  	[smem:$0x3F9B] =	sst s1;
	(tag) =	ssettag s2;
	_ =	strace s9  }
0x27: {  	s1 =	sld [smem:$0x3FAB]  }
0x28: {  	s2 =	sld [smem:$0x3FAC]  }
0x29: {  	s4 =	sld [smem:$0x3FAE]  }
0x2a: {  	p0 =	seq.s32 s5, $0x0;
	s5 =	sld [smem:$0x3FAF]  }
0x2b: {  	s6 =	sld [smem:$0x3FB0]  }
0x2c: {  	s7 =	sld [smem:$0x3FB1]  }
0x2d: {  	s3 =	simm.s32 $0x108;
	s8 =	sld [smem:$0x3FB2]  }
0x2e: {  	s3 =	simm.s32 @!p0 $0x1082;
	s9 =	sld [smem:$0x3FB3]  }
0x2f: {  	lr =	sadd.s32 s0, s3;
	s0 =	sld [smem:$0x3FAA]  }
0x30: {  	s3 =	sld [smem:$0x3FAD]  }
0x31: {  	[smem:$0x3FB6] =	sst s10  }
0x32: {  	s10 =	sld [smem:$0x3FB4];
	_ =	sdelay $0x3  }
0x33: {  	p0 =	seq.s32 s10, $0x1;
	s10 =	sld [smem:$0x3FB6];
	_ =	sdelay $0x3  }
0x34: {  	[smem:$0x3FB6] =	sst s10  }
0x35: {  	s10 =	sld [smem:$0x3FB5];
	_ =	sdelay $0x3  }
0x36: {  	p1 =	seq.s32 s10, $0x1;
	s10 =	sld [smem:$0x3FB6];
	_ =	sdelay $0x3  }
0x37: {  	[smem:$0x3FB6] =	sst s10  }
0x38: {  	s10 =	sld [smem:$0x3FB7]  }
0x39: {  	_ = 	snop;
	(pc) =	sbr.ind lr, $3  }
0x3a: {  	_ = 	snop  }
0x3b: {  	_ = 	snop  }
0x3c: {  	p2 =	seq.s32 s10, $0x1;
	s10 =	sld [smem:$0x3FB6]  }
0x3d: {  	_ =	shalt  }
0x3e: {  	_ =	shalt  }
0x3f: {  	_ =	shalt  }
0x40: {  	_ =	shalt  }
0x41: {  	_ =	shalt  }
0x42: {  	_ =	shalt  }
0x43: {  	_ =	shalt  }
0x44: {  	_ =	shalt  }
0x45: {  	_ =	shalt  }
0x46: {  	_ =	shalt  }
0x47: {  	_ =	shalt  }
0x48: {  	_ =	shalt  }
0x49: {  	_ =	shalt  }
0x4a: {  	_ =	shalt  }
0x4b: {  	_ =	shalt  }
0x4c: {  	_ =	shalt  }
0x4d: {  	_ =	shalt  }
0x4e: {  	_ =	shalt  }
0x4f: {  	_ =	shalt  }
0x50: {  	_ =	shalt  }
0x51: {  	_ =	shalt  }
0x52: {  	_ =	shalt  }
0x53: {  	_ =	shalt  }
0x54: {  	_ =	shalt  }
0x55: {  	_ =	shalt  }
0x56: {  	_ =	shalt  }
0x57: {  	_ =	shalt  }
0x58: {  	_ =	shalt  }
0x59: {  	_ =	shalt  }
0x5a: {  	_ =	shalt  }
0x5b: {  	_ =	shalt  }
0x5c: {  	_ =	shalt  }
0x5d: {  	_ =	shalt  }
0x5e: {  	_ =	shalt  }
0x5f: {  	_ =	shalt  }
0x60: {  	_ =	shalt  }
0x61: {  	_ =	shalt  }
0x62: {  	_ =	shalt  }
0x63: {  	_ =	shalt  }
0x64: {  	_ =	shalt  }
0x65: {  	_ =	shalt  }
0x66: {  	_ =	shalt  }
0x67: {  	_ =	shalt  }
0x68: {  	_ =	shalt  }
0x69: {  	_ =	shalt  }
0x6a: {  	_ =	shalt  }
0x6b: {  	_ =	shalt  }
0x6c: {  	_ =	shalt  }
0x6d: {  	_ =	shalt  }
0x6e: {  	_ =	shalt  }
0x6f: {  	_ =	shalt  }
0x70: {  	_ =	shalt  }
0x71: {  	_ =	shalt  }
0x72: {  	_ =	shalt  }
0x73: {  	_ =	shalt  }
0x74: {  	_ =	shalt  }
0x75: {  	_ =	shalt  }
0x76: {  	_ =	shalt  }
0x77: {  	_ =	shalt  }
0x78: {  	_ =	shalt  }
0x79: {  	_ =	shalt  }
0x7a: {  	_ =	shalt  }
0x7b: {  	_ =	shalt  }
0x7c: {  	_ =	shalt  }
0x7d: {  	_ =	shalt  }
0x7e: {  	_ =	shalt  }
0x7f: {  	_ =	shalt  }
0x80: {  	_ =	shalt  }
0x81: {  	_ =	shalt  }
0x82: {  	_ =	shalt  }
0x83: {  	_ =	shalt  }
0x84: {  	_ =	shalt  }
0x85: {  	_ =	shalt  }
0x86: {  	_ =	shalt  }
0x87: {  	_ =	shalt  }
.Lfunc_end0:
.L_simem_size_0:
called_computation_lowered:
.L_overlay_start_0:
0x88: {  	s2 =	sld [smem:$0x3FD9]  }
0x89: {  	s3 =	sld [smem:$0x3FFE];
	_ =	sdelay $0x1  }
0x8a: {  	s1 =	srdreg.scid  }
0x8b: {  	s0 =	sand.u32 $0x1, s1  }
0x8c: {  	s17 =	sshll.u32 s0, $0xA;
	s2 =	sadd.s32 s3, s2  }
0x8d: {  	s2 =	sadd.s32 s2, s17  }
0x8e: {  	[smem:$0x3FC2] =	sst s2  }
0x8f: {  	_ = 	snop  }
0x90: {  	s2 =	sld [smem:$0x3FD0];
	(tm) =	ssettm $0x1  }
0x91: {  	s18 =	sld [smem:$0x3FFB];
	_ =	sdelay $0x3  }
0x92: {  	_ =	strace s18  }
0x93: {  	s3 =	sld [smem:$0x3FFC];
	_ =	sdelay $0x3  }
0x94: {  	_ =	strace s3  }
0x95: {  	s3 =	sld [smem:$0x3FFD];
	_ =	sdelay $0x3  }
0x96: {  	_ =	strace s3  }
0x97: {  	_ =	strace $0x8FFFFFFF  }
0x98: {  	s19 =	sld [smem:$0x3FDB];
	_ =	sdelay $0x1  }
0x99: {  	s4 =	simm.s32 $_scs_section_size  }
0x9a: {  	s5 =	simm.s32 $_size__tile_overlayer_lowered;
	s6 =	simm.s32 $_tile_overlayer_lowered  }
0x9b: {  	s22 =	simm.s32 $0x1BFF;
	s21 =	sshll.u32 s6, $0x1;
	s3 =	sadd.s32 s4, s19  }
0x9c: {  	s7 =	simm.s32 $0x0;
	s20 =	sshll.u32 s5, $0x1;
	s5 =	sadd.s32 s21, s3  }
0x9d: {  	[timem:s7], [sflag:s22] =	dma.local [hbm:s5], s20  }
0x9e: {  	_ =	swait.ge [sflag:s22], s20  }
0x9f: {  	s4 =	ssub.s32 $0x0, s20;
	[sflag:s22] =	ssyncset.done $0x0  }
0xa0: {  	[sflag:s22] =	ssyncadd.s32 s4;
	_ =	sdelay $0x1  }
0xa1: {  	s23 =	simm.s32 $0x1B8B  }
0xa2: {  	_ =	swait.ge [sflag:s23], $0x1  }
0xa3: {  	[sflag:s23] =	ssyncset.done $0x0  }
0xa4: {  	s25 =	simm.s32 $0x1B8E;
	s24 =	sld [smem:$0x3FFE];
	[sflag:s23] =	ssyncadd.s32 $0xFFFFFFFF  }
0xa5: {  	s26 =	simm.s32 $execute0_lowered;
	[smem:$0x3FD2] =	sst s25  }
0xa6: {  	s5 =	sshll.u32 s26, $0x1;
	_ =	strace $0x80000046;
	[dreg:$0x1] =	wrdreg $0xFFFFFFFF  }
0xa7: {  	s28 =	simm.s32 $_size_execute0_lowered;
	s3 =	sadd.s32 s3, s5;
	[dreg:$0x0] =	wrdreg $0x0  }
0xa8: {  	s5 =	sshll.u32 s28, $0x1;
	[dreg:$0x2] =	wrdreg s3  }
0xa9: {  	[dreg:$0x3] =	wrdreg s5  }
0xaa: {  	[dreg:$0x4] =	wrdreg $0xC0  }
0xab: {  	_ =	task [dreg:s7], $0x5FFFF  }
0xac: {  	[dreg:$0x1] =	wrdreg $0xFFFFFFFF  }
0xad: {  	[dreg:$0x0] =	wrdreg $0x60  }
0xae: {  	[dreg:$0x2] =	wrdreg s2  }
0xaf: {  	[dreg:$0x3] =	wrdreg s24  }
0xb0: {  	[dreg:$0x4] =	wrdreg $0x9  }
0xb1: {  	_ =	task.clear_ibuf [dreg:s7], $0x5FFFF;
	_ =	strace $0x90000046  }
0xb2: {  	s29 =	simm.s32 $0x9;
	_ =	strace $0x80000048  }
0xb3: {  	_ =	swait.ge [sflag:s29], $0x1  }
0xb4: {  	[sflag:s29] =	ssyncadd.s32 $0xFFFFFFFF  }
0xb5: {  	_ =	strace $0x90000048  }
0xb6: {  	_ =	sfence  }
0xb7: {  	s30 =	sld [smem:$0x0];
	_ =	sdelay $0x2  }
0xb8: {  	s31 =	sshll.u32 s1, $0xD;
	s1 =	sshrl.u32 s1, $0x2  }
0xb9: {  	s3 =	sand.u32 $0x4000, s31;
	s1 =	sadd.s32 s1, s30  }
0xba: {  	s0 =	sor.u32 s3, s0;
	s1 =	sshll.u32 s1, $0x11  }
0xbb: {  	s0 =	sor.u32 s1, s0  }
0xbc: {  	s0 =	sadd.s32 $0x8F2B, s0  }
0xbd: {  	[sflag:s0] =	ssyncadd.remote.s32 $0x1  }
0xbe: {  	_ =	sfence.sel $0xFFFF  }
0xbf: {  	[dreg:$0x0] =	wrdreg $0xFFFFFFFF;
	(pc) =	sbr.abs _section_cstart, $3  }
0xc0: {  	[dreg:$0x1] =	wrdreg $0xFFFFFFFF  }
0xc1: {  	_ =	task.clear_ibuf [dreg:s7], $0x2FFFF;
	_ =	strace $0x9FFFFFFF  }
0xc2: {  	(tm) =	ssettm $0x7FFFFFFF  }
0xc3: {  	_ =	shalt  }
tec
execute0_lowered:
.L_overlay_start_1:
0x0: {  	(tag) =	ssettag $0x1  }
0x1: {  	s0 =	srdreg.scid;
	s12 =	rddreg [dreg:$0x0]  }
0x2: {  	s6 =	rddreg [dreg:$0x1];
	s2 =	simm.s32 $0x0;
	s16 =	simm.s32 $0x7700  }
0x3: {  	s17 =	simm.s32 $0x1;
	s18 =	simm.s32 $0x4F00;
	s19 =	simm.s32 $0x7780  }
0x4: {  	s20 =	simm.s32 $0x2;
	s21 =	simm.s32 $0x4;
	s22 =	simm.s32 $0x7800  }
0x5: {  	s23 =	simm.s32 $0x3;
	s24 =	simm.s32 $0x80;
	s5 =	sand.u32 $0x1, s0  }
0x6: {  	s25 =	simm.s32 $0x400;
	s0 =	stileid.u32;
	s26 =	smul.u32 $0x28000, s5  }
0x7: {  	[smem:$0x7FF] =	sst s2;
	s10 =	sadd.s32 $0xCC00, s6;
	s11 =	smul.u32 $0x2800, s0  }
0x8: {  	s1 =	sshll.u32 s5, $0x4;
	s4 =	sshll.u32 s0, $0x7;
	s14 =	smul.u32 $0x50000, s5  }
0x9: {  	s28 =	ssub.s32 $0x2, s5;
	s29 =	smul.u32 $0x5000, s0;
	s7 =	sor.u32 s0, s1  }
0xa: {  	s1 =	rddreg [dreg:$0x2];
	_ =	strace $0x80000047;
	s9 =	sand.u32 $0x380, s4  }
0xb: {  	s4 =	sadd.s32 $0x2800, s6;
	s13 =	sshrl.u32 s28, $0x1;
	s3 =	sshrl.u32 s7, $0x3  }
0xc: {  	s7 =	smul.u32 $0x5000, s7;
	s11 =	sadd.s32 s11, s26;
	s13 =	ssub.s32 s28, s13  }
0xd: {  	s14 =	sadd.s32 s29, s14;
	s26 =	simm.s32 $0x0;
	s8 =	smul.u32 $0x13C00, s3  }
0xe: {  	s3 =	sadd.s32 $0x2200, s6;
	s15 =	sor.u32 $0x40, s11;
	s30 =	sor.u32 $0x180, s14  }
0xf: {  	s11 =	sshrl.u32 s11, $0x3;
	s14 =	sor.u32 $0x100, s14;
	s7 =	sshrl.u32 s7, $0x3  }
0x10: {  	s15 =	sshrl.u32 s15, $0x3;
	s31 =	sshrl.u32 s14, $0x3;
	s14 =	simm.s32 $0x2780  }
.Ltmp0:
0x11: {  	s8 =	sor.u32 s9, s8;
	s5 =	sadd.s32 s12, s7;
	(pc) =	sbr.rel .LBB2_1-.Ltmp0, $4  }
0x12: {  	s9 =	sadd.s32 s15, s10;
	s10 =	sadd.s32 s11, s10;
	s8 =	sshrl.u32 s8, $0x3  }
0x13: {  	s15 =	simm.s32 $0x7680;
	s8 =	sadd.s32 s8, s6;
	s6 =	sadd.s32 $0x10, s5  }
0x14: {  	v0 =	vimm.f32 $1.000000000e+00;
	s7 =	sadd.s32 $0x2E00, s8;
	s8 =	smax.u32 s13, $0x1;
	s13 =	sshrl.u32 s30, $0x3  }
0x15: {  	v1 =	vimm.f32 $0.0e+00;
	v2 =	vand.u32 $0x7FFFFFFF, v0;
	s11 =	sadd.s32 s13, s12;
	s12 =	sadd.s32 s31, s12;
	s13 =	simm.s32 $0x5  }
.LBB2_10:
0x16: {  	_ =	swait.ge [sflag:s23], $0x40  }
0x17: {  	[sflag:s23] =	ssyncset.done $0x0  }
0x18: {  	[sflag:s23] =	ssyncadd.s32 $0xFFFFFFC0  }
0x19: {  	s26 =	sadd.s32 $0x1, s26;
	_ =	swait.ge [sflag:s21], $0x40  }
0x1a: {  	p0 =	sne.s32 s26, s8;
	[sflag:s21] =	ssyncset.done $0x0  }
.Ltmp1:
0x1b: {  	[sflag:s21] =	ssyncadd.s32 $0xFFFFFFC0;
	(pc) =	sbr.rel @!p0 .LBB2_11-.Ltmp1, $4  }
0x1c: {  	[hbm4b:s7+s24] =	stream.strided.scatter [tilespmem:s18], [sflag:$0x5], $0x2780, s25, s24, $0x38;
	[tilespmem:$0x7880] =	vst v63  }
0x1d: {  	_ =	swait.ge [sflag:s13], $0x2780  }
0x1e: {  	[sflag:s13] =	ssyncset.done $0x0  }
0x1f: {  	[sflag:s13] =	ssyncadd.s32 $0xFFFFD880  }
.LBB2_1:
0x20: {  	[tilespmem:s2], [sflag:$0x5] =	stream.linear.gather [hbm4b:s3+s2], $0x2780, $0x38;
	[tilespmem:$0x7880] =	vst v63  }
0x21: {  	_ =	swait.ge [sflag:s13], $0x2780  }
0x22: {  	[sflag:s13] =	ssyncset.done $0x0  }
0x23: {  	[sflag:s13] =	ssyncadd.s32 $0xFFFFD880  }
0x24: {  	[tilespmem:s14], [sflag:$0x5] =	stream.linear.gather [hbm4b:s4+s2], $0x2780, $0x38;
	[tilespmem:$0x7880] =	vst v63  }
0x25: {  	_ =	swait.ge [sflag:s13], $0x2780  }
0x26: {  	[sflag:s13] =	ssyncset.done $0x0  }
0x27: {  	s28 =	simm.s32 $0x40;
	s29 =	simm.s32 $0x0;
	[sflag:s13] =	ssyncadd.s32 $0xFFFFD880  }
.LBB2_2:
0x28: {  	p0 =	sne.s32 s28, $0x9DC0;
	[tilespmem:s29+$0x4F00] =	vst v1;
	s29 =	smov.u32 s28;
	s28 =	sadd.s32 $0x40, s28  }
.Ltmp2:
0x29: {  	(pc) =	sbr.rel @p0 .LBB2_2-.Ltmp2, $2  }
0x2a: {  	_ =	sdelay $0x2  }
0x2b: {  	s29 =	sshra.s32 s29, $0x2  }
0x2c: {  	[tilespmem:s29+$0x4F00] =	vst v1;
	s28 =	simm.s32 $0x0  }
0x2d: {  	[tilespmem:s15], [sflag:$0x1] =	stream.linear.gather [hbm4b:s5+s28], $0x80, $0x38;
	[tilespmem:$0x7880] =	vst v63  }
0x2e: {  	s29 =	smov.u32 s12;
	s30 =	smov.u32 s11  }
0x2f: {  	[tilespmem:s16], [sflag:$0x2] =	stream.linear.gather [hbm4b:s6+s28], $0x80, $0x38;
	[tilespmem:$0x7880] =	vst v63  }
.LBB2_4:
0x30: {  	_ =	swait.ge [sflag:s17], $0x80  }
0x31: {  	p0 =	seq.s32 s28, $0x0;
	[sflag:s17] =	ssyncset.done $0x0  }
0x32: {  	s31 =	simm.s32 @!p0 $0x3;
	[sflag:s17] =	ssyncadd.s32 $0xFFFFFF80  }
0x33: {  	_ =	swait.ge @!p0 [sflag:s31], $0x40  }
0x34: {  	[sflag:s31] =	ssyncset.done @!p0 $0x0  }
0x35: {  	[sflag:s31] =	ssyncadd.s32 @!p0 $0xFFFFFFC0  }
0x36: {  	v3 =	vld [tilespmem:$0x7680]  }
0x37: {  	v4 =	vld [tilespmem:$0x76C0];
	_ =	sdelay $0x6  }
0x38: {  	v3 =	vld.idx.msk [tilespmem:v3+s2+$0x0], $0xffff  }
0x39: {  	v5 =	vld.idx.msk [tilespmem:v4+s14+$0x0], $0xffff;
	_ =	sdelay $0x4  }
0x3a: {  	v3 =	vadd.f32 v5, v3;
	_ =	sdelay $0x1  }
0x3b: {  	v5 =	vand.u32 $0x7FFFFFFF, v3  }
0x3c: {  	v5 =	vadd.f32 v5, v5;
	_ =	sdelay $0x1  }
0x3d: {  	v5 =	vmul.f32 $1.442695020e+00, v5;
	_ =	sdelay $0x1  }
0x3e: {  	(erf) = vpow2.f32 v5;
	_ =	sdelay $0x8  }
0x3f: {  	v5 =	vpop (erf)  }
0x40: {  	v5 =	vadd.f32 $1.000000000e+00, v5;
	_ =	sdelay $0x1  }
0x41: {  	(erf) = vrcp.f32 v5;
	_ =	sdelay $0x8  }
0x42: {  	v5 =	vpop (erf)  }
0x43: {  	v5 =	vadd.f32 v5, v5  }
0x44: {  	v6 =	vand.u32 $0x80000000, v3;
	vm0 =	vlt.f32 v3, $0.0e+00;
	vm1 =	vgt.f32 v3, $0.0e+00  }
0x45: {  	v6 =	vor.u32 v6, v2;
	vm0 =	vmor vm1, vm0;
	v5 =	vsub.f32 $1.000000000e+00, v5  }
0x46: {  	v3 =	vsel vm0, v6, v3  }
0x47: {  	v3 =	vmul.f32 v5, v3;
	_ =	sdelay $0x1  }
0x48: {  	[tilespmem:$0x7780] =	vst v3  }
0x49: {  	[tilespmem:v4+s18+$0x0] =	vst.idx.add.f32.msk $0xffff, v0  }
0x4a: {  	v3 =	vld [tilespmem:$0x7690]  }
0x4b: {  	v4 =	vld [tilespmem:$0x76D0];
	_ =	sdelay $0x6  }
0x4c: {  	v3 =	vld.idx.msk [tilespmem:v3+s2+$0x0], $0xffff  }
0x4d: {  	v58 =	vld.idx.msk [tilespmem:v4+s14+$0x0], $0xffff;
	_ =	sdelay $0x4  }
0x4e: {  	v3 =	vadd.f32 v58, v3;
	_ =	sdelay $0x1  }
0x4f: {  	v5 =	vand.u32 $0x7FFFFFFF, v3  }
0x50: {  	v5 =	vadd.f32 v5, v5;
	_ =	sdelay $0x1  }
0x51: {  	v5 =	vmul.f32 $1.442695020e+00, v5;
	_ =	sdelay $0x1  }
0x52: {  	(erf) = vpow2.f32 v5;
	_ =	sdelay $0x8  }
0x53: {  	v5 =	vpop (erf)  }
0x54: {  	v5 =	vadd.f32 $1.000000000e+00, v5;
	_ =	sdelay $0x1  }
0x55: {  	(erf) = vrcp.f32 v5;
	_ =	sdelay $0x8  }
0x56: {  	v5 =	vpop (erf)  }
0x57: {  	v5 =	vadd.f32 v5, v5  }
0x58: {  	v59 =	vand.u32 $0x80000000, v3;
	vm10 =	vlt.f32 v3, $0.0e+00;
	vm11 =	vgt.f32 v3, $0.0e+00  }
0x59: {  	v6 =	vor.u32 v59, v2;
	vm0 =	vmor vm11, vm10;
	v5 =	vsub.f32 $1.000000000e+00, v5  }
0x5a: {  	v3 =	vsel vm0, v6, v3  }
0x5b: {  	v3 =	vmul.f32 v5, v3;
	_ =	sdelay $0x1  }
0x5c: {  	[tilespmem:$0x7790] =	vst v3  }
0x5d: {  	[tilespmem:v4+s18+$0x0] =	vst.idx.add.f32.msk $0xffff, v0  }
0x5e: {  	v3 =	vld [tilespmem:$0x76A0]  }
0x5f: {  	v4 =	vld [tilespmem:$0x76E0];
	_ =	sdelay $0x6  }
0x60: {  	v3 =	vld.idx.msk [tilespmem:v3+s2+$0x0], $0xffff  }
0x61: {  	v60 =	vld.idx.msk [tilespmem:v4+s14+$0x0], $0xffff;
	_ =	sdelay $0x4  }
0x62: {  	v3 =	vadd.f32 v60, v3;
	_ =	sdelay $0x1  }
0x63: {  	v5 =	vand.u32 $0x7FFFFFFF, v3  }
0x64: {  	v5 =	vadd.f32 v5, v5;
	_ =	sdelay $0x1  }
0x65: {  	v5 =	vmul.f32 $1.442695020e+00, v5;
	_ =	sdelay $0x1  }
0x66: {  	(erf) = vpow2.f32 v5;
	_ =	sdelay $0x8  }
0x67: {  	v5 =	vpop (erf)  }
0x68: {  	v5 =	vadd.f32 $1.000000000e+00, v5;
	_ =	sdelay $0x1  }
0x69: {  	(erf) = vrcp.f32 v5;
	_ =	sdelay $0x8  }
0x6a: {  	v5 =	vpop (erf)  }
0x6b: {  	v5 =	vadd.f32 v5, v5  }
0x6c: {  	v61 =	vand.u32 $0x80000000, v3;
	vm12 =	vlt.f32 v3, $0.0e+00;
	vm13 =	vgt.f32 v3, $0.0e+00  }
0x6d: {  	v6 =	vor.u32 v61, v2;
	vm0 =	vmor vm13, vm12;
	v5 =	vsub.f32 $1.000000000e+00, v5  }
0x6e: {  	v3 =	vsel vm0, v6, v3  }
0x6f: {  	v3 =	vmul.f32 v5, v3;
	_ =	sdelay $0x1  }
0x70: {  	[tilespmem:$0x77A0] =	vst v3  }
0x71: {  	[tilespmem:v4+s18+$0x0] =	vst.idx.add.f32.msk $0xffff, v0  }
0x72: {  	v3 =	vld [tilespmem:$0x76B0]  }
0x73: {  	v4 =	vld [tilespmem:$0x76F0];
	_ =	sdelay $0x6  }
0x74: {  	v3 =	vld.idx.msk [tilespmem:v3+s2+$0x0], $0xffff  }
0x75: {  	v62 =	vld.idx.msk [tilespmem:v4+s14+$0x0], $0xffff;
	_ =	sdelay $0x4  }
0x76: {  	v3 =	vadd.f32 v62, v3;
	_ =	sdelay $0x1  }
0x77: {  	v5 =	vand.u32 $0x7FFFFFFF, v3  }
0x78: {  	v5 =	vadd.f32 v5, v5;
	_ =	sdelay $0x1  }
0x79: {  	v5 =	vmul.f32 $1.442695020e+00, v5;
	_ =	sdelay $0x1  }
0x7a: {  	(erf) = vpow2.f32 v5;
	_ =	sdelay $0x8  }
0x7b: {  	v5 =	vpop (erf)  }
0x7c: {  	v5 =	vadd.f32 $1.000000000e+00, v5;
	_ =	sdelay $0x1  }
0x7d: {  	(erf) = vrcp.f32 v5;
	_ =	sdelay $0x8  }
0x7e: {  	v5 =	vpop (erf)  }
0x7f: {  	v5 =	vadd.f32 v5, v5  }
0x80: {  	v63 =	vand.u32 $0x80000000, v3;
	vm14 =	vlt.f32 v3, $0.0e+00;
	vm15 =	vgt.f32 v3, $0.0e+00  }
0x81: {  	v6 =	vor.u32 v63, v2;
	vm0 =	vmor vm15, vm14;
	v5 =	vsub.f32 $1.000000000e+00, v5  }
0x82: {  	p1 =	sne.s32 s28, $0x4F0;
	v3 =	vsel vm0, v6, v3  }
.Ltmp3:
0x83: {  	v3 =	vmul.f32 v5, v3;
	(pc) =	sbr.rel @p1 .LBB2_6-.Ltmp3, $4  }
0x84: {  	_ = 	snop  }
0x85: {  	[tilespmem:$0x77B0] =	vst v3  }
0x86: {  	s31 =	sadd.s32 s28, s10;
	[tilespmem:v4+s18+$0x0] =	vst.idx.add.f32.msk $0xffff, v0  }
0x87: {  	[hbm4b:s31+s2] =	stream.linear.scatter [tilespmem:s19], [sflag:$0x3], $0x40, $0x38;
	[tilespmem:$0x7880] =	vst v63  }
.Ltmp4:
0x88: {  	(pc) =	sbr.rel .LBB2_7-.Ltmp4, $4  }
0x89: {  	_ = 	snop  }
0x8a: {  	_ =	swait.ge [sflag:s20], $0x80  }
0x8b: {  	[sflag:s20] =	ssyncset.done $0x0  }
0x8c: {  	[sflag:s20] =	ssyncadd.s32 $0xFFFFFF80  }
.LBB2_6:
.Ltmp5:
0x8d: {  	(pc) =	sbr.rel @p0 .LBB2_8-.Ltmp5, $4  }
0x8e: {  	[tilespmem:s15], [sflag:$0x1] =	stream.linear.gather [hbm4b:s29+s2], $0x80, $0x38;
	[tilespmem:$0x7880] =	vst v63  }
0x8f: {  	_ =	swait.ge [sflag:s20], $0x80  }
0x90: {  	[sflag:s20] =	ssyncset.done $0x0  }
0x91: {  	[sflag:s20] =	ssyncadd.s32 $0xFFFFFF80  }
.LBB2_7:
0x92: {  	_ =	swait.ge [sflag:s21], $0x40  }
0x93: {  	[sflag:s21] =	ssyncset.done $0x0  }
0x94: {  	[sflag:s21] =	ssyncadd.s32 $0xFFFFFFC0  }
.LBB2_8:
0x95: {  	v3 =	vld [tilespmem:$0x7700]  }
0x96: {  	v4 =	vld [tilespmem:$0x7740];
	_ =	sdelay $0x6  }
0x97: {  	v3 =	vld.idx.msk [tilespmem:v3+s2+$0x0], $0xffff  }
0x98: {  	v5 =	vld.idx.msk [tilespmem:v4+s14+$0x0], $0xffff;
	_ =	sdelay $0x4  }
0x99: {  	v3 =	vadd.f32 v5, v3;
	_ =	sdelay $0x1  }
0x9a: {  	v5 =	vand.u32 $0x7FFFFFFF, v3  }
0x9b: {  	v5 =	vadd.f32 v5, v5;
	_ =	sdelay $0x1  }
0x9c: {  	v5 =	vmul.f32 $1.442695020e+00, v5;
	_ =	sdelay $0x1  }
0x9d: {  	(erf) = vpow2.f32 v5;
	_ =	sdelay $0x8  }
0x9e: {  	v5 =	vpop (erf)  }
0x9f: {  	v5 =	vadd.f32 $1.000000000e+00, v5;
	_ =	sdelay $0x1  }
0xa0: {  	(erf) = vrcp.f32 v5;
	_ =	sdelay $0x8  }
0xa1: {  	v5 =	vpop (erf)  }
0xa2: {  	v5 =	vadd.f32 v5, v5  }
0xa3: {  	v6 =	vand.u32 $0x80000000, v3;
	vm0 =	vlt.f32 v3, $0.0e+00;
	vm1 =	vgt.f32 v3, $0.0e+00  }
0xa4: {  	v6 =	vor.u32 v6, v2;
	vm0 =	vmor vm1, vm0;
	v5 =	vsub.f32 $1.000000000e+00, v5  }
0xa5: {  	v3 =	vsel vm0, v6, v3  }
0xa6: {  	v3 =	vmul.f32 v5, v3;
	_ =	sdelay $0x1  }
0xa7: {  	[tilespmem:$0x7800] =	vst v3  }
0xa8: {  	[tilespmem:v4+s18+$0x0] =	vst.idx.add.f32.msk $0xffff, v0  }
0xa9: {  	v3 =	vld [tilespmem:$0x7710]  }
0xaa: {  	v4 =	vld [tilespmem:$0x7750];
	_ =	sdelay $0x6  }
0xab: {  	v3 =	vld.idx.msk [tilespmem:v3+s2+$0x0], $0xffff  }
0xac: {  	v58 =	vld.idx.msk [tilespmem:v4+s14+$0x0], $0xffff;
	_ =	sdelay $0x4  }
0xad: {  	v3 =	vadd.f32 v58, v3;
	_ =	sdelay $0x1  }
0xae: {  	v5 =	vand.u32 $0x7FFFFFFF, v3  }
0xaf: {  	v5 =	vadd.f32 v5, v5;
	_ =	sdelay $0x1  }
0xb0: {  	v5 =	vmul.f32 $1.442695020e+00, v5;
	_ =	sdelay $0x1  }
0xb1: {  	(erf) = vpow2.f32 v5;
	_ =	sdelay $0x8  }
0xb2: {  	v5 =	vpop (erf)  }
0xb3: {  	v5 =	vadd.f32 $1.000000000e+00, v5;
	_ =	sdelay $0x1  }
0xb4: {  	(erf) = vrcp.f32 v5;
	_ =	sdelay $0x8  }
0xb5: {  	v5 =	vpop (erf)  }
0xb6: {  	v5 =	vadd.f32 v5, v5  }
0xb7: {  	v59 =	vand.u32 $0x80000000, v3;
	vm10 =	vlt.f32 v3, $0.0e+00;
	vm11 =	vgt.f32 v3, $0.0e+00  }
0xb8: {  	v6 =	vor.u32 v59, v2;
	vm0 =	vmor vm11, vm10;
	v5 =	vsub.f32 $1.000000000e+00, v5  }
0xb9: {  	v3 =	vsel vm0, v6, v3  }
0xba: {  	v3 =	vmul.f32 v5, v3;
	_ =	sdelay $0x1  }
0xbb: {  	[tilespmem:$0x7810] =	vst v3  }
0xbc: {  	[tilespmem:v4+s18+$0x0] =	vst.idx.add.f32.msk $0xffff, v0  }
0xbd: {  	v3 =	vld [tilespmem:$0x7720]  }
0xbe: {  	v4 =	vld [tilespmem:$0x7760];
	_ =	sdelay $0x6  }
0xbf: {  	v3 =	vld.idx.msk [tilespmem:v3+s2+$0x0], $0xffff  }
0xc0: {  	v60 =	vld.idx.msk [tilespmem:v4+s14+$0x0], $0xffff;
	_ =	sdelay $0x4  }
0xc1: {  	v3 =	vadd.f32 v60, v3;
	_ =	sdelay $0x1  }
0xc2: {  	v5 =	vand.u32 $0x7FFFFFFF, v3  }
0xc3: {  	v5 =	vadd.f32 v5, v5;
	_ =	sdelay $0x1  }
0xc4: {  	v5 =	vmul.f32 $1.442695020e+00, v5;
	_ =	sdelay $0x1  }
0xc5: {  	(erf) = vpow2.f32 v5;
	_ =	sdelay $0x8  }
0xc6: {  	v5 =	vpop (erf)  }
0xc7: {  	v5 =	vadd.f32 $1.000000000e+00, v5;
	_ =	sdelay $0x1  }
0xc8: {  	(erf) = vrcp.f32 v5;
	_ =	sdelay $0x8  }
0xc9: {  	v5 =	vpop (erf)  }
0xca: {  	v5 =	vadd.f32 v5, v5  }
0xcb: {  	v61 =	vand.u32 $0x80000000, v3;
	vm12 =	vlt.f32 v3, $0.0e+00;
	vm13 =	vgt.f32 v3, $0.0e+00  }
0xcc: {  	v6 =	vor.u32 v61, v2;
	vm0 =	vmor vm13, vm12;
	v5 =	vsub.f32 $1.000000000e+00, v5  }
0xcd: {  	v3 =	vsel vm0, v6, v3  }
0xce: {  	v3 =	vmul.f32 v5, v3;
	_ =	sdelay $0x1  }
0xcf: {  	[tilespmem:$0x7820] =	vst v3  }
0xd0: {  	[tilespmem:v4+s18+$0x0] =	vst.idx.add.f32.msk $0xffff, v0  }
0xd1: {  	v3 =	vld [tilespmem:$0x7730]  }
0xd2: {  	v4 =	vld [tilespmem:$0x7770];
	_ =	sdelay $0x6  }
0xd3: {  	v3 =	vld.idx.msk [tilespmem:v3+s2+$0x0], $0xffff  }
0xd4: {  	v62 =	vld.idx.msk [tilespmem:v4+s14+$0x0], $0xffff;
	_ =	sdelay $0x4  }
0xd5: {  	v3 =	vadd.f32 v62, v3;
	_ =	sdelay $0x1  }
0xd6: {  	v5 =	vand.u32 $0x7FFFFFFF, v3  }
0xd7: {  	v5 =	vadd.f32 v5, v5;
	_ =	sdelay $0x1  }
0xd8: {  	v5 =	vmul.f32 $1.442695020e+00, v5;
	_ =	sdelay $0x1  }
0xd9: {  	(erf) = vpow2.f32 v5;
	_ =	sdelay $0x8  }
0xda: {  	v5 =	vpop (erf)  }
0xdb: {  	v5 =	vadd.f32 $1.000000000e+00, v5;
	_ =	sdelay $0x1  }
0xdc: {  	(erf) = vrcp.f32 v5;
	_ =	sdelay $0x8  }
0xdd: {  	v5 =	vpop (erf)  }
0xde: {  	v5 =	vadd.f32 v5, v5  }
0xdf: {  	v63 =	vand.u32 $0x80000000, v3;
	vm14 =	vlt.f32 v3, $0.0e+00;
	vm15 =	vgt.f32 v3, $0.0e+00  }
0xe0: {  	v6 =	vor.u32 v63, v2;
	vm0 =	vmor vm15, vm14;
	v5 =	vsub.f32 $1.000000000e+00, v5  }
0xe1: {  	p0 =	seq.s32 s28, $0x4F0;
	v3 =	vsel vm0, v6, v3  }
.Ltmp6:
0xe2: {  	v3 =	vmul.f32 v5, v3;
	(pc) =	sbr.rel @p0 .LBB2_10-.Ltmp6, $4  }
0xe3: {  	_ = 	snop  }
0xe4: {  	[tilespmem:$0x7830] =	vst v3  }
0xe5: {  	s31 =	sadd.s32 s28, s9;
	[tilespmem:v4+s18+$0x0] =	vst.idx.add.f32.msk $0xffff, v0  }
0xe6: {  	[hbm4b:s31+s2] =	stream.linear.scatter [tilespmem:s22], [sflag:$0x4], $0x40, $0x38;
	[tilespmem:$0x7880] =	vst v63  }
.Ltmp7:
0xe7: {  	(pc) =	sbr.rel .LBB2_4-.Ltmp7, $3  }
0xe8: {  	_ =	sdelay $0x1  }
0xe9: {  	[tilespmem:s16], [sflag:$0x2] =	stream.linear.gather [hbm4b:s30+s2], $0x80, $0x38;
	[tilespmem:$0x7880] =	vst v63  }
0xea: {  	s28 =	sadd.s32 $0x10, s28;
	s30 =	sadd.s32 $0x20, s30;
	s29 =	sadd.s32 $0x20, s29  }
.LBB2_11:
0xeb: {  	_ =	sfence.sel $0x180000  }
0xec: {  	[bflag:$0x0] =	sbarrier.arrive $0xFFFF  }
0xed: {  	p0 =	sne.s32 s0, $0x0;
	_ =	strace $0x90000047  }
0xee: {  	s0 =	sadd.s32 @!p0 $0x100000, s1;
	[bflag:$0x2] =	sbarrier.arrive $0xFFFF  }
0xef: {  	[sflag:s0] =	ssyncadd.tile.s32 @!p0 $0x1;
	_ =	shalt  }
.Lfunc_end2:
_tile_overlayer_lowered:
.L_overlay_start_2:
0xf0: {  	(tag) =	ssettag $0x2  }
0xf1: {  	s0 =	rddreg [dreg:$0x0];
	s2 =	stileid.u32  }
0xf2: {  	s1 =	rddreg [dreg:$0x1];
	p0 =	sne.s32 s2, $0x0  }
0xf3: {  	s3 =	rddreg [dreg:$0x2];
	[bflag:$0x3] =	sbarrier.arrive $0xFFFF;
	s2 =	simm.s32 @!p0 $0x1C05  }
0xf4: {  	[timem:s3], [sflag:s2] =	dma.local @!p0 [hbm:s0], s1  }
0xf5: {  	s0 =	simm.s32 @!p0 $0x5  }
0xf6: {  	_ =	swait.ge @!p0 [sflag:s0], s1  }
0xf7: {  	s1 =	ssub.s32 @!p0 $0x0, s1;
	[sflag:s0] =	ssyncset.done @!p0 $0x0  }
0xf8: {  	[sflag:s0] =	ssyncadd.s32 @!p0 s1  }
0xf9: {  	[bflag:$0x3] =	sbarrier.arrive $0xFFFF  }
0xfa: {  	_ =	shalt  }

</sc_bundles>
